<compile_context>
chip_gen: v7x
topology: tpu7x:2x2x1
jax: 0.10.2.dev20260603
libtpu: 0.0.44.dev20260713+nightly
codegen_flags: <defaults>
</compile_context>

<pallas_src>
import functools
import numpy as np
import jax
import jax.numpy as jnp
from jax import lax
from jax.experimental import pallas as pl
from jax.experimental.pallas import tpu as pltpu
from jax.experimental.pallas import tpu_sc as plsc

_FS = 0.0072973525693
_HARTREE = 27.211386245988
_BOHR = 0.529177210903
_XON = 8.0
_XOFF = 10.0

_C1 = float(_FS ** (-4.0 / 21.0))
_B0 = -0.00433008
_B1 = 0.24428889
_B2 = 0.04125273
_B3 = -0.00078893
_KI7 = float((8.0 / 7.0) * (127.0 - 0.0450466) * (2 ** 23))
_ZN = 1280
_ZBASE = 127 << 7
_ZK = np.arange(_ZN)
_ZLUT = ((2.0 ** (_ZK // 128)) * (1.0 + (_ZK % 128 + 0.5) / 128.0)) ** (-1.0 / 7.0)
_ZLUT = _ZLUT.astype(np.float32)

_NC, _NS, _L = 2, 16, 16
_NW = _NC * _NS
_CHUNK = 1024
_UNROLL = 4

_ALPHAS_TAB = np.linspace(4.5, 400.0, 100, dtype=np.float64).astype(np.float32)
_C6_TAB = np.linspace(6.5, 4000.0, 100, dtype=np.float64).astype(np.float32)


def _inv_root7(x):
    f32 = jnp.float32
    b = lax.bitcast_convert_type(x, jnp.int32).astype(f32)
    z = lax.bitcast_convert_type(
        (f32(_KI7) - b * f32(1.0 / 7.0)).astype(jnp.int32), f32)
    for _ in range(3):
        z2 = z * z
        z4 = z2 * z2
        xz7 = (x * z) * z2 * z4
        z = z * f32(8.0 / 7.0) - (z * xz7) * f32(1.0 / 7.0)
    return z


def _inv_root7_lut(x, zlut):
    f32 = jnp.float32
    bi = lax.bitcast_convert_type(x, jnp.int32)
    k = lax.shift_right_logical(bi, 16) - _ZBASE
    k = jnp.minimum(jnp.maximum(k, 0), _ZN - 1)
    z = plsc.load_gather(zlut, [k])
    z2 = z * z
    z4 = z2 * z2
    xz7 = (x * z) * z2 * z4
    return z * f32(8.0 / 7.0) - (z * xz7) * f32(1.0 / 7.0)


def _edge_energy(ai, aj, ci, cj, d, zlut):
    f32 = jnp.float32
    x = (ai + aj) * f32(0.5)
    c6 = (f32(2.0) * ci * cj * ai * aj) / (ai * ai * cj + aj * aj * ci)
    z = _inv_root7_lut(x, zlut)
    z2 = z * z
    z6 = z2 * z2 * z2
    t = x * z6
    vdw = f32(_C1) * t
    sig = ((f32(_B3) * vdw + f32(_B2)) * vdw + f32(_B1)) * vdw + f32(_B0)
    sig2 = sig * sig
    m8 = f32(10.0) * sig2
    m10 = f32(122.5) * sig2 * sig2
    p = f32(5.08) * t
    p2 = p * p
    p4 = p2 * p2
    r = d * f32(1.0 / _BOHR)
    r2 = r * r
    r4 = r2 * r2
    da = r4 * r2 + p4 * p2
    db = r4 * r4 + p4 * p4
    dc = r4 * r4 * r2 + p4 * p4 * p2
    dbdc = db * dc
    poly = dbdc + m8 * (da * dc) + m10 * (da * db)
    den3 = da * dbdc
    cc = (d - f32(_XON)) * f32(1.0 / (_XOFF - _XON))
    x1 = f32(1.0) - cc
    p1 = x1 > 0
    p2m = cc > 0
    x1p = jnp.where(p1, x1, f32(1.0))
    ccp = jnp.where(p2m, cc, f32(1.0))
    q = f32(1.0) / (x1p * ccp)
    s1 = jnp.where(p1, jnp.exp(-ccp * q), f32(0.0))
    s2 = jnp.where(p2m, jnp.exp(-x1p * q), f32(0.0))
    num = (c6 * s1) * poly
    den = den3 * (s1 + s2)
    e = num / den * f32(-0.5 * _HARTREE)
    return jnp.where(d > 0, e, f32(0.0))


def _sc_body(nsl, npad, ew, nch,
             an_hbm, h_hbm, ii_hbm, jj_hbm, dd_hbm, ta_hbm, tc_hbm, zl_hbm,
             part_hbm, a_hbm, c_hbm,
             alpha_t, c6_t, ii0_v, ii1_v, ii2_v, jj0_v, jj1_v, jj2_v,
             dd0_v, dd1_v, dd2_v, ee0_v, ee1_v, ee2_v, zlut_v, pbuf, sems,
             accum):
    ii_b = (ii0_v, ii1_v, ii2_v)
    jj_b = (jj0_v, jj1_v, jj2_v)
    dd_b = (dd0_v, dd1_v, dd2_v)
    ee_b = (ee0_v, ee1_v, ee2_v)
    c = lax.axis_index("c")
    s = lax.axis_index("s")
    f32 = jnp.float32
    nbase = s * nsl
    cbase = c * npad

    nss = nsl // 2

    def phase1(tab_a_v, tab_c_v, an_v, h_v, sa_v, sc_v):
        pltpu.sync_copy(ta_hbm, tab_a_v)
        pltpu.sync_copy(tc_hbm, tab_c_v)
        for half in range(2):
            hbase = nbase + half * nss
            pltpu.sync_copy(an_hbm.at[pl.ds(hbase, nss)], an_v)
            pltpu.sync_copy(h_hbm.at[pl.ds(hbase, nss)], h_v)

            @plsc.parallel_loop(0, nss // _L, unroll=4)
            def _node(v):
                o = v * _L
                k16 = an_v[pl.ds(o, _L)] - 1
                h16 = h_v[pl.ds(o, _L)]
                a16 = plsc.load_gather(tab_a_v, [k16]) * h16
                c16 = plsc.load_gather(tab_c_v, [k16]) * h16 * h16
                sa_v[pl.ds(o, _L)] = a16
                sc_v[pl.ds(o, _L)] = c16

            pltpu.sync_copy(sa_v, a_hbm.at[pl.ds(cbase + hbase, nss)])
            pltpu.sync_copy(sc_v, c_hbm.at[pl.ds(cbase + hbase, nss)])

    pl.run_scoped(
        phase1,
        pltpu.VMEM((128,), f32),
        pltpu.VMEM((128,), f32),
        pltpu.VMEM((nss,), jnp.int32),
        pltpu.VMEM((nss,), f32),
        pltpu.VMEM((nss,), f32),
        pltpu.VMEM((nss,), f32),
    )

    @plsc.parallel_loop(0, nsl // _L, unroll=4)
    def _zero(v):
        pbuf[pl.ds(v * _L, _L)] = jnp.zeros((_L,), f32)

    pltpu.sync_copy(pbuf, accum.at[pl.ds(nbase, nsl)])
    plsc.subcore_barrier()

    pltpu.sync_copy(zl_hbm, zlut_v)
    pltpu.sync_copy(a_hbm.at[pl.ds(cbase, npad)], alpha_t)
    pltpu.sync_copy(c_hbm.at[pl.ds(cbase, npad)], c6_t)
    w = c * _NS + s
    ebase = w * ew

    def issue(b, ch):
        off = ebase + ch * _CHUNK
        pltpu.async_copy(ii_hbm.at[pl.ds(off, _CHUNK)], ii_b[b], sems.at[b])
        pltpu.async_copy(jj_hbm.at[pl.ds(off, _CHUNK)], jj_b[b], sems.at[b])
        pltpu.async_copy(dd_hbm.at[pl.ds(off, _CHUNK)], dd_b[b], sems.at[b])

    def drain(b, ch):
        off = ebase + ch * _CHUNK
        pltpu.make_async_copy(
            ii_hbm.at[pl.ds(off, _CHUNK)], ii_b[b], sems.at[b]).wait()
        pltpu.make_async_copy(
            jj_hbm.at[pl.ds(off, _CHUNK)], jj_b[b], sems.at[b]).wait()
        pltpu.make_async_copy(
            dd_hbm.at[pl.ds(off, _CHUNK)], dd_b[b], sems.at[b]).wait()

    def process_chunk(b, ch):
        nb = (b + 1) % 3
        nxt = ch + 1

        @pl.when(nxt < nch)
        def _issue_next():
            issue(nb, nxt)

        drain(b, ch)

        @plsc.parallel_loop(0, _CHUNK // _L, unroll=_UNROLL)
        def _edge(v):
            o = v * _L
            i16 = ii_b[b][pl.ds(o, _L)]
            j16 = jj_b[b][pl.ds(o, _L)]
            d16 = dd_b[b][pl.ds(o, _L)]
            ai = plsc.load_gather(alpha_t, [i16])
            aj = plsc.load_gather(alpha_t, [j16])
            ci = plsc.load_gather(c6_t, [i16])
            cj = plsc.load_gather(c6_t, [j16])
            ee_b[b][pl.ds(o, _L)] = _edge_energy(ai, aj, ci, cj, d16,
                                                 zlut_v)

        pltpu.sync_copy(ee_b[b], accum.at[ii_b[b]], add=True)

    issue(0, 0)

    def outer(g, _):
        for b in range(3):
            process_chunk(b, g * 3 + b)
        return _

    lax.fori_loop(0, nch // 3, outer, None)
    for ch in range((nch // 3) * 3, nch):
        process_chunk(ch % 3, ch)
    plsc.subcore_barrier()

    pltpu.sync_copy(accum.at[pl.ds(nbase, nsl)], pbuf)
    pltpu.sync_copy(pbuf, part_hbm.at[pl.ds(cbase + nbase, nsl)])


def _combine_body(p_ref, m_ref, o_ref):
    o_ref[...] = (p_ref[0] + p_ref[1]) * m_ref[...]


@jax.jit
def kernel(node_mask, atomic_numbers, idx_i_lr, idx_j_lr, d_ij_lr,
           hirshfeld_ratios):
    n = node_mask.shape[0]
    e = idx_i_lr.shape[0]
    nsl = ((n + _NS * _L - 1) // (_NS * _L)) * _L
    npad = _NS * nsl
    ew = ((e + _NW * _CHUNK - 1) // (_NW * _CHUNK)) * _CHUNK
    epad = _NW * ew
    nch = ew // _CHUNK

    an = jnp.pad(atomic_numbers.astype(jnp.int32), (0, npad - n),
                 constant_values=1)
    h = jnp.pad(hirshfeld_ratios.astype(jnp.float32), (0, npad - n))
    ii = jnp.pad(idx_i_lr.astype(jnp.int32), (0, epad - e))
    jj = jnp.pad(idx_j_lr.astype(jnp.int32), (0, epad - e))
    dd = jnp.pad(d_ij_lr.astype(jnp.float32), (0, epad - e))
    ta = jnp.asarray(np.pad(_ALPHAS_TAB, (0, 28)))
    tc = jnp.asarray(np.pad(_C6_TAB, (0, 28)))
    zl = jnp.asarray(_ZLUT)

    f32 = jnp.float32
    mesh = plsc.VectorSubcoreMesh(core_axis_name="c", subcore_axis_name="s")
    body = functools.partial(_sc_body, nsl, npad, ew, nch)
    parts, _, _ = pl.kernel(
        body,
        out_type=(
            jax.ShapeDtypeStruct((_NC * npad,), f32),
            jax.ShapeDtypeStruct((_NC * npad,), f32),
            jax.ShapeDtypeStruct((_NC * npad,), f32),
        ),
        mesh=mesh,
        compiler_params=pltpu.CompilerParams(needs_layout_passes=False),
        scratch_types=[
            pltpu.VMEM((npad,), f32),
            pltpu.VMEM((npad,), f32),
            pltpu.VMEM((_CHUNK,), jnp.int32),
            pltpu.VMEM((_CHUNK,), jnp.int32),
            pltpu.VMEM((_CHUNK,), jnp.int32),
            pltpu.VMEM((_CHUNK,), jnp.int32),
            pltpu.VMEM((_CHUNK,), jnp.int32),
            pltpu.VMEM((_CHUNK,), jnp.int32),
            pltpu.VMEM((_CHUNK,), f32),
            pltpu.VMEM((_CHUNK,), f32),
            pltpu.VMEM((_CHUNK,), f32),
            pltpu.VMEM((_CHUNK,), f32),
            pltpu.VMEM((_CHUNK,), f32),
            pltpu.VMEM((_CHUNK,), f32),
            pltpu.VMEM((_ZN,), f32),
            pltpu.VMEM((nsl,), f32),
            pltpu.SemaphoreType.DMA((3,)),
            pltpu.VMEM_SHARED((npad,), f32),
        ],
    )(an, h, ii, jj, dd, ta, tc, zl)

    maskf = jnp.pad(node_mask.astype(f32), (0, npad - n))
    rows = npad // 128
    out = pl.pallas_call(
        _combine_body,
        out_shape=jax.ShapeDtypeStruct((rows, 128), f32),
    )(parts.reshape(_NC, rows, 128), maskf.reshape(rows, 128))
    return out.reshape(npad)[:n]

# --- scband reference (transcript-rebuilt; emitter-appended) ---
"""Pipeline reference for scband-dispersion-energy-sparse-35562329211375 (READ-ONLY COPY).

The authoritative reference and input builder live on the scoring server;
editing this copy changes nothing except your own understanding.
"""

import jax, jax.numpy as jnp
import numpy as np
from functools import partial

# physical constants
fine_structure = 0.0072973525693
Hartree = 27.211386245988
Bohr = 0.529177210903

# per-element free-atom polarizabilities and C6 coefficients (synthetic but plausible table, length 100)
alphas = jnp.asarray(np.linspace(4.5, 400.0, 100, dtype=np.float64))
C6_coef = jnp.asarray(np.linspace(6.5, 4000.0, 100, dtype=np.float64))

CUTOFF_LR = 10.0
CUTOFF_LR_DAMPING = 2.0
DISP_SCALE = 1.0


def safe_mask(mask, fn, operand, placeholder=0):
    masked = jnp.where(mask, operand, jnp.ones_like(operand))
    return jnp.where(mask, fn(masked), placeholder)


def safe_scale(x, scale, placeholder=0.0):
    return jnp.where(scale != 0, x * scale, placeholder)


def sigma(x):
    return safe_mask(x > 0, lambda u: jnp.exp(-1.0 / u), x, 0)


def switching_fn(x, x_on, x_off):
    c = (x - x_on) / (x_off - x_on)
    return sigma(1 - c) / (sigma(1 - c) + sigma(c))


def gamma_cubic_fit(alpha):
    dt = alpha.dtype
    vdW_radius = fine_structure ** jnp.asarray(-4.0 / 21, dt) * alpha ** jnp.asarray(1.0 / 7, dt)
    b0 = jnp.asarray(-0.00433008, dt)
    b1 = jnp.asarray(0.24428889, dt)
    b2 = jnp.asarray(0.04125273, dt)
    b3 = jnp.asarray(-0.00078893, dt)
    sig = b3 * jnp.power(vdW_radius, 3) + b2 * jnp.square(vdW_radius) + b1 * vdW_radius + b0
    return jnp.asarray(0.5, dt) / jnp.square(sig)


def mixing_rules(atomic_numbers, idx_i, idx_j, hirshfeld_ratios):
    dt = hirshfeld_ratios.dtype
    an_i = atomic_numbers[idx_i] - 1
    an_j = atomic_numbers[idx_j] - 1
    h_i = hirshfeld_ratios[idx_i]
    h_j = hirshfeld_ratios[idx_j]
    alpha_i = jnp.asarray(jnp.take(alphas, an_i, axis=0), dt) * h_i
    C6_i = jnp.asarray(jnp.take(C6_coef, an_i, axis=0), dt) * jnp.square(h_i)
    alpha_j = jnp.asarray(jnp.take(alphas, an_j, axis=0), dt) * h_j
    C6_j = jnp.asarray(jnp.take(C6_coef, an_j, axis=0), dt) * jnp.square(h_j)
    alpha_ij = (alpha_i + alpha_j) / 2
    C6_ij = 2 * C6_i * C6_j * alpha_j * alpha_i / (alpha_i ** 2 * C6_j + alpha_j ** 2 * C6_i)
    return alpha_ij, C6_ij


def vdw_QDO_disp_damp(R, gamma, C6, alpha_ij, gamma_scale):
    dt = R.dtype
    c = jnp.asarray(0.5, dt)  # neighborlist_format == 'sparse'
    C8 = 5 / gamma * C6
    C10 = 245 / 8 / gamma ** 2 * C6
    p = gamma_scale * 2 * 2.54 * alpha_ij ** (1 / 7)
    C8 = jnp.asarray(C8, dt)
    C10 = jnp.asarray(C10, dt)
    p = jnp.asarray(p, dt)
    V3 = (-C6 / (jnp.power(R, 6) + jnp.power(p, 6))
          - C8 / (jnp.power(R, 8) + jnp.power(p, 8))
          - C10 / (jnp.power(R, 10) + jnp.power(p, 10)))
    return c * V3 * jnp.asarray(Hartree, dt)


def setup_inputs(seed: int = 0) -> dict:
    key = jax.random.key(seed)
    k1, k2, k3, k4, k5 = (jax.random.fold_in(key, i) for i in range(5))
    N = 50000
    E = 1600000
    node_mask = jnp.ones((N,), dtype=bool)
    atomic_numbers = jax.random.randint(k1, (N,), 1, 87)
    idx_i_lr = jnp.sort(jax.random.randint(k2, (E,), 0, N))
    idx_j_lr = jax.random.randint(k3, (E,), 0, N)
    d_ij_lr = jax.random.uniform(k4, (E,), minval=1.0, maxval=12.0).astype(jnp.float32)
    hirshfeld_ratios = (0.5 + 0.7 * jax.random.uniform(k5, (N,))).astype(jnp.float32)
    return {
        'node_mask': node_mask,
        'atomic_numbers': atomic_numbers,
        'idx_i_lr': idx_i_lr,
        'idx_j_lr': idx_j_lr,
        'd_ij_lr': d_ij_lr,
        'hirshfeld_ratios': hirshfeld_ratios,
    }


def reference(node_mask, atomic_numbers, idx_i_lr, idx_j_lr, d_ij_lr, hirshfeld_ratios):
    num_nodes = node_mask.shape[0]
    dt = d_ij_lr.dtype
    alpha_ij, C6_ij = mixing_rules(atomic_numbers, idx_i_lr, idx_j_lr, hirshfeld_ratios)
    gamma_ij = gamma_cubic_fit(alpha_ij)
    e_ij = vdw_QDO_disp_damp(d_ij_lr / jnp.asarray(Bohr, dt), gamma_ij, C6_ij, alpha_ij,
                             jnp.asarray(DISP_SCALE, dt))
    w = safe_mask(d_ij_lr > 0,
                  partial(switching_fn, x_on=CUTOFF_LR - CUTOFF_LR_DAMPING, x_off=CUTOFF_LR),
                  d_ij_lr, 0.0)
    e_ij = safe_scale(e_ij, w, 0.0)
    atomic_dispersion_energy = jax.ops.segment_sum(e_ij, segment_ids=idx_i_lr, num_segments=num_nodes)
    atomic_dispersion_energy = safe_scale(atomic_dispersion_energy, node_mask)
    return atomic_dispersion_energy

if __name__ == "__main__":
    import jax
    _d = setup_inputs()
    print(jax.jit(kernel)(*tuple(_d.values())))

</pallas_src>

<mosaic_0001>
#map = affine_map<(d0, d1) -> (0)>
module attributes {stable_mosaic.version = 14 : i64} {
  func.func @_sc_body(%arg0: i32, %arg1: i32, %arg2: memref<50176xi32, #tpu.memory_space<hbm>>, %arg3: memref<50176xf32, #tpu.memory_space<hbm>>, %arg4: memref<1605632xi32, #tpu.memory_space<hbm>>, %arg5: memref<1605632xi32, #tpu.memory_space<hbm>>, %arg6: memref<1605632xf32, #tpu.memory_space<hbm>>, %arg7: memref<128xf32, #tpu.memory_space<hbm>>, %arg8: memref<128xf32, #tpu.memory_space<hbm>>, %arg9: memref<1280xf32, #tpu.memory_space<hbm>>, %arg10: memref<100352xf32, #tpu.memory_space<hbm>>, %arg11: memref<100352xf32, #tpu.memory_space<hbm>>, %arg12: memref<100352xf32, #tpu.memory_space<hbm>>, %arg13: memref<50176xf32, #tpu.memory_space<vmem>>, %arg14: memref<50176xf32, #tpu.memory_space<vmem>>, %arg15: memref<1024xi32, #tpu.memory_space<vmem>>, %arg16: memref<1024xi32, #tpu.memory_space<vmem>>, %arg17: memref<1024xi32, #tpu.memory_space<vmem>>, %arg18: memref<1024xi32, #tpu.memory_space<vmem>>, %arg19: memref<1024xi32, #tpu.memory_space<vmem>>, %arg20: memref<1024xi32, #tpu.memory_space<vmem>>, %arg21: memref<1024xf32, #tpu.memory_space<vmem>>, %arg22: memref<1024xf32, #tpu.memory_space<vmem>>, %arg23: memref<1024xf32, #tpu.memory_space<vmem>>, %arg24: memref<1024xf32, #tpu.memory_space<vmem>>, %arg25: memref<1024xf32, #tpu.memory_space<vmem>>, %arg26: memref<1024xf32, #tpu.memory_space<vmem>>, %arg27: memref<1280xf32, #tpu.memory_space<vmem>>, %arg28: memref<3136xf32, #tpu.memory_space<vmem>>, %arg29: memref<3x!tpu.dma_semaphore, #tpu.memory_space<semaphore_mem>>, %arg30: memref<50176xf32, #tpu.memory_space<vmem_shared>>) attributes {dimension_semantics = [#tpu.dimension_semantics<core_parallel>, #tpu.dimension_semantics<subcore_parallel>], iteration_bounds = array<i64: 2, 16>, scalar_prefetch = 0 : i64, scratch_operands = 18 : i64, tpu.core_type = #tpu.core_type<sc_vector_subcore>, window_params = [{transform_indices = #map}, {transform_indices = #map}, {transform_indices = #map}, {transform_indices = #map}, {transform_indices = #map}, {transform_indices = #map}, {transform_indices = #map}, {transform_indices = #map}, {transform_indices = #map}, {transform_indices = #map}, {transform_indices = #map}]} {
    %mul3A = arith.constant 3136 : i32
    %mul3A_0 = arith.muli %arg1, %mul3A : i32
    %mul3A_1 = arith.constant 50176 : i32
    %mul3A_2 = arith.muli %arg0, %mul3A_1 : i32
    "tpu.region"() ({
      %run_scoped3A = memref.alloca() : memref<128xf32, #tpu.memory_space<vmem>>
      %run_scoped3A_50 = memref.alloca() : memref<128xf32, #tpu.memory_space<vmem>>
      %run_scoped3A_51 = memref.alloca() : memref<1568xi32, #tpu.memory_space<vmem>>
      %run_scoped3A_52 = memref.alloca() : memref<1568xf32, #tpu.memory_space<vmem>>
      %run_scoped3A_53 = memref.alloca() : memref<1568xf32, #tpu.memory_space<vmem>>
      %run_scoped3A_54 = memref.alloca() : memref<1568xf32, #tpu.memory_space<vmem>>
      "tpu.region"() ({
        %run_scoped3A_69 = tpu.sem_alloc : memref<!tpu.dma_semaphore, #tpu.memory_space<semaphore_mem>>
        tpu.enqueue_dma source(%arg7 : memref<128xf32, #tpu.memory_space<hbm>>) target(%run_scoped3A : memref<128xf32, #tpu.memory_space<vmem>>) target_semaphore(%run_scoped3A_69 : memref<!tpu.dma_semaphore, #tpu.memory_space<semaphore_mem>>)
        tpu.wait_dma2 semaphore(%run_scoped3A_69 : memref<!tpu.dma_semaphore, #tpu.memory_space<semaphore_mem>>) src(%arg7 : memref<128xf32, #tpu.memory_space<hbm>>) dst(%run_scoped3A : memref<128xf32, #tpu.memory_space<vmem>>)
        tpu.yield
      }) : () -> ()
      "tpu.region"() ({
        %run_scoped3A_69 = tpu.sem_alloc : memref<!tpu.dma_semaphore, #tpu.memory_space<semaphore_mem>>
        tpu.enqueue_dma source(%arg8 : memref<128xf32, #tpu.memory_space<hbm>>) target(%run_scoped3A_50 : memref<128xf32, #tpu.memory_space<vmem>>) target_semaphore(%run_scoped3A_69 : memref<!tpu.dma_semaphore, #tpu.memory_space<semaphore_mem>>)
        tpu.wait_dma2 semaphore(%run_scoped3A_69 : memref<!tpu.dma_semaphore, #tpu.memory_space<semaphore_mem>>) src(%arg8 : memref<128xf32, #tpu.memory_space<hbm>>) dst(%run_scoped3A_50 : memref<128xf32, #tpu.memory_space<vmem>>)
        tpu.yield
      }) : () -> ()
      %add3A_55 = arith.constant 0 : i32
      %add3A_56 = arith.addi %mul3A_0, %add3A_55 : i32
      "tpu.region"() ({
        %run_scoped3A_69 = tpu.sem_alloc : memref<!tpu.dma_semaphore, #tpu.memory_space<semaphore_mem>>
        %dma_start3A_70 = tpu.memref_slice %arg2[%add3A_56] : memref<50176xi32, #tpu.memory_space<hbm>> -> memref<1568xi32, #tpu.memory_space<hbm>>
        %dma_start3A_71 = tpu.memref_slice %arg2[%add3A_56] : memref<50176xi32, #tpu.memory_space<hbm>> -> memref<1568xi32, #tpu.memory_space<hbm>>
        tpu.enqueue_dma source(%dma_start3A_71 : memref<1568xi32, #tpu.memory_space<hbm>>) target(%run_scoped3A_51 : memref<1568xi32, #tpu.memory_space<vmem>>) target_semaphore(%run_scoped3A_69 : memref<!tpu.dma_semaphore, #tpu.memory_space<semaphore_mem>>)
        %dma_wait3A_72 = tpu.memref_slice %arg2[%add3A_56] : memref<50176xi32, #tpu.memory_space<hbm>> -> memref<1568xi32, #tpu.memory_space<hbm>>
        %dma_wait3A_73 = tpu.memref_slice %arg2[%add3A_56] : memref<50176xi32, #tpu.memory_space<hbm>> -> memref<1568xi32, #tpu.memory_space<hbm>>
        tpu.wait_dma2 semaphore(%run_scoped3A_69 : memref<!tpu.dma_semaphore, #tpu.memory_space<semaphore_mem>>) src(%dma_wait3A_73 : memref<1568xi32, #tpu.memory_space<hbm>>) dst(%run_scoped3A_51 : memref<1568xi32, #tpu.memory_space<vmem>>)
        tpu.yield
      }) : () -> ()
      "tpu.region"() ({
        %run_scoped3A_69 = tpu.sem_alloc : memref<!tpu.dma_semaphore, #tpu.memory_space<semaphore_mem>>
        %dma_start3A_70 = tpu.memref_slice %arg3[%add3A_56] : memref<50176xf32, #tpu.memory_space<hbm>> -> memref<1568xf32, #tpu.memory_space<hbm>>
        %dma_start3A_71 = tpu.memref_slice %arg3[%add3A_56] : memref<50176xf32, #tpu.memory_space<hbm>> -> memref<1568xf32, #tpu.memory_space<hbm>>
        tpu.enqueue_dma source(%dma_start3A_71 : memref<1568xf32, #tpu.memory_space<hbm>>) target(%run_scoped3A_52 : memref<1568xf32, #tpu.memory_space<vmem>>) target_semaphore(%run_scoped3A_69 : memref<!tpu.dma_semaphore, #tpu.memory_space<semaphore_mem>>)
        %dma_wait3A_72 = tpu.memref_slice %arg3[%add3A_56] : memref<50176xf32, #tpu.memory_space<hbm>> -> memref<1568xf32, #tpu.memory_space<hbm>>
        %dma_wait3A_73 = tpu.memref_slice %arg3[%add3A_56] : memref<50176xf32, #tpu.memory_space<hbm>> -> memref<1568xf32, #tpu.memory_space<hbm>>
        tpu.wait_dma2 semaphore(%run_scoped3A_69 : memref<!tpu.dma_semaphore, #tpu.memory_space<semaphore_mem>>) src(%dma_wait3A_73 : memref<1568xf32, #tpu.memory_space<hbm>>) dst(%run_scoped3A_52 : memref<1568xf32, #tpu.memory_space<vmem>>)
        tpu.yield
      }) : () -> ()
      %parallel_loop3A_57 = arith.constant 0 : i32
      %parallel_loop3A_58 = arith.constant 98 : i32
      %parallel_loop3A_59 = arith.constant 1 : i32
      scf.for %parallel_loop3A_69 = %parallel_loop3A_57 to %parallel_loop3A_58 step %parallel_loop3A_59  : i32 {
        %parallel_loop3A_70 = arith.constant 16 : i32
        %parallel_loop3A_71 = arith.muli %parallel_loop3A_69, %parallel_loop3A_70 : i32
        %parallel_loop3A_72 = arith.index_cast %parallel_loop3A_71 : i32 to index
        %parallel_loop3A_73 = tpu.vector_load %run_scoped3A_51[%parallel_loop3A_72] {strides = array<i32>} : memref<1568xi32, #tpu.memory_space<vmem>>, vector<16xi32>,
        %parallel_loop3A_74 = arith.constant 1 : i32
        %parallel_loop3A_75 = vector.broadcast %parallel_loop3A_74 : i32 to vector<16xi32>
        %parallel_loop3A_76 = arith.subi %parallel_loop3A_73, %parallel_loop3A_75 : vector<16xi32>
        %parallel_loop3A_77 = arith.index_cast %parallel_loop3A_71 : i32 to index
        %parallel_loop3A_78 = tpu.vector_load %run_scoped3A_52[%parallel_loop3A_77] {strides = array<i32>} : memref<1568xf32, #tpu.memory_space<vmem>>, vector<16xf32>,
        %parallel_loop3A_79 = tpu.vector_load_idx %run_scoped3A[%parallel_loop3A_76] : memref<128xf32, #tpu.memory_space<vmem>>[vector<16xi32>], vector<16xf32>,
        %parallel_loop3A_80 = arith.mulf %parallel_loop3A_79, %parallel_loop3A_78 : vector<16xf32>
        %parallel_loop3A_81 = tpu.vector_load_idx %run_scoped3A_50[%parallel_loop3A_76] : memref<128xf32, #tpu.memory_space<vmem>>[vector<16xi32>], vector<16xf32>,
        %parallel_loop3A_82 = arith.mulf %parallel_loop3A_81, %parallel_loop3A_78 : vector<16xf32>
        %parallel_loop3A_83 = arith.mulf %parallel_loop3A_82, %parallel_loop3A_78 : vector<16xf32>
        %parallel_loop3A_84 = arith.index_cast %parallel_loop3A_71 : i32 to index
        %parallel_loop3A_85 = tpu.vector_load %run_scoped3A_53[%parallel_loop3A_84] {strides = array<i32>} : memref<1568xf32, #tpu.memory_space<vmem>>, vector<16xf32>,
        tpu.vector_store %run_scoped3A_53[%parallel_loop3A_84], %parallel_loop3A_80 {strides = array<i32>} : memref<1568xf32, #tpu.memory_space<vmem>>, vector<16xf32>,
        %parallel_loop3A_86 = arith.index_cast %parallel_loop3A_71 : i32 to index
        %parallel_loop3A_87 = tpu.vector_load %run_scoped3A_54[%parallel_loop3A_86] {strides = array<i32>} : memref<1568xf32, #tpu.memory_space<vmem>>, vector<16xf32>,
        tpu.vector_store %run_scoped3A_54[%parallel_loop3A_86], %parallel_loop3A_83 {strides = array<i32>} : memref<1568xf32, #tpu.memory_space<vmem>>, vector<16xf32>,
      } {sc.loop_unroll_factor = 4 : i64, sc.parallel_access}
      %add3A_60 = arith.addi %mul3A_2, %add3A_56 : i32
      "tpu.region"() ({
        %run_scoped3A_69 = tpu.sem_alloc : memref<!tpu.dma_semaphore, #tpu.memory_space<semaphore_mem>>
        %dma_start3A_70 = tpu.memref_slice %arg11[%add3A_60] : memref<100352xf32, #tpu.memory_space<hbm>> -> memref<1568xf32, #tpu.memory_space<hbm>>
        %dma_start3A_71 = tpu.memref_slice %arg11[%add3A_60] : memref<100352xf32, #tpu.memory_space<hbm>> -> memref<1568xf32, #tpu.memory_space<hbm>>
        tpu.enqueue_dma source(%run_scoped3A_53 : memref<1568xf32, #tpu.memory_space<vmem>>) target(%dma_start3A_71 : memref<1568xf32, #tpu.memory_space<hbm>>) target_semaphore(%run_scoped3A_69 : memref<!tpu.dma_semaphore, #tpu.memory_space<semaphore_mem>>)
        %dma_wait3A_72 = tpu.memref_slice %arg11[%add3A_60] : memref<100352xf32, #tpu.memory_space<hbm>> -> memref<1568xf32, #tpu.memory_space<hbm>>
        %dma_wait3A_73 = tpu.memref_slice %arg11[%add3A_60] : memref<100352xf32, #tpu.memory_space<hbm>> -> memref<1568xf32, #tpu.memory_space<hbm>>
        tpu.wait_dma2 semaphore(%run_scoped3A_69 : memref<!tpu.dma_semaphore, #tpu.memory_space<semaphore_mem>>) src(%run_scoped3A_53 : memref<1568xf32, #tpu.memory_space<vmem>>) dst(%dma_wait3A_73 : memref<1568xf32, #tpu.memory_space<hbm>>)
        tpu.yield
      }) : () -> ()
      %add3A_61 = arith.addi %mul3A_2, %add3A_56 : i32
      "tpu.region"() ({
        %run_scoped3A_69 = tpu.sem_alloc : memref<!tpu.dma_semaphore, #tpu.memory_space<semaphore_mem>>
        %dma_start3A_70 = tpu.memref_slice %arg12[%add3A_61] : memref<100352xf32, #tpu.memory_space<hbm>> -> memref<1568xf32, #tpu.memory_space<hbm>>
        %dma_start3A_71 = tpu.memref_slice %arg12[%add3A_61] : memref<100352xf32, #tpu.memory_space<hbm>> -> memref<1568xf32, #tpu.memory_space<hbm>>
        tpu.enqueue_dma source(%run_scoped3A_54 : memref<1568xf32, #tpu.memory_space<vmem>>) target(%dma_start3A_71 : memref<1568xf32, #tpu.memory_space<hbm>>) target_semaphore(%run_scoped3A_69 : memref<!tpu.dma_semaphore, #tpu.memory_space<semaphore_mem>>)
        %dma_wait3A_72 = tpu.memref_slice %arg12[%add3A_61] : memref<100352xf32, #tpu.memory_space<hbm>> -> memref<1568xf32, #tpu.memory_space<hbm>>
        %dma_wait3A_73 = tpu.memref_slice %arg12[%add3A_61] : memref<100352xf32, #tpu.memory_space<hbm>> -> memref<1568xf32, #tpu.memory_space<hbm>>
        tpu.wait_dma2 semaphore(%run_scoped3A_69 : memref<!tpu.dma_semaphore, #tpu.memory_space<semaphore_mem>>) src(%run_scoped3A_54 : memref<1568xf32, #tpu.memory_space<vmem>>) dst(%dma_wait3A_73 : memref<1568xf32, #tpu.memory_space<hbm>>)
        tpu.yield
      }) : () -> ()
      %add3A_62 = arith.constant 1568 : i32
      %add3A_63 = arith.addi %mul3A_0, %add3A_62 : i32
      "tpu.region"() ({
        %run_scoped3A_69 = tpu.sem_alloc : memref<!tpu.dma_semaphore, #tpu.memory_space<semaphore_mem>>
        %dma_start3A_70 = tpu.memref_slice %arg2[%add3A_63] : memref<50176xi32, #tpu.memory_space<hbm>> -> memref<1568xi32, #tpu.memory_space<hbm>>
        %dma_start3A_71 = tpu.memref_slice %arg2[%add3A_63] : memref<50176xi32, #tpu.memory_space<hbm>> -> memref<1568xi32, #tpu.memory_space<hbm>>
        tpu.enqueue_dma source(%dma_start3A_71 : memref<1568xi32, #tpu.memory_space<hbm>>) target(%run_scoped3A_51 : memref<1568xi32, #tpu.memory_space<vmem>>) target_semaphore(%run_scoped3A_69 : memref<!tpu.dma_semaphore, #tpu.memory_space<semaphore_mem>>)
        %dma_wait3A_72 = tpu.memref_slice %arg2[%add3A_63] : memref<50176xi32, #tpu.memory_space<hbm>> -> memref<1568xi32, #tpu.memory_space<hbm>>
        %dma_wait3A_73 = tpu.memref_slice %arg2[%add3A_63] : memref<50176xi32, #tpu.memory_space<hbm>> -> memref<1568xi32, #tpu.memory_space<hbm>>
        tpu.wait_dma2 semaphore(%run_scoped3A_69 : memref<!tpu.dma_semaphore, #tpu.memory_space<semaphore_mem>>) src(%dma_wait3A_73 : memref<1568xi32, #tpu.memory_space<hbm>>) dst(%run_scoped3A_51 : memref<1568xi32, #tpu.memory_space<vmem>>)
        tpu.yield
      }) : () -> ()
      "tpu.region"() ({
        %run_scoped3A_69 = tpu.sem_alloc : memref<!tpu.dma_semaphore, #tpu.memory_space<semaphore_mem>>
        %dma_start3A_70 = tpu.memref_slice %arg3[%add3A_63] : memref<50176xf32, #tpu.memory_space<hbm>> -> memref<1568xf32, #tpu.memory_space<hbm>>
        %dma_start3A_71 = tpu.memref_slice %arg3[%add3A_63] : memref<50176xf32, #tpu.memory_space<hbm>> -> memref<1568xf32, #tpu.memory_space<hbm>>
        tpu.enqueue_dma source(%dma_start3A_71 : memref<1568xf32, #tpu.memory_space<hbm>>) target(%run_scoped3A_52 : memref<1568xf32, #tpu.memory_space<vmem>>) target_semaphore(%run_scoped3A_69 : memref<!tpu.dma_semaphore, #tpu.memory_space<semaphore_mem>>)
        %dma_wait3A_72 = tpu.memref_slice %arg3[%add3A_63] : memref<50176xf32, #tpu.memory_space<hbm>> -> memref<1568xf32, #tpu.memory_space<hbm>>
        %dma_wait3A_73 = tpu.memref_slice %arg3[%add3A_63] : memref<50176xf32, #tpu.memory_space<hbm>> -> memref<1568xf32, #tpu.memory_space<hbm>>
        tpu.wait_dma2 semaphore(%run_scoped3A_69 : memref<!tpu.dma_semaphore, #tpu.memory_space<semaphore_mem>>) src(%dma_wait3A_73 : memref<1568xf32, #tpu.memory_space<hbm>>) dst(%run_scoped3A_52 : memref<1568xf32, #tpu.memory_space<vmem>>)
        tpu.yield
      }) : () -> ()
      %parallel_loop3A_64 = arith.constant 0 : i32
      %parallel_loop3A_65 = arith.constant 98 : i32
      %parallel_loop3A_66 = arith.constant 1 : i32
      scf.for %parallel_loop3A_69 = %parallel_loop3A_64 to %parallel_loop3A_65 step %parallel_loop3A_66  : i32 {
        %parallel_loop3A_70 = arith.constant 16 : i32
        %parallel_loop3A_71 = arith.muli %parallel_loop3A_69, %parallel_loop3A_70 : i32
        %parallel_loop3A_72 = arith.index_cast %parallel_loop3A_71 : i32 to index
        %parallel_loop3A_73 = tpu.vector_load %run_scoped3A_51[%parallel_loop3A_72] {strides = array<i32>} : memref<1568xi32, #tpu.memory_space<vmem>>, vector<16xi32>,
        %parallel_loop3A_74 = arith.constant 1 : i32
        %parallel_loop3A_75 = vector.broadcast %parallel_loop3A_74 : i32 to vector<16xi32>
        %parallel_loop3A_76 = arith.subi %parallel_loop3A_73, %parallel_loop3A_75 : vector<16xi32>
        %parallel_loop3A_77 = arith.index_cast %parallel_loop3A_71 : i32 to index
        %parallel_loop3A_78 = tpu.vector_load %run_scoped3A_52[%parallel_loop3A_77] {strides = array<i32>} : memref<1568xf32, #tpu.memory_space<vmem>>, vector<16xf32>,
        %parallel_loop3A_79 = tpu.vector_load_idx %run_scoped3A[%parallel_loop3A_76] : memref<128xf32, #tpu.memory_space<vmem>>[vector<16xi32>], vector<16xf32>,
        %parallel_loop3A_80 = arith.mulf %parallel_loop3A_79, %parallel_loop3A_78 : vector<16xf32>
        %parallel_loop3A_81 = tpu.vector_load_idx %run_scoped3A_50[%parallel_loop3A_76] : memref<128xf32, #tpu.memory_space<vmem>>[vector<16xi32>], vector<16xf32>,
        %parallel_loop3A_82 = arith.mulf %parallel_loop3A_81, %parallel_loop3A_78 : vector<16xf32>
        %parallel_loop3A_83 = arith.mulf %parallel_loop3A_82, %parallel_loop3A_78 : vector<16xf32>
        %parallel_loop3A_84 = arith.index_cast %parallel_loop3A_71 : i32 to index
        %parallel_loop3A_85 = tpu.vector_load %run_scoped3A_53[%parallel_loop3A_84] {strides = array<i32>} : memref<1568xf32, #tpu.memory_space<vmem>>, vector<16xf32>,
        tpu.vector_store %run_scoped3A_53[%parallel_loop3A_84], %parallel_loop3A_80 {strides = array<i32>} : memref<1568xf32, #tpu.memory_space<vmem>>, vector<16xf32>,
        %parallel_loop3A_86 = arith.index_cast %parallel_loop3A_71 : i32 to index
        %parallel_loop3A_87 = tpu.vector_load %run_scoped3A_54[%parallel_loop3A_86] {strides = array<i32>} : memref<1568xf32, #tpu.memory_space<vmem>>, vector<16xf32>,
        tpu.vector_store %run_scoped3A_54[%parallel_loop3A_86], %parallel_loop3A_83 {strides = array<i32>} : memref<1568xf32, #tpu.memory_space<vmem>>, vector<16xf32>,
      } {sc.loop_unroll_factor = 4 : i64, sc.parallel_access}
      %add3A_67 = arith.addi %mul3A_2, %add3A_63 : i32
      "tpu.region"() ({
        %run_scoped3A_69 = tpu.sem_alloc : memref<!tpu.dma_semaphore, #tpu.memory_space<semaphore_mem>>
        %dma_start3A_70 = tpu.memref_slice %arg11[%add3A_67] : memref<100352xf32, #tpu.memory_space<hbm>> -> memref<1568xf32, #tpu.memory_space<hbm>>
        %dma_start3A_71 = tpu.memref_slice %arg11[%add3A_67] : memref<100352xf32, #tpu.memory_space<hbm>> -> memref<1568xf32, #tpu.memory_space<hbm>>
        tpu.enqueue_dma source(%run_scoped3A_53 : memref<1568xf32, #tpu.memory_space<vmem>>) target(%dma_start3A_71 : memref<1568xf32, #tpu.memory_space<hbm>>) target_semaphore(%run_scoped3A_69 : memref<!tpu.dma_semaphore, #tpu.memory_space<semaphore_mem>>)
        %dma_wait3A_72 = tpu.memref_slice %arg11[%add3A_67] : memref<100352xf32, #tpu.memory_space<hbm>> -> memref<1568xf32, #tpu.memory_space<hbm>>
        %dma_wait3A_73 = tpu.memref_slice %arg11[%add3A_67] : memref<100352xf32, #tpu.memory_space<hbm>> -> memref<1568xf32, #tpu.memory_space<hbm>>
        tpu.wait_dma2 semaphore(%run_scoped3A_69 : memref<!tpu.dma_semaphore, #tpu.memory_space<semaphore_mem>>) src(%run_scoped3A_53 : memref<1568xf32, #tpu.memory_space<vmem>>) dst(%dma_wait3A_73 : memref<1568xf32, #tpu.memory_space<hbm>>)
        tpu.yield
      }) : () -> ()
      %add3A_68 = arith.addi %mul3A_2, %add3A_63 : i32
      "tpu.region"() ({
        %run_scoped3A_69 = tpu.sem_alloc : memref<!tpu.dma_semaphore, #tpu.memory_space<semaphore_mem>>
        %dma_start3A_70 = tpu.memref_slice %arg12[%add3A_68] : memref<100352xf32, #tpu.memory_space<hbm>> -> memref<1568xf32, #tpu.memory_space<hbm>>
        %dma_start3A_71 = tpu.memref_slice %arg12[%add3A_68] : memref<100352xf32, #tpu.memory_space<hbm>> -> memref<1568xf32, #tpu.memory_space<hbm>>
        tpu.enqueue_dma source(%run_scoped3A_54 : memref<1568xf32, #tpu.memory_space<vmem>>) target(%dma_start3A_71 : memref<1568xf32, #tpu.memory_space<hbm>>) target_semaphore(%run_scoped3A_69 : memref<!tpu.dma_semaphore, #tpu.memory_space<semaphore_mem>>)
        %dma_wait3A_72 = tpu.memref_slice %arg12[%add3A_68] : memref<100352xf32, #tpu.memory_space<hbm>> -> memref<1568xf32, #tpu.memory_space<hbm>>
        %dma_wait3A_73 = tpu.memref_slice %arg12[%add3A_68] : memref<100352xf32, #tpu.memory_space<hbm>> -> memref<1568xf32, #tpu.memory_space<hbm>>
        tpu.wait_dma2 semaphore(%run_scoped3A_69 : memref<!tpu.dma_semaphore, #tpu.memory_space<semaphore_mem>>) src(%run_scoped3A_54 : memref<1568xf32, #tpu.memory_space<vmem>>) dst(%dma_wait3A_73 : memref<1568xf32, #tpu.memory_space<hbm>>)
        tpu.yield
      }) : () -> ()
      tpu.yield
    }) : () -> ()
    %parallel_loop3A = arith.constant 0 : i32
    %parallel_loop3A_3 = arith.constant 196 : i32
    %parallel_loop3A_4 = arith.constant 1 : i32
    scf.for %parallel_loop3A_50 = %parallel_loop3A to %parallel_loop3A_3 step %parallel_loop3A_4  : i32 {
      %parallel_loop3A_51 = arith.constant 0.000000e+00 : f32
      %parallel_loop3A_52 = vector.broadcast %parallel_loop3A_51 : f32 to vector<16xf32>
      %parallel_loop3A_53 = arith.constant 16 : i32
      %parallel_loop3A_54 = arith.muli %parallel_loop3A_50, %parallel_loop3A_53 : i32
      %parallel_loop3A_55 = arith.index_cast %parallel_loop3A_54 : i32 to index
      %parallel_loop3A_56 = tpu.vector_load %arg28[%parallel_loop3A_55] {strides = array<i32>} : memref<3136xf32, #tpu.memory_space<vmem>>, vector<16xf32>,
      tpu.vector_store %arg28[%parallel_loop3A_55], %parallel_loop3A_52 {strides = array<i32>} : memref<3136xf32, #tpu.memory_space<vmem>>, vector<16xf32>,
    } {sc.loop_unroll_factor = 4 : i64, sc.parallel_access}
    "tpu.region"() ({
      %run_scoped3A = tpu.sem_alloc : memref<!tpu.dma_semaphore, #tpu.memory_space<semaphore_mem>>
      %dma_start3A_50 = tpu.memref_slice %arg30[%mul3A_0] : memref<50176xf32, #tpu.memory_space<vmem_shared>> -> memref<3136xf32, #tpu.memory_space<vmem_shared>>
      %dma_start3A_51 = tpu.memref_slice %arg30[%mul3A_0] : memref<50176xf32, #tpu.memory_space<vmem_shared>> -> memref<3136xf32, #tpu.memory_space<vmem_shared>>
      tpu.enqueue_dma source(%arg28 : memref<3136xf32, #tpu.memory_space<vmem>>) target(%dma_start3A_51 : memref<3136xf32, #tpu.memory_space<vmem_shared>>) target_semaphore(%run_scoped3A : memref<!tpu.dma_semaphore, #tpu.memory_space<semaphore_mem>>)
      %dma_wait3A_52 = tpu.memref_slice %arg30[%mul3A_0] : memref<50176xf32, #tpu.memory_space<vmem_shared>> -> memref<3136xf32, #tpu.memory_space<vmem_shared>>
      %dma_wait3A_53 = tpu.memref_slice %arg30[%mul3A_0] : memref<50176xf32, #tpu.memory_space<vmem_shared>> -> memref<3136xf32, #tpu.memory_space<vmem_shared>>
      tpu.wait_dma2 semaphore(%run_scoped3A : memref<!tpu.dma_semaphore, #tpu.memory_space<semaphore_mem>>) src(%arg28 : memref<3136xf32, #tpu.memory_space<vmem>>) dst(%dma_wait3A_53 : memref<3136xf32, #tpu.memory_space<vmem_shared>>)
      tpu.yield
    }) : () -> ()
    %barrier3A = arith.constant 0 : index
    tpu.barrier barrier_id(%barrier3A)
    "tpu.region"() ({
      %run_scoped3A = tpu.sem_alloc : memref<!tpu.dma_semaphore, #tpu.memory_space<semaphore_mem>>
      tpu.enqueue_dma source(%arg9 : memref<1280xf32, #tpu.memory_space<hbm>>) target(%arg27 : memref<1280xf32, #tpu.memory_space<vmem>>) target_semaphore(%run_scoped3A : memref<!tpu.dma_semaphore, #tpu.memory_space<semaphore_mem>>)
      tpu.wait_dma2 semaphore(%run_scoped3A : memref<!tpu.dma_semaphore, #tpu.memory_space<semaphore_mem>>) src(%arg9 : memref<1280xf32, #tpu.memory_space<hbm>>) dst(%arg27 : memref<1280xf32, #tpu.memory_space<vmem>>)
      tpu.yield
    }) : () -> ()
    "tpu.region"() ({
      %run_scoped3A = tpu.sem_alloc : memref<!tpu.dma_semaphore, #tpu.memory_space<semaphore_mem>>
      %dma_start3A_50 = tpu.memref_slice %arg11[%mul3A_2] : memref<100352xf32, #tpu.memory_space<hbm>> -> memref<50176xf32, #tpu.memory_space<hbm>>
      %dma_start3A_51 = tpu.memref_slice %arg11[%mul3A_2] : memref<100352xf32, #tpu.memory_space<hbm>> -> memref<50176xf32, #tpu.memory_space<hbm>>
      tpu.enqueue_dma source(%dma_start3A_51 : memref<50176xf32, #tpu.memory_space<hbm>>) target(%arg13 : memref<50176xf32, #tpu.memory_space<vmem>>) target_semaphore(%run_scoped3A : memref<!tpu.dma_semaphore, #tpu.memory_space<semaphore_mem>>)
      %dma_wait3A_52 = tpu.memref_slice %arg11[%mul3A_2] : memref<100352xf32, #tpu.memory_space<hbm>> -> memref<50176xf32, #tpu.memory_space<hbm>>
      %dma_wait3A_53 = tpu.memref_slice %arg11[%mul3A_2] : memref<100352xf32, #tpu.memory_space<hbm>> -> memref<50176xf32, #tpu.memory_space<hbm>>
      tpu.wait_dma2 semaphore(%run_scoped3A : memref<!tpu.dma_semaphore, #tpu.memory_space<semaphore_mem>>) src(%dma_wait3A_53 : memref<50176xf32, #tpu.memory_space<hbm>>) dst(%arg13 : memref<50176xf32, #tpu.memory_space<vmem>>)
      tpu.yield
    }) : () -> ()
    "tpu.region"() ({
      %run_scoped3A = tpu.sem_alloc : memref<!tpu.dma_semaphore, #tpu.memory_space<semaphore_mem>>
      %dma_start3A_50 = tpu.memref_slice %arg12[%mul3A_2] : memref<100352xf32, #tpu.memory_space<hbm>> -> memref<50176xf32, #tpu.memory_space<hbm>>
      %dma_start3A_51 = tpu.memref_slice %arg12[%mul3A_2] : memref<100352xf32, #tpu.memory_space<hbm>> -> memref<50176xf32, #tpu.memory_space<hbm>>
      tpu.enqueue_dma source(%dma_start3A_51 : memref<50176xf32, #tpu.memory_space<hbm>>) target(%arg14 : memref<50176xf32, #tpu.memory_space<vmem>>) target_semaphore(%run_scoped3A : memref<!tpu.dma_semaphore, #tpu.memory_space<semaphore_mem>>)
      %dma_wait3A_52 = tpu.memref_slice %arg12[%mul3A_2] : memref<100352xf32, #tpu.memory_space<hbm>> -> memref<50176xf32, #tpu.memory_space<hbm>>
      %dma_wait3A_53 = tpu.memref_slice %arg12[%mul3A_2] : memref<100352xf32, #tpu.memory_space<hbm>> -> memref<50176xf32, #tpu.memory_space<hbm>>
      tpu.wait_dma2 semaphore(%run_scoped3A : memref<!tpu.dma_semaphore, #tpu.memory_space<semaphore_mem>>) src(%dma_wait3A_53 : memref<50176xf32, #tpu.memory_space<hbm>>) dst(%arg14 : memref<50176xf32, #tpu.memory_space<vmem>>)
      tpu.yield
    }) : () -> ()
    %mul3A_5 = arith.constant 16 : i32
    %mul3A_6 = arith.muli %arg0, %mul3A_5 : i32
    %add3A = arith.addi %mul3A_6, %arg1 : i32
    %mul3A_7 = arith.constant 50176 : i32
    %mul3A_8 = arith.muli %add3A, %mul3A_7 : i32
    %add3A_9 = arith.constant 0 : i32
    %add3A_10 = arith.addi %mul3A_8, %add3A_9 : i32
    %dma_start3A = arith.constant 0 : i32
    %dma_start3A_11 = tpu.memref_slice %arg4[%add3A_10] : memref<1605632xi32, #tpu.memory_space<hbm>> -> memref<1024xi32, #tpu.memory_space<hbm>>
    %dma_start3A_12 = tpu.memref_slice %arg29[%dma_start3A] : memref<3x!tpu.dma_semaphore, #tpu.memory_space<semaphore_mem>> -> memref<1x!tpu.dma_semaphore, #tpu.memory_space<semaphore_mem>>
    %dma_start3A_13 = tpu.memref_squeeze %dma_start3A_12 : memref<1x!tpu.dma_semaphore, #tpu.memory_space<semaphore_mem>> -> memref<!tpu.dma_semaphore, #tpu.memory_space<semaphore_mem>>
    %dma_start3A_14 = tpu.memref_slice %arg4[%add3A_10] : memref<1605632xi32, #tpu.memory_space<hbm>> -> memref<1024xi32, #tpu.memory_space<hbm>>
    tpu.enqueue_dma source(%dma_start3A_14 : memref<1024xi32, #tpu.memory_space<hbm>>) target(%arg15 : memref<1024xi32, #tpu.memory_space<vmem>>) target_semaphore(%dma_start3A_13 : memref<!tpu.dma_semaphore, #tpu.memory_space<semaphore_mem>>)
    %dma_start3A_15 = arith.constant 0 : i32
    %dma_start3A_16 = tpu.memref_slice %arg5[%add3A_10] : memref<1605632xi32, #tpu.memory_space<hbm>> -> memref<1024xi32, #tpu.memory_space<hbm>>
    %dma_start3A_17 = tpu.memref_slice %arg29[%dma_start3A_15] : memref<3x!tpu.dma_semaphore, #tpu.memory_space<semaphore_mem>> -> memref<1x!tpu.dma_semaphore, #tpu.memory_space<semaphore_mem>>
    %dma_start3A_18 = tpu.memref_squeeze %dma_start3A_17 : memref<1x!tpu.dma_semaphore, #tpu.memory_space<semaphore_mem>> -> memref<!tpu.dma_semaphore, #tpu.memory_space<semaphore_mem>>
    %dma_start3A_19 = tpu.memref_slice %arg5[%add3A_10] : memref<1605632xi32, #tpu.memory_space<hbm>> -> memref<1024xi32, #tpu.memory_space<hbm>>
    tpu.enqueue_dma source(%dma_start3A_19 : memref<1024xi32, #tpu.memory_space<hbm>>) target(%arg18 : memref<1024xi32, #tpu.memory_space<vmem>>) target_semaphore(%dma_start3A_18 : memref<!tpu.dma_semaphore, #tpu.memory_space<semaphore_mem>>)
    %dma_start3A_20 = arith.constant 0 : i32
    %dma_start3A_21 = tpu.memref_slice %arg6[%add3A_10] : memref<1605632xf32, #tpu.memory_space<hbm>> -> memref<1024xf32, #tpu.memory_space<hbm>>
    %dma_start3A_22 = tpu.memref_slice %arg29[%dma_start3A_20] : memref<3x!tpu.dma_semaphore, #tpu.memory_space<semaphore_mem>> -> memref<1x!tpu.dma_semaphore, #tpu.memory_space<semaphore_mem>>
    %dma_start3A_23 = tpu.memref_squeeze %dma_start3A_22 : memref<1x!tpu.dma_semaphore, #tpu.memory_space<semaphore_mem>> -> memref<!tpu.dma_semaphore, #tpu.memory_space<semaphore_mem>>
    %dma_start3A_24 = tpu.memref_slice %arg6[%add3A_10] : memref<1605632xf32, #tpu.memory_space<hbm>> -> memref<1024xf32, #tpu.memory_space<hbm>>
    tpu.enqueue_dma source(%dma_start3A_24 : memref<1024xf32, #tpu.memory_space<hbm>>) target(%arg21 : memref<1024xf32, #tpu.memory_space<vmem>>) target_semaphore(%dma_start3A_23 : memref<!tpu.dma_semaphore, #tpu.memory_space<semaphore_mem>>)
    %scan3A = arith.constant 0 : i32
    %scan3A_25 = arith.constant 16 : i32
    %scan3A_26 = arith.addi %scan3A, %scan3A_25 : i32
    %scan3A_27 = arith.constant 1 : i32
    scf.for %scan3A_50 = %scan3A to %scan3A_26 step %scan3A_27  : i32 {
      %mul3A_51 = arith.constant 3 : i32
      %mul3A_52 = arith.muli %scan3A_50, %mul3A_51 : i32
      %add3A_53 = arith.constant 0 : i32
      %add3A_54 = arith.addi %mul3A_52, %add3A_53 : i32
      %add3A_55 = arith.constant 1 : i32
      %add3A_56 = arith.addi %add3A_54, %add3A_55 : i32
      %lt3A = arith.constant 49 : i32
      %lt3A_57 = arith.cmpi slt, %add3A_56, %lt3A : i32
      %convert_element_type3A = arith.extui %lt3A_57 : i1 to i32
      %cond3A = arith.constant 0 : i32
      %cond3A_58 = arith.cmpi ne, %convert_element_type3A, %cond3A : i32
      scf.if %cond3A_58 {
        %mul3A_144 = arith.constant 1024 : i32
        %mul3A_145 = arith.muli %add3A_56, %mul3A_144 : i32
        %add3A_146 = arith.addi %mul3A_8, %mul3A_145 : i32
        %dma_start3A_147 = arith.constant 1 : i32
        %dma_start3A_148 = tpu.memref_slice %arg4[%add3A_146] : memref<1605632xi32, #tpu.memory_space<hbm>> -> memref<1024xi32, #tpu.memory_space<hbm>>
        %dma_start3A_149 = tpu.memref_slice %arg29[%dma_start3A_147] : memref<3x!tpu.dma_semaphore, #tpu.memory_space<semaphore_mem>> -> memref<1x!tpu.dma_semaphore, #tpu.memory_space<semaphore_mem>>
        %dma_start3A_150 = tpu.memref_squeeze %dma_start3A_149 : memref<1x!tpu.dma_semaphore, #tpu.memory_space<semaphore_mem>> -> memref<!tpu.dma_semaphore, #tpu.memory_space<semaphore_mem>>
        %dma_start3A_151 = tpu.memref_slice %arg4[%add3A_146] : memref<1605632xi32, #tpu.memory_space<hbm>> -> memref<1024xi32, #tpu.memory_space<hbm>>
        tpu.enqueue_dma source(%dma_start3A_151 : memref<1024xi32, #tpu.memory_space<hbm>>) target(%arg16 : memref<1024xi32, #tpu.memory_space<vmem>>) target_semaphore(%dma_start3A_150 : memref<!tpu.dma_semaphore, #tpu.memory_space<semaphore_mem>>)
        %dma_start3A_152 = arith.constant 1 : i32
        %dma_start3A_153 = tpu.memref_slice %arg5[%add3A_146] : memref<1605632xi32, #tpu.memory_space<hbm>> -> memref<1024xi32, #tpu.memory_space<hbm>>
        %dma_start3A_154 = tpu.memref_slice %arg29[%dma_start3A_152] : memref<3x!tpu.dma_semaphore, #tpu.memory_space<semaphore_mem>> -> memref<1x!tpu.dma_semaphore, #tpu.memory_space<semaphore_mem>>
        %dma_start3A_155 = tpu.memref_squeeze %dma_start3A_154 : memref<1x!tpu.dma_semaphore, #tpu.memory_space<semaphore_mem>> -> memref<!tpu.dma_semaphore, #tpu.memory_space<semaphore_mem>>
        %dma_start3A_156 = tpu.memref_slice %arg5[%add3A_146] : memref<1605632xi32, #tpu.memory_space<hbm>> -> memref<1024xi32, #tpu.memory_space<hbm>>
        tpu.enqueue_dma source(%dma_start3A_156 : memref<1024xi32, #tpu.memory_space<hbm>>) target(%arg19 : memref<1024xi32, #tpu.memory_space<vmem>>) target_semaphore(%dma_start3A_155 : memref<!tpu.dma_semaphore, #tpu.memory_space<semaphore_mem>>)
        %dma_start3A_157 = arith.constant 1 : i32
        %dma_start3A_158 = tpu.memref_slice %arg6[%add3A_146] : memref<1605632xf32, #tpu.memory_space<hbm>> -> memref<1024xf32, #tpu.memory_space<hbm>>
        %dma_start3A_159 = tpu.memref_slice %arg29[%dma_start3A_157] : memref<3x!tpu.dma_semaphore, #tpu.memory_space<semaphore_mem>> -> memref<1x!tpu.dma_semaphore, #tpu.memory_space<semaphore_mem>>
        %dma_start3A_160 = tpu.memref_squeeze %dma_start3A_159 : memref<1x!tpu.dma_semaphore, #tpu.memory_space<semaphore_mem>> -> memref<!tpu.dma_semaphore, #tpu.memory_space<semaphore_mem>>
        %dma_start3A_161 = tpu.memref_slice %arg6[%add3A_146] : memref<1605632xf32, #tpu.memory_space<hbm>> -> memref<1024xf32, #tpu.memory_space<hbm>>
        tpu.enqueue_dma source(%dma_start3A_161 : memref<1024xf32, #tpu.memory_space<hbm>>) target(%arg22 : memref<1024xf32, #tpu.memory_space<vmem>>) target_semaphore(%dma_start3A_160 : memref<!tpu.dma_semaphore, #tpu.memory_space<semaphore_mem>>)
      } else {
      }
      %mul3A_59 = arith.constant 1024 : i32
      %mul3A_60 = arith.muli %add3A_54, %mul3A_59 : i32
      %add3A_61 = arith.addi %mul3A_8, %mul3A_60 : i32
      %dma_wait3A_62 = arith.constant 0 : i32
      %dma_wait3A_63 = tpu.memref_slice %arg4[%add3A_61] : memref<1605632xi32, #tpu.memory_space<hbm>> -> memref<1024xi32, #tpu.memory_space<hbm>>
      %dma_wait3A_64 = tpu.memref_slice %arg29[%dma_wait3A_62] : memref<3x!tpu.dma_semaphore, #tpu.memory_space<semaphore_mem>> -> memref<1x!tpu.dma_semaphore, #tpu.memory_space<semaphore_mem>>
      %dma_wait3A_65 = tpu.memref_squeeze %dma_wait3A_64 : memref<1x!tpu.dma_semaphore, #tpu.memory_space<semaphore_mem>> -> memref<!tpu.dma_semaphore, #tpu.memory_space<semaphore_mem>>
      %dma_wait3A_66 = tpu.memref_slice %arg4[%add3A_61] : memref<1605632xi32, #tpu.memory_space<hbm>> -> memref<1024xi32, #tpu.memory_space<hbm>>
      tpu.wait_dma2 semaphore(%dma_wait3A_65 : memref<!tpu.dma_semaphore, #tpu.memory_space<semaphore_mem>>) src(%dma_wait3A_66 : memref<1024xi32, #tpu.memory_space<hbm>>) dst(%arg15 : memref<1024xi32, #tpu.memory_space<vmem>>)
      %dma_wait3A_67 = arith.constant 0 : i32
      %dma_wait3A_68 = tpu.memref_slice %arg5[%add3A_61] : memref<1605632xi32, #tpu.memory_space<hbm>> -> memref<1024xi32, #tpu.memory_space<hbm>>
      %dma_wait3A_69 = tpu.memref_slice %arg29[%dma_wait3A_67] : memref<3x!tpu.dma_semaphore, #tpu.memory_space<semaphore_mem>> -> memref<1x!tpu.dma_semaphore, #tpu.memory_space<semaphore_mem>>
      %dma_wait3A_70 = tpu.memref_squeeze %dma_wait3A_69 : memref<1x!tpu.dma_semaphore, #tpu.memory_space<semaphore_mem>> -> memref<!tpu.dma_semaphore, #tpu.memory_space<semaphore_mem>>
      %dma_wait3A_71 = tpu.memref_slice %arg5[%add3A_61] : memref<1605632xi32, #tpu.memory_space<hbm>> -> memref<1024xi32, #tpu.memory_space<hbm>>
      tpu.wait_dma2 semaphore(%dma_wait3A_70 : memref<!tpu.dma_semaphore, #tpu.memory_space<semaphore_mem>>) src(%dma_wait3A_71 : memref<1024xi32, #tpu.memory_space<hbm>>) dst(%arg18 : memref<1024xi32, #tpu.memory_space<vmem>>)
      %dma_wait3A_72 = arith.constant 0 : i32
      %dma_wait3A_73 = tpu.memref_slice %arg6[%add3A_61] : memref<1605632xf32, #tpu.memory_space<hbm>> -> memref<1024xf32, #tpu.memory_space<hbm>>
      %dma_wait3A_74 = tpu.memref_slice %arg29[%dma_wait3A_72] : memref<3x!tpu.dma_semaphore, #tpu.memory_space<semaphore_mem>> -> memref<1x!tpu.dma_semaphore, #tpu.memory_space<semaphore_mem>>
      %dma_wait3A_75 = tpu.memref_squeeze %dma_wait3A_74 : memref<1x!tpu.dma_semaphore, #tpu.memory_space<semaphore_mem>> -> memref<!tpu.dma_semaphore, #tpu.memory_space<semaphore_mem>>
      %dma_wait3A_76 = tpu.memref_slice %arg6[%add3A_61] : memref<1605632xf32, #tpu.memory_space<hbm>> -> memref<1024xf32, #tpu.memory_space<hbm>>
      tpu.wait_dma2 semaphore(%dma_wait3A_75 : memref<!tpu.dma_semaphore, #tpu.memory_space<semaphore_mem>>) src(%dma_wait3A_76 : memref<1024xf32, #tpu.memory_space<hbm>>) dst(%arg21 : memref<1024xf32, #tpu.memory_space<vmem>>)
      %parallel_loop3A_77 = arith.constant 0 : i32
      %parallel_loop3A_78 = arith.constant 64 : i32
      %parallel_loop3A_79 = arith.constant 1 : i32
      scf.for %parallel_loop3A_144 = %parallel_loop3A_77 to %parallel_loop3A_78 step %parallel_loop3A_79  : i32 {
        %parallel_loop3A_145 = arith.constant 16 : i32
        %parallel_loop3A_146 = arith.muli %parallel_loop3A_144, %parallel_loop3A_145 : i32
        %parallel_loop3A_147 = arith.index_cast %parallel_loop3A_146 : i32 to index
        %parallel_loop3A_148 = tpu.vector_load %arg15[%parallel_loop3A_147] {strides = array<i32>} : memref<1024xi32, #tpu.memory_space<vmem>>, vector<16xi32>,
        %parallel_loop3A_149 = arith.index_cast %parallel_loop3A_146 : i32 to index
        %parallel_loop3A_150 = tpu.vector_load %arg18[%parallel_loop3A_149] {strides = array<i32>} : memref<1024xi32, #tpu.memory_space<vmem>>, vector<16xi32>,
        %parallel_loop3A_151 = arith.index_cast %parallel_loop3A_146 : i32 to index
        %parallel_loop3A_152 = tpu.vector_load %arg21[%parallel_loop3A_151] {strides = array<i32>} : memref<1024xf32, #tpu.memory_space<vmem>>, vector<16xf32>,
        %parallel_loop3A_153 = tpu.vector_load_idx %arg13[%parallel_loop3A_148] : memref<50176xf32, #tpu.memory_space<vmem>>[vector<16xi32>], vector<16xf32>,
        %parallel_loop3A_154 = tpu.vector_load_idx %arg13[%parallel_loop3A_150] : memref<50176xf32, #tpu.memory_space<vmem>>[vector<16xi32>], vector<16xf32>,
        %parallel_loop3A_155 = tpu.vector_load_idx %arg14[%parallel_loop3A_148] : memref<50176xf32, #tpu.memory_space<vmem>>[vector<16xi32>], vector<16xf32>,
        %parallel_loop3A_156 = tpu.vector_load_idx %arg14[%parallel_loop3A_150] : memref<50176xf32, #tpu.memory_space<vmem>>[vector<16xi32>], vector<16xf32>,
        %parallel_loop3A_157 = arith.addf %parallel_loop3A_153, %parallel_loop3A_154 : vector<16xf32>
        %parallel_loop3A_158 = arith.constant 5.000000e-01 : f32
        %parallel_loop3A_159 = vector.broadcast %parallel_loop3A_158 : f32 to vector<16xf32>
        %parallel_loop3A_160 = arith.mulf %parallel_loop3A_157, %parallel_loop3A_159 : vector<16xf32>
        %parallel_loop3A_161 = arith.constant 2.000000e+00 : f32
        %parallel_loop3A_162 = vector.broadcast %parallel_loop3A_161 : f32 to vector<16xf32>
        %parallel_loop3A_163 = arith.mulf %parallel_loop3A_162, %parallel_loop3A_155 : vector<16xf32>
        %parallel_loop3A_164 = arith.mulf %parallel_loop3A_163, %parallel_loop3A_156 : vector<16xf32>
        %parallel_loop3A_165 = arith.mulf %parallel_loop3A_164, %parallel_loop3A_153 : vector<16xf32>
        %parallel_loop3A_166 = arith.mulf %parallel_loop3A_165, %parallel_loop3A_154 : vector<16xf32>
        %parallel_loop3A_167 = arith.mulf %parallel_loop3A_153, %parallel_loop3A_153 : vector<16xf32>
        %parallel_loop3A_168 = arith.mulf %parallel_loop3A_167, %parallel_loop3A_156 : vector<16xf32>
        %parallel_loop3A_169 = arith.mulf %parallel_loop3A_154, %parallel_loop3A_154 : vector<16xf32>
        %parallel_loop3A_170 = arith.mulf %parallel_loop3A_169, %parallel_loop3A_155 : vector<16xf32>
        %parallel_loop3A_171 = arith.addf %parallel_loop3A_168, %parallel_loop3A_170 : vector<16xf32>
        %parallel_loop3A_172 = arith.divf %parallel_loop3A_166, %parallel_loop3A_171 : vector<16xf32>
        %parallel_loop3A_173 = tpu.bitcast %parallel_loop3A_160 : vector<16xf32> -> vector<16xi32>
        %parallel_loop3A_174 = arith.constant 16 : i32
        %parallel_loop3A_175 = vector.broadcast %parallel_loop3A_174 : i32 to vector<16xi32>
        %parallel_loop3A_176 = arith.shrui %parallel_loop3A_173, %parallel_loop3A_175 : vector<16xi32>
        %parallel_loop3A_177 = arith.constant 16256 : i32
        %parallel_loop3A_178 = vector.broadcast %parallel_loop3A_177 : i32 to vector<16xi32>
        %parallel_loop3A_179 = arith.subi %parallel_loop3A_176, %parallel_loop3A_178 : vector<16xi32>
        %parallel_loop3A_180 = arith.constant 0 : i32
        %parallel_loop3A_181 = vector.broadcast %parallel_loop3A_180 : i32 to vector<16xi32>
        %parallel_loop3A_182 = arith.maxsi %parallel_loop3A_179, %parallel_loop3A_181 : vector<16xi32>
        %parallel_loop3A_183 = arith.constant 1279 : i32
        %parallel_loop3A_184 = vector.broadcast %parallel_loop3A_183 : i32 to vector<16xi32>
        %parallel_loop3A_185 = arith.minsi %parallel_loop3A_182, %parallel_loop3A_184 : vector<16xi32>
        %parallel_loop3A_186 = tpu.vector_load_idx %arg27[%parallel_loop3A_185] : memref<1280xf32, #tpu.memory_space<vmem>>[vector<16xi32>], vector<16xf32>,
        %parallel_loop3A_187 = arith.mulf %parallel_loop3A_186, %parallel_loop3A_186 : vector<16xf32>
        %parallel_loop3A_188 = arith.mulf %parallel_loop3A_187, %parallel_loop3A_187 : vector<16xf32>
        %parallel_loop3A_189 = arith.mulf %parallel_loop3A_160, %parallel_loop3A_186 : vector<16xf32>
        %parallel_loop3A_190 = arith.mulf %parallel_loop3A_189, %parallel_loop3A_187 : vector<16xf32>
        %parallel_loop3A_191 = arith.mulf %parallel_loop3A_190, %parallel_loop3A_188 : vector<16xf32>
        %parallel_loop3A_192 = arith.constant 1.14285719 : f32
        %parallel_loop3A_193 = vector.broadcast %parallel_loop3A_192 : f32 to vector<16xf32>
        %parallel_loop3A_194 = arith.mulf %parallel_loop3A_186, %parallel_loop3A_193 : vector<16xf32>
        %parallel_loop3A_195 = arith.mulf %parallel_loop3A_186, %parallel_loop3A_191 : vector<16xf32>
        %parallel_loop3A_196 = arith.constant 0.142857149 : f32
        %parallel_loop3A_197 = vector.broadcast %parallel_loop3A_196 : f32 to vector<16xf32>
        %parallel_loop3A_198 = arith.mulf %parallel_loop3A_195, %parallel_loop3A_197 : vector<16xf32>
        %parallel_loop3A_199 = arith.subf %parallel_loop3A_194, %parallel_loop3A_198 : vector<16xf32>
        %parallel_loop3A_200 = arith.mulf %parallel_loop3A_199, %parallel_loop3A_199 : vector<16xf32>
        %parallel_loop3A_201 = arith.mulf %parallel_loop3A_200, %parallel_loop3A_200 : vector<16xf32>
        %parallel_loop3A_202 = arith.mulf %parallel_loop3A_201, %parallel_loop3A_200 : vector<16xf32>
        %parallel_loop3A_203 = arith.mulf %parallel_loop3A_160, %parallel_loop3A_202 : vector<16xf32>
        %parallel_loop3A_204 = arith.constant 2.55279613 : f32
        %parallel_loop3A_205 = vector.broadcast %parallel_loop3A_204 : f32 to vector<16xf32>
        %parallel_loop3A_206 = arith.mulf %parallel_loop3A_205, %parallel_loop3A_203 : vector<16xf32>
        %parallel_loop3A_207 = arith.constant -7.88929988E-4 : f32
        %parallel_loop3A_208 = vector.broadcast %parallel_loop3A_207 : f32 to vector<16xf32>
        %parallel_loop3A_209 = arith.mulf %parallel_loop3A_208, %parallel_loop3A_206 : vector<16xf32>
        %parallel_loop3A_210 = arith.constant 0.0412527286 : f32
        %parallel_loop3A_211 = vector.broadcast %parallel_loop3A_210 : f32 to vector<16xf32>
        %parallel_loop3A_212 = arith.addf %parallel_loop3A_209, %parallel_loop3A_211 : vector<16xf32>
        %parallel_loop3A_213 = arith.mulf %parallel_loop3A_212, %parallel_loop3A_206 : vector<16xf32>
        %parallel_loop3A_214 = arith.constant 0.244288892 : f32
        %parallel_loop3A_215 = vector.broadcast %parallel_loop3A_214 : f32 to vector<16xf32>
        %parallel_loop3A_216 = arith.addf %parallel_loop3A_213, %parallel_loop3A_215 : vector<16xf32>
        %parallel_loop3A_217 = arith.mulf %parallel_loop3A_216, %parallel_loop3A_206 : vector<16xf32>
        %parallel_loop3A_218 = arith.constant -4.330080e-03 : f32
        %parallel_loop3A_219 = vector.broadcast %parallel_loop3A_218 : f32 to vector<16xf32>
        %parallel_loop3A_220 = arith.addf %parallel_loop3A_217, %parallel_loop3A_219 : vector<16xf32>
        %parallel_loop3A_221 = arith.mulf %parallel_loop3A_220, %parallel_loop3A_220 : vector<16xf32>
        %parallel_loop3A_222 = arith.constant 1.000000e+01 : f32
        %parallel_loop3A_223 = vector.broadcast %parallel_loop3A_222 : f32 to vector<16xf32>
        %parallel_loop3A_224 = arith.mulf %parallel_loop3A_223, %parallel_loop3A_221 : vector<16xf32>
        %parallel_loop3A_225 = arith.constant 1.225000e+02 : f32
        %parallel_loop3A_226 = vector.broadcast %parallel_loop3A_225 : f32 to vector<16xf32>
        %parallel_loop3A_227 = arith.mulf %parallel_loop3A_226, %parallel_loop3A_221 : vector<16xf32>
        %parallel_loop3A_228 = arith.mulf %parallel_loop3A_227, %parallel_loop3A_221 : vector<16xf32>
        %parallel_loop3A_229 = arith.constant 5.080000e+00 : f32
        %parallel_loop3A_230 = vector.broadcast %parallel_loop3A_229 : f32 to vector<16xf32>
        %parallel_loop3A_231 = arith.mulf %parallel_loop3A_230, %parallel_loop3A_203 : vector<16xf32>
        %parallel_loop3A_232 = arith.mulf %parallel_loop3A_231, %parallel_loop3A_231 : vector<16xf32>
        %parallel_loop3A_233 = arith.mulf %parallel_loop3A_232, %parallel_loop3A_232 : vector<16xf32>
        %parallel_loop3A_234 = arith.constant 1.88972616 : f32
        %parallel_loop3A_235 = vector.broadcast %parallel_loop3A_234 : f32 to vector<16xf32>
        %parallel_loop3A_236 = arith.mulf %parallel_loop3A_152, %parallel_loop3A_235 : vector<16xf32>
        %parallel_loop3A_237 = arith.mulf %parallel_loop3A_236, %parallel_loop3A_236 : vector<16xf32>
        %parallel_loop3A_238 = arith.mulf %parallel_loop3A_237, %parallel_loop3A_237 : vector<16xf32>
        %parallel_loop3A_239 = arith.mulf %parallel_loop3A_238, %parallel_loop3A_237 : vector<16xf32>
        %parallel_loop3A_240 = arith.mulf %parallel_loop3A_233, %parallel_loop3A_232 : vector<16xf32>
        %parallel_loop3A_241 = arith.addf %parallel_loop3A_239, %parallel_loop3A_240 : vector<16xf32>
        %parallel_loop3A_242 = arith.mulf %parallel_loop3A_238, %parallel_loop3A_238 : vector<16xf32>
        %parallel_loop3A_243 = arith.mulf %parallel_loop3A_233, %parallel_loop3A_233 : vector<16xf32>
        %parallel_loop3A_244 = arith.addf %parallel_loop3A_242, %parallel_loop3A_243 : vector<16xf32>
        %parallel_loop3A_245 = arith.mulf %parallel_loop3A_238, %parallel_loop3A_238 : vector<16xf32>
        %parallel_loop3A_246 = arith.mulf %parallel_loop3A_245, %parallel_loop3A_237 : vector<16xf32>
        %parallel_loop3A_247 = arith.mulf %parallel_loop3A_233, %parallel_loop3A_233 : vector<16xf32>
        %parallel_loop3A_248 = arith.mulf %parallel_loop3A_247, %parallel_loop3A_232 : vector<16xf32>
        %parallel_loop3A_249 = arith.addf %parallel_loop3A_246, %parallel_loop3A_248 : vector<16xf32>
        %parallel_loop3A_250 = arith.mulf %parallel_loop3A_244, %parallel_loop3A_249 : vector<16xf32>
        %parallel_loop3A_251 = arith.mulf %parallel_loop3A_241, %parallel_loop3A_249 : vector<16xf32>
        %parallel_loop3A_252 = arith.mulf %parallel_loop3A_224, %parallel_loop3A_251 : vector<16xf32>
        %parallel_loop3A_253 = arith.addf %parallel_loop3A_250, %parallel_loop3A_252 : vector<16xf32>
        %parallel_loop3A_254 = arith.mulf %parallel_loop3A_241, %parallel_loop3A_244 : vector<16xf32>
        %parallel_loop3A_255 = arith.mulf %parallel_loop3A_228, %parallel_loop3A_254 : vector<16xf32>
        %parallel_loop3A_256 = arith.addf %parallel_loop3A_253, %parallel_loop3A_255 : vector<16xf32>
        %parallel_loop3A_257 = arith.mulf %parallel_loop3A_241, %parallel_loop3A_250 : vector<16xf32>
        %parallel_loop3A_258 = arith.constant 8.000000e+00 : f32
        %parallel_loop3A_259 = vector.broadcast %parallel_loop3A_258 : f32 to vector<16xf32>
        %parallel_loop3A_260 = arith.subf %parallel_loop3A_152, %parallel_loop3A_259 : vector<16xf32>
        %parallel_loop3A_261 = arith.constant 5.000000e-01 : f32
        %parallel_loop3A_262 = vector.broadcast %parallel_loop3A_261 : f32 to vector<16xf32>
        %parallel_loop3A_263 = arith.mulf %parallel_loop3A_260, %parallel_loop3A_262 : vector<16xf32>
        %parallel_loop3A_264 = arith.constant 1.000000e+00 : f32
        %parallel_loop3A_265 = vector.broadcast %parallel_loop3A_264 : f32 to vector<16xf32>
        %parallel_loop3A_266 = arith.subf %parallel_loop3A_265, %parallel_loop3A_263 : vector<16xf32>
        %parallel_loop3A_267 = arith.constant 0.000000e+00 : f32
        %parallel_loop3A_268 = vector.broadcast %parallel_loop3A_267 : f32 to vector<16xf32>
        %parallel_loop3A_269 = arith.cmpf ogt, %parallel_loop3A_266, %parallel_loop3A_268 : vector<16xf32>
        %parallel_loop3A_270 = arith.constant 0.000000e+00 : f32
        %parallel_loop3A_271 = vector.broadcast %parallel_loop3A_270 : f32 to vector<16xf32>
        %parallel_loop3A_272 = arith.cmpf ogt, %parallel_loop3A_263, %parallel_loop3A_271 : vector<16xf32>
        %parallel_loop3A_273 = arith.constant 1.000000e+00 : f32
        %parallel_loop3A_274 = vector.broadcast %parallel_loop3A_273 : f32 to vector<16xf32>
        %parallel_loop3A_275 = arith.select %parallel_loop3A_269, %parallel_loop3A_266, %parallel_loop3A_274 : vector<16xi1>, vector<16xf32>
        %parallel_loop3A_276 = arith.constant 1.000000e+00 : f32
        %parallel_loop3A_277 = vector.broadcast %parallel_loop3A_276 : f32 to vector<16xf32>
        %parallel_loop3A_278 = arith.select %parallel_loop3A_272, %parallel_loop3A_263, %parallel_loop3A_277 : vector<16xi1>, vector<16xf32>
        %parallel_loop3A_279 = arith.mulf %parallel_loop3A_275, %parallel_loop3A_278 : vector<16xf32>
        %parallel_loop3A_280 = arith.constant 1.000000e+00 : f32
        %parallel_loop3A_281 = vector.broadcast %parallel_loop3A_280 : f32 to vector<16xf32>
        %parallel_loop3A_282 = arith.divf %parallel_loop3A_281, %parallel_loop3A_279 : vector<16xf32>
        %parallel_loop3A_283 = arith.constant 0.000000e+00 : f32
        %parallel_loop3A_284 = vector.broadcast %parallel_loop3A_283 : f32 to vector<16xf32>
        %parallel_loop3A_285 = arith.subf %parallel_loop3A_284, %parallel_loop3A_278 : vector<16xf32>
        %parallel_loop3A_286 = arith.mulf %parallel_loop3A_285, %parallel_loop3A_282 : vector<16xf32>
        %parallel_loop3A_287 = math.exp %parallel_loop3A_286 : vector<16xf32>
        %parallel_loop3A_288 = arith.constant 0.000000e+00 : f32
        %parallel_loop3A_289 = vector.broadcast %parallel_loop3A_288 : f32 to vector<16xf32>
        %parallel_loop3A_290 = arith.select %parallel_loop3A_269, %parallel_loop3A_287, %parallel_loop3A_289 : vector<16xi1>, vector<16xf32>
        %parallel_loop3A_291 = arith.constant 0.000000e+00 : f32
        %parallel_loop3A_292 = vector.broadcast %parallel_loop3A_291 : f32 to vector<16xf32>
        %parallel_loop3A_293 = arith.subf %parallel_loop3A_292, %parallel_loop3A_275 : vector<16xf32>
        %parallel_loop3A_294 = arith.mulf %parallel_loop3A_293, %parallel_loop3A_282 : vector<16xf32>
        %parallel_loop3A_295 = math.exp %parallel_loop3A_294 : vector<16xf32>
        %parallel_loop3A_296 = arith.constant 0.000000e+00 : f32
        %parallel_loop3A_297 = vector.broadcast %parallel_loop3A_296 : f32 to vector<16xf32>
        %parallel_loop3A_298 = arith.select %parallel_loop3A_272, %parallel_loop3A_295, %parallel_loop3A_297 : vector<16xi1>, vector<16xf32>
        %parallel_loop3A_299 = arith.mulf %parallel_loop3A_172, %parallel_loop3A_290 : vector<16xf32>
        %parallel_loop3A_300 = arith.mulf %parallel_loop3A_299, %parallel_loop3A_256 : vector<16xf32>
        %parallel_loop3A_301 = arith.addf %parallel_loop3A_290, %parallel_loop3A_298 : vector<16xf32>
        %parallel_loop3A_302 = arith.mulf %parallel_loop3A_257, %parallel_loop3A_301 : vector<16xf32>
        %parallel_loop3A_303 = arith.divf %parallel_loop3A_300, %parallel_loop3A_302 : vector<16xf32>
        %parallel_loop3A_304 = arith.constant -13.6056929 : f32
        %parallel_loop3A_305 = vector.broadcast %parallel_loop3A_304 : f32 to vector<16xf32>
        %parallel_loop3A_306 = arith.mulf %parallel_loop3A_303, %parallel_loop3A_305 : vector<16xf32>
        %parallel_loop3A_307 = arith.constant 0.000000e+00 : f32
        %parallel_loop3A_308 = vector.broadcast %parallel_loop3A_307 : f32 to vector<16xf32>
        %parallel_loop3A_309 = arith.cmpf ogt, %parallel_loop3A_152, %parallel_loop3A_308 : vector<16xf32>
        %parallel_loop3A_310 = arith.constant 0.000000e+00 : f32
        %parallel_loop3A_311 = vector.broadcast %parallel_loop3A_310 : f32 to vector<16xf32>
        %parallel_loop3A_312 = arith.select %parallel_loop3A_309, %parallel_loop3A_306, %parallel_loop3A_311 : vector<16xi1>, vector<16xf32>
        %parallel_loop3A_313 = arith.index_cast %parallel_loop3A_146 : i32 to index
        %parallel_loop3A_314 = tpu.vector_load %arg24[%parallel_loop3A_313] {strides = array<i32>} : memref<1024xf32, #tpu.memory_space<vmem>>, vector<16xf32>,
        tpu.vector_store %arg24[%parallel_loop3A_313], %parallel_loop3A_312 {strides = array<i32>} : memref<1024xf32, #tpu.memory_space<vmem>>, vector<16xf32>,
      } {sc.loop_unroll_factor = 4 : i64, sc.parallel_access}
      "tpu.region"() ({
        %run_scoped3A = tpu.sem_alloc : memref<!tpu.dma_semaphore, #tpu.memory_space<semaphore_mem>>
        %dma_start3A_144 = arith.constant 0 : i32
        %dma_start3A_145 = tpu.memref_slice %arg30[%dma_start3A_144] : memref<50176xf32, #tpu.memory_space<vmem_shared>> -> memref<50176xf32, #tpu.memory_space<vmem_shared>>
        tpu.enqueue_indirect_dma source(%arg24 : memref<1024xf32, #tpu.memory_space<vmem>>) target(%dma_start3A_145 : memref<50176xf32, #tpu.memory_space<vmem_shared>>) offsets(%arg15 : memref<1024xi32, #tpu.memory_space<vmem>>) semaphore(%run_scoped3A : memref<!tpu.dma_semaphore, #tpu.memory_space<semaphore_mem>>) {add = true}
        %dma_wait3A_146 = arith.constant 0 : i32
        %dma_wait3A_147 = tpu.memref_slice %arg30[%dma_wait3A_146] : memref<50176xf32, #tpu.memory_space<vmem_shared>> -> memref<50176xf32, #tpu.memory_space<vmem_shared>>
        tpu.wait_indirect_dma semaphore(%run_scoped3A : memref<!tpu.dma_semaphore, #tpu.memory_space<semaphore_mem>>) src(%arg24 : memref<1024xf32, #tpu.memory_space<vmem>>) dst(%dma_wait3A_147 : memref<50176xf32, #tpu.memory_space<vmem_shared>>)
        tpu.yield
      }) : () -> ()
      %mul3A_80 = arith.constant 3 : i32
      %mul3A_81 = arith.muli %scan3A_50, %mul3A_80 : i32
      %add3A_82 = arith.constant 1 : i32
      %add3A_83 = arith.addi %mul3A_81, %add3A_82 : i32
      %add3A_84 = arith.constant 1 : i32
      %add3A_85 = arith.addi %add3A_83, %add3A_84 : i32
      %lt3A_86 = arith.constant 49 : i32
      %lt3A_87 = arith.cmpi slt, %add3A_85, %lt3A_86 : i32
      %convert_element_type3A_88 = arith.extui %lt3A_87 : i1 to i32
      %cond3A_89 = arith.constant 0 : i32
      %cond3A_90 = arith.cmpi ne, %convert_element_type3A_88, %cond3A_89 : i32
      scf.if %cond3A_90 {
        %mul3A_144 = arith.constant 1024 : i32
        %mul3A_145 = arith.muli %add3A_85, %mul3A_144 : i32
        %add3A_146 = arith.addi %mul3A_8, %mul3A_145 : i32
        %dma_start3A_147 = arith.constant 2 : i32
        %dma_start3A_148 = tpu.memref_slice %arg4[%add3A_146] : memref<1605632xi32, #tpu.memory_space<hbm>> -> memref<1024xi32, #tpu.memory_space<hbm>>
        %dma_start3A_149 = tpu.memref_slice %arg29[%dma_start3A_147] : memref<3x!tpu.dma_semaphore, #tpu.memory_space<semaphore_mem>> -> memref<1x!tpu.dma_semaphore, #tpu.memory_space<semaphore_mem>>
        %dma_start3A_150 = tpu.memref_squeeze %dma_start3A_149 : memref<1x!tpu.dma_semaphore, #tpu.memory_space<semaphore_mem>> -> memref<!tpu.dma_semaphore, #tpu.memory_space<semaphore_mem>>
        %dma_start3A_151 = tpu.memref_slice %arg4[%add3A_146] : memref<1605632xi32, #tpu.memory_space<hbm>> -> memref<1024xi32, #tpu.memory_space<hbm>>
        tpu.enqueue_dma source(%dma_start3A_151 : memref<1024xi32, #tpu.memory_space<hbm>>) target(%arg17 : memref<1024xi32, #tpu.memory_space<vmem>>) target_semaphore(%dma_start3A_150 : memref<!tpu.dma_semaphore, #tpu.memory_space<semaphore_mem>>)
        %dma_start3A_152 = arith.constant 2 : i32
        %dma_start3A_153 = tpu.memref_slice %arg5[%add3A_146] : memref<1605632xi32, #tpu.memory_space<hbm>> -> memref<1024xi32, #tpu.memory_space<hbm>>
        %dma_start3A_154 = tpu.memref_slice %arg29[%dma_start3A_152] : memref<3x!tpu.dma_semaphore, #tpu.memory_space<semaphore_mem>> -> memref<1x!tpu.dma_semaphore, #tpu.memory_space<semaphore_mem>>
        %dma_start3A_155 = tpu.memref_squeeze %dma_start3A_154 : memref<1x!tpu.dma_semaphore, #tpu.memory_space<semaphore_mem>> -> memref<!tpu.dma_semaphore, #tpu.memory_space<semaphore_mem>>
        %dma_start3A_156 = tpu.memref_slice %arg5[%add3A_146] : memref<1605632xi32, #tpu.memory_space<hbm>> -> memref<1024xi32, #tpu.memory_space<hbm>>
        tpu.enqueue_dma source(%dma_start3A_156 : memref<1024xi32, #tpu.memory_space<hbm>>) target(%arg20 : memref<1024xi32, #tpu.memory_space<vmem>>) target_semaphore(%dma_start3A_155 : memref<!tpu.dma_semaphore, #tpu.memory_space<semaphore_mem>>)
        %dma_start3A_157 = arith.constant 2 : i32
        %dma_start3A_158 = tpu.memref_slice %arg6[%add3A_146] : memref<1605632xf32, #tpu.memory_space<hbm>> -> memref<1024xf32, #tpu.memory_space<hbm>>
        %dma_start3A_159 = tpu.memref_slice %arg29[%dma_start3A_157] : memref<3x!tpu.dma_semaphore, #tpu.memory_space<semaphore_mem>> -> memref<1x!tpu.dma_semaphore, #tpu.memory_space<semaphore_mem>>
        %dma_start3A_160 = tpu.memref_squeeze %dma_start3A_159 : memref<1x!tpu.dma_semaphore, #tpu.memory_space<semaphore_mem>> -> memref<!tpu.dma_semaphore, #tpu.memory_space<semaphore_mem>>
        %dma_start3A_161 = tpu.memref_slice %arg6[%add3A_146] : memref<1605632xf32, #tpu.memory_space<hbm>> -> memref<1024xf32, #tpu.memory_space<hbm>>
        tpu.enqueue_dma source(%dma_start3A_161 : memref<1024xf32, #tpu.memory_space<hbm>>) target(%arg23 : memref<1024xf32, #tpu.memory_space<vmem>>) target_semaphore(%dma_start3A_160 : memref<!tpu.dma_semaphore, #tpu.memory_space<semaphore_mem>>)
      } else {
      }
      %mul3A_91 = arith.constant 1024 : i32
      %mul3A_92 = arith.muli %add3A_83, %mul3A_91 : i32
      %add3A_93 = arith.addi %mul3A_8, %mul3A_92 : i32
      %dma_wait3A_94 = arith.constant 1 : i32
      %dma_wait3A_95 = tpu.memref_slice %arg4[%add3A_93] : memref<1605632xi32, #tpu.memory_space<hbm>> -> memref<1024xi32, #tpu.memory_space<hbm>>
      %dma_wait3A_96 = tpu.memref_slice %arg29[%dma_wait3A_94] : memref<3x!tpu.dma_semaphore, #tpu.memory_space<semaphore_mem>> -> memref<1x!tpu.dma_semaphore, #tpu.memory_space<semaphore_mem>>
      %dma_wait3A_97 = tpu.memref_squeeze %dma_wait3A_96 : memref<1x!tpu.dma_semaphore, #tpu.memory_space<semaphore_mem>> -> memref<!tpu.dma_semaphore, #tpu.memory_space<semaphore_mem>>
      %dma_wait3A_98 = tpu.memref_slice %arg4[%add3A_93] : memref<1605632xi32, #tpu.memory_space<hbm>> -> memref<1024xi32, #tpu.memory_space<hbm>>
      tpu.wait_dma2 semaphore(%dma_wait3A_97 : memref<!tpu.dma_semaphore, #tpu.memory_space<semaphore_mem>>) src(%dma_wait3A_98 : memref<1024xi32, #tpu.memory_space<hbm>>) dst(%arg16 : memref<1024xi32, #tpu.memory_space<vmem>>)
      %dma_wait3A_99 = arith.constant 1 : i32
      %dma_wait3A_100 = tpu.memref_slice %arg5[%add3A_93] : memref<1605632xi32, #tpu.memory_space<hbm>> -> memref<1024xi32, #tpu.memory_space<hbm>>
      %dma_wait3A_101 = tpu.memref_slice %arg29[%dma_wait3A_99] : memref<3x!tpu.dma_semaphore, #tpu.memory_space<semaphore_mem>> -> memref<1x!tpu.dma_semaphore, #tpu.memory_space<semaphore_mem>>
      %dma_wait3A_102 = tpu.memref_squeeze %dma_wait3A_101 : memref<1x!tpu.dma_semaphore, #tpu.memory_space<semaphore_mem>> -> memref<!tpu.dma_semaphore, #tpu.memory_space<semaphore_mem>>
      %dma_wait3A_103 = tpu.memref_slice %arg5[%add3A_93] : memref<1605632xi32, #tpu.memory_space<hbm>> -> memref<1024xi32, #tpu.memory_space<hbm>>
      tpu.wait_dma2 semaphore(%dma_wait3A_102 : memref<!tpu.dma_semaphore, #tpu.memory_space<semaphore_mem>>) src(%dma_wait3A_103 : memref<1024xi32, #tpu.memory_space<hbm>>) dst(%arg19 : memref<1024xi32, #tpu.memory_space<vmem>>)
      %dma_wait3A_104 = arith.constant 1 : i32
      %dma_wait3A_105 = tpu.memref_slice %arg6[%add3A_93] : memref<1605632xf32, #tpu.memory_space<hbm>> -> memref<1024xf32, #tpu.memory_space<hbm>>
      %dma_wait3A_106 = tpu.memref_slice %arg29[%dma_wait3A_104] : memref<3x!tpu.dma_semaphore, #tpu.memory_space<semaphore_mem>> -> memref<1x!tpu.dma_semaphore, #tpu.memory_space<semaphore_mem>>
      %dma_wait3A_107 = tpu.memref_squeeze %dma_wait3A_106 : memref<1x!tpu.dma_semaphore, #tpu.memory_space<semaphore_mem>> -> memref<!tpu.dma_semaphore, #tpu.memory_space<semaphore_mem>>
      %dma_wait3A_108 = tpu.memref_slice %arg6[%add3A_93] : memref<1605632xf32, #tpu.memory_space<hbm>> -> memref<1024xf32, #tpu.memory_space<hbm>>
      tpu.wait_dma2 semaphore(%dma_wait3A_107 : memref<!tpu.dma_semaphore, #tpu.memory_space<semaphore_mem>>) src(%dma_wait3A_108 : memref<1024xf32, #tpu.memory_space<hbm>>) dst(%arg22 : memref<1024xf32, #tpu.memory_space<vmem>>)
      %parallel_loop3A_109 = arith.constant 0 : i32
      %parallel_loop3A_110 = arith.constant 64 : i32
      %parallel_loop3A_111 = arith.constant 1 : i32
      scf.for %parallel_loop3A_144 = %parallel_loop3A_109 to %parallel_loop3A_110 step %parallel_loop3A_111  : i32 {
        %parallel_loop3A_145 = arith.constant 16 : i32
        %parallel_loop3A_146 = arith.muli %parallel_loop3A_144, %parallel_loop3A_145 : i32
        %parallel_loop3A_147 = arith.index_cast %parallel_loop3A_146 : i32 to index
        %parallel_loop3A_148 = tpu.vector_load %arg16[%parallel_loop3A_147] {strides = array<i32>} : memref<1024xi32, #tpu.memory_space<vmem>>, vector<16xi32>,
        %parallel_loop3A_149 = arith.index_cast %parallel_loop3A_146 : i32 to index
        %parallel_loop3A_150 = tpu.vector_load %arg19[%parallel_loop3A_149] {strides = array<i32>} : memref<1024xi32, #tpu.memory_space<vmem>>, vector<16xi32>,
        %parallel_loop3A_151 = arith.index_cast %parallel_loop3A_146 : i32 to index
        %parallel_loop3A_152 = tpu.vector_load %arg22[%parallel_loop3A_151] {strides = array<i32>} : memref<1024xf32, #tpu.memory_space<vmem>>, vector<16xf32>,
        %parallel_loop3A_153 = tpu.vector_load_idx %arg13[%parallel_loop3A_148] : memref<50176xf32, #tpu.memory_space<vmem>>[vector<16xi32>], vector<16xf32>,
        %parallel_loop3A_154 = tpu.vector_load_idx %arg13[%parallel_loop3A_150] : memref<50176xf32, #tpu.memory_space<vmem>>[vector<16xi32>], vector<16xf32>,
        %parallel_loop3A_155 = tpu.vector_load_idx %arg14[%parallel_loop3A_148] : memref<50176xf32, #tpu.memory_space<vmem>>[vector<16xi32>], vector<16xf32>,
        %parallel_loop3A_156 = tpu.vector_load_idx %arg14[%parallel_loop3A_150] : memref<50176xf32, #tpu.memory_space<vmem>>[vector<16xi32>], vector<16xf32>,
        %parallel_loop3A_157 = arith.addf %parallel_loop3A_153, %parallel_loop3A_154 : vector<16xf32>
        %parallel_loop3A_158 = arith.constant 5.000000e-01 : f32
        %parallel_loop3A_159 = vector.broadcast %parallel_loop3A_158 : f32 to vector<16xf32>
        %parallel_loop3A_160 = arith.mulf %parallel_loop3A_157, %parallel_loop3A_159 : vector<16xf32>
        %parallel_loop3A_161 = arith.constant 2.000000e+00 : f32
        %parallel_loop3A_162 = vector.broadcast %parallel_loop3A_161 : f32 to vector<16xf32>
        %parallel_loop3A_163 = arith.mulf %parallel_loop3A_162, %parallel_loop3A_155 : vector<16xf32>
        %parallel_loop3A_164 = arith.mulf %parallel_loop3A_163, %parallel_loop3A_156 : vector<16xf32>
        %parallel_loop3A_165 = arith.mulf %parallel_loop3A_164, %parallel_loop3A_153 : vector<16xf32>
        %parallel_loop3A_166 = arith.mulf %parallel_loop3A_165, %parallel_loop3A_154 : vector<16xf32>
        %parallel_loop3A_167 = arith.mulf %parallel_loop3A_153, %parallel_loop3A_153 : vector<16xf32>
        %parallel_loop3A_168 = arith.mulf %parallel_loop3A_167, %parallel_loop3A_156 : vector<16xf32>
        %parallel_loop3A_169 = arith.mulf %parallel_loop3A_154, %parallel_loop3A_154 : vector<16xf32>
        %parallel_loop3A_170 = arith.mulf %parallel_loop3A_169, %parallel_loop3A_155 : vector<16xf32>
        %parallel_loop3A_171 = arith.addf %parallel_loop3A_168, %parallel_loop3A_170 : vector<16xf32>
        %parallel_loop3A_172 = arith.divf %parallel_loop3A_166, %parallel_loop3A_171 : vector<16xf32>
        %parallel_loop3A_173 = tpu.bitcast %parallel_loop3A_160 : vector<16xf32> -> vector<16xi32>
        %parallel_loop3A_174 = arith.constant 16 : i32
        %parallel_loop3A_175 = vector.broadcast %parallel_loop3A_174 : i32 to vector<16xi32>
        %parallel_loop3A_176 = arith.shrui %parallel_loop3A_173, %parallel_loop3A_175 : vector<16xi32>
        %parallel_loop3A_177 = arith.constant 16256 : i32
        %parallel_loop3A_178 = vector.broadcast %parallel_loop3A_177 : i32 to vector<16xi32>
        %parallel_loop3A_179 = arith.subi %parallel_loop3A_176, %parallel_loop3A_178 : vector<16xi32>
        %parallel_loop3A_180 = arith.constant 0 : i32
        %parallel_loop3A_181 = vector.broadcast %parallel_loop3A_180 : i32 to vector<16xi32>
        %parallel_loop3A_182 = arith.maxsi %parallel_loop3A_179, %parallel_loop3A_181 : vector<16xi32>
        %parallel_loop3A_183 = arith.constant 1279 : i32
        %parallel_loop3A_184 = vector.broadcast %parallel_loop3A_183 : i32 to vector<16xi32>
        %parallel_loop3A_185 = arith.minsi %parallel_loop3A_182, %parallel_loop3A_184 : vector<16xi32>
        %parallel_loop3A_186 = tpu.vector_load_idx %arg27[%parallel_loop3A_185] : memref<1280xf32, #tpu.memory_space<vmem>>[vector<16xi32>], vector<16xf32>,
        %parallel_loop3A_187 = arith.mulf %parallel_loop3A_186, %parallel_loop3A_186 : vector<16xf32>
        %parallel_loop3A_188 = arith.mulf %parallel_loop3A_187, %parallel_loop3A_187 : vector<16xf32>
        %parallel_loop3A_189 = arith.mulf %parallel_loop3A_160, %parallel_loop3A_186 : vector<16xf32>
        %parallel_loop3A_190 = arith.mulf %parallel_loop3A_189, %parallel_loop3A_187 : vector<16xf32>
        %parallel_loop3A_191 = arith.mulf %parallel_loop3A_190, %parallel_loop3A_188 : vector<16xf32>
        %parallel_loop3A_192 = arith.constant 1.14285719 : f32
        %parallel_loop3A_193 = vector.broadcast %parallel_loop3A_192 : f32 to vector<16xf32>
        %parallel_loop3A_194 = arith.mulf %parallel_loop3A_186, %parallel_loop3A_193 : vector<16xf32>
        %parallel_loop3A_195 = arith.mulf %parallel_loop3A_186, %parallel_loop3A_191 : vector<16xf32>
        %parallel_loop3A_196 = arith.constant 0.142857149 : f32
        %parallel_loop3A_197 = vector.broadcast %parallel_loop3A_196 : f32 to vector<16xf32>
        %parallel_loop3A_198 = arith.mulf %parallel_loop3A_195, %parallel_loop3A_197 : vector<16xf32>
        %parallel_loop3A_199 = arith.subf %parallel_loop3A_194, %parallel_loop3A_198 : vector<16xf32>
        %parallel_loop3A_200 = arith.mulf %parallel_loop3A_199, %parallel_loop3A_199 : vector<16xf32>
        %parallel_loop3A_201 = arith.mulf %parallel_loop3A_200, %parallel_loop3A_200 : vector<16xf32>
        %parallel_loop3A_202 = arith.mulf %parallel_loop3A_201, %parallel_loop3A_200 : vector<16xf32>
        %parallel_loop3A_203 = arith.mulf %parallel_loop3A_160, %parallel_loop3A_202 : vector<16xf32>
        %parallel_loop3A_204 = arith.constant 2.55279613 : f32
        %parallel_loop3A_205 = vector.broadcast %parallel_loop3A_204 : f32 to vector<16xf32>
        %parallel_loop3A_206 = arith.mulf %parallel_loop3A_205, %parallel_loop3A_203 : vector<16xf32>
        %parallel_loop3A_207 = arith.constant -7.88929988E-4 : f32
        %parallel_loop3A_208 = vector.broadcast %parallel_loop3A_207 : f32 to vector<16xf32>
        %parallel_loop3A_209 = arith.mulf %parallel_loop3A_208, %parallel_loop3A_206 : vector<16xf32>
        %parallel_loop3A_210 = arith.constant 0.0412527286 : f32
        %parallel_loop3A_211 = vector.broadcast %parallel_loop3A_210 : f32 to vector<16xf32>
        %parallel_loop3A_212 = arith.addf %parallel_loop3A_209, %parallel_loop3A_211 : vector<16xf32>
        %parallel_loop3A_213 = arith.mulf %parallel_loop3A_212, %parallel_loop3A_206 : vector<16xf32>
        %parallel_loop3A_214 = arith.constant 0.244288892 : f32
        %parallel_loop3A_215 = vector.broadcast %parallel_loop3A_214 : f32 to vector<16xf32>
        %parallel_loop3A_216 = arith.addf %parallel_loop3A_213, %parallel_loop3A_215 : vector<16xf32>
        %parallel_loop3A_217 = arith.mulf %parallel_loop3A_216, %parallel_loop3A_206 : vector<16xf32>
        %parallel_loop3A_218 = arith.constant -4.330080e-03 : f32
        %parallel_loop3A_219 = vector.broadcast %parallel_loop3A_218 : f32 to vector<16xf32>
        %parallel_loop3A_220 = arith.addf %parallel_loop3A_217, %parallel_loop3A_219 : vector<16xf32>
        %parallel_loop3A_221 = arith.mulf %parallel_loop3A_220, %parallel_loop3A_220 : vector<16xf32>
        %parallel_loop3A_222 = arith.constant 1.000000e+01 : f32
        %parallel_loop3A_223 = vector.broadcast %parallel_loop3A_222 : f32 to vector<16xf32>
        %parallel_loop3A_224 = arith.mulf %parallel_loop3A_223, %parallel_loop3A_221 : vector<16xf32>
        %parallel_loop3A_225 = arith.constant 1.225000e+02 : f32
        %parallel_loop3A_226 = vector.broadcast %parallel_loop3A_225 : f32 to vector<16xf32>
        %parallel_loop3A_227 = arith.mulf %parallel_loop3A_226, %parallel_loop3A_221 : vector<16xf32>
        %parallel_loop3A_228 = arith.mulf %parallel_loop3A_227, %parallel_loop3A_221 : vector<16xf32>
        %parallel_loop3A_229 = arith.constant 5.080000e+00 : f32
        %parallel_loop3A_230 = vector.broadcast %parallel_loop3A_229 : f32 to vector<16xf32>
        %parallel_loop3A_231 = arith.mulf %parallel_loop3A_230, %parallel_loop3A_203 : vector<16xf32>
        %parallel_loop3A_232 = arith.mulf %parallel_loop3A_231, %parallel_loop3A_231 : vector<16xf32>
        %parallel_loop3A_233 = arith.mulf %parallel_loop3A_232, %parallel_loop3A_232 : vector<16xf32>
        %parallel_loop3A_234 = arith.constant 1.88972616 : f32
        %parallel_loop3A_235 = vector.broadcast %parallel_loop3A_234 : f32 to vector<16xf32>
        %parallel_loop3A_236 = arith.mulf %parallel_loop3A_152, %parallel_loop3A_235 : vector<16xf32>
        %parallel_loop3A_237 = arith.mulf %parallel_loop3A_236, %parallel_loop3A_236 : vector<16xf32>
        %parallel_loop3A_238 = arith.mulf %parallel_loop3A_237, %parallel_loop3A_237 : vector<16xf32>
        %parallel_loop3A_239 = arith.mulf %parallel_loop3A_238, %parallel_loop3A_237 : vector<16xf32>
        %parallel_loop3A_240 = arith.mulf %parallel_loop3A_233, %parallel_loop3A_232 : vector<16xf32>
        %parallel_loop3A_241 = arith.addf %parallel_loop3A_239, %parallel_loop3A_240 : vector<16xf32>
        %parallel_loop3A_242 = arith.mulf %parallel_loop3A_238, %parallel_loop3A_238 : vector<16xf32>
        %parallel_loop3A_243 = arith.mulf %parallel_loop3A_233, %parallel_loop3A_233 : vector<16xf32>
        %parallel_loop3A_244 = arith.addf %parallel_loop3A_242, %parallel_loop3A_243 : vector<16xf32>
        %parallel_loop3A_245 = arith.mulf %parallel_loop3A_238, %parallel_loop3A_238 : vector<16xf32>
        %parallel_loop3A_246 = arith.mulf %parallel_loop3A_245, %parallel_loop3A_237 : vector<16xf32>
        %parallel_loop3A_247 = arith.mulf %parallel_loop3A_233, %parallel_loop3A_233 : vector<16xf32>
        %parallel_loop3A_248 = arith.mulf %parallel_loop3A_247, %parallel_loop3A_232 : vector<16xf32>
        %parallel_loop3A_249 = arith.addf %parallel_loop3A_246, %parallel_loop3A_248 : vector<16xf32>
        %parallel_loop3A_250 = arith.mulf %parallel_loop3A_244, %parallel_loop3A_249 : vector<16xf32>
        %parallel_loop3A_251 = arith.mulf %parallel_loop3A_241, %parallel_loop3A_249 : vector<16xf32>
        %parallel_loop3A_252 = arith.mulf %parallel_loop3A_224, %parallel_loop3A_251 : vector<16xf32>
        %parallel_loop3A_253 = arith.addf %parallel_loop3A_250, %parallel_loop3A_252 : vector<16xf32>
        %parallel_loop3A_254 = arith.mulf %parallel_loop3A_241, %parallel_loop3A_244 : vector<16xf32>
        %parallel_loop3A_255 = arith.mulf %parallel_loop3A_228, %parallel_loop3A_254 : vector<16xf32>
        %parallel_loop3A_256 = arith.addf %parallel_loop3A_253, %parallel_loop3A_255 : vector<16xf32>
        %parallel_loop3A_257 = arith.mulf %parallel_loop3A_241, %parallel_loop3A_250 : vector<16xf32>
        %parallel_loop3A_258 = arith.constant 8.000000e+00 : f32
        %parallel_loop3A_259 = vector.broadcast %parallel_loop3A_258 : f32 to vector<16xf32>
        %parallel_loop3A_260 = arith.subf %parallel_loop3A_152, %parallel_loop3A_259 : vector<16xf32>
        %parallel_loop3A_261 = arith.constant 5.000000e-01 : f32
        %parallel_loop3A_262 = vector.broadcast %parallel_loop3A_261 : f32 to vector<16xf32>
        %parallel_loop3A_263 = arith.mulf %parallel_loop3A_260, %parallel_loop3A_262 : vector<16xf32>
        %parallel_loop3A_264 = arith.constant 1.000000e+00 : f32
        %parallel_loop3A_265 = vector.broadcast %parallel_loop3A_264 : f32 to vector<16xf32>
        %parallel_loop3A_266 = arith.subf %parallel_loop3A_265, %parallel_loop3A_263 : vector<16xf32>
        %parallel_loop3A_267 = arith.constant 0.000000e+00 : f32
        %parallel_loop3A_268 = vector.broadcast %parallel_loop3A_267 : f32 to vector<16xf32>
        %parallel_loop3A_269 = arith.cmpf ogt, %parallel_loop3A_266, %parallel_loop3A_268 : vector<16xf32>
        %parallel_loop3A_270 = arith.constant 0.000000e+00 : f32
        %parallel_loop3A_271 = vector.broadcast %parallel_loop3A_270 : f32 to vector<16xf32>
        %parallel_loop3A_272 = arith.cmpf ogt, %parallel_loop3A_263, %parallel_loop3A_271 : vector<16xf32>
        %parallel_loop3A_273 = arith.constant 1.000000e+00 : f32
        %parallel_loop3A_274 = vector.broadcast %parallel_loop3A_273 : f32 to vector<16xf32>
        %parallel_loop3A_275 = arith.select %parallel_loop3A_269, %parallel_loop3A_266, %parallel_loop3A_274 : vector<16xi1>, vector<16xf32>
        %parallel_loop3A_276 = arith.constant 1.000000e+00 : f32
        %parallel_loop3A_277 = vector.broadcast %parallel_loop3A_276 : f32 to vector<16xf32>
        %parallel_loop3A_278 = arith.select %parallel_loop3A_272, %parallel_loop3A_263, %parallel_loop3A_277 : vector<16xi1>, vector<16xf32>
        %parallel_loop3A_279 = arith.mulf %parallel_loop3A_275, %parallel_loop3A_278 : vector<16xf32>
        %parallel_loop3A_280 = arith.constant 1.000000e+00 : f32
        %parallel_loop3A_281 = vector.broadcast %parallel_loop3A_280 : f32 to vector<16xf32>
        %parallel_loop3A_282 = arith.divf %parallel_loop3A_281, %parallel_loop3A_279 : vector<16xf32>
        %parallel_loop3A_283 = arith.constant 0.000000e+00 : f32
        %parallel_loop3A_284 = vector.broadcast %parallel_loop3A_283 : f32 to vector<16xf32>
        %parallel_loop3A_285 = arith.subf %parallel_loop3A_284, %parallel_loop3A_278 : vector<16xf32>
        %parallel_loop3A_286 = arith.mulf %parallel_loop3A_285, %parallel_loop3A_282 : vector<16xf32>
        %parallel_loop3A_287 = math.exp %parallel_loop3A_286 : vector<16xf32>
        %parallel_loop3A_288 = arith.constant 0.000000e+00 : f32
        %parallel_loop3A_289 = vector.broadcast %parallel_loop3A_288 : f32 to vector<16xf32>
        %parallel_loop3A_290 = arith.select %parallel_loop3A_269, %parallel_loop3A_287, %parallel_loop3A_289 : vector<16xi1>, vector<16xf32>
        %parallel_loop3A_291 = arith.constant 0.000000e+00 : f32
        %parallel_loop3A_292 = vector.broadcast %parallel_loop3A_291 : f32 to vector<16xf32>
        %parallel_loop3A_293 = arith.subf %parallel_loop3A_292, %parallel_loop3A_275 : vector<16xf32>
        %parallel_loop3A_294 = arith.mulf %parallel_loop3A_293, %parallel_loop3A_282 : vector<16xf32>
        %parallel_loop3A_295 = math.exp %parallel_loop3A_294 : vector<16xf32>
        %parallel_loop3A_296 = arith.constant 0.000000e+00 : f32
        %parallel_loop3A_297 = vector.broadcast %parallel_loop3A_296 : f32 to vector<16xf32>
        %parallel_loop3A_298 = arith.select %parallel_loop3A_272, %parallel_loop3A_295, %parallel_loop3A_297 : vector<16xi1>, vector<16xf32>
        %parallel_loop3A_299 = arith.mulf %parallel_loop3A_172, %parallel_loop3A_290 : vector<16xf32>
        %parallel_loop3A_300 = arith.mulf %parallel_loop3A_299, %parallel_loop3A_256 : vector<16xf32>
        %parallel_loop3A_301 = arith.addf %parallel_loop3A_290, %parallel_loop3A_298 : vector<16xf32>
        %parallel_loop3A_302 = arith.mulf %parallel_loop3A_257, %parallel_loop3A_301 : vector<16xf32>
        %parallel_loop3A_303 = arith.divf %parallel_loop3A_300, %parallel_loop3A_302 : vector<16xf32>
        %parallel_loop3A_304 = arith.constant -13.6056929 : f32
        %parallel_loop3A_305 = vector.broadcast %parallel_loop3A_304 : f32 to vector<16xf32>
        %parallel_loop3A_306 = arith.mulf %parallel_loop3A_303, %parallel_loop3A_305 : vector<16xf32>
        %parallel_loop3A_307 = arith.constant 0.000000e+00 : f32
        %parallel_loop3A_308 = vector.broadcast %parallel_loop3A_307 : f32 to vector<16xf32>
        %parallel_loop3A_309 = arith.cmpf ogt, %parallel_loop3A_152, %parallel_loop3A_308 : vector<16xf32>
        %parallel_loop3A_310 = arith.constant 0.000000e+00 : f32
        %parallel_loop3A_311 = vector.broadcast %parallel_loop3A_310 : f32 to vector<16xf32>
        %parallel_loop3A_312 = arith.select %parallel_loop3A_309, %parallel_loop3A_306, %parallel_loop3A_311 : vector<16xi1>, vector<16xf32>
        %parallel_loop3A_313 = arith.index_cast %parallel_loop3A_146 : i32 to index
        %parallel_loop3A_314 = tpu.vector_load %arg25[%parallel_loop3A_313] {strides = array<i32>} : memref<1024xf32, #tpu.memory_space<vmem>>, vector<16xf32>,
        tpu.vector_store %arg25[%parallel_loop3A_313], %parallel_loop3A_312 {strides = array<i32>} : memref<1024xf32, #tpu.memory_space<vmem>>, vector<16xf32>,
      } {sc.loop_unroll_factor = 4 : i64, sc.parallel_access}
      "tpu.region"() ({
        %run_scoped3A = tpu.sem_alloc : memref<!tpu.dma_semaphore, #tpu.memory_space<semaphore_mem>>
        %dma_start3A_144 = arith.constant 0 : i32
        %dma_start3A_145 = tpu.memref_slice %arg30[%dma_start3A_144] : memref<50176xf32, #tpu.memory_space<vmem_shared>> -> memref<50176xf32, #tpu.memory_space<vmem_shared>>
        tpu.enqueue_indirect_dma source(%arg25 : memref<1024xf32, #tpu.memory_space<vmem>>) target(%dma_start3A_145 : memref<50176xf32, #tpu.memory_space<vmem_shared>>) offsets(%arg16 : memref<1024xi32, #tpu.memory_space<vmem>>) semaphore(%run_scoped3A : memref<!tpu.dma_semaphore, #tpu.memory_space<semaphore_mem>>) {add = true}
        %dma_wait3A_146 = arith.constant 0 : i32
        %dma_wait3A_147 = tpu.memref_slice %arg30[%dma_wait3A_146] : memref<50176xf32, #tpu.memory_space<vmem_shared>> -> memref<50176xf32, #tpu.memory_space<vmem_shared>>
        tpu.wait_indirect_dma semaphore(%run_scoped3A : memref<!tpu.dma_semaphore, #tpu.memory_space<semaphore_mem>>) src(%arg25 : memref<1024xf32, #tpu.memory_space<vmem>>) dst(%dma_wait3A_147 : memref<50176xf32, #tpu.memory_space<vmem_shared>>)
        tpu.yield
      }) : () -> ()
      %mul3A_112 = arith.constant 3 : i32
      %mul3A_113 = arith.muli %scan3A_50, %mul3A_112 : i32
      %add3A_114 = arith.constant 2 : i32
      %add3A_115 = arith.addi %mul3A_113, %add3A_114 : i32
      %add3A_116 = arith.constant 1 : i32
      %add3A_117 = arith.addi %add3A_115, %add3A_116 : i32
      %lt3A_118 = arith.constant 49 : i32
      %lt3A_119 = arith.cmpi slt, %add3A_117, %lt3A_118 : i32
      %convert_element_type3A_120 = arith.extui %lt3A_119 : i1 to i32
      %cond3A_121 = arith.constant 0 : i32
      %cond3A_122 = arith.cmpi ne, %convert_element_type3A_120, %cond3A_121 : i32
      scf.if %cond3A_122 {
        %mul3A_144 = arith.constant 1024 : i32
        %mul3A_145 = arith.muli %add3A_117, %mul3A_144 : i32
        %add3A_146 = arith.addi %mul3A_8, %mul3A_145 : i32
        %dma_start3A_147 = arith.constant 0 : i32
        %dma_start3A_148 = tpu.memref_slice %arg4[%add3A_146] : memref<1605632xi32, #tpu.memory_space<hbm>> -> memref<1024xi32, #tpu.memory_space<hbm>>
        %dma_start3A_149 = tpu.memref_slice %arg29[%dma_start3A_147] : memref<3x!tpu.dma_semaphore, #tpu.memory_space<semaphore_mem>> -> memref<1x!tpu.dma_semaphore, #tpu.memory_space<semaphore_mem>>
        %dma_start3A_150 = tpu.memref_squeeze %dma_start3A_149 : memref<1x!tpu.dma_semaphore, #tpu.memory_space<semaphore_mem>> -> memref<!tpu.dma_semaphore, #tpu.memory_space<semaphore_mem>>
        %dma_start3A_151 = tpu.memref_slice %arg4[%add3A_146] : memref<1605632xi32, #tpu.memory_space<hbm>> -> memref<1024xi32, #tpu.memory_space<hbm>>
        tpu.enqueue_dma source(%dma_start3A_151 : memref<1024xi32, #tpu.memory_space<hbm>>) target(%arg15 : memref<1024xi32, #tpu.memory_space<vmem>>) target_semaphore(%dma_start3A_150 : memref<!tpu.dma_semaphore, #tpu.memory_space<semaphore_mem>>)
        %dma_start3A_152 = arith.constant 0 : i32
        %dma_start3A_153 = tpu.memref_slice %arg5[%add3A_146] : memref<1605632xi32, #tpu.memory_space<hbm>> -> memref<1024xi32, #tpu.memory_space<hbm>>
        %dma_start3A_154 = tpu.memref_slice %arg29[%dma_start3A_152] : memref<3x!tpu.dma_semaphore, #tpu.memory_space<semaphore_mem>> -> memref<1x!tpu.dma_semaphore, #tpu.memory_space<semaphore_mem>>
        %dma_start3A_155 = tpu.memref_squeeze %dma_start3A_154 : memref<1x!tpu.dma_semaphore, #tpu.memory_space<semaphore_mem>> -> memref<!tpu.dma_semaphore, #tpu.memory_space<semaphore_mem>>
        %dma_start3A_156 = tpu.memref_slice %arg5[%add3A_146] : memref<1605632xi32, #tpu.memory_space<hbm>> -> memref<1024xi32, #tpu.memory_space<hbm>>
        tpu.enqueue_dma source(%dma_start3A_156 : memref<1024xi32, #tpu.memory_space<hbm>>) target(%arg18 : memref<1024xi32, #tpu.memory_space<vmem>>) target_semaphore(%dma_start3A_155 : memref<!tpu.dma_semaphore, #tpu.memory_space<semaphore_mem>>)
        %dma_start3A_157 = arith.constant 0 : i32
        %dma_start3A_158 = tpu.memref_slice %arg6[%add3A_146] : memref<1605632xf32, #tpu.memory_space<hbm>> -> memref<1024xf32, #tpu.memory_space<hbm>>
        %dma_start3A_159 = tpu.memref_slice %arg29[%dma_start3A_157] : memref<3x!tpu.dma_semaphore, #tpu.memory_space<semaphore_mem>> -> memref<1x!tpu.dma_semaphore, #tpu.memory_space<semaphore_mem>>
        %dma_start3A_160 = tpu.memref_squeeze %dma_start3A_159 : memref<1x!tpu.dma_semaphore, #tpu.memory_space<semaphore_mem>> -> memref<!tpu.dma_semaphore, #tpu.memory_space<semaphore_mem>>
        %dma_start3A_161 = tpu.memref_slice %arg6[%add3A_146] : memref<1605632xf32, #tpu.memory_space<hbm>> -> memref<1024xf32, #tpu.memory_space<hbm>>
        tpu.enqueue_dma source(%dma_start3A_161 : memref<1024xf32, #tpu.memory_space<hbm>>) target(%arg21 : memref<1024xf32, #tpu.memory_space<vmem>>) target_semaphore(%dma_start3A_160 : memref<!tpu.dma_semaphore, #tpu.memory_space<semaphore_mem>>)
      } else {
      }
      %mul3A_123 = arith.constant 1024 : i32
      %mul3A_124 = arith.muli %add3A_115, %mul3A_123 : i32
      %add3A_125 = arith.addi %mul3A_8, %mul3A_124 : i32
      %dma_wait3A_126 = arith.constant 2 : i32
      %dma_wait3A_127 = tpu.memref_slice %arg4[%add3A_125] : memref<1605632xi32, #tpu.memory_space<hbm>> -> memref<1024xi32, #tpu.memory_space<hbm>>
      %dma_wait3A_128 = tpu.memref_slice %arg29[%dma_wait3A_126] : memref<3x!tpu.dma_semaphore, #tpu.memory_space<semaphore_mem>> -> memref<1x!tpu.dma_semaphore, #tpu.memory_space<semaphore_mem>>
      %dma_wait3A_129 = tpu.memref_squeeze %dma_wait3A_128 : memref<1x!tpu.dma_semaphore, #tpu.memory_space<semaphore_mem>> -> memref<!tpu.dma_semaphore, #tpu.memory_space<semaphore_mem>>
      %dma_wait3A_130 = tpu.memref_slice %arg4[%add3A_125] : memref<1605632xi32, #tpu.memory_space<hbm>> -> memref<1024xi32, #tpu.memory_space<hbm>>
      tpu.wait_dma2 semaphore(%dma_wait3A_129 : memref<!tpu.dma_semaphore, #tpu.memory_space<semaphore_mem>>) src(%dma_wait3A_130 : memref<1024xi32, #tpu.memory_space<hbm>>) dst(%arg17 : memref<1024xi32, #tpu.memory_space<vmem>>)
      %dma_wait3A_131 = arith.constant 2 : i32
      %dma_wait3A_132 = tpu.memref_slice %arg5[%add3A_125] : memref<1605632xi32, #tpu.memory_space<hbm>> -> memref<1024xi32, #tpu.memory_space<hbm>>
      %dma_wait3A_133 = tpu.memref_slice %arg29[%dma_wait3A_131] : memref<3x!tpu.dma_semaphore, #tpu.memory_space<semaphore_mem>> -> memref<1x!tpu.dma_semaphore, #tpu.memory_space<semaphore_mem>>
      %dma_wait3A_134 = tpu.memref_squeeze %dma_wait3A_133 : memref<1x!tpu.dma_semaphore, #tpu.memory_space<semaphore_mem>> -> memref<!tpu.dma_semaphore, #tpu.memory_space<semaphore_mem>>
      %dma_wait3A_135 = tpu.memref_slice %arg5[%add3A_125] : memref<1605632xi32, #tpu.memory_space<hbm>> -> memref<1024xi32, #tpu.memory_space<hbm>>
      tpu.wait_dma2 semaphore(%dma_wait3A_134 : memref<!tpu.dma_semaphore, #tpu.memory_space<semaphore_mem>>) src(%dma_wait3A_135 : memref<1024xi32, #tpu.memory_space<hbm>>) dst(%arg20 : memref<1024xi32, #tpu.memory_space<vmem>>)
      %dma_wait3A_136 = arith.constant 2 : i32
      %dma_wait3A_137 = tpu.memref_slice %arg6[%add3A_125] : memref<1605632xf32, #tpu.memory_space<hbm>> -> memref<1024xf32, #tpu.memory_space<hbm>>
      %dma_wait3A_138 = tpu.memref_slice %arg29[%dma_wait3A_136] : memref<3x!tpu.dma_semaphore, #tpu.memory_space<semaphore_mem>> -> memref<1x!tpu.dma_semaphore, #tpu.memory_space<semaphore_mem>>
      %dma_wait3A_139 = tpu.memref_squeeze %dma_wait3A_138 : memref<1x!tpu.dma_semaphore, #tpu.memory_space<semaphore_mem>> -> memref<!tpu.dma_semaphore, #tpu.memory_space<semaphore_mem>>
      %dma_wait3A_140 = tpu.memref_slice %arg6[%add3A_125] : memref<1605632xf32, #tpu.memory_space<hbm>> -> memref<1024xf32, #tpu.memory_space<hbm>>
      tpu.wait_dma2 semaphore(%dma_wait3A_139 : memref<!tpu.dma_semaphore, #tpu.memory_space<semaphore_mem>>) src(%dma_wait3A_140 : memref<1024xf32, #tpu.memory_space<hbm>>) dst(%arg23 : memref<1024xf32, #tpu.memory_space<vmem>>)
      %parallel_loop3A_141 = arith.constant 0 : i32
      %parallel_loop3A_142 = arith.constant 64 : i32
      %parallel_loop3A_143 = arith.constant 1 : i32
      scf.for %parallel_loop3A_144 = %parallel_loop3A_141 to %parallel_loop3A_142 step %parallel_loop3A_143  : i32 {
        %parallel_loop3A_145 = arith.constant 16 : i32
        %parallel_loop3A_146 = arith.muli %parallel_loop3A_144, %parallel_loop3A_145 : i32
        %parallel_loop3A_147 = arith.index_cast %parallel_loop3A_146 : i32 to index
        %parallel_loop3A_148 = tpu.vector_load %arg17[%parallel_loop3A_147] {strides = array<i32>} : memref<1024xi32, #tpu.memory_space<vmem>>, vector<16xi32>,
        %parallel_loop3A_149 = arith.index_cast %parallel_loop3A_146 : i32 to index
        %parallel_loop3A_150 = tpu.vector_load %arg20[%parallel_loop3A_149] {strides = array<i32>} : memref<1024xi32, #tpu.memory_space<vmem>>, vector<16xi32>,
        %parallel_loop3A_151 = arith.index_cast %parallel_loop3A_146 : i32 to index
        %parallel_loop3A_152 = tpu.vector_load %arg23[%parallel_loop3A_151] {strides = array<i32>} : memref<1024xf32, #tpu.memory_space<vmem>>, vector<16xf32>,
        %parallel_loop3A_153 = tpu.vector_load_idx %arg13[%parallel_loop3A_148] : memref<50176xf32, #tpu.memory_space<vmem>>[vector<16xi32>], vector<16xf32>,
        %parallel_loop3A_154 = tpu.vector_load_idx %arg13[%parallel_loop3A_150] : memref<50176xf32, #tpu.memory_space<vmem>>[vector<16xi32>], vector<16xf32>,
        %parallel_loop3A_155 = tpu.vector_load_idx %arg14[%parallel_loop3A_148] : memref<50176xf32, #tpu.memory_space<vmem>>[vector<16xi32>], vector<16xf32>,
        %parallel_loop3A_156 = tpu.vector_load_idx %arg14[%parallel_loop3A_150] : memref<50176xf32, #tpu.memory_space<vmem>>[vector<16xi32>], vector<16xf32>,
        %parallel_loop3A_157 = arith.addf %parallel_loop3A_153, %parallel_loop3A_154 : vector<16xf32>
        %parallel_loop3A_158 = arith.constant 5.000000e-01 : f32
        %parallel_loop3A_159 = vector.broadcast %parallel_loop3A_158 : f32 to vector<16xf32>
        %parallel_loop3A_160 = arith.mulf %parallel_loop3A_157, %parallel_loop3A_159 : vector<16xf32>
        %parallel_loop3A_161 = arith.constant 2.000000e+00 : f32
        %parallel_loop3A_162 = vector.broadcast %parallel_loop3A_161 : f32 to vector<16xf32>
        %parallel_loop3A_163 = arith.mulf %parallel_loop3A_162, %parallel_loop3A_155 : vector<16xf32>
        %parallel_loop3A_164 = arith.mulf %parallel_loop3A_163, %parallel_loop3A_156 : vector<16xf32>
        %parallel_loop3A_165 = arith.mulf %parallel_loop3A_164, %parallel_loop3A_153 : vector<16xf32>
        %parallel_loop3A_166 = arith.mulf %parallel_loop3A_165, %parallel_loop3A_154 : vector<16xf32>
        %parallel_loop3A_167 = arith.mulf %parallel_loop3A_153, %parallel_loop3A_153 : vector<16xf32>
        %parallel_loop3A_168 = arith.mulf %parallel_loop3A_167, %parallel_loop3A_156 : vector<16xf32>
        %parallel_loop3A_169 = arith.mulf %parallel_loop3A_154, %parallel_loop3A_154 : vector<16xf32>
        %parallel_loop3A_170 = arith.mulf %parallel_loop3A_169, %parallel_loop3A_155 : vector<16xf32>
        %parallel_loop3A_171 = arith.addf %parallel_loop3A_168, %parallel_loop3A_170 : vector<16xf32>
        %parallel_loop3A_172 = arith.divf %parallel_loop3A_166, %parallel_loop3A_171 : vector<16xf32>
        %parallel_loop3A_173 = tpu.bitcast %parallel_loop3A_160 : vector<16xf32> -> vector<16xi32>
        %parallel_loop3A_174 = arith.constant 16 : i32
        %parallel_loop3A_175 = vector.broadcast %parallel_loop3A_174 : i32 to vector<16xi32>
        %parallel_loop3A_176 = arith.shrui %parallel_loop3A_173, %parallel_loop3A_175 : vector<16xi32>
        %parallel_loop3A_177 = arith.constant 16256 : i32
        %parallel_loop3A_178 = vector.broadcast %parallel_loop3A_177 : i32 to vector<16xi32>
        %parallel_loop3A_179 = arith.subi %parallel_loop3A_176, %parallel_loop3A_178 : vector<16xi32>
        %parallel_loop3A_180 = arith.constant 0 : i32
        %parallel_loop3A_181 = vector.broadcast %parallel_loop3A_180 : i32 to vector<16xi32>
        %parallel_loop3A_182 = arith.maxsi %parallel_loop3A_179, %parallel_loop3A_181 : vector<16xi32>
        %parallel_loop3A_183 = arith.constant 1279 : i32
        %parallel_loop3A_184 = vector.broadcast %parallel_loop3A_183 : i32 to vector<16xi32>
        %parallel_loop3A_185 = arith.minsi %parallel_loop3A_182, %parallel_loop3A_184 : vector<16xi32>
        %parallel_loop3A_186 = tpu.vector_load_idx %arg27[%parallel_loop3A_185] : memref<1280xf32, #tpu.memory_space<vmem>>[vector<16xi32>], vector<16xf32>,
        %parallel_loop3A_187 = arith.mulf %parallel_loop3A_186, %parallel_loop3A_186 : vector<16xf32>
        %parallel_loop3A_188 = arith.mulf %parallel_loop3A_187, %parallel_loop3A_187 : vector<16xf32>
        %parallel_loop3A_189 = arith.mulf %parallel_loop3A_160, %parallel_loop3A_186 : vector<16xf32>
        %parallel_loop3A_190 = arith.mulf %parallel_loop3A_189, %parallel_loop3A_187 : vector<16xf32>
        %parallel_loop3A_191 = arith.mulf %parallel_loop3A_190, %parallel_loop3A_188 : vector<16xf32>
        %parallel_loop3A_192 = arith.constant 1.14285719 : f32
        %parallel_loop3A_193 = vector.broadcast %parallel_loop3A_192 : f32 to vector<16xf32>
        %parallel_loop3A_194 = arith.mulf %parallel_loop3A_186, %parallel_loop3A_193 : vector<16xf32>
        %parallel_loop3A_195 = arith.mulf %parallel_loop3A_186, %parallel_loop3A_191 : vector<16xf32>
        %parallel_loop3A_196 = arith.constant 0.142857149 : f32
        %parallel_loop3A_197 = vector.broadcast %parallel_loop3A_196 : f32 to vector<16xf32>
        %parallel_loop3A_198 = arith.mulf %parallel_loop3A_195, %parallel_loop3A_197 : vector<16xf32>
        %parallel_loop3A_199 = arith.subf %parallel_loop3A_194, %parallel_loop3A_198 : vector<16xf32>
        %parallel_loop3A_200 = arith.mulf %parallel_loop3A_199, %parallel_loop3A_199 : vector<16xf32>
        %parallel_loop3A_201 = arith.mulf %parallel_loop3A_200, %parallel_loop3A_200 : vector<16xf32>
        %parallel_loop3A_202 = arith.mulf %parallel_loop3A_201, %parallel_loop3A_200 : vector<16xf32>
        %parallel_loop3A_203 = arith.mulf %parallel_loop3A_160, %parallel_loop3A_202 : vector<16xf32>
        %parallel_loop3A_204 = arith.constant 2.55279613 : f32
        %parallel_loop3A_205 = vector.broadcast %parallel_loop3A_204 : f32 to vector<16xf32>
        %parallel_loop3A_206 = arith.mulf %parallel_loop3A_205, %parallel_loop3A_203 : vector<16xf32>
        %parallel_loop3A_207 = arith.constant -7.88929988E-4 : f32
        %parallel_loop3A_208 = vector.broadcast %parallel_loop3A_207 : f32 to vector<16xf32>
        %parallel_loop3A_209 = arith.mulf %parallel_loop3A_208, %parallel_loop3A_206 : vector<16xf32>
        %parallel_loop3A_210 = arith.constant 0.0412527286 : f32
        %parallel_loop3A_211 = vector.broadcast %parallel_loop3A_210 : f32 to vector<16xf32>
        %parallel_loop3A_212 = arith.addf %parallel_loop3A_209, %parallel_loop3A_211 : vector<16xf32>
        %parallel_loop3A_213 = arith.mulf %parallel_loop3A_212, %parallel_loop3A_206 : vector<16xf32>
        %parallel_loop3A_214 = arith.constant 0.244288892 : f32
        %parallel_loop3A_215 = vector.broadcast %parallel_loop3A_214 : f32 to vector<16xf32>
        %parallel_loop3A_216 = arith.addf %parallel_loop3A_213, %parallel_loop3A_215 : vector<16xf32>
        %parallel_loop3A_217 = arith.mulf %parallel_loop3A_216, %parallel_loop3A_206 : vector<16xf32>
        %parallel_loop3A_218 = arith.constant -4.330080e-03 : f32
        %parallel_loop3A_219 = vector.broadcast %parallel_loop3A_218 : f32 to vector<16xf32>
        %parallel_loop3A_220 = arith.addf %parallel_loop3A_217, %parallel_loop3A_219 : vector<16xf32>
        %parallel_loop3A_221 = arith.mulf %parallel_loop3A_220, %parallel_loop3A_220 : vector<16xf32>
        %parallel_loop3A_222 = arith.constant 1.000000e+01 : f32
        %parallel_loop3A_223 = vector.broadcast %parallel_loop3A_222 : f32 to vector<16xf32>
        %parallel_loop3A_224 = arith.mulf %parallel_loop3A_223, %parallel_loop3A_221 : vector<16xf32>
        %parallel_loop3A_225 = arith.constant 1.225000e+02 : f32
        %parallel_loop3A_226 = vector.broadcast %parallel_loop3A_225 : f32 to vector<16xf32>
        %parallel_loop3A_227 = arith.mulf %parallel_loop3A_226, %parallel_loop3A_221 : vector<16xf32>
        %parallel_loop3A_228 = arith.mulf %parallel_loop3A_227, %parallel_loop3A_221 : vector<16xf32>
        %parallel_loop3A_229 = arith.constant 5.080000e+00 : f32
        %parallel_loop3A_230 = vector.broadcast %parallel_loop3A_229 : f32 to vector<16xf32>
        %parallel_loop3A_231 = arith.mulf %parallel_loop3A_230, %parallel_loop3A_203 : vector<16xf32>
        %parallel_loop3A_232 = arith.mulf %parallel_loop3A_231, %parallel_loop3A_231 : vector<16xf32>
        %parallel_loop3A_233 = arith.mulf %parallel_loop3A_232, %parallel_loop3A_232 : vector<16xf32>
        %parallel_loop3A_234 = arith.constant 1.88972616 : f32
        %parallel_loop3A_235 = vector.broadcast %parallel_loop3A_234 : f32 to vector<16xf32>
        %parallel_loop3A_236 = arith.mulf %parallel_loop3A_152, %parallel_loop3A_235 : vector<16xf32>
        %parallel_loop3A_237 = arith.mulf %parallel_loop3A_236, %parallel_loop3A_236 : vector<16xf32>
        %parallel_loop3A_238 = arith.mulf %parallel_loop3A_237, %parallel_loop3A_237 : vector<16xf32>
        %parallel_loop3A_239 = arith.mulf %parallel_loop3A_238, %parallel_loop3A_237 : vector<16xf32>
        %parallel_loop3A_240 = arith.mulf %parallel_loop3A_233, %parallel_loop3A_232 : vector<16xf32>
        %parallel_loop3A_241 = arith.addf %parallel_loop3A_239, %parallel_loop3A_240 : vector<16xf32>
        %parallel_loop3A_242 = arith.mulf %parallel_loop3A_238, %parallel_loop3A_238 : vector<16xf32>
        %parallel_loop3A_243 = arith.mulf %parallel_loop3A_233, %parallel_loop3A_233 : vector<16xf32>
        %parallel_loop3A_244 = arith.addf %parallel_loop3A_242, %parallel_loop3A_243 : vector<16xf32>
        %parallel_loop3A_245 = arith.mulf %parallel_loop3A_238, %parallel_loop3A_238 : vector<16xf32>
        %parallel_loop3A_246 = arith.mulf %parallel_loop3A_245, %parallel_loop3A_237 : vector<16xf32>
        %parallel_loop3A_247 = arith.mulf %parallel_loop3A_233, %parallel_loop3A_233 : vector<16xf32>
        %parallel_loop3A_248 = arith.mulf %parallel_loop3A_247, %parallel_loop3A_232 : vector<16xf32>
        %parallel_loop3A_249 = arith.addf %parallel_loop3A_246, %parallel_loop3A_248 : vector<16xf32>
        %parallel_loop3A_250 = arith.mulf %parallel_loop3A_244, %parallel_loop3A_249 : vector<16xf32>
        %parallel_loop3A_251 = arith.mulf %parallel_loop3A_241, %parallel_loop3A_249 : vector<16xf32>
        %parallel_loop3A_252 = arith.mulf %parallel_loop3A_224, %parallel_loop3A_251 : vector<16xf32>
        %parallel_loop3A_253 = arith.addf %parallel_loop3A_250, %parallel_loop3A_252 : vector<16xf32>
        %parallel_loop3A_254 = arith.mulf %parallel_loop3A_241, %parallel_loop3A_244 : vector<16xf32>
        %parallel_loop3A_255 = arith.mulf %parallel_loop3A_228, %parallel_loop3A_254 : vector<16xf32>
        %parallel_loop3A_256 = arith.addf %parallel_loop3A_253, %parallel_loop3A_255 : vector<16xf32>
        %parallel_loop3A_257 = arith.mulf %parallel_loop3A_241, %parallel_loop3A_250 : vector<16xf32>
        %parallel_loop3A_258 = arith.constant 8.000000e+00 : f32
        %parallel_loop3A_259 = vector.broadcast %parallel_loop3A_258 : f32 to vector<16xf32>
        %parallel_loop3A_260 = arith.subf %parallel_loop3A_152, %parallel_loop3A_259 : vector<16xf32>
        %parallel_loop3A_261 = arith.constant 5.000000e-01 : f32
        %parallel_loop3A_262 = vector.broadcast %parallel_loop3A_261 : f32 to vector<16xf32>
        %parallel_loop3A_263 = arith.mulf %parallel_loop3A_260, %parallel_loop3A_262 : vector<16xf32>
        %parallel_loop3A_264 = arith.constant 1.000000e+00 : f32
        %parallel_loop3A_265 = vector.broadcast %parallel_loop3A_264 : f32 to vector<16xf32>
        %parallel_loop3A_266 = arith.subf %parallel_loop3A_265, %parallel_loop3A_263 : vector<16xf32>
        %parallel_loop3A_267 = arith.constant 0.000000e+00 : f32
        %parallel_loop3A_268 = vector.broadcast %parallel_loop3A_267 : f32 to vector<16xf32>
        %parallel_loop3A_269 = arith.cmpf ogt, %parallel_loop3A_266, %parallel_loop3A_268 : vector<16xf32>
        %parallel_loop3A_270 = arith.constant 0.000000e+00 : f32
        %parallel_loop3A_271 = vector.broadcast %parallel_loop3A_270 : f32 to vector<16xf32>
        %parallel_loop3A_272 = arith.cmpf ogt, %parallel_loop3A_263, %parallel_loop3A_271 : vector<16xf32>
        %parallel_loop3A_273 = arith.constant 1.000000e+00 : f32
        %parallel_loop3A_274 = vector.broadcast %parallel_loop3A_273 : f32 to vector<16xf32>
        %parallel_loop3A_275 = arith.select %parallel_loop3A_269, %parallel_loop3A_266, %parallel_loop3A_274 : vector<16xi1>, vector<16xf32>
        %parallel_loop3A_276 = arith.constant 1.000000e+00 : f32
        %parallel_loop3A_277 = vector.broadcast %parallel_loop3A_276 : f32 to vector<16xf32>
        %parallel_loop3A_278 = arith.select %parallel_loop3A_272, %parallel_loop3A_263, %parallel_loop3A_277 : vector<16xi1>, vector<16xf32>
        %parallel_loop3A_279 = arith.mulf %parallel_loop3A_275, %parallel_loop3A_278 : vector<16xf32>
        %parallel_loop3A_280 = arith.constant 1.000000e+00 : f32
        %parallel_loop3A_281 = vector.broadcast %parallel_loop3A_280 : f32 to vector<16xf32>
        %parallel_loop3A_282 = arith.divf %parallel_loop3A_281, %parallel_loop3A_279 : vector<16xf32>
        %parallel_loop3A_283 = arith.constant 0.000000e+00 : f32
        %parallel_loop3A_284 = vector.broadcast %parallel_loop3A_283 : f32 to vector<16xf32>
        %parallel_loop3A_285 = arith.subf %parallel_loop3A_284, %parallel_loop3A_278 : vector<16xf32>
        %parallel_loop3A_286 = arith.mulf %parallel_loop3A_285, %parallel_loop3A_282 : vector<16xf32>
        %parallel_loop3A_287 = math.exp %parallel_loop3A_286 : vector<16xf32>
        %parallel_loop3A_288 = arith.constant 0.000000e+00 : f32
        %parallel_loop3A_289 = vector.broadcast %parallel_loop3A_288 : f32 to vector<16xf32>
        %parallel_loop3A_290 = arith.select %parallel_loop3A_269, %parallel_loop3A_287, %parallel_loop3A_289 : vector<16xi1>, vector<16xf32>
        %parallel_loop3A_291 = arith.constant 0.000000e+00 : f32
        %parallel_loop3A_292 = vector.broadcast %parallel_loop3A_291 : f32 to vector<16xf32>
        %parallel_loop3A_293 = arith.subf %parallel_loop3A_292, %parallel_loop3A_275 : vector<16xf32>
        %parallel_loop3A_294 = arith.mulf %parallel_loop3A_293, %parallel_loop3A_282 : vector<16xf32>
        %parallel_loop3A_295 = math.exp %parallel_loop3A_294 : vector<16xf32>
        %parallel_loop3A_296 = arith.constant 0.000000e+00 : f32
        %parallel_loop3A_297 = vector.broadcast %parallel_loop3A_296 : f32 to vector<16xf32>
        %parallel_loop3A_298 = arith.select %parallel_loop3A_272, %parallel_loop3A_295, %parallel_loop3A_297 : vector<16xi1>, vector<16xf32>
        %parallel_loop3A_299 = arith.mulf %parallel_loop3A_172, %parallel_loop3A_290 : vector<16xf32>
        %parallel_loop3A_300 = arith.mulf %parallel_loop3A_299, %parallel_loop3A_256 : vector<16xf32>
        %parallel_loop3A_301 = arith.addf %parallel_loop3A_290, %parallel_loop3A_298 : vector<16xf32>
        %parallel_loop3A_302 = arith.mulf %parallel_loop3A_257, %parallel_loop3A_301 : vector<16xf32>
        %parallel_loop3A_303 = arith.divf %parallel_loop3A_300, %parallel_loop3A_302 : vector<16xf32>
        %parallel_loop3A_304 = arith.constant -13.6056929 : f32
        %parallel_loop3A_305 = vector.broadcast %parallel_loop3A_304 : f32 to vector<16xf32>
        %parallel_loop3A_306 = arith.mulf %parallel_loop3A_303, %parallel_loop3A_305 : vector<16xf32>
        %parallel_loop3A_307 = arith.constant 0.000000e+00 : f32
        %parallel_loop3A_308 = vector.broadcast %parallel_loop3A_307 : f32 to vector<16xf32>
        %parallel_loop3A_309 = arith.cmpf ogt, %parallel_loop3A_152, %parallel_loop3A_308 : vector<16xf32>
        %parallel_loop3A_310 = arith.constant 0.000000e+00 : f32
        %parallel_loop3A_311 = vector.broadcast %parallel_loop3A_310 : f32 to vector<16xf32>
        %parallel_loop3A_312 = arith.select %parallel_loop3A_309, %parallel_loop3A_306, %parallel_loop3A_311 : vector<16xi1>, vector<16xf32>
        %parallel_loop3A_313 = arith.index_cast %parallel_loop3A_146 : i32 to index
        %parallel_loop3A_314 = tpu.vector_load %arg26[%parallel_loop3A_313] {strides = array<i32>} : memref<1024xf32, #tpu.memory_space<vmem>>, vector<16xf32>,
        tpu.vector_store %arg26[%parallel_loop3A_313], %parallel_loop3A_312 {strides = array<i32>} : memref<1024xf32, #tpu.memory_space<vmem>>, vector<16xf32>,
      } {sc.loop_unroll_factor = 4 : i64, sc.parallel_access}
      "tpu.region"() ({
        %run_scoped3A = tpu.sem_alloc : memref<!tpu.dma_semaphore, #tpu.memory_space<semaphore_mem>>
        %dma_start3A_144 = arith.constant 0 : i32
        %dma_start3A_145 = tpu.memref_slice %arg30[%dma_start3A_144] : memref<50176xf32, #tpu.memory_space<vmem_shared>> -> memref<50176xf32, #tpu.memory_space<vmem_shared>>
        tpu.enqueue_indirect_dma source(%arg26 : memref<1024xf32, #tpu.memory_space<vmem>>) target(%dma_start3A_145 : memref<50176xf32, #tpu.memory_space<vmem_shared>>) offsets(%arg17 : memref<1024xi32, #tpu.memory_space<vmem>>) semaphore(%run_scoped3A : memref<!tpu.dma_semaphore, #tpu.memory_space<semaphore_mem>>) {add = true}
        %dma_wait3A_146 = arith.constant 0 : i32
        %dma_wait3A_147 = tpu.memref_slice %arg30[%dma_wait3A_146] : memref<50176xf32, #tpu.memory_space<vmem_shared>> -> memref<50176xf32, #tpu.memory_space<vmem_shared>>
        tpu.wait_indirect_dma semaphore(%run_scoped3A : memref<!tpu.dma_semaphore, #tpu.memory_space<semaphore_mem>>) src(%arg26 : memref<1024xf32, #tpu.memory_space<vmem>>) dst(%dma_wait3A_147 : memref<50176xf32, #tpu.memory_space<vmem_shared>>)
        tpu.yield
      }) : () -> ()
    }
    %scan3A_28 = arith.constant 16 : i32
    %add3A_29 = arith.constant 49152 : i32
    %add3A_30 = arith.addi %mul3A_8, %add3A_29 : i32
    %dma_wait3A = arith.constant 0 : i32
    %dma_wait3A_31 = tpu.memref_slice %arg4[%add3A_30] : memref<1605632xi32, #tpu.memory_space<hbm>> -> memref<1024xi32, #tpu.memory_space<hbm>>
    %dma_wait3A_32 = tpu.memref_slice %arg29[%dma_wait3A] : memref<3x!tpu.dma_semaphore, #tpu.memory_space<semaphore_mem>> -> memref<1x!tpu.dma_semaphore, #tpu.memory_space<semaphore_mem>>
    %dma_wait3A_33 = tpu.memref_squeeze %dma_wait3A_32 : memref<1x!tpu.dma_semaphore, #tpu.memory_space<semaphore_mem>> -> memref<!tpu.dma_semaphore, #tpu.memory_space<semaphore_mem>>
    %dma_wait3A_34 = tpu.memref_slice %arg4[%add3A_30] : memref<1605632xi32, #tpu.memory_space<hbm>> -> memref<1024xi32, #tpu.memory_space<hbm>>
    tpu.wait_dma2 semaphore(%dma_wait3A_33 : memref<!tpu.dma_semaphore, #tpu.memory_space<semaphore_mem>>) src(%dma_wait3A_34 : memref<1024xi32, #tpu.memory_space<hbm>>) dst(%arg15 : memref<1024xi32, #tpu.memory_space<vmem>>)
    %dma_wait3A_35 = arith.constant 0 : i32
    %dma_wait3A_36 = tpu.memref_slice %arg5[%add3A_30] : memref<1605632xi32, #tpu.memory_space<hbm>> -> memref<1024xi32, #tpu.memory_space<hbm>>
    %dma_wait3A_37 = tpu.memref_slice %arg29[%dma_wait3A_35] : memref<3x!tpu.dma_semaphore, #tpu.memory_space<semaphore_mem>> -> memref<1x!tpu.dma_semaphore, #tpu.memory_space<semaphore_mem>>
    %dma_wait3A_38 = tpu.memref_squeeze %dma_wait3A_37 : memref<1x!tpu.dma_semaphore, #tpu.memory_space<semaphore_mem>> -> memref<!tpu.dma_semaphore, #tpu.memory_space<semaphore_mem>>
    %dma_wait3A_39 = tpu.memref_slice %arg5[%add3A_30] : memref<1605632xi32, #tpu.memory_space<hbm>> -> memref<1024xi32, #tpu.memory_space<hbm>>
    tpu.wait_dma2 semaphore(%dma_wait3A_38 : memref<!tpu.dma_semaphore, #tpu.memory_space<semaphore_mem>>) src(%dma_wait3A_39 : memref<1024xi32, #tpu.memory_space<hbm>>) dst(%arg18 : memref<1024xi32, #tpu.memory_space<vmem>>)
    %dma_wait3A_40 = arith.constant 0 : i32
    %dma_wait3A_41 = tpu.memref_slice %arg6[%add3A_30] : memref<1605632xf32, #tpu.memory_space<hbm>> -> memref<1024xf32, #tpu.memory_space<hbm>>
    %dma_wait3A_42 = tpu.memref_slice %arg29[%dma_wait3A_40] : memref<3x!tpu.dma_semaphore, #tpu.memory_space<semaphore_mem>> -> memref<1x!tpu.dma_semaphore, #tpu.memory_space<semaphore_mem>>
    %dma_wait3A_43 = tpu.memref_squeeze %dma_wait3A_42 : memref<1x!tpu.dma_semaphore, #tpu.memory_space<semaphore_mem>> -> memref<!tpu.dma_semaphore, #tpu.memory_space<semaphore_mem>>
    %dma_wait3A_44 = tpu.memref_slice %arg6[%add3A_30] : memref<1605632xf32, #tpu.memory_space<hbm>> -> memref<1024xf32, #tpu.memory_space<hbm>>
    tpu.wait_dma2 semaphore(%dma_wait3A_43 : memref<!tpu.dma_semaphore, #tpu.memory_space<semaphore_mem>>) src(%dma_wait3A_44 : memref<1024xf32, #tpu.memory_space<hbm>>) dst(%arg21 : memref<1024xf32, #tpu.memory_space<vmem>>)
    %parallel_loop3A_45 = arith.constant 0 : i32
    %parallel_loop3A_46 = arith.constant 64 : i32
    %parallel_loop3A_47 = arith.constant 1 : i32
    scf.for %parallel_loop3A_50 = %parallel_loop3A_45 to %parallel_loop3A_46 step %parallel_loop3A_47  : i32 {
      %parallel_loop3A_51 = arith.constant 16 : i32
      %parallel_loop3A_52 = arith.muli %parallel_loop3A_50, %parallel_loop3A_51 : i32
      %parallel_loop3A_53 = arith.index_cast %parallel_loop3A_52 : i32 to index
      %parallel_loop3A_54 = tpu.vector_load %arg15[%parallel_loop3A_53] {strides = array<i32>} : memref<1024xi32, #tpu.memory_space<vmem>>, vector<16xi32>,
      %parallel_loop3A_55 = arith.index_cast %parallel_loop3A_52 : i32 to index
      %parallel_loop3A_56 = tpu.vector_load %arg18[%parallel_loop3A_55] {strides = array<i32>} : memref<1024xi32, #tpu.memory_space<vmem>>, vector<16xi32>,
      %parallel_loop3A_57 = arith.index_cast %parallel_loop3A_52 : i32 to index
      %parallel_loop3A_58 = tpu.vector_load %arg21[%parallel_loop3A_57] {strides = array<i32>} : memref<1024xf32, #tpu.memory_space<vmem>>, vector<16xf32>,
      %parallel_loop3A_59 = tpu.vector_load_idx %arg13[%parallel_loop3A_54] : memref<50176xf32, #tpu.memory_space<vmem>>[vector<16xi32>], vector<16xf32>,
      %parallel_loop3A_60 = tpu.vector_load_idx %arg13[%parallel_loop3A_56] : memref<50176xf32, #tpu.memory_space<vmem>>[vector<16xi32>], vector<16xf32>,
      %parallel_loop3A_61 = tpu.vector_load_idx %arg14[%parallel_loop3A_54] : memref<50176xf32, #tpu.memory_space<vmem>>[vector<16xi32>], vector<16xf32>,
      %parallel_loop3A_62 = tpu.vector_load_idx %arg14[%parallel_loop3A_56] : memref<50176xf32, #tpu.memory_space<vmem>>[vector<16xi32>], vector<16xf32>,
      %parallel_loop3A_63 = arith.addf %parallel_loop3A_59, %parallel_loop3A_60 : vector<16xf32>
      %parallel_loop3A_64 = arith.constant 5.000000e-01 : f32
      %parallel_loop3A_65 = vector.broadcast %parallel_loop3A_64 : f32 to vector<16xf32>
      %parallel_loop3A_66 = arith.mulf %parallel_loop3A_63, %parallel_loop3A_65 : vector<16xf32>
      %parallel_loop3A_67 = arith.constant 2.000000e+00 : f32
      %parallel_loop3A_68 = vector.broadcast %parallel_loop3A_67 : f32 to vector<16xf32>
      %parallel_loop3A_69 = arith.mulf %parallel_loop3A_68, %parallel_loop3A_61 : vector<16xf32>
      %parallel_loop3A_70 = arith.mulf %parallel_loop3A_69, %parallel_loop3A_62 : vector<16xf32>
      %parallel_loop3A_71 = arith.mulf %parallel_loop3A_70, %parallel_loop3A_59 : vector<16xf32>
      %parallel_loop3A_72 = arith.mulf %parallel_loop3A_71, %parallel_loop3A_60 : vector<16xf32>
      %parallel_loop3A_73 = arith.mulf %parallel_loop3A_59, %parallel_loop3A_59 : vector<16xf32>
      %parallel_loop3A_74 = arith.mulf %parallel_loop3A_73, %parallel_loop3A_62 : vector<16xf32>
      %parallel_loop3A_75 = arith.mulf %parallel_loop3A_60, %parallel_loop3A_60 : vector<16xf32>
      %parallel_loop3A_76 = arith.mulf %parallel_loop3A_75, %parallel_loop3A_61 : vector<16xf32>
      %parallel_loop3A_77 = arith.addf %parallel_loop3A_74, %parallel_loop3A_76 : vector<16xf32>
      %parallel_loop3A_78 = arith.divf %parallel_loop3A_72, %parallel_loop3A_77 : vector<16xf32>
      %parallel_loop3A_79 = tpu.bitcast %parallel_loop3A_66 : vector<16xf32> -> vector<16xi32>
      %parallel_loop3A_80 = arith.constant 16 : i32
      %parallel_loop3A_81 = vector.broadcast %parallel_loop3A_80 : i32 to vector<16xi32>
      %parallel_loop3A_82 = arith.shrui %parallel_loop3A_79, %parallel_loop3A_81 : vector<16xi32>
      %parallel_loop3A_83 = arith.constant 16256 : i32
      %parallel_loop3A_84 = vector.broadcast %parallel_loop3A_83 : i32 to vector<16xi32>
      %parallel_loop3A_85 = arith.subi %parallel_loop3A_82, %parallel_loop3A_84 : vector<16xi32>
      %parallel_loop3A_86 = arith.constant 0 : i32
      %parallel_loop3A_87 = vector.broadcast %parallel_loop3A_86 : i32 to vector<16xi32>
      %parallel_loop3A_88 = arith.maxsi %parallel_loop3A_85, %parallel_loop3A_87 : vector<16xi32>
      %parallel_loop3A_89 = arith.constant 1279 : i32
      %parallel_loop3A_90 = vector.broadcast %parallel_loop3A_89 : i32 to vector<16xi32>
      %parallel_loop3A_91 = arith.minsi %parallel_loop3A_88, %parallel_loop3A_90 : vector<16xi32>
      %parallel_loop3A_92 = tpu.vector_load_idx %arg27[%parallel_loop3A_91] : memref<1280xf32, #tpu.memory_space<vmem>>[vector<16xi32>], vector<16xf32>,
      %parallel_loop3A_93 = arith.mulf %parallel_loop3A_92, %parallel_loop3A_92 : vector<16xf32>
      %parallel_loop3A_94 = arith.mulf %parallel_loop3A_93, %parallel_loop3A_93 : vector<16xf32>
      %parallel_loop3A_95 = arith.mulf %parallel_loop3A_66, %parallel_loop3A_92 : vector<16xf32>
      %parallel_loop3A_96 = arith.mulf %parallel_loop3A_95, %parallel_loop3A_93 : vector<16xf32>
      %parallel_loop3A_97 = arith.mulf %parallel_loop3A_96, %parallel_loop3A_94 : vector<16xf32>
      %parallel_loop3A_98 = arith.constant 1.14285719 : f32
      %parallel_loop3A_99 = vector.broadcast %parallel_loop3A_98 : f32 to vector<16xf32>
      %parallel_loop3A_100 = arith.mulf %parallel_loop3A_92, %parallel_loop3A_99 : vector<16xf32>
      %parallel_loop3A_101 = arith.mulf %parallel_loop3A_92, %parallel_loop3A_97 : vector<16xf32>
      %parallel_loop3A_102 = arith.constant 0.142857149 : f32
      %parallel_loop3A_103 = vector.broadcast %parallel_loop3A_102 : f32 to vector<16xf32>
      %parallel_loop3A_104 = arith.mulf %parallel_loop3A_101, %parallel_loop3A_103 : vector<16xf32>
      %parallel_loop3A_105 = arith.subf %parallel_loop3A_100, %parallel_loop3A_104 : vector<16xf32>
      %parallel_loop3A_106 = arith.mulf %parallel_loop3A_105, %parallel_loop3A_105 : vector<16xf32>
      %parallel_loop3A_107 = arith.mulf %parallel_loop3A_106, %parallel_loop3A_106 : vector<16xf32>
      %parallel_loop3A_108 = arith.mulf %parallel_loop3A_107, %parallel_loop3A_106 : vector<16xf32>
      %parallel_loop3A_109 = arith.mulf %parallel_loop3A_66, %parallel_loop3A_108 : vector<16xf32>
      %parallel_loop3A_110 = arith.constant 2.55279613 : f32
      %parallel_loop3A_111 = vector.broadcast %parallel_loop3A_110 : f32 to vector<16xf32>
      %parallel_loop3A_112 = arith.mulf %parallel_loop3A_111, %parallel_loop3A_109 : vector<16xf32>
      %parallel_loop3A_113 = arith.constant -7.88929988E-4 : f32
      %parallel_loop3A_114 = vector.broadcast %parallel_loop3A_113 : f32 to vector<16xf32>
      %parallel_loop3A_115 = arith.mulf %parallel_loop3A_114, %parallel_loop3A_112 : vector<16xf32>
      %parallel_loop3A_116 = arith.constant 0.0412527286 : f32
      %parallel_loop3A_117 = vector.broadcast %parallel_loop3A_116 : f32 to vector<16xf32>
      %parallel_loop3A_118 = arith.addf %parallel_loop3A_115, %parallel_loop3A_117 : vector<16xf32>
      %parallel_loop3A_119 = arith.mulf %parallel_loop3A_118, %parallel_loop3A_112 : vector<16xf32>
      %parallel_loop3A_120 = arith.constant 0.244288892 : f32
      %parallel_loop3A_121 = vector.broadcast %parallel_loop3A_120 : f32 to vector<16xf32>
      %parallel_loop3A_122 = arith.addf %parallel_loop3A_119, %parallel_loop3A_121 : vector<16xf32>
      %parallel_loop3A_123 = arith.mulf %parallel_loop3A_122, %parallel_loop3A_112 : vector<16xf32>
      %parallel_loop3A_124 = arith.constant -4.330080e-03 : f32
      %parallel_loop3A_125 = vector.broadcast %parallel_loop3A_124 : f32 to vector<16xf32>
      %parallel_loop3A_126 = arith.addf %parallel_loop3A_123, %parallel_loop3A_125 : vector<16xf32>
      %parallel_loop3A_127 = arith.mulf %parallel_loop3A_126, %parallel_loop3A_126 : vector<16xf32>
      %parallel_loop3A_128 = arith.constant 1.000000e+01 : f32
      %parallel_loop3A_129 = vector.broadcast %parallel_loop3A_128 : f32 to vector<16xf32>
      %parallel_loop3A_130 = arith.mulf %parallel_loop3A_129, %parallel_loop3A_127 : vector<16xf32>
      %parallel_loop3A_131 = arith.constant 1.225000e+02 : f32
      %parallel_loop3A_132 = vector.broadcast %parallel_loop3A_131 : f32 to vector<16xf32>
      %parallel_loop3A_133 = arith.mulf %parallel_loop3A_132, %parallel_loop3A_127 : vector<16xf32>
      %parallel_loop3A_134 = arith.mulf %parallel_loop3A_133, %parallel_loop3A_127 : vector<16xf32>
      %parallel_loop3A_135 = arith.constant 5.080000e+00 : f32
      %parallel_loop3A_136 = vector.broadcast %parallel_loop3A_135 : f32 to vector<16xf32>
      %parallel_loop3A_137 = arith.mulf %parallel_loop3A_136, %parallel_loop3A_109 : vector<16xf32>
      %parallel_loop3A_138 = arith.mulf %parallel_loop3A_137, %parallel_loop3A_137 : vector<16xf32>
      %parallel_loop3A_139 = arith.mulf %parallel_loop3A_138, %parallel_loop3A_138 : vector<16xf32>
      %parallel_loop3A_140 = arith.constant 1.88972616 : f32
      %parallel_loop3A_141 = vector.broadcast %parallel_loop3A_140 : f32 to vector<16xf32>
      %parallel_loop3A_142 = arith.mulf %parallel_loop3A_58, %parallel_loop3A_141 : vector<16xf32>
      %parallel_loop3A_143 = arith.mulf %parallel_loop3A_142, %parallel_loop3A_142 : vector<16xf32>
      %parallel_loop3A_144 = arith.mulf %parallel_loop3A_143, %parallel_loop3A_143 : vector<16xf32>
      %parallel_loop3A_145 = arith.mulf %parallel_loop3A_144, %parallel_loop3A_143 : vector<16xf32>
      %parallel_loop3A_146 = arith.mulf %parallel_loop3A_139, %parallel_loop3A_138 : vector<16xf32>
      %parallel_loop3A_147 = arith.addf %parallel_loop3A_145, %parallel_loop3A_146 : vector<16xf32>
      %parallel_loop3A_148 = arith.mulf %parallel_loop3A_144, %parallel_loop3A_144 : vector<16xf32>
      %parallel_loop3A_149 = arith.mulf %parallel_loop3A_139, %parallel_loop3A_139 : vector<16xf32>
      %parallel_loop3A_150 = arith.addf %parallel_loop3A_148, %parallel_loop3A_149 : vector<16xf32>
      %parallel_loop3A_151 = arith.mulf %parallel_loop3A_144, %parallel_loop3A_144 : vector<16xf32>
      %parallel_loop3A_152 = arith.mulf %parallel_loop3A_151, %parallel_loop3A_143 : vector<16xf32>
      %parallel_loop3A_153 = arith.mulf %parallel_loop3A_139, %parallel_loop3A_139 : vector<16xf32>
      %parallel_loop3A_154 = arith.mulf %parallel_loop3A_153, %parallel_loop3A_138 : vector<16xf32>
      %parallel_loop3A_155 = arith.addf %parallel_loop3A_152, %parallel_loop3A_154 : vector<16xf32>
      %parallel_loop3A_156 = arith.mulf %parallel_loop3A_150, %parallel_loop3A_155 : vector<16xf32>
      %parallel_loop3A_157 = arith.mulf %parallel_loop3A_147, %parallel_loop3A_155 : vector<16xf32>
      %parallel_loop3A_158 = arith.mulf %parallel_loop3A_130, %parallel_loop3A_157 : vector<16xf32>
      %parallel_loop3A_159 = arith.addf %parallel_loop3A_156, %parallel_loop3A_158 : vector<16xf32>
      %parallel_loop3A_160 = arith.mulf %parallel_loop3A_147, %parallel_loop3A_150 : vector<16xf32>
      %parallel_loop3A_161 = arith.mulf %parallel_loop3A_134, %parallel_loop3A_160 : vector<16xf32>
      %parallel_loop3A_162 = arith.addf %parallel_loop3A_159, %parallel_loop3A_161 : vector<16xf32>
      %parallel_loop3A_163 = arith.mulf %parallel_loop3A_147, %parallel_loop3A_156 : vector<16xf32>
      %parallel_loop3A_164 = arith.constant 8.000000e+00 : f32
      %parallel_loop3A_165 = vector.broadcast %parallel_loop3A_164 : f32 to vector<16xf32>
      %parallel_loop3A_166 = arith.subf %parallel_loop3A_58, %parallel_loop3A_165 : vector<16xf32>
      %parallel_loop3A_167 = arith.constant 5.000000e-01 : f32
      %parallel_loop3A_168 = vector.broadcast %parallel_loop3A_167 : f32 to vector<16xf32>
      %parallel_loop3A_169 = arith.mulf %parallel_loop3A_166, %parallel_loop3A_168 : vector<16xf32>
      %parallel_loop3A_170 = arith.constant 1.000000e+00 : f32
      %parallel_loop3A_171 = vector.broadcast %parallel_loop3A_170 : f32 to vector<16xf32>
      %parallel_loop3A_172 = arith.subf %parallel_loop3A_171, %parallel_loop3A_169 : vector<16xf32>
      %parallel_loop3A_173 = arith.constant 0.000000e+00 : f32
      %parallel_loop3A_174 = vector.broadcast %parallel_loop3A_173 : f32 to vector<16xf32>
      %parallel_loop3A_175 = arith.cmpf ogt, %parallel_loop3A_172, %parallel_loop3A_174 : vector<16xf32>
      %parallel_loop3A_176 = arith.constant 0.000000e+00 : f32
      %parallel_loop3A_177 = vector.broadcast %parallel_loop3A_176 : f32 to vector<16xf32>
      %parallel_loop3A_178 = arith.cmpf ogt, %parallel_loop3A_169, %parallel_loop3A_177 : vector<16xf32>
      %parallel_loop3A_179 = arith.constant 1.000000e+00 : f32
      %parallel_loop3A_180 = vector.broadcast %parallel_loop3A_179 : f32 to vector<16xf32>
      %parallel_loop3A_181 = arith.select %parallel_loop3A_175, %parallel_loop3A_172, %parallel_loop3A_180 : vector<16xi1>, vector<16xf32>
      %parallel_loop3A_182 = arith.constant 1.000000e+00 : f32
      %parallel_loop3A_183 = vector.broadcast %parallel_loop3A_182 : f32 to vector<16xf32>
      %parallel_loop3A_184 = arith.select %parallel_loop3A_178, %parallel_loop3A_169, %parallel_loop3A_183 : vector<16xi1>, vector<16xf32>
      %parallel_loop3A_185 = arith.mulf %parallel_loop3A_181, %parallel_loop3A_184 : vector<16xf32>
      %parallel_loop3A_186 = arith.constant 1.000000e+00 : f32
      %parallel_loop3A_187 = vector.broadcast %parallel_loop3A_186 : f32 to vector<16xf32>
      %parallel_loop3A_188 = arith.divf %parallel_loop3A_187, %parallel_loop3A_185 : vector<16xf32>
      %parallel_loop3A_189 = arith.constant 0.000000e+00 : f32
      %parallel_loop3A_190 = vector.broadcast %parallel_loop3A_189 : f32 to vector<16xf32>
      %parallel_loop3A_191 = arith.subf %parallel_loop3A_190, %parallel_loop3A_184 : vector<16xf32>
      %parallel_loop3A_192 = arith.mulf %parallel_loop3A_191, %parallel_loop3A_188 : vector<16xf32>
      %parallel_loop3A_193 = math.exp %parallel_loop3A_192 : vector<16xf32>
      %parallel_loop3A_194 = arith.constant 0.000000e+00 : f32
      %parallel_loop3A_195 = vector.broadcast %parallel_loop3A_194 : f32 to vector<16xf32>
      %parallel_loop3A_196 = arith.select %parallel_loop3A_175, %parallel_loop3A_193, %parallel_loop3A_195 : vector<16xi1>, vector<16xf32>
      %parallel_loop3A_197 = arith.constant 0.000000e+00 : f32
      %parallel_loop3A_198 = vector.broadcast %parallel_loop3A_197 : f32 to vector<16xf32>
      %parallel_loop3A_199 = arith.subf %parallel_loop3A_198, %parallel_loop3A_181 : vector<16xf32>
      %parallel_loop3A_200 = arith.mulf %parallel_loop3A_199, %parallel_loop3A_188 : vector<16xf32>
      %parallel_loop3A_201 = math.exp %parallel_loop3A_200 : vector<16xf32>
      %parallel_loop3A_202 = arith.constant 0.000000e+00 : f32
      %parallel_loop3A_203 = vector.broadcast %parallel_loop3A_202 : f32 to vector<16xf32>
      %parallel_loop3A_204 = arith.select %parallel_loop3A_178, %parallel_loop3A_201, %parallel_loop3A_203 : vector<16xi1>, vector<16xf32>
      %parallel_loop3A_205 = arith.mulf %parallel_loop3A_78, %parallel_loop3A_196 : vector<16xf32>
      %parallel_loop3A_206 = arith.mulf %parallel_loop3A_205, %parallel_loop3A_162 : vector<16xf32>
      %parallel_loop3A_207 = arith.addf %parallel_loop3A_196, %parallel_loop3A_204 : vector<16xf32>
      %parallel_loop3A_208 = arith.mulf %parallel_loop3A_163, %parallel_loop3A_207 : vector<16xf32>
      %parallel_loop3A_209 = arith.divf %parallel_loop3A_206, %parallel_loop3A_208 : vector<16xf32>
      %parallel_loop3A_210 = arith.constant -13.6056929 : f32
      %parallel_loop3A_211 = vector.broadcast %parallel_loop3A_210 : f32 to vector<16xf32>
      %parallel_loop3A_212 = arith.mulf %parallel_loop3A_209, %parallel_loop3A_211 : vector<16xf32>
      %parallel_loop3A_213 = arith.constant 0.000000e+00 : f32
      %parallel_loop3A_214 = vector.broadcast %parallel_loop3A_213 : f32 to vector<16xf32>
      %parallel_loop3A_215 = arith.cmpf ogt, %parallel_loop3A_58, %parallel_loop3A_214 : vector<16xf32>
      %parallel_loop3A_216 = arith.constant 0.000000e+00 : f32
      %parallel_loop3A_217 = vector.broadcast %parallel_loop3A_216 : f32 to vector<16xf32>
      %parallel_loop3A_218 = arith.select %parallel_loop3A_215, %parallel_loop3A_212, %parallel_loop3A_217 : vector<16xi1>, vector<16xf32>
      %parallel_loop3A_219 = arith.index_cast %parallel_loop3A_52 : i32 to index
      %parallel_loop3A_220 = tpu.vector_load %arg24[%parallel_loop3A_219] {strides = array<i32>} : memref<1024xf32, #tpu.memory_space<vmem>>, vector<16xf32>,
      tpu.vector_store %arg24[%parallel_loop3A_219], %parallel_loop3A_218 {strides = array<i32>} : memref<1024xf32, #tpu.memory_space<vmem>>, vector<16xf32>,
    } {sc.loop_unroll_factor = 4 : i64, sc.parallel_access}
    "tpu.region"() ({
      %run_scoped3A = tpu.sem_alloc : memref<!tpu.dma_semaphore, #tpu.memory_space<semaphore_mem>>
      %dma_start3A_50 = arith.constant 0 : i32
      %dma_start3A_51 = tpu.memref_slice %arg30[%dma_start3A_50] : memref<50176xf32, #tpu.memory_space<vmem_shared>> -> memref<50176xf32, #tpu.memory_space<vmem_shared>>
      tpu.enqueue_indirect_dma source(%arg24 : memref<1024xf32, #tpu.memory_space<vmem>>) target(%dma_start3A_51 : memref<50176xf32, #tpu.memory_space<vmem_shared>>) offsets(%arg15 : memref<1024xi32, #tpu.memory_space<vmem>>) semaphore(%run_scoped3A : memref<!tpu.dma_semaphore, #tpu.memory_space<semaphore_mem>>) {add = true}
      %dma_wait3A_52 = arith.constant 0 : i32
      %dma_wait3A_53 = tpu.memref_slice %arg30[%dma_wait3A_52] : memref<50176xf32, #tpu.memory_space<vmem_shared>> -> memref<50176xf32, #tpu.memory_space<vmem_shared>>
      tpu.wait_indirect_dma semaphore(%run_scoped3A : memref<!tpu.dma_semaphore, #tpu.memory_space<semaphore_mem>>) src(%arg24 : memref<1024xf32, #tpu.memory_space<vmem>>) dst(%dma_wait3A_53 : memref<50176xf32, #tpu.memory_space<vmem_shared>>)
      tpu.yield
    }) : () -> ()
    %barrier3A_48 = arith.constant 0 : index
    tpu.barrier barrier_id(%barrier3A_48)
    "tpu.region"() ({
      %run_scoped3A = tpu.sem_alloc : memref<!tpu.dma_semaphore, #tpu.memory_space<semaphore_mem>>
      %dma_start3A_50 = tpu.memref_slice %arg30[%mul3A_0] : memref<50176xf32, #tpu.memory_space<vmem_shared>> -> memref<3136xf32, #tpu.memory_space<vmem_shared>>
      %dma_start3A_51 = tpu.memref_slice %arg30[%mul3A_0] : memref<50176xf32, #tpu.memory_space<vmem_shared>> -> memref<3136xf32, #tpu.memory_space<vmem_shared>>
      tpu.enqueue_dma source(%dma_start3A_51 : memref<3136xf32, #tpu.memory_space<vmem_shared>>) target(%arg28 : memref<3136xf32, #tpu.memory_space<vmem>>) target_semaphore(%run_scoped3A : memref<!tpu.dma_semaphore, #tpu.memory_space<semaphore_mem>>)
      %dma_wait3A_52 = tpu.memref_slice %arg30[%mul3A_0] : memref<50176xf32, #tpu.memory_space<vmem_shared>> -> memref<3136xf32, #tpu.memory_space<vmem_shared>>
      %dma_wait3A_53 = tpu.memref_slice %arg30[%mul3A_0] : memref<50176xf32, #tpu.memory_space<vmem_shared>> -> memref<3136xf32, #tpu.memory_space<vmem_shared>>
      tpu.wait_dma2 semaphore(%run_scoped3A : memref<!tpu.dma_semaphore, #tpu.memory_space<semaphore_mem>>) src(%dma_wait3A_53 : memref<3136xf32, #tpu.memory_space<vmem_shared>>) dst(%arg28 : memref<3136xf32, #tpu.memory_space<vmem>>)
      tpu.yield
    }) : () -> ()
    %add3A_49 = arith.addi %mul3A_2, %mul3A_0 : i32
    "tpu.region"() ({
      %run_scoped3A = tpu.sem_alloc : memref<!tpu.dma_semaphore, #tpu.memory_space<semaphore_mem>>
      %dma_start3A_50 = tpu.memref_slice %arg10[%add3A_49] : memref<100352xf32, #tpu.memory_space<hbm>> -> memref<3136xf32, #tpu.memory_space<hbm>>
      %dma_start3A_51 = tpu.memref_slice %arg10[%add3A_49] : memref<100352xf32, #tpu.memory_space<hbm>> -> memref<3136xf32, #tpu.memory_space<hbm>>
      tpu.enqueue_dma source(%arg28 : memref<3136xf32, #tpu.memory_space<vmem>>) target(%dma_start3A_51 : memref<3136xf32, #tpu.memory_space<hbm>>) target_semaphore(%run_scoped3A : memref<!tpu.dma_semaphore, #tpu.memory_space<semaphore_mem>>)
      %dma_wait3A_52 = tpu.memref_slice %arg10[%add3A_49] : memref<100352xf32, #tpu.memory_space<hbm>> -> memref<3136xf32, #tpu.memory_space<hbm>>
      %dma_wait3A_53 = tpu.memref_slice %arg10[%add3A_49] : memref<100352xf32, #tpu.memory_space<hbm>> -> memref<3136xf32, #tpu.memory_space<hbm>>
      tpu.wait_dma2 semaphore(%run_scoped3A : memref<!tpu.dma_semaphore, #tpu.memory_space<semaphore_mem>>) src(%arg28 : memref<3136xf32, #tpu.memory_space<vmem>>) dst(%dma_wait3A_53 : memref<3136xf32, #tpu.memory_space<hbm>>)
      tpu.yield
    }) : () -> ()
    return
  }
}

module attributes {stable_mosaic.version = 14 : i64} {
  func.func @_combine_body(%arg0: memref<2x392x128xf32, #tpu.memory_space<vmem>>, %arg1: memref<392x128xf32, #tpu.memory_space<vmem>>, %arg2: memref<392x128xf32, #tpu.memory_space<vmem>>) attributes {dimension_semantics = [], scalar_prefetch = 0 : i64, scratch_operands = 0 : i64, tpu.core_type = #tpu.core_type<tc>} {
    %get3A = arith.constant 0 : index
    %get3A_0 = arith.constant 0 : index
    %get3A_1 = arith.constant 0 : index
    %get3A_2 = vector.load %arg0[%get3A, %get3A_0, %get3A_1] : memref<2x392x128xf32, #tpu.memory_space<vmem>>, vector<1x392x128xf32>
    %get3A_3 = vector.shape_cast %get3A_2 : vector<1x392x128xf32> to vector<392x128xf32>
    %get3A_4 = arith.constant 1 : index
    %get3A_5 = arith.constant 0 : index
    %get3A_6 = arith.constant 0 : index
    %get3A_7 = vector.load %arg0[%get3A_4, %get3A_5, %get3A_6] : memref<2x392x128xf32, #tpu.memory_space<vmem>>, vector<1x392x128xf32>
    %get3A_8 = vector.shape_cast %get3A_7 : vector<1x392x128xf32> to vector<392x128xf32>
    %add3A = arith.addf %get3A_3, %get3A_8 : vector<392x128xf32>
    %get3A_9 = arith.constant 0 : index
    %get3A_10 = arith.constant 0 : index
    %get3A_11 = vector.load %arg1[%get3A_9, %get3A_10] : memref<392x128xf32, #tpu.memory_space<vmem>>, vector<392x128xf32>
    %mul3A = arith.mulf %add3A, %get3A_11 : vector<392x128xf32>
    %swap3A = arith.constant 0 : index
    %swap3A_12 = arith.constant 0 : index
    %swap3A_13 = vector.load %arg2[%swap3A, %swap3A_12] : memref<392x128xf32, #tpu.memory_space<vmem>>, vector<392x128xf32>
    tpu.vector_store %arg2[%swap3A, %swap3A_12], %mul3A {strides = array<i32>} : memref<392x128xf32, #tpu.memory_space<vmem>>, vector<392x128xf32>,
    return
  }
}

</mosaic_0001>

<sc_bundles>
// kernel: kernel.4.cloned.1.call-start
scs
__scs_entry_jumppad:
0x0: {  	(pc) =	sbr.rel $0x88, $3  }
0x1: {  	(tag) =	ssettag $0x0;
	lr =	simm.s32 $0x1  }
0x2: {  	[smem:$0x3F9B] =	sst lr;
	_ =	strace $0xD0000000  }
0x3: {  	_ = 	snop  }
0x4: {  	_ = 	snop  }
0x5: {  	_ = 	snop  }
0x6: {  	_ = 	snop  }
0x7: {  	_ = 	snop  }
__scs_overlays_trampoline_lowered:
0x8: {  	[smem:$0x3FAA] =	sst s0  }
0x9: {  	[smem:$0x3FAB] =	sst s1  }
0xa: {  	[smem:$0x3FAC] =	sst s2  }
0xb: {  	[smem:$0x3FAD] =	sst s3  }
0xc: {  	[smem:$0x3FAE] =	sst s4  }
0xd: {  	[smem:$0x3FAF] =	sst s5  }
0xe: {  	[smem:$0x3FB0] =	sst s6  }
0xf: {  	[smem:$0x3FB1] =	sst s7  }
0x10: {  	[smem:$0x3FB2] =	sst s8  }
0x11: {  	[smem:$0x3FB3] =	sst s9;
	s0 =	simm.s32 @!p0 $0x0  }
0x12: {  	s1 =	sld [smem:$0x3F99];
	s0 =	simm.s32 @p0 $0x1  }
0x13: {  	[smem:$0x3FB4] =	sst s0;
	s0 =	simm.s32 @!p1 $0x0  }
0x14: {  	s2 =	sld [smem:$0x3F98];
	s0 =	simm.s32 @p1 $0x1  }
0x15: {  	[smem:$0x3FB5] =	sst s0;
	s0 =	simm.s32 @!p2 $0x0  }
0x16: {  	s3 =	sld [smem:$0x3FDB];
	s0 =	simm.s32 @p2 $0x1  }
0x17: {  	s4 =	simm.s32 $0x1BF5;
	[smem:$0x3FB7] =	sst s0  }
0x18: {  	s0 =	sld [smem:$0x3F9A];
	_ =	swait.ge [sflag:s4], $0x0  }
0x19: {  	s7 =	sld [smem:$0x3F9B]  }
0x1a: {  	s8 =	sadd.s32 $0xFFFFE003, lr  }
0x1b: {  	s9 =	sadd.s32 $0xFFFFFEF7, lr;
	s5 =	simm.s32 $0xFFFFFFFF;
	p2 =	slt.u32 s8, $0xFFFFF086  }
0x1c: {  	p1 =	slt.u32 s9, $0xF7A;
	s5 =	simm.s32 @!p2 $0x0  }
0x1d: {  	s5 =	simm.s32 @p1 $0x1;
	p0 =	seq.s32 s7, s2  }
0x1e: {  	s7 =	smul.u32 @!p0 $0xF7A, s2;
	p2 =	seq.s32 @!p0 s5, $0x0  }
0x1f: {  	s9 =	smul.u32 $0xF7A, s1;
	s8 =	simm.s32 @!p0 $0x1BF5;
	p2 =	por !p2, p0  }
0x20: {  	[sflag:s8] =	ssyncset.s32 @!p0 $0xFFFFF086;
	s6 =	sadd.s32 @!p0 s3, s7;
	s7 =	simm.s32 @!p0 $0x108  }
0x21: {  	s3 =	sadd.s32 s3, s9;
	s6 =	sadd.s32 @!p0 $0x88, s6;
	s7 =	simm.s32 @p2 $0x1082  }
0x22: {  	[simem:s7], [sflag:s8] =	dma.local @!p0 [hbm:s6], $0xF7A  }
0x23: {  	s9 =	sor.u32 $0xD0000000, s2;
	s6 =	simm.s32 $0x108;
	_ =	swait.ge @!p0 [sflag:s8], $0x0  }
0x24: {  	s3 =	sadd.s32 $0x88, s3;
	s6 =	simm.s32 @!p1 $0x1082;
	[sflag:s4] =	ssyncset.s32 $0xFFFFF086  }
0x25: {  	[simem:s6], [sflag:s4] =	dma.local [hbm:s3], $0xF7A  }
0x26: {  	[smem:$0x3F9B] =	sst s1;
	(tag) =	ssettag s2;
	_ =	strace s9  }
0x27: {  	s1 =	sld [smem:$0x3FAB]  }
0x28: {  	s2 =	sld [smem:$0x3FAC]  }
0x29: {  	s4 =	sld [smem:$0x3FAE]  }
0x2a: {  	p0 =	seq.s32 s5, $0x0;
	s5 =	sld [smem:$0x3FAF]  }
0x2b: {  	s6 =	sld [smem:$0x3FB0]  }
0x2c: {  	s7 =	sld [smem:$0x3FB1]  }
0x2d: {  	s3 =	simm.s32 $0x108;
	s8 =	sld [smem:$0x3FB2]  }
0x2e: {  	s3 =	simm.s32 @!p0 $0x1082;
	s9 =	sld [smem:$0x3FB3]  }
0x2f: {  	lr =	sadd.s32 s0, s3;
	s0 =	sld [smem:$0x3FAA]  }
0x30: {  	s3 =	sld [smem:$0x3FAD]  }
0x31: {  	[smem:$0x3FB6] =	sst s10  }
0x32: {  	s10 =	sld [smem:$0x3FB4];
	_ =	sdelay $0x3  }
0x33: {  	p0 =	seq.s32 s10, $0x1;
	s10 =	sld [smem:$0x3FB6];
	_ =	sdelay $0x3  }
0x34: {  	[smem:$0x3FB6] =	sst s10  }
0x35: {  	s10 =	sld [smem:$0x3FB5];
	_ =	sdelay $0x3  }
0x36: {  	p1 =	seq.s32 s10, $0x1;
	s10 =	sld [smem:$0x3FB6];
	_ =	sdelay $0x3  }
0x37: {  	[smem:$0x3FB6] =	sst s10  }
0x38: {  	s10 =	sld [smem:$0x3FB7]  }
0x39: {  	_ = 	snop;
	(pc) =	sbr.ind lr, $3  }
0x3a: {  	_ = 	snop  }
0x3b: {  	_ = 	snop  }
0x3c: {  	p2 =	seq.s32 s10, $0x1;
	s10 =	sld [smem:$0x3FB6]  }
0x3d: {  	_ =	shalt  }
0x3e: {  	_ =	shalt  }
0x3f: {  	_ =	shalt  }
0x40: {  	_ =	shalt  }
0x41: {  	_ =	shalt  }
0x42: {  	_ =	shalt  }
0x43: {  	_ =	shalt  }
0x44: {  	_ =	shalt  }
0x45: {  	_ =	shalt  }
0x46: {  	_ =	shalt  }
0x47: {  	_ =	shalt  }
0x48: {  	_ =	shalt  }
0x49: {  	_ =	shalt  }
0x4a: {  	_ =	shalt  }
0x4b: {  	_ =	shalt  }
0x4c: {  	_ =	shalt  }
0x4d: {  	_ =	shalt  }
0x4e: {  	_ =	shalt  }
0x4f: {  	_ =	shalt  }
0x50: {  	_ =	shalt  }
0x51: {  	_ =	shalt  }
0x52: {  	_ =	shalt  }
0x53: {  	_ =	shalt  }
0x54: {  	_ =	shalt  }
0x55: {  	_ =	shalt  }
0x56: {  	_ =	shalt  }
0x57: {  	_ =	shalt  }
0x58: {  	_ =	shalt  }
0x59: {  	_ =	shalt  }
0x5a: {  	_ =	shalt  }
0x5b: {  	_ =	shalt  }
0x5c: {  	_ =	shalt  }
0x5d: {  	_ =	shalt  }
0x5e: {  	_ =	shalt  }
0x5f: {  	_ =	shalt  }
0x60: {  	_ =	shalt  }
0x61: {  	_ =	shalt  }
0x62: {  	_ =	shalt  }
0x63: {  	_ =	shalt  }
0x64: {  	_ =	shalt  }
0x65: {  	_ =	shalt  }
0x66: {  	_ =	shalt  }
0x67: {  	_ =	shalt  }
0x68: {  	_ =	shalt  }
0x69: {  	_ =	shalt  }
0x6a: {  	_ =	shalt  }
0x6b: {  	_ =	shalt  }
0x6c: {  	_ =	shalt  }
0x6d: {  	_ =	shalt  }
0x6e: {  	_ =	shalt  }
0x6f: {  	_ =	shalt  }
0x70: {  	_ =	shalt  }
0x71: {  	_ =	shalt  }
0x72: {  	_ =	shalt  }
0x73: {  	_ =	shalt  }
0x74: {  	_ =	shalt  }
0x75: {  	_ =	shalt  }
0x76: {  	_ =	shalt  }
0x77: {  	_ =	shalt  }
0x78: {  	_ =	shalt  }
0x79: {  	_ =	shalt  }
0x7a: {  	_ =	shalt  }
0x7b: {  	_ =	shalt  }
0x7c: {  	_ =	shalt  }
0x7d: {  	_ =	shalt  }
0x7e: {  	_ =	shalt  }
0x7f: {  	_ =	shalt  }
0x80: {  	_ =	shalt  }
0x81: {  	_ =	shalt  }
0x82: {  	_ =	shalt  }
0x83: {  	_ =	shalt  }
0x84: {  	_ =	shalt  }
0x85: {  	_ =	shalt  }
0x86: {  	_ =	shalt  }
0x87: {  	_ =	shalt  }
.Lfunc_end0:
.L_simem_size_0:
called_computation_lowered:
.L_overlay_start_0:
0x88: {  	s2 =	sld [smem:$0x3FD9]  }
0x89: {  	s3 =	sld [smem:$0x3FFE];
	_ =	sdelay $0x1  }
0x8a: {  	s1 =	srdreg.scid  }
0x8b: {  	s0 =	sand.u32 $0x1, s1  }
0x8c: {  	s17 =	sshll.u32 s0, $0xA;
	s2 =	sadd.s32 s3, s2  }
0x8d: {  	s2 =	sadd.s32 s2, s17  }
0x8e: {  	[smem:$0x3FC2] =	sst s2  }
0x8f: {  	_ = 	snop  }
0x90: {  	s2 =	sld [smem:$0x3FD0];
	(tm) =	ssettm $0x1  }
0x91: {  	s18 =	sld [smem:$0x3FFB];
	_ =	sdelay $0x3  }
0x92: {  	_ =	strace s18  }
0x93: {  	s3 =	sld [smem:$0x3FFC];
	_ =	sdelay $0x3  }
0x94: {  	_ =	strace s3  }
0x95: {  	s3 =	sld [smem:$0x3FFD];
	_ =	sdelay $0x3  }
0x96: {  	_ =	strace s3  }
0x97: {  	_ =	strace $0x8FFFFFFF  }
0x98: {  	s19 =	sld [smem:$0x3FDB];
	_ =	sdelay $0x1  }
0x99: {  	s4 =	simm.s32 $_scs_section_size  }
0x9a: {  	s5 =	simm.s32 $_size__tile_overlayer_lowered;
	s6 =	simm.s32 $_tile_overlayer_lowered  }
0x9b: {  	s22 =	simm.s32 $0x1BFF;
	s21 =	sshll.u32 s6, $0x1;
	s3 =	sadd.s32 s4, s19  }
0x9c: {  	s7 =	simm.s32 $0x0;
	s20 =	sshll.u32 s5, $0x1;
	s5 =	sadd.s32 s21, s3  }
0x9d: {  	[timem:s7], [sflag:s22] =	dma.local [hbm:s5], s20  }
0x9e: {  	_ =	swait.ge [sflag:s22], s20  }
0x9f: {  	s4 =	ssub.s32 $0x0, s20;
	[sflag:s22] =	ssyncset.done $0x0  }
0xa0: {  	[sflag:s22] =	ssyncadd.s32 s4;
	_ =	sdelay $0x1  }
0xa1: {  	s23 =	simm.s32 $0x1B8B  }
0xa2: {  	_ =	swait.ge [sflag:s23], $0x1  }
0xa3: {  	[sflag:s23] =	ssyncset.done $0x0  }
0xa4: {  	s25 =	simm.s32 $0x1B8E;
	s24 =	sld [smem:$0x3FFE];
	[sflag:s23] =	ssyncadd.s32 $0xFFFFFFFF  }
0xa5: {  	s26 =	simm.s32 $execute0_lowered;
	[smem:$0x3FD2] =	sst s25  }
0xa6: {  	s5 =	sshll.u32 s26, $0x1;
	_ =	strace $0x80000046;
	[dreg:$0x1] =	wrdreg $0xFFFFFFFF  }
0xa7: {  	s28 =	simm.s32 $_size_execute0_lowered;
	s3 =	sadd.s32 s3, s5;
	[dreg:$0x0] =	wrdreg $0x0  }
0xa8: {  	s5 =	sshll.u32 s28, $0x1;
	[dreg:$0x2] =	wrdreg s3  }
0xa9: {  	[dreg:$0x3] =	wrdreg s5  }
0xaa: {  	[dreg:$0x4] =	wrdreg $0xC0  }
0xab: {  	_ =	task [dreg:s7], $0x5FFFF  }
0xac: {  	[dreg:$0x1] =	wrdreg $0xFFFFFFFF  }
0xad: {  	[dreg:$0x0] =	wrdreg $0x60  }
0xae: {  	[dreg:$0x2] =	wrdreg s2  }
0xaf: {  	[dreg:$0x3] =	wrdreg s24  }
0xb0: {  	[dreg:$0x4] =	wrdreg $0x1C9800  }
0xb1: {  	[dreg:$0x5] =	wrdreg $0x9  }
0xb2: {  	_ =	task.clear_ibuf [dreg:s7], $0x6FFFF;
	_ =	strace $0x90000046  }
0xb3: {  	s29 =	simm.s32 $0x9;
	_ =	strace $0x80000048  }
0xb4: {  	_ =	swait.ge [sflag:s29], $0x1  }
0xb5: {  	[sflag:s29] =	ssyncadd.s32 $0xFFFFFFFF  }
0xb6: {  	_ =	strace $0x90000048  }
0xb7: {  	_ =	sfence  }
0xb8: {  	s30 =	sld [smem:$0x0];
	_ =	sdelay $0x2  }
0xb9: {  	s31 =	sshll.u32 s1, $0xD;
	s1 =	sshrl.u32 s1, $0x2  }
0xba: {  	s3 =	sand.u32 $0x4000, s31;
	s1 =	sadd.s32 s1, s30  }
0xbb: {  	s0 =	sor.u32 s3, s0;
	s1 =	sshll.u32 s1, $0x11  }
0xbc: {  	s0 =	sor.u32 s1, s0  }
0xbd: {  	s0 =	sadd.s32 $0x8F2B, s0  }
0xbe: {  	[sflag:s0] =	ssyncadd.remote.s32 $0x1  }
0xbf: {  	_ =	sfence.sel $0xFFFF  }
0xc0: {  	[dreg:$0x0] =	wrdreg $0xFFFFFFFF;
	(pc) =	sbr.abs _section_cstart, $3  }
0xc1: {  	[dreg:$0x1] =	wrdreg $0xFFFFFFFF  }
0xc2: {  	_ =	task.clear_ibuf [dreg:s7], $0x2FFFF;
	_ =	strace $0x9FFFFFFF  }
0xc3: {  	(tm) =	ssettm $0x7FFFFFFF  }
tec
execute0_lowered:
.L_overlay_start_1:
0x0: {  	(tag) =	ssettag $0x1  }
0x1: {  	s0 =	rddreg [dreg:$0x0]  }
0x2: {  	s1 =	rddreg [dreg:$0x1]  }
0x3: {  	s2 =	rddreg [dreg:$0x2]  }
0x4: {  	s4 =	srdreg.scid;
	s17 =	stileid.u32  }
0x5: {  	s3 =	simm.s32 $0x0;
	s30 =	simm.s32 $0x1D5C0;
	s31 =	simm.s32 $0x4  }
0x6: {  	s29 =	simm.s32 $0x1DD40;
	s28 =	simm.s32 $0x3;
	s7 =	sand.u32 $0x1, s4  }
0x7: {  	s8 =	smul.u32 $0xC40, s17;
	[smem:$0x7FF] =	sst s3;
	s10 =	sadd.s32 $0x95600, s1  }
0x8: {  	s4 =	sadd.s32 $0x2600, s1;
	s5 =	sadd.s32 $0x33600, s1;
	s6 =	sadd.s32 $0x64600, s1  }
0x9: {  	s12 =	sadd.s32 $0x97000, s1;
	s19 =	sadd.s32 $0x97200, s1;
	s20 =	sadd.s32 $0x97400, s1  }
0xa: {  	s14 =	sadd.s32 $0x97600, s1;
	_ =	strace $0x80000047;
	[dreg:$0x4] =	wrdreg s12  }
0xb: {  	s9 =	smul.u32 $0xC400, s7;
	[dreg:$0x5] =	wrdreg s19;
	s13 =	ssub.s32 $0x2, s7  }
0xc: {  	[dreg:$0x6] =	wrdreg s20;
	s7 =	sshll.u32 s7, $0x4;
	s15 =	sshrl.u32 s13, $0x1  }
0xd: {  	s16 =	sshrl.u32 s8, $0x3;
	s24 =	sadd.s32 $0x620, s8;
	s7 =	sor.u32 s17, s7  }
0xe: {  	s11 =	sadd.s32 s8, s9;
	s13 =	ssub.s32 s13, s15;
	s21 =	sadd.s32 s0, s16  }
0xf: {  	s22 =	sadd.s32 s10, s16;
	s25 =	sshrl.u32 s24, $0x3;
	s26 =	sadd.s32 s9, s24  }
0x10: {  	s7 =	smul.u32 $0xC400, s7;
	s15 =	sshrl.u32 s9, $0x3;
	[dreg:$0x7] =	wrdreg s21  }
0x11: {  	s9 =	simm.s32 $0x18800;
	s11 =	sshrl.u32 s11, $0x3;
	[dreg:$0x8] =	wrdreg s22  }
0x12: {  	s0 =	sadd.s32 s0, s25;
	s10 =	sadd.s32 s10, s25;
	s21 =	sadd.s32 s8, s2  }
0x13: {  	s16 =	sadd.s32 s14, s15;
	s8 =	simm.s32 $0xC400;
	[dreg:$0xb] =	wrdreg s0  }
0x14: {  	s12 =	sadd.s32 s11, s1;
	s1 =	sadd.s32 $0x9A800, s1;
	[dreg:$0xc] =	wrdreg s10  }
0x15: {  	s23 =	sadd.s32 s14, s11;
	s0 =	sshrl.u32 s26, $0x3;
	[dreg:$0x10] =	wrdreg s16  }
0x16: {  	s17 =	sshrl.u32 s7, $0x3;
	s24 =	sadd.s32 $0x400, s7;
	s25 =	sadd.s32 $0x800, s7  }
0x17: {  	s26 =	sadd.s32 $0xC00, s7;
	s10 =	simm.s32 $0x1BD00;
	[dreg:$0xf] =	wrdreg s21  }
0x18: {  	s7 =	simm.s32 $0x1B800;
	[dreg:$0x9] =	wrdreg s23;
	s11 =	sadd.s32 s1, s11  }
0x19: {  	s16 =	simm.s32 $0x400;
	s18 =	sadd.s32 s4, s17;
	[dreg:$0xa] =	wrdreg s11  }
0x1a: {  	s19 =	sadd.s32 s5, s17;
	s20 =	sadd.s32 s6, s17;
	[dreg:$0x12] =	wrdreg s18  }
0x1b: {  	s22 =	sadd.s32 $0x9DA00, s12;
	s23 =	smax.u32 s13, $0x1;
	[dreg:$0x13] =	wrdreg s19  }
0x1c: {  	s12 =	simm.s32 $0x18C00;
	s17 =	simm.s32 $0x1AC00;
	[dreg:$0x14] =	wrdreg s20  }
0x1d: {  	s13 =	simm.s32 $0x0;
	s11 =	sadd.s32 s14, s0;
	[dreg:$0x15] =	wrdreg s22  }
0x1e: {  	s0 =	sadd.s32 s1, s0;
	[dreg:$0x16] =	wrdreg s23;
	s23 =	simm.s32 $0x1D6C0  }
0x1f: {  	s19 =	simm.s32 $0x19000;
	s22 =	simm.s32 $0x2;
	[dreg:$0xd] =	wrdreg s11  }
0x20: {  	[dreg:$0xe] =	wrdreg s0;
	s0 =	sadd.s32 s1, s15;
	s11 =	simm.s32 $0x1A000  }
0x21: {  	v0 =	vimm.f32 $0.0e+00;
	s15 =	simm.s32 $0x1;
	[dreg:$0x11] =	wrdreg s0;
	s0 =	simm.s32 $0x1D640  }
.LBB2_1:
0x22: {  	[dreg:$0x17] =	wrdreg s13  }
0x23: {  	s1 =	rddreg [dreg:$0x4]  }
0x24: {  	[tilespmem:s30], [sflag:$0x4] =	stream.linear.gather [hbm4b:s1+s3], $0x80, $0x38;
	[tilespmem:$0x1F0C0] =	vst v63  }
0x25: {  	_ =	swait.ge [sflag:s31], $0x80  }
0x26: {  	[sflag:s31] =	ssyncset.done $0x0  }
0x27: {  	s18 =	rddreg [dreg:$0x5];
	[sflag:s31] =	ssyncadd.s32 $0xFFFFFF80  }
0x28: {  	[tilespmem:s0], [sflag:$0x4] =	stream.linear.gather [hbm4b:s18+s3], $0x80, $0x38;
	[tilespmem:$0x1F0C0] =	vst v63  }
0x29: {  	_ =	swait.ge [sflag:s31], $0x80  }
0x2a: {  	[sflag:s31] =	ssyncset.done $0x0  }
0x2b: {  	s20 =	rddreg [dreg:$0x7];
	[sflag:s31] =	ssyncadd.s32 $0xFFFFFF80  }
0x2c: {  	[tilespmem:s23], [sflag:$0x4] =	stream.linear.gather [hbm4b:s20+s3], $0x620, $0x38;
	[tilespmem:$0x1F0C0] =	vst v63  }
0x2d: {  	_ =	swait.ge [sflag:s31], $0x620  }
0x2e: {  	[sflag:s31] =	ssyncset.done $0x0  }
0x2f: {  	s13 =	rddreg [dreg:$0x8];
	[sflag:s31] =	ssyncadd.s32 $0xFFFFF9E0  }
0x30: {  	[tilespmem:s29], [sflag:$0x4] =	stream.linear.gather [hbm4b:s13+s3], $0x620, $0x38;
	[tilespmem:$0x1F0C0] =	vst v63  }
0x31: {  	_ =	swait.ge [sflag:s31], $0x620  }
0x32: {  	[sflag:s31] =	ssyncset.done $0x0  }
0x33: {  	s14 =	simm.s32 $0x1D6E0;
	[sflag:s31] =	ssyncadd.s32 $0xFFFFF9E0  }
0x34: {  	v1 =	vld [tilespmem:s14+$0x10]  }
0x35: {  	v2 =	vld [tilespmem:s14+$0xFFFFFFF0]  }
0x36: {  	v3 =	vld [tilespmem:s14+$0xFFFFFFE0]  }
0x37: {  	s18 =	simm.s32 $0x1DD60;
	v4 =	vld [tilespmem:s14+$0x0]  }
0x38: {  	v13 =	vld [tilespmem:s18+$0x10]  }
0x39: {  	s20 =	simm.s32 $0x1D720;
	v11 =	vld [tilespmem:s18+$0xFFFFFFE0]  }
0x3a: {  	v9 =	vld [tilespmem:s20+$0xFFFFFFF0]  }
0x3b: {  	v12 =	vld [tilespmem:s20+$0x0];
	v5 =	vadd.s32 $0xFFFFFFFF, v1  }
0x3c: {  	v14 =	vld [tilespmem:s20+$0xFFFFFFE0];
	v6 =	vadd.s32 $0xFFFFFFFF, v2;
	v2 =	vadd.s32 $0xFFFFFFFF, v3  }
0x3d: {  	v15 =	vld [tilespmem:s18+$0xFFFFFFF0]  }
0x3e: {  	v1 =	vld [tilespmem:s20+$0x10]  }
0x3f: {  	v16 =	vld [tilespmem:s18+$0x0];
	v3 =	vadd.s32 $0xFFFFFFFF, v4  }
0x40: {  	v4 =	vld.idx.msk [tilespmem:v5+s0+$0x0], $0xffff  }
0x41: {  	v8 =	vld.idx.msk [tilespmem:v2+s0+$0x0], $0xffff  }
0x42: {  	v17 =	vld.idx.msk [tilespmem:v2+s30+$0x0], $0xffff  }
0x43: {  	v7 =	vld.idx.msk [tilespmem:v6+s0+$0x0], $0xffff;
	v1 =	vadd.s32 $0xFFFFFFFF, v1  }
0x44: {  	v10 =	vld.idx.msk [tilespmem:v3+s0+$0x0], $0xffff  }
0x45: {  	v6 =	vld.idx.msk [tilespmem:v6+s30+$0x0], $0xffff  }
0x46: {  	v2 =	vadd.s32 $0xFFFFFFFF, v9;
	v19 =	vld.idx.msk [tilespmem:v5+s30+$0x0], $0xffff;
	v18 =	vmul.f32 v4, v13  }
0x47: {  	v8 =	vmul.f32 v8, v11;
	v4 =	vadd.s32 $0xFFFFFFFF, v14;
	v14 =	vld.idx.msk [tilespmem:v3+s30+$0x0], $0xffff;
	v17 =	vmul.f32 v17, v11  }
0x48: {  	s13 =	simm.s32 $0x1E3E0;
	s14 =	simm.s32 $0x1DDA0;
	v3 =	vadd.s32 $0xFFFFFFFF, v12;
	v7 =	vmul.f32 v7, v15;
	v9 =	vld.idx.msk [tilespmem:v1+s0+$0x0], $0xffff;
	v18 =	vmul.f32 v18, v13  }
0x49: {  	s1 =	simm.s32 $0x1EA60;
	v10 =	vmul.f32 v10, v16;
	v5 =	vmul.f32 v8, v11;
	v8 =	vld [tilespmem:s14+$0x10];
	[tilespmem:s13+$0xFFFFFFE0] =	vst v17  }
0x4a: {  	v7 =	vmul.f32 v7, v15;
	v11 =	vmul.f32 v6, v15;
	v6 =	vld [tilespmem:s14+$0xFFFFFFE0];
	[tilespmem:s1+$0x10] =	vst v18  }
0x4b: {  	v12 =	vmul.f32 v10, v16;
	[tilespmem:s1+$0xFFFFFFE0] =	vst v5;
	v5 =	vld.idx.msk [tilespmem:v2+s0+$0x0], $0xffff  }
0x4c: {  	[tilespmem:s1+$0xFFFFFFF0] =	vst v7;
	v10 =	vld.idx.msk [tilespmem:v4+s0+$0x0], $0xffff  }
0x4d: {  	s18 =	simm.s32 $0x4;
	s20 =	simm.s32 $0x1D760;
	v13 =	vmul.f32 v19, v13;
	[tilespmem:s1+$0x0] =	vst v12;
	v7 =	vld.idx.msk [tilespmem:v3+s0+$0x0], $0xffff;
	v12 =	vmul.f32 v14, v16  }
.LBB2_2:
0x4e: {  	v14 =	vld [tilespmem:s20+$0x10];
	s18 =	sadd.s32 $0x4, s18;
	v9 =	vmul.f32 v9, v8;
	[tilespmem:s13+$0xFFFFFFF0] =	vst v11;
	v15 =	vmov v8  }
0x4f: {  	v8 =	vld [tilespmem:s20+$0xFFFFFFF0];
	p0 =	slt.u32 s18, $0x5C;
	[tilespmem:s13+$0x0] =	vst v12  }
0x50: {  	v11 =	vld [tilespmem:s20+$0x0];
	v9 =	vmul.f32 v9, v15;
	[tilespmem:s13+$0x10] =	vst v13  }
0x51: {  	s1 =	sadd.s32 $0x40, s1;
	v12 =	vld [tilespmem:s20+$0xFFFFFFE0]  }
0x52: {  	v10 =	vmul.f32 v10, v6;
	v13 =	vld [tilespmem:s14+$0xFFFFFFF0];
	[tilespmem:s1+$0x10] =	vst v9  }
0x53: {  	v9 =	vadd.s32 $0xFFFFFFFF, v14;
	v14 =	vld [tilespmem:s14+$0x0]  }
0x54: {  	v8 =	vadd.s32 $0xFFFFFFFF, v8;
	v16 =	vld.idx.msk [tilespmem:v4+s30+$0x0], $0xffff;
	v10 =	vmul.f32 v10, v6  }
0x55: {  	v11 =	vadd.s32 $0xFFFFFFFF, v11;
	v17 =	vld.idx.msk [tilespmem:v2+s30+$0x0], $0xffff;
	v2 =	vmov v8  }
0x56: {  	v4 =	vadd.s32 $0xFFFFFFFF, v12;
	[tilespmem:s1+$0xFFFFFFE0] =	vst v10;
	v12 =	vld.idx.msk [tilespmem:v3+s30+$0x0], $0xffff;
	v3 =	vmov v11  }
0x57: {  	v5 =	vmul.f32 v5, v13;
	v18 =	vld.idx.msk [tilespmem:v1+s30+$0x0], $0xffff;
	v1 =	vmov v9  }
0x58: {  	s14 =	sadd.s32 $0x40, s14;
	v9 =	vld.idx.msk [tilespmem:v9+s0+$0x0], $0xffff;
	v7 =	vmul.f32 v7, v14  }
.Ltmp0:
0x59: {  	v8 =	vld [tilespmem:s14+$0x10];
	v19 =	vmul.f32 v5, v13;
	(pc) =	sbr.rel @p0 .LBB2_2-.Ltmp0, $4  }
0x5a: {  	v16 =	vmul.f32 v16, v6;
	v5 =	vld.idx.msk [tilespmem:v2+s0+$0x0], $0xffff;
	v6 =	vmul.f32 v7, v14  }
0x5b: {  	v11 =	vmul.f32 v17, v13;
	v10 =	vld.idx.msk [tilespmem:v4+s0+$0x0], $0xffff;
	[tilespmem:s1+$0xFFFFFFF0] =	vst v19  }
0x5c: {  	s13 =	sadd.s32 $0x40, s13;
	v12 =	vmul.f32 v12, v14;
	v7 =	vld.idx.msk [tilespmem:v3+s0+$0x0], $0xffff;
	[tilespmem:s1+$0x0] =	vst v6  }
0x5d: {  	s20 =	sadd.s32 $0x40, s20;
	v13 =	vmul.f32 v18, v15;
	v6 =	vld [tilespmem:s14+$0xFFFFFFE0];
	[tilespmem:s13+$0xFFFFFFE0] =	vst v16  }
0x5e: {  	_ =	sdelay $0x1  }
0x5f: {  	v14 =	vld [tilespmem:s14+$0xFFFFFFF0]  }
0x60: {  	v15 =	vld [tilespmem:s14+$0x0]  }
0x61: {  	v4 =	vld.idx.msk [tilespmem:v4+s30+$0x0], $0xffff  }
0x62: {  	v2 =	vld.idx.msk [tilespmem:v2+s30+$0x0], $0xffff  }
0x63: {  	v9 =	vmul.f32 v9, v8;
	v3 =	vld.idx.msk [tilespmem:v3+s30+$0x0], $0xffff  }
0x64: {  	[tilespmem:s13+$0xFFFFFFF0] =	vst v11;
	v1 =	vld.idx.msk [tilespmem:v1+s30+$0x0], $0xffff  }
0x65: {  	[tilespmem:s13+$0x0] =	vst v12;
	v9 =	vmul.f32 v9, v8  }
0x66: {  	s1 =	sadd.s32 $0x40, s1;
	[tilespmem:s13+$0x10] =	vst v13;
	v4 =	vmul.f32 v4, v6  }
0x67: {  	s20 =	sadd.s32 $0x40, s13;
	[tilespmem:s1+$0x10] =	vst v9;
	v2 =	vmul.f32 v2, v14  }
0x68: {  	v10 =	vmul.f32 v10, v6;
	v3 =	vmul.f32 v3, v15;
	[tilespmem:s20+$0xFFFFFFE0] =	vst v4  }
0x69: {  	v5 =	vmul.f32 v5, v14;
	v1 =	vmul.f32 v1, v8;
	[tilespmem:s20+$0xFFFFFFF0] =	vst v2  }
0x6a: {  	v7 =	vmul.f32 v7, v15;
	v10 =	vmul.f32 v10, v6;
	[tilespmem:s20+$0x0] =	vst v3  }
0x6b: {  	v5 =	vmul.f32 v5, v14;
	[tilespmem:s20+$0x10] =	vst v1  }
0x6c: {  	v7 =	vmul.f32 v7, v15;
	[tilespmem:s1+$0xFFFFFFE0] =	vst v10  }
0x6d: {  	[tilespmem:s1+$0xFFFFFFF0] =	vst v5  }
0x6e: {  	[tilespmem:s1+$0x0] =	vst v7;
	s1 =	simm.s32 $0x0  }
.LBB2_4:
0x6f: {  	s13 =	sshra.s32 s1, $0x2  }
0x70: {  	v1 =	vld [tilespmem:s13+$0x1DCC0];
	_ =	sdelay $0x4  }
0x71: {  	v1 =	vadd.s32 $0xFFFFFFFF, v1;
	_ =	sdelay $0x3  }
0x72: {  	v2 =	vld [tilespmem:s13+$0x1E340]  }
0x73: {  	v3 =	vld.idx.msk [tilespmem:v1+s0+$0x0], $0xffff  }
0x74: {  	v1 =	vld.idx.msk [tilespmem:v1+s30+$0x0], $0xffff;
	_ =	sdelay $0x2  }
0x75: {  	p0 =	sne.s32 s1, $0x40  }
.Ltmp1:
0x76: {  	v3 =	vmul.f32 v3, v2;
	(pc) =	sbr.rel @p0 .LBB2_4-.Ltmp1, $4  }
0x77: {  	v1 =	vmul.f32 v1, v2  }
0x78: {  	v2 =	vmul.f32 v3, v2  }
0x79: {  	[tilespmem:s13+$0x1E9C0] =	vst v1  }
0x7a: {  	s1 =	sadd.s32 $0x40, s1;
	[tilespmem:s13+$0x1F040] =	vst v2  }
0x7b: {  	s1 =	rddreg [dreg:$0x9];
	s13 =	simm.s32 $0x1E3C0  }
0x7c: {  	[hbm4b:s1+s3] =	stream.linear.scatter [tilespmem:s13], [sflag:$0x4], $0x620, $0x38;
	[tilespmem:$0x1F0C0] =	vst v63  }
0x7d: {  	_ =	swait.ge [sflag:s31], $0x620  }
0x7e: {  	[sflag:s31] =	ssyncset.done $0x0  }
0x7f: {  	s20 =	simm.s32 $0x1EA40;
	s18 =	rddreg [dreg:$0xa];
	[sflag:s31] =	ssyncadd.s32 $0xFFFFF9E0  }
0x80: {  	[hbm4b:s18+s3] =	stream.linear.scatter [tilespmem:s20], [sflag:$0x4], $0x620, $0x38;
	[tilespmem:$0x1F0C0] =	vst v63  }
0x81: {  	_ =	swait.ge [sflag:s31], $0x620  }
0x82: {  	[sflag:s31] =	ssyncset.done $0x0  }
0x83: {  	s14 =	rddreg [dreg:$0xb];
	[sflag:s31] =	ssyncadd.s32 $0xFFFFF9E0  }
0x84: {  	[tilespmem:s23], [sflag:$0x4] =	stream.linear.gather [hbm4b:s14+s3], $0x620, $0x38;
	[tilespmem:$0x1F0C0] =	vst v63  }
0x85: {  	_ =	swait.ge [sflag:s31], $0x620  }
0x86: {  	[sflag:s31] =	ssyncset.done $0x0  }
0x87: {  	s18 =	rddreg [dreg:$0xc];
	[sflag:s31] =	ssyncadd.s32 $0xFFFFF9E0  }
0x88: {  	[tilespmem:s29], [sflag:$0x4] =	stream.linear.gather [hbm4b:s18+s3], $0x620, $0x38;
	[tilespmem:$0x1F0C0] =	vst v63  }
0x89: {  	_ =	swait.ge [sflag:s31], $0x620  }
0x8a: {  	[sflag:s31] =	ssyncset.done $0x0  }
0x8b: {  	s20 =	simm.s32 $0x1D6E0;
	[sflag:s31] =	ssyncadd.s32 $0xFFFFF9E0  }
0x8c: {  	v1 =	vld [tilespmem:s20+$0x10]  }
0x8d: {  	v2 =	vld [tilespmem:s20+$0xFFFFFFF0]  }
0x8e: {  	v3 =	vld [tilespmem:s20+$0xFFFFFFE0]  }
0x8f: {  	s23 =	simm.s32 $0x1DD60;
	v4 =	vld [tilespmem:s20+$0x0]  }
0x90: {  	v13 =	vld [tilespmem:s23+$0x10]  }
0x91: {  	s29 =	simm.s32 $0x1D720;
	v11 =	vld [tilespmem:s23+$0xFFFFFFE0]  }
0x92: {  	v9 =	vld [tilespmem:s29+$0xFFFFFFF0]  }
0x93: {  	v12 =	vld [tilespmem:s29+$0x0];
	v5 =	vadd.s32 $0xFFFFFFFF, v1  }
0x94: {  	v14 =	vld [tilespmem:s29+$0xFFFFFFE0];
	v6 =	vadd.s32 $0xFFFFFFFF, v2;
	v2 =	vadd.s32 $0xFFFFFFFF, v3  }
0x95: {  	v15 =	vld [tilespmem:s23+$0xFFFFFFF0]  }
0x96: {  	v1 =	vld [tilespmem:s29+$0x10]  }
0x97: {  	v16 =	vld [tilespmem:s23+$0x0];
	v3 =	vadd.s32 $0xFFFFFFFF, v4  }
0x98: {  	v4 =	vld.idx.msk [tilespmem:v5+s0+$0x0], $0xffff  }
0x99: {  	v8 =	vld.idx.msk [tilespmem:v2+s0+$0x0], $0xffff  }
0x9a: {  	v17 =	vld.idx.msk [tilespmem:v2+s30+$0x0], $0xffff  }
0x9b: {  	v7 =	vld.idx.msk [tilespmem:v6+s0+$0x0], $0xffff;
	v1 =	vadd.s32 $0xFFFFFFFF, v1  }
0x9c: {  	v10 =	vld.idx.msk [tilespmem:v3+s0+$0x0], $0xffff  }
0x9d: {  	v6 =	vld.idx.msk [tilespmem:v6+s30+$0x0], $0xffff  }
0x9e: {  	v2 =	vadd.s32 $0xFFFFFFFF, v9;
	v19 =	vld.idx.msk [tilespmem:v5+s30+$0x0], $0xffff;
	v18 =	vmul.f32 v4, v13  }
0x9f: {  	v8 =	vmul.f32 v8, v11;
	v4 =	vadd.s32 $0xFFFFFFFF, v14;
	v14 =	vld.idx.msk [tilespmem:v3+s30+$0x0], $0xffff;
	v17 =	vmul.f32 v17, v11  }
0xa0: {  	s13 =	simm.s32 $0x1E3E0;
	s14 =	simm.s32 $0x1DDA0;
	v3 =	vadd.s32 $0xFFFFFFFF, v12;
	v7 =	vmul.f32 v7, v15;
	v9 =	vld.idx.msk [tilespmem:v1+s0+$0x0], $0xffff;
	v18 =	vmul.f32 v18, v13  }
0xa1: {  	s1 =	simm.s32 $0x1EA60;
	v10 =	vmul.f32 v10, v16;
	v5 =	vmul.f32 v8, v11;
	v8 =	vld [tilespmem:s14+$0x10];
	[tilespmem:s13+$0xFFFFFFE0] =	vst v17  }
0xa2: {  	v7 =	vmul.f32 v7, v15;
	v11 =	vmul.f32 v6, v15;
	v6 =	vld [tilespmem:s14+$0xFFFFFFE0];
	[tilespmem:s1+$0x10] =	vst v18  }
0xa3: {  	v12 =	vmul.f32 v10, v16;
	[tilespmem:s1+$0xFFFFFFE0] =	vst v5;
	v5 =	vld.idx.msk [tilespmem:v2+s0+$0x0], $0xffff  }
0xa4: {  	[tilespmem:s1+$0xFFFFFFF0] =	vst v7;
	v10 =	vld.idx.msk [tilespmem:v4+s0+$0x0], $0xffff  }
0xa5: {  	s18 =	simm.s32 $0x4;
	s20 =	simm.s32 $0x1D760;
	v13 =	vmul.f32 v19, v13;
	[tilespmem:s1+$0x0] =	vst v12;
	v7 =	vld.idx.msk [tilespmem:v3+s0+$0x0], $0xffff;
	v12 =	vmul.f32 v14, v16  }
.LBB2_6:
0xa6: {  	v14 =	vld [tilespmem:s20+$0x10];
	s18 =	sadd.s32 $0x4, s18;
	v9 =	vmul.f32 v9, v8;
	[tilespmem:s13+$0xFFFFFFF0] =	vst v11;
	v15 =	vmov v8  }
0xa7: {  	v8 =	vld [tilespmem:s20+$0xFFFFFFF0];
	p0 =	slt.u32 s18, $0x5C;
	[tilespmem:s13+$0x0] =	vst v12  }
0xa8: {  	v11 =	vld [tilespmem:s20+$0x0];
	v9 =	vmul.f32 v9, v15;
	[tilespmem:s13+$0x10] =	vst v13  }
0xa9: {  	s1 =	sadd.s32 $0x40, s1;
	v12 =	vld [tilespmem:s20+$0xFFFFFFE0]  }
0xaa: {  	v10 =	vmul.f32 v10, v6;
	v13 =	vld [tilespmem:s14+$0xFFFFFFF0];
	[tilespmem:s1+$0x10] =	vst v9  }
0xab: {  	v9 =	vadd.s32 $0xFFFFFFFF, v14;
	v14 =	vld [tilespmem:s14+$0x0]  }
0xac: {  	v8 =	vadd.s32 $0xFFFFFFFF, v8;
	v16 =	vld.idx.msk [tilespmem:v4+s30+$0x0], $0xffff;
	v10 =	vmul.f32 v10, v6  }
0xad: {  	v11 =	vadd.s32 $0xFFFFFFFF, v11;
	v17 =	vld.idx.msk [tilespmem:v2+s30+$0x0], $0xffff;
	v2 =	vmov v8  }
0xae: {  	v4 =	vadd.s32 $0xFFFFFFFF, v12;
	[tilespmem:s1+$0xFFFFFFE0] =	vst v10;
	v12 =	vld.idx.msk [tilespmem:v3+s30+$0x0], $0xffff;
	v3 =	vmov v11  }
0xaf: {  	v5 =	vmul.f32 v5, v13;
	v18 =	vld.idx.msk [tilespmem:v1+s30+$0x0], $0xffff;
	v1 =	vmov v9  }
0xb0: {  	s14 =	sadd.s32 $0x40, s14;
	v9 =	vld.idx.msk [tilespmem:v9+s0+$0x0], $0xffff;
	v7 =	vmul.f32 v7, v14  }
.Ltmp2:
0xb1: {  	v8 =	vld [tilespmem:s14+$0x10];
	v19 =	vmul.f32 v5, v13;
	(pc) =	sbr.rel @p0 .LBB2_6-.Ltmp2, $4  }
0xb2: {  	v16 =	vmul.f32 v16, v6;
	v5 =	vld.idx.msk [tilespmem:v2+s0+$0x0], $0xffff;
	v6 =	vmul.f32 v7, v14  }
0xb3: {  	v11 =	vmul.f32 v17, v13;
	v10 =	vld.idx.msk [tilespmem:v4+s0+$0x0], $0xffff;
	[tilespmem:s1+$0xFFFFFFF0] =	vst v19  }
0xb4: {  	s13 =	sadd.s32 $0x40, s13;
	v12 =	vmul.f32 v12, v14;
	v7 =	vld.idx.msk [tilespmem:v3+s0+$0x0], $0xffff;
	[tilespmem:s1+$0x0] =	vst v6  }
0xb5: {  	s20 =	sadd.s32 $0x40, s20;
	v13 =	vmul.f32 v18, v15;
	v6 =	vld [tilespmem:s14+$0xFFFFFFE0];
	[tilespmem:s13+$0xFFFFFFE0] =	vst v16  }
0xb6: {  	_ =	sdelay $0x1  }
0xb7: {  	v14 =	vld [tilespmem:s14+$0xFFFFFFF0]  }
0xb8: {  	v15 =	vld [tilespmem:s14+$0x0]  }
0xb9: {  	v4 =	vld.idx.msk [tilespmem:v4+s30+$0x0], $0xffff  }
0xba: {  	v2 =	vld.idx.msk [tilespmem:v2+s30+$0x0], $0xffff  }
0xbb: {  	v9 =	vmul.f32 v9, v8;
	v3 =	vld.idx.msk [tilespmem:v3+s30+$0x0], $0xffff  }
0xbc: {  	[tilespmem:s13+$0xFFFFFFF0] =	vst v11;
	v1 =	vld.idx.msk [tilespmem:v1+s30+$0x0], $0xffff  }
0xbd: {  	[tilespmem:s13+$0x0] =	vst v12;
	v9 =	vmul.f32 v9, v8  }
0xbe: {  	s1 =	sadd.s32 $0x40, s1;
	[tilespmem:s13+$0x10] =	vst v13;
	v4 =	vmul.f32 v4, v6  }
0xbf: {  	s29 =	sadd.s32 $0x40, s13;
	[tilespmem:s1+$0x10] =	vst v9;
	v2 =	vmul.f32 v2, v14  }
0xc0: {  	v10 =	vmul.f32 v10, v6;
	v3 =	vmul.f32 v3, v15;
	[tilespmem:s29+$0xFFFFFFE0] =	vst v4  }
0xc1: {  	v5 =	vmul.f32 v5, v14;
	v1 =	vmul.f32 v1, v8;
	[tilespmem:s29+$0xFFFFFFF0] =	vst v2  }
0xc2: {  	v7 =	vmul.f32 v7, v15;
	v10 =	vmul.f32 v10, v6;
	[tilespmem:s29+$0x0] =	vst v3  }
0xc3: {  	v5 =	vmul.f32 v5, v14;
	[tilespmem:s29+$0x10] =	vst v1  }
0xc4: {  	v7 =	vmul.f32 v7, v15;
	[tilespmem:s1+$0xFFFFFFE0] =	vst v10  }
0xc5: {  	[tilespmem:s1+$0xFFFFFFF0] =	vst v5  }
0xc6: {  	[tilespmem:s1+$0x0] =	vst v7;
	s1 =	simm.s32 $0x0  }
.LBB2_8:
0xc7: {  	s13 =	sshra.s32 s1, $0x2  }
0xc8: {  	v1 =	vld [tilespmem:s13+$0x1DCC0];
	_ =	sdelay $0x4  }
0xc9: {  	v1 =	vadd.s32 $0xFFFFFFFF, v1;
	_ =	sdelay $0x3  }
0xca: {  	v2 =	vld [tilespmem:s13+$0x1E340]  }
0xcb: {  	v3 =	vld.idx.msk [tilespmem:v1+s0+$0x0], $0xffff  }
0xcc: {  	v1 =	vld.idx.msk [tilespmem:v1+s30+$0x0], $0xffff;
	_ =	sdelay $0x2  }
0xcd: {  	p0 =	sne.s32 s1, $0x40  }
.Ltmp3:
0xce: {  	v3 =	vmul.f32 v3, v2;
	(pc) =	sbr.rel @p0 .LBB2_8-.Ltmp3, $4  }
0xcf: {  	v1 =	vmul.f32 v1, v2  }
0xd0: {  	v2 =	vmul.f32 v3, v2  }
0xd1: {  	[tilespmem:s13+$0x1E9C0] =	vst v1  }
0xd2: {  	s1 =	sadd.s32 $0x40, s1;
	[tilespmem:s13+$0x1F040] =	vst v2  }
0xd3: {  	s1 =	rddreg [dreg:$0xd];
	s13 =	simm.s32 $0x1E3C0  }
0xd4: {  	[hbm4b:s1+s3] =	stream.linear.scatter [tilespmem:s13], [sflag:$0x4], $0x620, $0x38;
	[tilespmem:$0x1F0C0] =	vst v63  }
0xd5: {  	_ =	swait.ge [sflag:s31], $0x620  }
0xd6: {  	[sflag:s31] =	ssyncset.done $0x0  }
0xd7: {  	s29 =	simm.s32 $0x1EA40;
	s23 =	rddreg [dreg:$0xe];
	[sflag:s31] =	ssyncadd.s32 $0xFFFFF9E0  }
0xd8: {  	[hbm4b:s23+s3] =	stream.linear.scatter [tilespmem:s29], [sflag:$0x4], $0x620, $0x38;
	[tilespmem:$0x1F0C0] =	vst v63  }
0xd9: {  	_ =	swait.ge [sflag:s31], $0x620  }
0xda: {  	[sflag:s31] =	ssyncset.done $0x0  }
0xdb: {  	s1 =	simm.s32 $0x1BD20;
	[sflag:s31] =	ssyncadd.s32 $0xFFFFF9E0  }
0xdc: {  	[tilespmem:s1+$0xFFFFFFE0] =	vst v0  }
0xdd: {  	[tilespmem:s1+$0x10] =	vst v0  }
0xde: {  	s13 =	simm.s32 $0x0;
	[tilespmem:s1+$0x0] =	vst v0  }
.LBB2_10:
0xdf: {  	s13 =	sadd.s32 $0x4, s13  }
0xe0: {  	[tilespmem:s1+$0xFFFFFFF0] =	vst v0;
	s1 =	sadd.s32 $0x40, s1;
	p0 =	slt.u32 s13, $0xC0  }
.Ltmp4:
0xe1: {  	[tilespmem:s1+$0xFFFFFFE0] =	vst v0;
	(pc) =	sbr.rel @p0 .LBB2_10-.Ltmp4, $3  }
0xe2: {  	_ =	sdelay $0x1  }
0xe3: {  	[tilespmem:s1+$0x10] =	vst v0  }
0xe4: {  	[tilespmem:s1+$0x0] =	vst v0  }
0xe5: {  	[tilespmem:s1+$0xFFFFFFF0] =	vst v0  }
0xe6: {  	[spmem:s21] =	stream.linear.scatter [tilespmem:s10], [sflag:$0x4], $0xC40, $0x38;
	[tilespmem:$0x1F0C0] =	vst v63  }
0xe7: {  	_ =	swait.ge [sflag:s31], $0xC40  }
0xe8: {  	[sflag:s31] =	ssyncset.done $0x0  }
0xe9: {  	[sflag:s31] =	ssyncadd.s32 $0xFFFFF3C0  }
0xea: {  	[bflag:$0x0] =	sbarrier.arrive $0xFFFF  }
0xeb: {  	s18 =	simm.s32 $0x0;
	s13 =	rddreg [dreg:$0x6]  }
0xec: {  	[tilespmem:s7], [sflag:$0x4] =	stream.linear.gather [hbm4b:s13+s18], $0x500, $0x38;
	[tilespmem:$0x1F0C0] =	vst v63  }
0xed: {  	_ =	swait.ge [sflag:s31], $0x500  }
0xee: {  	[sflag:s31] =	ssyncset.done $0x0  }
0xef: {  	s14 =	rddreg [dreg:$0x10];
	[sflag:s31] =	ssyncadd.s32 $0xFFFFFB00  }
0xf0: {  	[tilespmem:s18], [sflag:$0x4] =	stream.linear.gather [hbm4b:s14+s18], $0xC400, $0x38;
	[tilespmem:$0x1F0C0] =	vst v63  }
0xf1: {  	_ =	swait.ge [sflag:s31], $0xC400  }
0xf2: {  	[sflag:s31] =	ssyncset.done $0x0  }
0xf3: {  	s20 =	rddreg [dreg:$0x11];
	[sflag:s31] =	ssyncadd.s32 $0xFFFF3C00  }
0xf4: {  	[tilespmem:s8], [sflag:$0x4] =	stream.linear.gather [hbm4b:s20+s18], $0xC400, $0x38;
	[tilespmem:$0x1F0C0] =	vst v63  }
0xf5: {  	_ =	swait.ge [sflag:s31], $0xC400  }
0xf6: {  	[sflag:s31] =	ssyncset.done $0x0  }
0xf7: {  	s21 =	rddreg [dreg:$0x12];
	[sflag:s31] =	ssyncadd.s32 $0xFFFF3C00  }
0xf8: {  	[tilespmem:s9], [sflag:$0x1] =	stream.linear.gather [hbm4b:s21+s18], $0x400, $0x38;
	[tilespmem:$0x1F0C0] =	vst v63  }
0xf9: {  	s10 =	simm.s32 $0x19400;
	s23 =	rddreg [dreg:$0x13]  }
0xfa: {  	[tilespmem:s10], [sflag:$0x1] =	stream.linear.gather [hbm4b:s23+s18], $0x400, $0x38;
	[tilespmem:$0x1F0C0] =	vst v63  }
0xfb: {  	s29 =	rddreg [dreg:$0x14]  }
0xfc: {  	[tilespmem:s11], [sflag:$0x1] =	stream.linear.gather [hbm4b:s29+s18], $0x400, $0x38;
	[tilespmem:$0x1F0C0] =	vst v63  }
.LBB2_12:
0xfd: {  	s1 =	smul.u32 $0xC00, s18;
	_ =	sdelay $0x1  }
0xfe: {  	s13 =	sadd.s32 s1, s24  }
0xff: {  	s13 =	sshrl.u32 s13, $0x3  }
0x100: {  	s14 =	sadd.s32 s4, s13  }
0x101: {  	[tilespmem:s12], [sflag:$0x2] =	stream.linear.gather [hbm4b:s14+s3], $0x400, $0x38;
	[tilespmem:$0x1F0C0] =	vst v63  }
0x102: {  	s20 =	simm.s32 $0x19800;
	s23 =	sadd.s32 s5, s13  }
0x103: {  	[tilespmem:s20], [sflag:$0x2] =	stream.linear.gather [hbm4b:s23+s3], $0x400, $0x38;
	[tilespmem:$0x1F0C0] =	vst v63  }
0x104: {  	s21 =	simm.s32 $0x1A400;
	s13 =	sadd.s32 s6, s13  }
0x105: {  	[tilespmem:s21], [sflag:$0x2] =	stream.linear.gather [hbm4b:s13+s3], $0x400, $0x38;
	[tilespmem:$0x1F0C0] =	vst v63  }
0x106: {  	_ =	swait.ge [sflag:s15], $0x400  }
0x107: {  	[sflag:s15] =	ssyncset.done $0x0  }
0x108: {  	[sflag:s15] =	ssyncadd.s32 $0xFFFFFC00  }
0x109: {  	_ =	swait.ge [sflag:s15], $0x400  }
0x10a: {  	[sflag:s15] =	ssyncset.done $0x0  }
0x10b: {  	[sflag:s15] =	ssyncadd.s32 $0xFFFFFC00  }
0x10c: {  	_ =	swait.ge [sflag:s15], $0x400  }
0x10d: {  	[sflag:s15] =	ssyncset.done $0x0  }
0x10e: {  	s23 =	simm.s32 $0x18820;
	[sflag:s15] =	ssyncadd.s32 $0xFFFFFC00  }
0x10f: {  	s20 =	simm.s32 $0x19420;
	v29 =	vld [tilespmem:s23+$0x10]  }
0x110: {  	v30 =	vld [tilespmem:s20+$0x10]  }
0x111: {  	v8 =	vld [tilespmem:s23+$0xFFFFFFF0]  }
0x112: {  	v9 =	vld [tilespmem:s20+$0xFFFFFFF0]  }
0x113: {  	v7 =	vld [tilespmem:s20+$0xFFFFFFE0]  }
0x114: {  	v10 =	vld [tilespmem:s23+$0x0]  }
0x115: {  	v12 =	vld [tilespmem:s23+$0xFFFFFFE0]  }
0x116: {  	v11 =	vld [tilespmem:s20+$0x0]  }
0x117: {  	v26 =	vld.idx.msk [tilespmem:v29+s3+$0x0], $0xffff  }
0x118: {  	v22 =	vld.idx.msk [tilespmem:v30+s3+$0x0], $0xffff  }
0x119: {  	v4 =	vld.idx.msk [tilespmem:v8+s3+$0x0], $0xffff  }
0x11a: {  	v1 =	vld.idx.msk [tilespmem:v9+s3+$0x0], $0xffff  }
0x11b: {  	v2 =	vld.idx.msk [tilespmem:v7+s3+$0x0], $0xffff  }
0x11c: {  	v5 =	vld.idx.msk [tilespmem:v10+s3+$0x0], $0xffff  }
0x11d: {  	v6 =	vld.idx.msk [tilespmem:v12+s3+$0x0], $0xffff  }
0x11e: {  	v3 =	vld.idx.msk [tilespmem:v11+s3+$0x0], $0xffff  }
0x11f: {  	v16 =	vld.idx.msk [tilespmem:v12+s8+$0x0], $0xffff  }
0x120: {  	v15 =	vld.idx.msk [tilespmem:v8+s8+$0x0], $0xffff  }
0x121: {  	v8 =	vld.idx.msk [tilespmem:v9+s8+$0x0], $0xffff;
	v13 =	vadd.f32 v22, v26;
	v12 =	vmul.f32 v2, v2  }
0x122: {  	v29 =	vld.idx.msk [tilespmem:v29+s8+$0x0], $0xffff;
	v18 =	vmul.f32 v4, v4;
	v19 =	vadd.f32 v2, v6;
	v27 =	vmul.f32 v5, v5  }
0x123: {  	v7 =	vld.idx.msk [tilespmem:v7+s8+$0x0], $0xffff;
	v9 =	vadd.f32 v3, v5;
	v62 =	vmul.f32 v26, v26;
	v47 =	vmul.f32 v22, v22  }
0x124: {  	v30 =	vld.idx.msk [tilespmem:v30+s8+$0x0], $0xffff;
	v31 =	vmul.f32 $5.000000000e-01, v13;
	v25 =	vmul.f32 $5.000000000e-01, v19  }
0x125: {  	v19 =	vmul.f32 v6, v6;
	v24 =	vmul.f32 $5.000000000e-01, v9  }
0x126: {  	v13 =	vadd.f32 v1, v4;
	v12 =	vmul.f32 v16, v12;
	v18 =	vmul.f32 v8, v18  }
0x127: {  	v47 =	vmul.f32 v29, v47;
	v29 =	vadd.f32 v29, v29;
	v16 =	vadd.f32 v16, v16  }
0x128: {  	v14 =	vshrl.u32 v31, $0x10;
	v23 =	vmul.f32 $5.000000000e-01, v13;
	v32 =	vmul.f32 v7, v19  }
0x129: {  	s21 =	simm.s32 $0x1A020;
	v19 =	vshrl.u32 v24, $0x10;
	v29 =	vmul.f32 v30, v29;
	v7 =	vmul.f32 v7, v16  }
0x12a: {  	v9 =	vld [tilespmem:s21+$0x10];
	v13 =	vmax.u32 v14, $0x3F80;
	v14 =	vmul.f32 v1, v1;
	v19 =	vmax.u32 v19, $0x3F80  }
0x12b: {  	v13 =	vmin.u32 v13, $0x447F;
	v20 =	vshrl.u32 v23, $0x10;
	v19 =	vmin.u32 v19, $0x447F  }
0x12c: {  	v17 =	vld.idx.msk [tilespmem:v10+s8+$0x0], $0xffff;
	v12 =	vadd.f32 v32, v12;
	v26 =	vmul.f32 v29, v26;
	v6 =	vmul.f32 v7, v6  }
0x12d: {  	v21 =	vadd.s32 $0xFFFFC080, v13;
	v10 =	vmax.u32 v20, $0x3F80;
	v13 =	vld.idx.msk [tilespmem:v11+s8+$0x0], $0xffff;
	v11 =	vmul.f32 v3, v3  }
0x12e: {  	v20 =	vshrl.u32 v25, $0x10;
	v35 =	vadd.s32 $0xFFFFC080, v19;
	v10 =	vmin.u32 v10, $0x447F  }
0x12f: {  	v55 =	vmul.f32 $1.889726160e+00, v9;
	v20 =	vmax.u32 v20, $0x3F80;
	v28 =	vadd.s32 $0xFFFFC080, v10;
	v10 =	vld [tilespmem:s21+$0xFFFFFFE0]  }
0x130: {  	(erf) = vrcp.f32 v12;
	v22 =	vmul.f32 v26, v22;
	v20 =	vmin.u32 v20, $0x447F  }
0x131: {  	v34 =	vadd.s32 $0xFFFFC080, v20;
	v20 =	vmul.f32 v15, v14;
	v15 =	vadd.f32 v15, v15  }
0x132: {  	v2 =	vmul.f32 v6, v2;
	v14 =	vadd.f32 $-8.000000000e+00, v9;
	v19 =	vmul.f32 v13, v27  }
0x133: {  	v33 =	vld.idx.msk [tilespmem:v21+s7+$0x0], $0xffff;
	v21 =	vmul.f32 v17, v11;
	v17 =	vadd.f32 v17, v17;
	v8 =	vmul.f32 v8, v15  }
0x134: {  	v14 =	vmul.f32 $5.000000000e-01, v14;
	v35 =	vld.idx.msk [tilespmem:v35+s7+$0x0], $0xffff;
	v27 =	vmul.f32 $1.889726160e+00, v10;
	v11 =	vadd.f32 $-8.000000000e+00, v10  }
0x135: {  	v13 =	vmul.f32 v13, v17;
	v4 =	vmul.f32 v8, v4  }
0x136: {  	v28 =	vld.idx.msk [tilespmem:v28+s7+$0x0], $0xffff;
	v37 =	vmul.f32 $5.000000000e-01, v11;
	v27 =	vmul.f32 v27, v27  }
0x137: {  	v5 =	vmul.f32 v13, v5;
	v4 =	vmul.f32 v4, v1  }
0x138: {  	vm3 =	vgt.f32 v14, $0.0e+00;
	v34 =	vld.idx.msk [tilespmem:v34+s7+$0x0], $0xffff;
	v48 =	vmul.f32 v33, v33;
	v36 =	vmul.f32 v33, v31  }
0x139: {  	v11 =	vsub.f32 $1.000000000e+00, v14;
	v52 =	vmul.f32 v35, v35;
	v43 =	vmul.f32 v35, v24  }
0x13a: {  	v38 =	vnsel vm3, $0x3F800000, v14;
	v3 =	vmul.f32 v5, v3;
	v12 =	vmul.f32 v48, v48  }
0x13b: {  	vm2 =	vgt.f32 v11, $0.0e+00;
	v32 =	vmul.f32 v48, v36;
	v49 =	vmul.f32 v28, v28  }
0x13c: {  	v50 =	vnsel vm2, $0x3F800000, v11;
	v14 =	vmul.f32 v28, v23;
	v45 =	vmul.f32 v52, v52  }
0x13d: {  	v39 =	vmul.f32 v50, v38;
	v40 =	vmul.f32 v34, v34  }
0x13e: {  	v11 =	vld [tilespmem:s21+$0xFFFFFFF0];
	v42 =	vmul.f32 v34, v25;
	v12 =	vmul.f32 v12, v32  }
0x13f: {  	v54 =	vmul.f32 v49, v49;
	v36 =	vmul.f32 v49, v14  }
0x140: {  	(erf) = vrcp.f32 v39;
	v41 =	vmul.f32 v12, v33;
	v12 =	vld [tilespmem:s21+$0x0]  }
0x141: {  	v44 =	vmul.f32 v40, v40;
	v40 =	vmul.f32 v40, v42  }
0x142: {  	v33 =	vmul.f32 $1.142857190e+00, v33;
	v51 =	vmul.f32 $1.428571490e-01, v41  }
0x143: {  	v36 =	vmul.f32 v54, v36;
	v53 =	vadd.f32 $-8.000000000e+00, v11;
	v40 =	vmul.f32 v44, v40  }
0x144: {  	v44 =	vmul.f32 v55, v55;
	v41 =	vmul.f32 v52, v43;
	v33 =	vsub.f32 v33, v51  }
0x145: {  	v36 =	vmul.f32 v36, v28;
	v28 =	vmul.f32 $1.142857190e+00, v28;
	v14 =	vadd.f32 $-8.000000000e+00, v12  }
0x146: {  	v52 =	vmul.f32 $1.889726160e+00, v11;
	v33 =	vmul.f32 v33, v33  }
0x147: {  	v39 =	vmul.f32 $5.000000000e-01, v53;
	v58 =	vmul.f32 v44, v44  }
0x148: {  	v40 =	vmul.f32 v40, v34;
	v46 =	vmul.f32 v33, v33  }
0x149: {  	v38 =	vsub.f32 $0.0e+00, v38;
	v34 =	vmul.f32 $1.142857190e+00, v34;
	v43 =	vmul.f32 $5.000000000e-01, v14;
	v14 =	vpop (erf)  }
0x14a: {  	v41 =	vmul.f32 v45, v41;
	v33 =	vmul.f32 v46, v33;
	v56 =	vpop (erf)  }
0x14b: {  	v32 =	vsub.f32 $0.0e+00, v50;
	v36 =	vmul.f32 $1.428571490e-01, v36;
	v57 =	vmul.f32 v56, v38  }
0x14c: {  	v18 =	vadd.f32 v18, v20;
	v48 =	vmul.f32 v58, v58;
	v31 =	vmul.f32 v33, v31  }
0x14d: {  	v60 =	vsub.f32 $1.000000000e+00, v37;
	v32 =	vmul.f32 v56, v32;
	v33 =	vmul.f32 $1.442695020e+00, v57  }
0x14e: {  	vm0 =	vgt.f32 v37, $0.0e+00;
	v59 =	vmul.f32 $5.079999920e+00, v31;
	v31 =	vmul.f32 $2.552796130e+00, v31  }
0x14f: {  	v37 =	vnsel vm0, $0x3F800000, v37;
	v32 =	vmul.f32 $1.442695020e+00, v32;
	(erf) = vpow2.f32 v33  }
0x150: {  	vm1 =	vgt.f32 v60, $0.0e+00;
	v42 =	vmul.f32 v59, v59;
	v61 =	vmul.f32 $7.889299880e-04, v31  }
0x151: {  	v28 =	vsub.f32 v28, v36;
	(erf) = vpow2.f32 v32;
	v32 =	vmul.f32 v30, v62  }
0x152: {  	v50 =	vmul.f32 v48, v44;
	v63 =	vmul.f32 v42, v42;
	v45 =	vsub.f32 $4.125272860e-02, v61  }
0x153: {  	v28 =	vmul.f32 v28, v28;
	v38 =	vmul.f32 v58, v44;
	v32 =	vadd.f32 v32, v47  }
0x154: {  	vm5 =	vgt.f32 v39, $0.0e+00;
	v49 =	vmul.f32 v63, v63;
	v45 =	vmul.f32 v45, v31  }
0x155: {  	v33 =	vnsel vm1, $0x3F800000, v60;
	v62 =	vmul.f32 $1.428571490e-01, v40;
	(erf) = vrcp.f32 v32  }
0x156: {  	v51 =	vmul.f32 v49, v42;
	v45 =	vadd.f32 $2.442888920e-01, v45;
	v42 =	vmul.f32 v63, v42  }
0x157: {  	v46 =	vmul.f32 v33, v37;
	v53 =	vadd.f32 v49, v48;
	v63 =	vmul.f32 v41, v35  }
0x158: {  	v54 =	vadd.f32 v51, v50;
	v31 =	vmul.f32 v45, v31;
	v55 =	vpop (erf);
	v38 =	vadd.f32 v42, v38  }
0x159: {  	v35 =	vmul.f32 $1.142857190e+00, v35;
	v45 =	vnsel vm2, $0x0, v55;
	v55 =	vmul.f32 $1.889726160e+00, v12  }
0x15a: {  	v57 =	vpop (erf);
	v56 =	vmul.f32 v54, v53;
	v31 =	vadd.f32 $-4.330080000e-03, v31;
	v60 =	vmul.f32 v54, v38  }
0x15b: {  	v32 =	vnsel vm3, $0x0, v57;
	v26 =	vmul.f32 v53, v38;
	v53 =	vmul.f32 v28, v28  }
0x15c: {  	v32 =	vadd.f32 v32, v45;
	v30 =	vmul.f32 v56, v38;
	v31 =	vmul.f32 v31, v31  }
0x15d: {  	vm4 =	vgt.f32 v43, $0.0e+00;
	v38 =	vmul.f32 $1.428571490e-01, v63;
	v28 =	vmul.f32 v53, v28  }
0x15e: {  	v58 =	vsub.f32 $1.000000000e+00, v39;
	v44 =	vpop (erf);
	v29 =	vmul.f32 v30, v32;
	v30 =	vmul.f32 $1.000000000e+01, v31  }
0x15f: {  	v59 =	vsub.f32 $1.000000000e+00, v43;
	v61 =	vmul.f32 $1.225000000e+02, v31;
	v22 =	vmul.f32 v44, v22  }
0x160: {  	v35 =	vsub.f32 v35, v38;
	v23 =	vmul.f32 v28, v23;
	(erf) = vrcp.f32 v29  }
0x161: {  	vm2 =	vgt.f32 v59, $0.0e+00;
	v29 =	vmul.f32 v61, v31;
	v30 =	vmul.f32 v30, v60  }
0x162: {  	vm3 =	vgt.f32 v58, $0.0e+00;
	v22 =	vmul.f32 v45, v22;
	v50 =	vmul.f32 v35, v35  }
0x163: {  	v31 =	vnsel vm3, $0x3F800000, v58;
	v57 =	vmul.f32 $5.079999920e+00, v23;
	v23 =	vmul.f32 $2.552796130e+00, v23  }
0x164: {  	v35 =	vmul.f32 v52, v52;
	v30 =	vadd.f32 v30, v56;
	v26 =	vmul.f32 v29, v26  }
0x165: {  	v45 =	vnsel vm4, $0x3F800000, v43;
	(erf) = vrcp.f32 v46;
	v54 =	vmul.f32 v50, v50  }
0x166: {  	v29 =	vnsel vm2, $0x3F800000, v59;
	v20 =	vmul.f32 v35, v35;
	v26 =	vadd.f32 v26, v30  }
0x167: {  	v48 =	vmul.f32 v29, v45;
	v30 =	vnsel vm5, $0x3F800000, v39;
	v32 =	vmul.f32 v54, v50  }
0x168: {  	v47 =	vmul.f32 v31, v30;
	v22 =	vmul.f32 v26, v22  }
0x169: {  	v26 =	vsub.f32 v34, v62;
	v24 =	vmul.f32 v32, v24;
	v62 =	vmul.f32 v57, v57  }
0x16a: {  	v34 =	vmul.f32 v55, v55;
	v55 =	vmul.f32 v20, v20  }
0x16b: {  	v20 =	vmul.f32 v20, v35;
	(erf) = vrcp.f32 v47  }
0x16c: {  	v26 =	vmul.f32 v26, v26;
	(erf) = vrcp.f32 v48  }
0x16d: {  	v60 =	vmul.f32 $5.079999920e+00, v24;
	v24 =	vmul.f32 $2.552796130e+00, v24  }
0x16e: {  	v19 =	vadd.f32 v19, v21;
	v48 =	vmul.f32 $7.889299880e-04, v23;
	v21 =	vmul.f32 v34, v34  }
0x16f: {  	v49 =	vpop (erf);
	v51 =	vmul.f32 v26, v26;
	v63 =	vmul.f32 v60, v60  }
0x170: {  	v22 =	vmul.f32 v22, v49;
	v49 =	vmul.f32 $7.889299880e-04, v24  }
0x171: {  	v33 =	vsub.f32 $0.0e+00, v33;
	v26 =	vmul.f32 v51, v26;
	v52 =	vmul.f32 v63, v63  }
0x172: {  	v39 =	vmul.f32 v55, v35;
	v51 =	vmul.f32 v62, v62;
	v40 =	vsub.f32 $4.125272860e-02, v49  }
0x173: {  	v25 =	vmul.f32 v26, v25;
	v26 =	vsub.f32 $0.0e+00, v37;
	v54 =	vmul.f32 v52, v52  }
0x174: {  	v28 =	vsub.f32 $0.0e+00, v31;
	v31 =	vpop (erf);
	v40 =	vmul.f32 v40, v24;
	v36 =	vmul.f32 v52, v63  }
0x175: {  	v30 =	vsub.f32 $0.0e+00, v30;
	v56 =	vmul.f32 $5.079999920e+00, v25;
	v26 =	vmul.f32 v31, v26  }
0x176: {  	v58 =	vsub.f32 $0.0e+00, v45;
	v59 =	vpop (erf);
	v31 =	vmul.f32 v31, v33;
	v25 =	vmul.f32 $2.552796130e+00, v25  }
0x177: {  	v29 =	vsub.f32 $0.0e+00, v29;
	v61 =	vpop (erf);
	v30 =	vmul.f32 v59, v30;
	v28 =	vmul.f32 v59, v28  }
0x178: {  	v59 =	vmul.f32 v54, v63;
	v37 =	vmul.f32 v61, v58  }
0x179: {  	v29 =	vmul.f32 v61, v29;
	v32 =	vmul.f32 v56, v56  }
0x17a: {  	v40 =	vadd.f32 $2.442888920e-01, v40;
	v26 =	vmul.f32 $1.442695020e+00, v26;
	v31 =	vmul.f32 $1.442695020e+00, v31  }
0x17b: {  	v47 =	vmul.f32 $7.889299880e-04, v25;
	v56 =	vmul.f32 v21, v21  }
0x17c: {  	v21 =	vmul.f32 v21, v34;
	v24 =	vmul.f32 v40, v24  }
0x17d: {  	v30 =	vmul.f32 $1.442695020e+00, v30;
	v28 =	vmul.f32 $1.442695020e+00, v28  }
0x17e: {  	v37 =	vmul.f32 $1.442695020e+00, v37;
	v29 =	vmul.f32 $1.442695020e+00, v29  }
0x17f: {  	v53 =	vsub.f32 $4.125272860e-02, v48;
	v50 =	vmul.f32 v32, v32;
	(erf) = vpow2.f32 v26  }
0x180: {  	v26 =	vmul.f32 v27, v27;
	v24 =	vadd.f32 $-4.330080000e-03, v24;
	(erf) = vpow2.f32 v31  }
0x181: {  	v38 =	vadd.f32 v54, v56;
	v44 =	vmul.f32 v56, v34;
	(erf) = vpow2.f32 v30  }
0x182: {  	v31 =	vsub.f32 $4.125272860e-02, v47;
	v30 =	vmul.f32 v51, v51;
	v24 =	vmul.f32 v24, v24  }
0x183: {  	v21 =	vadd.f32 v36, v21;
	(erf) = vpow2.f32 v28;
	v28 =	vmul.f32 v50, v50  }
0x184: {  	v61 =	vadd.f32 v59, v44;
	v31 =	vmul.f32 v31, v25;
	(erf) = vpow2.f32 v37  }
0x185: {  	v37 =	vmul.f32 v53, v23;
	v58 =	vadd.f32 v30, v55;
	v30 =	vmul.f32 v30, v62  }
0x186: {  	v47 =	vmul.f32 v61, v38;
	v52 =	vmul.f32 $1.000000000e+01, v24  }
0x187: {  	v53 =	vmul.f32 $1.225000000e+02, v24;
	v7 =	vmul.f32 v61, v21  }
0x188: {  	(erf) = vpow2.f32 v29;
	v29 =	vmul.f32 v26, v26  }
0x189: {  	v31 =	vadd.f32 $2.442888920e-01, v31;
	v26 =	vmul.f32 v26, v27;
	v7 =	vmul.f32 v52, v7  }
0x18a: {  	v57 =	vadd.f32 v28, v29;
	v28 =	vmul.f32 v28, v32;
	v29 =	vmul.f32 v29, v27  }
0x18b: {  	v37 =	vadd.f32 $2.442888920e-01, v37;
	v32 =	vmul.f32 v50, v32;
	v25 =	vmul.f32 v31, v25  }
0x18c: {  	v50 =	vmul.f32 v47, v21;
	v21 =	vmul.f32 v38, v21  }
0x18d: {  	s23 =	simm.s32 $0x18860;
	v23 =	vmul.f32 v37, v23;
	v28 =	vadd.f32 v28, v29;
	v29 =	vadd.f32 v30, v39  }
0x18e: {  	v8 =	vld [tilespmem:s23+$0xFFFFFFF0];
	v30 =	vmul.f32 v51, v62;
	v60 =	vpop (erf);
	v31 =	vadd.f32 v32, v26;
	(erf) = vrcp.f32 v18  }
0x18f: {  	v18 =	vadd.f32 $-4.330080000e-03, v25;
	v27 =	vpop (erf);
	v33 =	vnsel vm1, $0x0, v60;
	v23 =	vadd.f32 $-4.330080000e-03, v23  }
0x190: {  	v27 =	vnsel vm0, $0x0, v27;
	v62 =	vmul.f32 v28, v57;
	v63 =	vmul.f32 v29, v58  }
0x191: {  	v34 =	vld [tilespmem:s23+$0x10];
	v26 =	vpop (erf);
	v20 =	vadd.f32 v30, v20;
	(erf) = vrcp.f32 v19;
	v18 =	vmul.f32 v18, v18  }
0x192: {  	v28 =	vmul.f32 v28, v31;
	v19 =	vnsel vm3, $0x0, v26;
	v27 =	vadd.f32 v27, v33;
	v30 =	vpop (erf)  }
0x193: {  	s13 =	simm.s32 $0x19460;
	v23 =	vmul.f32 v23, v23;
	v48 =	vmul.f32 v62, v31;
	v25 =	vpop (erf);
	v30 =	vnsel vm5, $0x0, v30  }
0x194: {  	v35 =	vld [tilespmem:s13+$0x10];
	v49 =	vmul.f32 v63, v20;
	v26 =	vpop (erf);
	v25 =	vnsel vm2, $0x0, v25;
	v30 =	vadd.f32 v30, v19  }
0x195: {  	v15 =	vmul.f32 v48, v27;
	v27 =	vmul.f32 $1.225000000e+02, v18;
	v26 =	vnsel vm4, $0x0, v26  }
0x196: {  	v6 =	vld.idx.msk [tilespmem:v8+s3+$0x0], $0xffff;
	v26 =	vadd.f32 v26, v25;
	v16 =	vmul.f32 v49, v30;
	v30 =	vmul.f32 $1.225000000e+02, v23  }
0x197: {  	v54 =	vld [tilespmem:s13+$0xFFFFFFE0];
	v13 =	vmul.f32 v27, v18;
	(erf) = vrcp.f32 v15  }
0x198: {  	v27 =	vld [tilespmem:s13+$0xFFFFFFF0];
	v17 =	vmul.f32 v50, v26;
	v26 =	vmul.f32 $1.000000000e+01, v18  }
0x199: {  	(erf) = vrcp.f32 v16;
	v16 =	vmul.f32 v30, v23;
	v30 =	vld.idx.msk [tilespmem:v34+s3+$0x0], $0xffff  }
0x19a: {  	v29 =	vmul.f32 v29, v20;
	v18 =	vmul.f32 v53, v24;
	v24 =	vld [tilespmem:s13+$0x0]  }
0x19b: {  	v51 =	vmul.f32 $1.000000000e+01, v23;
	v15 =	vmul.f32 v26, v28;
	v28 =	vld [tilespmem:s23+$0x0]  }
0x19c: {  	v20 =	vmul.f32 v58, v20;
	v23 =	vmul.f32 v57, v31;
	v26 =	vld.idx.msk [tilespmem:v35+s3+$0x0], $0xffff  }
0x19d: {  	v5 =	vpop (erf);
	(erf) = vrcp.f32 v17;
	v17 =	vmul.f32 v51, v29;
	v29 =	vld [tilespmem:s23+$0xFFFFFFE0]  }
0x19e: {  	v14 =	vmul.f32 v14, v2;
	v7 =	vadd.f32 v7, v47;
	v4 =	vmul.f32 v5, v4  }
0x19f: {  	v13 =	vmul.f32 v13, v23;
	v16 =	vmul.f32 v16, v20;
	v15 =	vadd.f32 v15, v62  }
0x1a0: {  	v1 =	vld.idx.msk [tilespmem:v54+s3+$0x0], $0xffff;
	v18 =	vmul.f32 v18, v21;
	v23 =	vmul.f32 v6, v6;
	v17 =	vadd.f32 v17, v63  }
0x1a1: {  	v21 =	vpop (erf);
	v5 =	vadd.f32 v13, v15;
	v13 =	vmul.f32 v33, v14;
	v20 =	vadd.f32 v26, v30  }
0x1a2: {  	v3 =	vmul.f32 v21, v3;
	v2 =	vld.idx.msk [tilespmem:v27+s3+$0x0], $0xffff;
	v15 =	vadd.f32 v16, v17;
	v14 =	vmul.f32 v19, v4  }
0x1a3: {  	v4 =	vld.idx.msk [tilespmem:v24+s3+$0x0], $0xffff;
	v5 =	vmul.f32 v5, v13;
	v38 =	vmul.f32 $5.000000000e-01, v20  }
0x1a4: {  	v3 =	vmul.f32 v25, v3;
	v16 =	vadd.f32 v18, v7;
	v14 =	vmul.f32 v15, v14;
	v7 =	vld.idx.msk [tilespmem:v28+s3+$0x0], $0xffff  }
0x1a5: {  	v21 =	vmul.f32 v1, v1;
	v18 =	vmul.f32 $-1.360569290e+01, v22;
	v19 =	vpop (erf);
	v13 =	vld.idx.msk [tilespmem:v29+s3+$0x0], $0xffff;
	v17 =	vshrl.u32 v38, $0x10  }
0x1a6: {  	v3 =	vmul.f32 v16, v3;
	v22 =	vmul.f32 v5, v19;
	v19 =	vld.idx.msk [tilespmem:v29+s8+$0x0], $0xffff;
	v17 =	vmax.u32 v17, $0x3F80  }
0x1a7: {  	v25 =	vmul.f32 v2, v2;
	v5 =	vpop (erf);
	v15 =	vmin.u32 v17, $0x447F;
	v17 =	vadd.f32 v2, v6  }
0x1a8: {  	s14 =	simm.s32 $0x1A060;
	v22 =	vmul.f32 $-1.360569290e+01, v22;
	v5 =	vmul.f32 v14, v5;
	v14 =	vpop (erf);
	v16 =	vadd.s32 $0xFFFFC080, v15;
	v15 =	vld.idx.msk [tilespmem:v54+s8+$0x0], $0xffff  }
0x1a9: {  	v3 =	vmul.f32 v3, v14;
	v14 =	vld [tilespmem:s14+$0x10];
	v29 =	vmul.f32 $5.000000000e-01, v17  }
0x1aa: {  	v59 =	vmul.f32 v4, v4;
	v17 =	vadd.f32 v4, v7;
	v20 =	vadd.f32 v1, v13  }
0x1ab: {  	v56 =	vmul.f32 v13, v13;
	v61 =	vmul.f32 v19, v21;
	v21 =	vld.idx.msk [tilespmem:v28+s8+$0x0], $0xffff;
	v57 =	vshrl.u32 v29, $0x10  }
0x1ac: {  	v31 =	vmul.f32 $5.000000000e-01, v17;
	v32 =	vmul.f32 $5.000000000e-01, v20;
	v20 =	vld.idx.msk [tilespmem:v8+s8+$0x0], $0xffff;
	v17 =	vmax.u32 v57, $0x3F80  }
0x1ad: {  	v55 =	vmul.f32 v7, v7;
	v58 =	vld.idx.msk [tilespmem:v16+s7+$0x0], $0xffff;
	v36 =	vmul.f32 v15, v56;
	v8 =	vmin.u32 v17, $0x447F  }
0x1ae: {  	v16 =	vld.idx.msk [tilespmem:v27+s8+$0x0], $0xffff;
	v27 =	vshrl.u32 v31, $0x10;
	v60 =	vshrl.u32 v32, $0x10;
	v62 =	vadd.f32 $-8.000000000e+00, v14  }
0x1af: {  	v17 =	vld.idx.msk [tilespmem:v24+s8+$0x0], $0xffff;
	v8 =	vadd.s32 $0xFFFFC080, v8;
	v24 =	vmax.u32 v27, $0x3F80;
	v27 =	vmax.u32 v60, $0x3F80  }
0x1b0: {  	v28 =	vmin.u32 v24, $0x447F;
	v27 =	vmin.u32 v27, $0x447F;
	v40 =	vmul.f32 $5.000000000e-01, v62  }
0x1b1: {  	v36 =	vadd.f32 v36, v61;
	v62 =	vmul.f32 $1.889726160e+00, v14;
	v49 =	vadd.s32 $0xFFFFC080, v27  }
0x1b2: {  	v50 =	vadd.s32 $0xFFFFC080, v28;
	v27 =	vmul.f32 v20, v25;
	v28 =	vmul.f32 v21, v59  }
0x1b3: {  	v52 =	vsub.f32 $1.000000000e+00, v40;
	(erf) = vrcp.f32 v36;
	v63 =	vmul.f32 v58, v58  }
0x1b4: {  	vm3 =	vgt.f32 v40, $0.0e+00;
	v48 =	vmul.f32 v58, v38;
	v24 =	vmul.f32 v16, v23;
	v23 =	vld [tilespmem:s14+$0xFFFFFFE0]  }
0x1b5: {  	v43 =	vmul.f32 v62, v62;
	v40 =	vnsel vm3, $0x3F800000, v40;
	vm2 =	vgt.f32 v52, $0.0e+00  }
0x1b6: {  	v37 =	vld.idx.msk [tilespmem:v8+s7+$0x0], $0xffff;
	v51 =	vmul.f32 v63, v63;
	v42 =	vmul.f32 v63, v48;
	v33 =	vnsel vm2, $0x3F800000, v52  }
0x1b7: {  	v25 =	vmul.f32 v17, v55;
	v52 =	vld.idx.msk [tilespmem:v34+s8+$0x0], $0xffff;
	v54 =	vmul.f32 v33, v40  }
0x1b8: {  	v39 =	vmul.f32 $1.142857190e+00, v58;
	v34 =	vld [tilespmem:s14+$0x0];
	v53 =	vmul.f32 v51, v42  }
0x1b9: {  	v36 =	vmul.f32 $1.889726160e+00, v23;
	(erf) = vrcp.f32 v54  }
0x1ba: {  	v44 =	vld.idx.msk [tilespmem:v50+s7+$0x0], $0xffff;
	v55 =	vadd.f32 $-8.000000000e+00, v23;
	v54 =	vmul.f32 v26, v26;
	v8 =	vmul.f32 v53, v58  }
0x1bb: {  	v35 =	vld.idx.msk [tilespmem:v35+s8+$0x0], $0xffff;
	v56 =	vmul.f32 v37, v37;
	v57 =	vmul.f32 v37, v29  }
0x1bc: {  	v42 =	vld.idx.msk [tilespmem:v49+s7+$0x0], $0xffff;
	v53 =	vmul.f32 v30, v30;
	v41 =	vmul.f32 $5.000000000e-01, v55  }
0x1bd: {  	vm6 =	vgt.f32 v10, $0.0e+00;
	v54 =	vmul.f32 v52, v54;
	v10 =	vmul.f32 $1.889726160e+00, v34  }
0x1be: {  	v36 =	vmul.f32 v36, v36;
	v8 =	vmul.f32 $1.428571490e-01, v8  }
0x1bf: {  	v47 =	vmul.f32 v44, v44;
	v48 =	vmul.f32 v44, v31  }
0x1c0: {  	v63 =	vmul.f32 v56, v56;
	v53 =	vmul.f32 v35, v53  }
0x1c1: {  	v58 =	vmul.f32 v42, v42;
	v59 =	vmul.f32 v42, v32  }
0x1c2: {  	v10 =	vmul.f32 v10, v10;
	v8 =	vsub.f32 v39, v8;
	v39 =	vmul.f32 v56, v57  }
0x1c3: {  	v60 =	vmul.f32 v58, v58;
	v45 =	vmul.f32 v58, v59  }
0x1c4: {  	v48 =	vmul.f32 v47, v48;
	v8 =	vmul.f32 v8, v8  }
0x1c5: {  	v57 =	vsub.f32 $0.0e+00, v33;
	v33 =	vld [tilespmem:s14+$0xFFFFFFF0];
	v39 =	vmul.f32 v63, v39;
	v45 =	vmul.f32 v60, v45  }
0x1c6: {  	v47 =	vmul.f32 v47, v47;
	v61 =	vmul.f32 v8, v8  }
0x1c7: {  	v39 =	vmul.f32 v39, v37;
	v45 =	vmul.f32 v45, v42  }
0x1c8: {  	v40 =	vsub.f32 $0.0e+00, v40;
	v37 =	vmul.f32 $1.142857190e+00, v37;
	v50 =	vmul.f32 v61, v8;
	v8 =	vpop (erf)  }
0x1c9: {  	v39 =	vmul.f32 $1.428571490e-01, v39;
	v56 =	vpop (erf);
	v45 =	vmul.f32 $1.428571490e-01, v45  }
0x1ca: {  	v61 =	vadd.f32 $-8.000000000e+00, v33;
	v38 =	vmul.f32 v50, v38;
	v40 =	vmul.f32 v56, v40  }
0x1cb: {  	v50 =	vmul.f32 v43, v43;
	v46 =	vmul.f32 v56, v57  }
0x1cc: {  	v49 =	vmul.f32 $5.000000000e-01, v61;
	v58 =	vmul.f32 $5.079999920e+00, v38  }
0x1cd: {  	v37 =	vsub.f32 v37, v39;
	v40 =	vmul.f32 $1.442695020e+00, v40;
	v38 =	vmul.f32 $2.552796130e+00, v38  }
0x1ce: {  	v59 =	vmul.f32 $1.442695020e+00, v46;
	v62 =	vmul.f32 v50, v50  }
0x1cf: {  	v55 =	vsub.f32 $1.000000000e+00, v41;
	v50 =	vmul.f32 v50, v43;
	v37 =	vmul.f32 v37, v37  }
0x1d0: {  	vm0 =	vgt.f32 v41, $0.0e+00;
	v46 =	vmul.f32 v58, v58;
	(erf) = vpow2.f32 v40  }
0x1d1: {  	v53 =	vadd.f32 v53, v54;
	v60 =	vmul.f32 $7.889299880e-04, v38;
	v43 =	vmul.f32 v62, v43  }
0x1d2: {  	(erf) = vpow2.f32 v59;
	v59 =	vadd.f32 $-8.000000000e+00, v34;
	v56 =	vmul.f32 v46, v46  }
0x1d3: {  	v40 =	vsub.f32 $4.125272860e-02, v60;
	v60 =	vadd.f32 v52, v52;
	(erf) = vrcp.f32 v53  }
0x1d4: {  	v41 =	vnsel vm0, $0x3F800000, v41;
	v54 =	vmul.f32 $5.000000000e-01, v59;
	v63 =	vmul.f32 v56, v56  }
0x1d5: {  	vm1 =	vgt.f32 v55, $0.0e+00;
	v40 =	vmul.f32 v40, v38;
	v35 =	vmul.f32 v35, v60  }
0x1d6: {  	v56 =	vmul.f32 v56, v46;
	v60 =	vsub.f32 $1.000000000e+00, v49;
	v46 =	vmul.f32 v63, v46  }
0x1d7: {  	vm4 =	vgt.f32 v54, $0.0e+00;
	v40 =	vadd.f32 $2.442888920e-01, v40;
	v30 =	vmul.f32 v35, v30  }
0x1d8: {  	v51 =	vadd.f32 v63, v62;
	v43 =	vadd.f32 v46, v43;
	v46 =	vmul.f32 v47, v48  }
0x1d9: {  	v38 =	vmul.f32 v40, v38;
	v48 =	vadd.f32 v56, v50;
	v26 =	vmul.f32 v30, v26  }
0x1da: {  	v47 =	vadd.f32 v21, v21;
	v21 =	vmul.f32 v36, v36;
	v61 =	vpop (erf);
	v50 =	vmul.f32 v43, v51  }
0x1db: {  	v38 =	vadd.f32 $-4.330080000e-03, v38;
	v40 =	vnsel vm2, $0x0, v61;
	v43 =	vmul.f32 v43, v48  }
0x1dc: {  	v62 =	vpop (erf);
	v61 =	vsub.f32 $1.000000000e+00, v54;
	v30 =	vmul.f32 v51, v48;
	v46 =	vmul.f32 v46, v44  }
0x1dd: {  	v44 =	vmul.f32 $1.142857190e+00, v44;
	v52 =	vnsel vm3, $0x0, v62;
	v63 =	vmul.f32 v50, v48  }
0x1de: {  	v52 =	vadd.f32 v52, v40;
	v38 =	vmul.f32 v38, v38;
	vm2 =	vgt.f32 v61, $0.0e+00  }
0x1df: {  	v46 =	vmul.f32 $1.428571490e-01, v46;
	v35 =	vnsel vm2, $0x3F800000, v61;
	v61 =	vmul.f32 $1.142857190e+00, v42  }
0x1e0: {  	v42 =	vnsel vm4, $0x3F800000, v54;
	v62 =	vmul.f32 v63, v52;
	v57 =	vmul.f32 $1.225000000e+02, v38  }
0x1e1: {  	v55 =	vnsel vm1, $0x3F800000, v55;
	v63 =	vmul.f32 $1.000000000e+01, v38;
	v53 =	vmul.f32 v35, v42  }
0x1e2: {  	v54 =	vsub.f32 v44, v46;
	(erf) = vrcp.f32 v62;
	v58 =	vmul.f32 v57, v38  }
0x1e3: {  	vm3 =	vgt.f32 v60, $0.0e+00;
	v59 =	vmul.f32 v63, v43;
	v62 =	vmul.f32 v55, v41  }
0x1e4: {  	v43 =	vnsel vm3, $0x3F800000, v60;
	v60 =	vpop (erf);
	v39 =	vmul.f32 v54, v54;
	v57 =	vmul.f32 $1.889726160e+00, v33  }
0x1e5: {  	v26 =	vmul.f32 v60, v26;
	v30 =	vmul.f32 v58, v30  }
0x1e6: {  	v38 =	vadd.f32 v59, v50;
	(erf) = vrcp.f32 v62;
	v58 =	vmul.f32 v37, v37  }
0x1e7: {  	vm5 =	vgt.f32 v49, $0.0e+00;
	v59 =	vmul.f32 v39, v39;
	v26 =	vmul.f32 v40, v26  }
0x1e8: {  	v30 =	vadd.f32 v30, v38;
	v38 =	vnsel vm5, $0x3F800000, v49;
	v37 =	vmul.f32 v58, v37  }
0x1e9: {  	v39 =	vmul.f32 v59, v39;
	v63 =	vmul.f32 v43, v38  }
0x1ea: {  	v26 =	vmul.f32 v30, v26;
	v30 =	vsub.f32 v61, v45;
	v29 =	vmul.f32 v37, v29  }
0x1eb: {  	v31 =	vmul.f32 v39, v31;
	(erf) = vrcp.f32 v63  }
0x1ec: {  	v30 =	vmul.f32 v30, v30;
	(erf) = vrcp.f32 v53  }
0x1ed: {  	v49 =	vmul.f32 $5.079999920e+00, v29;
	v51 =	vmul.f32 $5.079999920e+00, v31  }
0x1ee: {  	v24 =	vadd.f32 v24, v27;
	v29 =	vmul.f32 $2.552796130e+00, v29;
	v31 =	vmul.f32 $2.552796130e+00, v31;
	v52 =	vpop (erf)  }
0x1ef: {  	v60 =	vsub.f32 $0.0e+00, v55;
	v26 =	vmul.f32 v26, v52;
	v56 =	vmul.f32 v30, v30  }
0x1f0: {  	v62 =	vsub.f32 $0.0e+00, v43;
	v54 =	vmul.f32 v49, v49;
	v55 =	vmul.f32 v51, v51  }
0x1f1: {  	v43 =	vadd.f32 v19, v19;
	v19 =	vmul.f32 $7.889299880e-04, v29;
	v27 =	vmul.f32 $7.889299880e-04, v31  }
0x1f2: {  	v63 =	vpop (erf);
	v26 =	vmul.f32 $-1.360569290e+01, v26;
	v30 =	vmul.f32 v56, v30  }
0x1f3: {  	v61 =	vsub.f32 $0.0e+00, v41;
	v39 =	vmul.f32 v63, v60;
	v56 =	vmul.f32 v54, v54  }
0x1f4: {  	v46 =	vmul.f32 v55, v55;
	v19 =	vsub.f32 $4.125272860e-02, v19;
	v30 =	vmul.f32 v30, v32  }
0x1f5: {  	v42 =	vsub.f32 $0.0e+00, v42;
	v32 =	vmul.f32 v63, v61;
	v39 =	vmul.f32 $1.442695020e+00, v39  }
0x1f6: {  	v38 =	vsub.f32 $0.0e+00, v38;
	v60 =	vmul.f32 v19, v29;
	v48 =	vmul.f32 $5.079999920e+00, v30  }
0x1f7: {  	v35 =	vsub.f32 $0.0e+00, v35;
	v50 =	vpop (erf);
	v30 =	vmul.f32 $2.552796130e+00, v30;
	v32 =	vmul.f32 $1.442695020e+00, v32  }
0x1f8: {  	vm7 =	vgt.f32 v11, $0.0e+00;
	v52 =	vpop (erf);
	v38 =	vmul.f32 v50, v38;
	v37 =	vmul.f32 v50, v62  }
0x1f9: {  	vm8 =	vgt.f32 v12, $0.0e+00;
	v11 =	vmul.f32 v52, v42;
	v12 =	vmul.f32 v52, v35  }
0x1fa: {  	vm11 =	vmmov vm6;
	v53 =	vmul.f32 v48, v48;
	v42 =	vmul.f32 v57, v57  }
0x1fb: {  	(erf) = vpow2.f32 v32;
	v48 =	vnsel vm11, $0x0, v22;
	v22 =	vmul.f32 v46, v46  }
0x1fc: {  	vm14 =	vgt.f32 v9, $0.0e+00;
	v9 =	vmul.f32 $1.442695020e+00, v38;
	v37 =	vmul.f32 $1.442695020e+00, v37  }
0x1fd: {  	v38 =	vnsel vm14, $0x0, v18;
	v18 =	vmul.f32 $7.889299880e-04, v30;
	(erf) = vpow2.f32 v39  }
0x1fe: {  	v25 =	vadd.f32 v25, v28;
	v11 =	vmul.f32 $1.442695020e+00, v11;
	v12 =	vmul.f32 $1.442695020e+00, v12  }
0x1ff: {  	vm10 =	vgt.f32 v23, $0.0e+00;
	v28 =	vmul.f32 v53, v53;
	v23 =	vmul.f32 v42, v42  }
0x200: {  	v62 =	vmul.f32 v22, v55;
	(erf) = vpow2.f32 v9  }
0x201: {  	vm7 =	vmmov vm7;
	v9 =	vmul.f32 v10, v10;
	(erf) = vpow2.f32 v37  }
0x202: {  	v44 =	vadd.f32 v20, v20;
	v20 =	vmul.f32 v28, v28;
	v57 =	vmul.f32 v23, v23  }
0x203: {  	v18 =	vsub.f32 $4.125272860e-02, v18;
	v28 =	vmul.f32 v28, v53;
	v23 =	vmul.f32 v23, v42  }
0x204: {  	vm6 =	vmmov vm8;
	(erf) = vpow2.f32 v11;
	v11 =	vmul.f32 v56, v56  }
0x205: {  	vm15 =	vgt.f32 v34, $0.0e+00;
	v58 =	vmul.f32 v9, v9;
	v59 =	vmul.f32 v18, v30  }
0x206: {  	v27 =	vsub.f32 $4.125272860e-02, v27;
	v9 =	vmul.f32 v9, v10;
	(erf) = vpow2.f32 v12  }
0x207: {  	v37 =	vadd.f32 $2.442888920e-01, v60;
	v12 =	vmul.f32 v21, v21;
	v61 =	vmul.f32 v20, v53  }
0x208: {  	v32 =	vmul.f32 v57, v42;
	v19 =	vadd.f32 v11, v57;
	v11 =	vmul.f32 v11, v54  }
0x209: {  	v18 =	vadd.f32 v20, v12;
	v20 =	vmul.f32 v27, v31;
	v27 =	vadd.f32 $2.442888920e-01, v59  }
0x20a: {  	v12 =	vmul.f32 v12, v36;
	v11 =	vadd.f32 v11, v32;
	v53 =	vpop (erf);
	(erf) = vrcp.f32 v24  }
0x20b: {  	v63 =	vadd.f32 $2.442888920e-01, v20;
	v20 =	vadd.f32 v22, v58;
	v22 =	vmul.f32 v58, v10  }
0x20c: {  	v52 =	vadd.f32 v61, v12;
	v12 =	vmul.f32 v56, v54;
	v54 =	vmul.f32 v46, v55  }
0x20d: {  	vm9 =	vgt.f32 v33, $0.0e+00;
	v56 =	vpop (erf);
	v57 =	vmul.f32 v27, v30;
	v10 =	vmul.f32 v37, v29  }
0x20e: {  	v37 =	vmul.f32 v17, v47;
	v34 =	vnsel vm0, $0x0, v56;
	v27 =	vmul.f32 v11, v19  }
0x20f: {  	vm0 =	vmmov vm10;
	v55 =	vadd.f32 v62, v22;
	v22 =	vmul.f32 v21, v36  }
0x210: {  	v21 =	vnsel vm1, $0x0, v53;
	v58 =	vpop (erf);
	v30 =	vadd.f32 v12, v23;
	v32 =	vadd.f32 v54, v9  }
0x211: {  	v12 =	vadd.f32 $-4.330080000e-03, v57;
	v10 =	vadd.f32 $-4.330080000e-03, v10;
	v23 =	vnsel vm3, $0x0, v58  }
0x212: {  	v9 =	vpop (erf);
	v29 =	vadd.f32 v28, v22;
	v28 =	vmul.f32 v63, v31;
	v31 =	vmul.f32 v52, v18  }
0x213: {  	v62 =	vadd.f32 v34, v21;
	v22 =	vmul.f32 v55, v20;
	v24 =	vpop (erf);
	(erf) = vrcp.f32 v25  }
0x214: {  	v9 =	vnsel vm5, $0x0, v9;
	v61 =	vmul.f32 v27, v30;
	v35 =	vmul.f32 v12, v12  }
0x215: {  	v34 =	vmul.f32 v10, v10;
	v25 =	vnsel vm2, $0x0, v24;
	v9 =	vadd.f32 v9, v23  }
0x216: {  	vm2 =	vgt.f32 v14, $0.0e+00;
	v60 =	vmul.f32 v31, v29;
	v63 =	vmul.f32 v22, v32  }
0x217: {  	v59 =	vpop (erf);
	v28 =	vadd.f32 $-4.330080000e-03, v28;
	v36 =	vmul.f32 $1.000000000e+01, v35;
	v40 =	vmul.f32 $1.225000000e+02, v35  }
0x218: {  	v24 =	vnsel vm4, $0x0, v59;
	v17 =	vmul.f32 $1.000000000e+01, v34;
	v39 =	vmul.f32 $1.225000000e+02, v34  }
0x219: {  	v41 =	vmul.f32 v52, v29;
	v10 =	vadd.f32 v24, v25;
	v24 =	vmul.f32 v15, v43  }
0x21a: {  	v15 =	vmul.f32 v61, v9;
	v9 =	vnsel vm2, $0x0, v26;
	v26 =	vmul.f32 v11, v30  }
0x21b: {  	s20 =	simm.s32 $0x1AC20;
	vm1 =	vmmov vm9;
	v33 =	vmul.f32 v28, v28;
	v28 =	vmul.f32 v16, v44  }
0x21c: {  	s21 =	simm.s32 $0x1AC60;
	[tilespmem:s20+$0xFFFFFFE0] =	vst v48;
	vm3 =	vmmov vm7;
	v16 =	vmul.f32 v60, v62;
	v12 =	vmul.f32 v63, v10  }
0x21d: {  	vm4 =	vmmov vm6;
	[tilespmem:s21+$0x10] =	vst v9;
	v9 =	vmul.f32 v24, v13;
	v13 =	vmul.f32 v55, v32;
	v10 =	vpop (erf)  }
0x21e: {  	s29 =	simm.s32 $0x188A0;
	s23 =	simm.s32 $0x4;
	[tilespmem:s20+$0x10] =	vst v38;
	vm2 =	vmmov vm15;
	v14 =	vmul.f32 $1.000000000e+01, v33;
	v38 =	vmul.f32 $1.225000000e+02, v33;
	v11 =	vpop (erf)  }
.LBB2_13:
0x21f: {  	v24 =	vld [tilespmem:s29+$0x10];
	v6 =	vmul.f32 v28, v6;
	v7 =	vmul.f32 v37, v7;
	s13 =	sadd.s32 $0x40, s13  }
0x220: {  	s23 =	sadd.s32 $0x4, s23;
	v35 =	vmul.f32 v40, v35;
	v28 =	vld [tilespmem:s13+$0x10];
	(erf) = vrcp.f32 v16  }
0x221: {  	v36 =	vmul.f32 v36, v41;
	p0 =	slt.u32 s23, $0x3C;
	v16 =	vld [tilespmem:s13+$0xFFFFFFE0];
	(erf) = vrcp.f32 v15  }
0x222: {  	v34 =	vmul.f32 v39, v34;
	v15 =	vld [tilespmem:s29+$0xFFFFFFF0];
	(erf) = vrcp.f32 v12  }
0x223: {  	v17 =	vmul.f32 v17, v26;
	v26 =	vmul.f32 v38, v33;
	v31 =	vadd.f32 v36, v31;
	v12 =	vld [tilespmem:s13+$0xFFFFFFF0]  }
0x224: {  	v18 =	vmul.f32 v18, v29;
	v13 =	vmul.f32 v14, v13;
	v33 =	vld [tilespmem:s29+$0x0]  }
0x225: {  	v19 =	vmul.f32 v19, v30;
	v17 =	vadd.f32 v17, v27;
	v27 =	vmul.f32 v20, v32;
	v14 =	vld [tilespmem:s13+$0x0]  }
0x226: {  	v9 =	vmul.f32 v9, v1;
	v2 =	vmul.f32 v6, v2;
	v13 =	vadd.f32 v13, v22;
	v29 =	vld [tilespmem:s29+$0xFFFFFFE0]  }
0x227: {  	v6 =	vmul.f32 v35, v18;
	v4 =	vmul.f32 v7, v4;
	v22 =	vld.idx.msk [tilespmem:v24+s3+$0x0], $0xffff  }
0x228: {  	v7 =	vmul.f32 v34, v19;
	v26 =	vmul.f32 v26, v27;
	v20 =	vld.idx.msk [tilespmem:v28+s3+$0x0], $0xffff  }
0x229: {  	v8 =	vmul.f32 v8, v9;
	v9 =	vadd.f32 v6, v31;
	v10 =	vmul.f32 v10, v2;
	v1 =	vld.idx.msk [tilespmem:v16+s3+$0x0], $0xffff;
	v19 =	vpop (erf)  }
0x22a: {  	v17 =	vadd.f32 v7, v17;
	v4 =	vmul.f32 v11, v4;
	v11 =	vadd.f32 v26, v13;
	v6 =	vld.idx.msk [tilespmem:v15+s3+$0x0], $0xffff;
	v13 =	vpop (erf)  }
0x22b: {  	v8 =	vmul.f32 v21, v8;
	v10 =	vmul.f32 v23, v10;
	v2 =	vld.idx.msk [tilespmem:v12+s3+$0x0], $0xffff;
	v18 =	vpop (erf)  }
0x22c: {  	v5 =	vmul.f32 $-1.360569290e+01, v5;
	v21 =	vmul.f32 v25, v4;
	v7 =	vld.idx.msk [tilespmem:v33+s3+$0x0], $0xffff  }
0x22d: {  	v8 =	vmul.f32 v9, v8;
	v17 =	vmul.f32 v17, v10;
	v4 =	vld.idx.msk [tilespmem:v14+s3+$0x0], $0xffff  }
0x22e: {  	v3 =	vmul.f32 $-1.360569290e+01, v3;
	v21 =	vmul.f32 v11, v21;
	v23 =	vadd.f32 v20, v22;
	v9 =	vld.idx.msk [tilespmem:v29+s3+$0x0], $0xffff  }
0x22f: {  	v5 =	vnsel vm3, $0x0, v5;
	v8 =	vmul.f32 v8, v19;
	v26 =	vmul.f32 v1, v1;
	v25 =	vld.idx.msk [tilespmem:v29+s8+$0x0], $0xffff  }
0x230: {  	v19 =	vnsel vm4, $0x0, v3;
	v37 =	vmul.f32 $5.000000000e-01, v23;
	v10 =	vld.idx.msk [tilespmem:v16+s8+$0x0], $0xffff;
	v16 =	vmul.f32 v6, v6;
	[tilespmem:s20+$0xFFFFFFF0] =	vst v5  }
0x231: {  	v23 =	vadd.f32 v2, v6;
	v29 =	vmul.f32 v2, v2;
	v5 =	vmul.f32 v17, v13;
	v15 =	vld.idx.msk [tilespmem:v15+s8+$0x0], $0xffff  }
0x232: {  	v3 =	vmul.f32 v21, v18;
	v13 =	vmul.f32 v7, v7;
	v11 =	vld.idx.msk [tilespmem:v12+s8+$0x0], $0xffff;
	v12 =	vshrl.u32 v37, $0x10;
	[tilespmem:s20+$0x0] =	vst v19;
	s20 =	smov.u32 s21  }
0x233: {  	v18 =	vmul.f32 $5.000000000e-01, v23;
	v17 =	vadd.f32 v4, v7;
	v30 =	vld.idx.msk [tilespmem:v33+s8+$0x0], $0xffff;
	v19 =	vmax.u32 v12, $0x3F80  }
0x234: {  	v21 =	vadd.f32 v1, v9;
	v23 =	vmul.f32 v9, v9;
	v12 =	vld.idx.msk [tilespmem:v14+s8+$0x0], $0xffff;
	v14 =	vmin.u32 v19, $0x447F  }
0x235: {  	v27 =	vshrl.u32 v18, $0x10;
	v19 =	vmul.f32 $5.000000000e-01, v17;
	v14 =	vadd.s32 $0xFFFFC080, v14  }
0x236: {  	v31 =	vmul.f32 v4, v4;
	v21 =	vmul.f32 $5.000000000e-01, v21;
	v17 =	vmax.u32 v27, $0x3F80  }
0x237: {  	s14 =	sadd.s32 $0x40, s14;
	v32 =	vmul.f32 v10, v23;
	v17 =	vmin.u32 v17, $0x447F;
	v23 =	vshrl.u32 v19, $0x10  }
0x238: {  	v27 =	vshrl.u32 v21, $0x10;
	v17 =	vadd.s32 $0xFFFFC080, v17;
	v33 =	vmax.u32 v23, $0x3F80;
	v23 =	vld [tilespmem:s14+$0x10]  }
0x239: {  	v26 =	vmul.f32 v25, v26;
	v27 =	vmax.u32 v27, $0x3F80;
	v33 =	vmin.u32 v33, $0x447F;
	v38 =	vld [tilespmem:s14+$0xFFFFFFE0]  }
0x23a: {  	v16 =	vmul.f32 v11, v16;
	v27 =	vmin.u32 v27, $0x447F;
	v33 =	vadd.s32 $0xFFFFC080, v33;
	v36 =	vld.idx.msk [tilespmem:v14+s7+$0x0], $0xffff  }
0x23b: {  	v39 =	vmul.f32 v12, v13;
	v35 =	vadd.s32 $0xFFFFC080, v27;
	v14 =	vmul.f32 v15, v29;
	v27 =	vld [tilespmem:s14+$0xFFFFFFF0]  }
0x23c: {  	v32 =	vadd.f32 v32, v26;
	v31 =	vmul.f32 v30, v31;
	v13 =	vadd.f32 v25, v25;
	v25 =	vld [tilespmem:s14+$0x0]  }
0x23d: {  	v34 =	vmul.f32 $-1.360569290e+01, v8;
	v16 =	vadd.f32 v16, v14;
	v29 =	vld.idx.msk [tilespmem:v17+s7+$0x0], $0xffff;
	v40 =	vadd.f32 $-8.000000000e+00, v23  }
0x23e: {  	v17 =	vadd.f32 v39, v31;
	v26 =	vmul.f32 $1.889726160e+00, v38;
	v8 =	vadd.f32 $-8.000000000e+00, v38  }
0x23f: {  	v14 =	vadd.f32 v15, v15;
	v31 =	vld.idx.msk [tilespmem:v33+s7+$0x0], $0xffff;
	v39 =	vmul.f32 $5.000000000e-01, v40;
	(erf) = vrcp.f32 v32  }
0x240: {  	v32 =	vmul.f32 v36, v36;
	v33 =	vld.idx.msk [tilespmem:v35+s7+$0x0], $0xffff;
	v40 =	vadd.f32 $-8.000000000e+00, v27;
	v35 =	vmul.f32 v36, v37  }
0x241: {  	v41 =	vmul.f32 $5.000000000e-01, v8;
	v42 =	vadd.f32 $-8.000000000e+00, v25;
	v8 =	vsub.f32 $1.000000000e+00, v39  }
0x242: {  	v15 =	vadd.f32 v30, v30;
	v30 =	vmul.f32 v32, v32;
	v32 =	vmul.f32 v32, v35  }
0x243: {  	vm4 =	vgt.f32 v39, $0.0e+00;
	v43 =	vmul.f32 v29, v29;
	vm3 =	vgt.f32 v8, $0.0e+00  }
0x244: {  	v39 =	vnsel vm4, $0x3F800000, v39;
	v30 =	vmul.f32 v30, v32;
	v44 =	vnsel vm3, $0x3F800000, v8  }
0x245: {  	v48 =	vsub.f32 $1.000000000e+00, v41;
	v32 =	vmul.f32 v29, v18;
	v35 =	vmul.f32 v44, v39  }
0x246: {  	vm5 =	vgt.f32 v41, $0.0e+00;
	v45 =	vmul.f32 v33, v33;
	v30 =	vmul.f32 v30, v36  }
0x247: {  	vm6 =	vgt.f32 v48, $0.0e+00;
	v46 =	vmul.f32 v33, v21;
	(erf) = vrcp.f32 v35  }
0x248: {  	v47 =	vmul.f32 $1.142857190e+00, v36;
	v35 =	vnsel vm6, $0x3F800000, v48;
	v30 =	vmul.f32 $1.428571490e-01, v30;
	v8 =	vpop (erf)  }
0x249: {  	v36 =	vnsel vm5, $0x3F800000, v41;
	v41 =	vmul.f32 v31, v31;
	v48 =	vmul.f32 v31, v19  }
0x24a: {  	v49 =	vmul.f32 v45, v45;
	v45 =	vmul.f32 v45, v46;
	v46 =	vsub.f32 v47, v30  }
0x24b: {  	v30 =	vsub.f32 $0.0e+00, v35;
	v47 =	vmul.f32 v43, v43;
	v43 =	vmul.f32 v43, v32  }
0x24c: {  	v50 =	vmul.f32 v41, v41;
	v32 =	vsub.f32 $0.0e+00, v36;
	v46 =	vmul.f32 v46, v46  }
0x24d: {  	vm12 =	vgt.f32 v38, $0.0e+00;
	v38 =	vmul.f32 $5.000000000e-01, v40;
	v40 =	vmul.f32 v41, v48  }
0x24e: {  	vm11 =	vgt.f32 v27, $0.0e+00;
	v41 =	vmul.f32 $5.000000000e-01, v42;
	v42 =	vmul.f32 v46, v46  }
0x24f: {  	v45 =	vmul.f32 v49, v45;
	v48 =	vsub.f32 $1.000000000e+00, v38;
	v49 =	vmul.f32 $1.889726160e+00, v23  }
0x250: {  	v39 =	vsub.f32 $0.0e+00, v39;
	v43 =	vmul.f32 v47, v43;
	v42 =	vmul.f32 v42, v46;
	v46 =	vpop (erf)  }
0x251: {  	v44 =	vsub.f32 $0.0e+00, v44;
	v40 =	vmul.f32 v50, v40;
	v47 =	vmul.f32 v49, v49  }
0x252: {  	v49 =	vsub.f32 $1.000000000e+00, v41;
	v39 =	vmul.f32 v46, v39;
	v37 =	vmul.f32 v42, v37  }
0x253: {  	vm8 =	vgt.f32 v48, $0.0e+00;
	v44 =	vmul.f32 v46, v44;
	v42 =	vmul.f32 v47, v47  }
0x254: {  	vm7 =	vgt.f32 v49, $0.0e+00;
	v39 =	vmul.f32 $1.442695020e+00, v39;
	v28 =	vld.idx.msk [tilespmem:v28+s8+$0x0], $0xffff;
	v46 =	vmul.f32 $5.079999920e+00, v37  }
0x255: {  	vm9 =	vgt.f32 v38, $0.0e+00;
	v37 =	vmul.f32 $2.552796130e+00, v37;
	v50 =	vld.idx.msk [tilespmem:v24+s8+$0x0], $0xffff;
	v24 =	vmul.f32 $1.442695020e+00, v44  }
0x256: {  	vm10 =	vgt.f32 v41, $0.0e+00;
	v44 =	vmul.f32 v46, v46;
	(erf) = vpow2.f32 v39  }
0x257: {  	v39 =	vnsel vm8, $0x3F800000, v48;
	v46 =	vmul.f32 $7.889299880e-04, v37;
	(erf) = vpow2.f32 v24  }
0x258: {  	v48 =	vnsel vm7, $0x3F800000, v49;
	v24 =	vmul.f32 v22, v22;
	v49 =	vmul.f32 v44, v44  }
0x259: {  	v51 =	vmul.f32 v20, v20;
	v52 =	vmul.f32 v42, v42;
	v46 =	vsub.f32 $4.125272860e-02, v46  }
0x25a: {  	v38 =	vnsel vm9, $0x3F800000, v38;
	v53 =	vmul.f32 v28, v24;
	v54 =	vmul.f32 v49, v49  }
0x25b: {  	v41 =	vnsel vm10, $0x3F800000, v41;
	v51 =	vmul.f32 v50, v51;
	v46 =	vmul.f32 v46, v37  }
0x25c: {  	v55 =	vmul.f32 v52, v47;
	v24 =	vsub.f32 $0.0e+00, v39;
	v56 =	vmul.f32 v54, v44  }
0x25d: {  	v42 =	vmul.f32 v42, v47;
	v57 =	vadd.f32 v53, v51;
	v53 =	vadd.f32 $2.442888920e-01, v46  }
0x25e: {  	v44 =	vmul.f32 v49, v44;
	v47 =	vadd.f32 v54, v52;
	v49 =	vadd.f32 v56, v55  }
0x25f: {  	v45 =	vmul.f32 v45, v33;
	v50 =	vadd.f32 v50, v50;
	v37 =	vmul.f32 v53, v37;
	v46 =	vpop (erf)  }
0x260: {  	v42 =	vadd.f32 v44, v42;
	v44 =	vmul.f32 v49, v47;
	(erf) = vrcp.f32 v57;
	v51 =	vpop (erf)  }
0x261: {  	v37 =	vadd.f32 $-4.330080000e-03, v37;
	v46 =	vnsel vm3, $0x0, v46;
	v51 =	vnsel vm4, $0x0, v51  }
0x262: {  	v28 =	vmul.f32 v28, v50;
	v50 =	vmul.f32 v44, v42;
	v51 =	vadd.f32 v51, v46  }
0x263: {  	v43 =	vmul.f32 v43, v29;
	v52 =	vsub.f32 $0.0e+00, v48;
	v37 =	vmul.f32 v37, v37  }
0x264: {  	v53 =	vsub.f32 $0.0e+00, v38;
	v22 =	vmul.f32 v28, v22;
	v28 =	vmul.f32 v50, v51  }
0x265: {  	v49 =	vmul.f32 v49, v42;
	v50 =	vsub.f32 $0.0e+00, v41;
	v51 =	vmul.f32 $1.000000000e+01, v37  }
0x266: {  	vm13 =	vgt.f32 v25, $0.0e+00;
	v54 =	vmul.f32 $1.225000000e+02, v37;
	(erf) = vrcp.f32 v28  }
0x267: {  	v20 =	vmul.f32 v22, v20;
	v22 =	vmul.f32 v47, v42;
	v28 =	vnsel vm0, $0x0, v34  }
0x268: {  	v34 =	vmul.f32 v54, v37;
	v37 =	vmul.f32 v51, v49;
	vm0 =	vmmov vm12;
	[tilespmem:s21+$0xFFFFFFE0] =	vst v28  }
0x269: {  	v40 =	vmul.f32 v40, v31;
	vm3 =	vmmov vm1;
	v28 =	vmul.f32 $1.428571490e-01, v45;
	v42 =	vpop (erf)  }
0x26a: {  	v37 =	vadd.f32 v37, v44;
	v22 =	vmul.f32 v34, v22;
	v20 =	vmul.f32 v42, v20  }
0x26b: {  	v40 =	vmul.f32 $1.428571490e-01, v40;
	vm1 =	vmmov vm11;
	v34 =	vmul.f32 $1.428571490e-01, v43  }
0x26c: {  	v33 =	vmul.f32 $1.142857190e+00, v33;
	v22 =	vadd.f32 v22, v37;
	v20 =	vmul.f32 v46, v20  }
0x26d: {  	v31 =	vmul.f32 $1.142857190e+00, v31;
	v29 =	vmul.f32 $1.142857190e+00, v29;
	vm4 =	vmmov vm2  }
0x26e: {  	v28 =	vsub.f32 v33, v28;
	v33 =	vmul.f32 v35, v36;
	v20 =	vmul.f32 v22, v20  }
0x26f: {  	v22 =	vsub.f32 v29, v34;
	v29 =	vmul.f32 v39, v38;
	v34 =	vmul.f32 v48, v41;
	v35 =	vpop (erf)  }
0x270: {  	v31 =	vsub.f32 v31, v40;
	v20 =	vmul.f32 v20, v35;
	(erf) = vrcp.f32 v33  }
0x271: {  	vm2 =	vmmov vm13;
	v28 =	vmul.f32 v28, v28;
	(erf) = vrcp.f32 v29  }
0x272: {  	v20 =	vmul.f32 $-1.360569290e+01, v20;
	(erf) = vrcp.f32 v34  }
0x273: {  	vm11 =	vgt.f32 v23, $0.0e+00;
	v22 =	vmul.f32 v22, v22;
	v29 =	vmul.f32 v31, v31  }
0x274: {  	v27 =	vmul.f32 $1.889726160e+00, v27;
	s21 =	sadd.s32 $0x40, s21;
	v23 =	vmul.f32 v28, v28;
	v20 =	vnsel vm11, $0x0, v20  }
0x275: {  	v31 =	vmul.f32 v22, v22;
	v33 =	vmul.f32 v29, v29;
	[tilespmem:s21+$0x10] =	vst v20  }
0x276: {  	v20 =	vmul.f32 v23, v28;
	v23 =	vmul.f32 $1.889726160e+00, v25  }
0x277: {  	v31 =	vmul.f32 v31, v22;
	v25 =	vmul.f32 v33, v29  }
0x278: {  	v20 =	vmul.f32 v20, v21;
	v21 =	vmul.f32 v26, v26  }
0x279: {  	v18 =	vmul.f32 v31, v18;
	v19 =	vmul.f32 v25, v19;
	v22 =	vpop (erf)  }
0x27a: {  	v25 =	vmul.f32 $5.079999920e+00, v20;
	v26 =	vmul.f32 v22, v32;
	v28 =	vpop (erf)  }
0x27b: {  	v29 =	vmul.f32 $5.079999920e+00, v18;
	v31 =	vmul.f32 $5.079999920e+00, v19;
	v32 =	vpop (erf)  }
0x27c: {  	v22 =	vmul.f32 v22, v30;
	v30 =	vmul.f32 v28, v53  }
0x27d: {  	v24 =	vmul.f32 v28, v24;
	v28 =	vmul.f32 v32, v50  }
0x27e: {  	v33 =	vmul.f32 $2.552796130e+00, v20;
	v20 =	vmul.f32 v32, v52  }
0x27f: {  	v34 =	vmul.f32 $2.552796130e+00, v19;
	v32 =	vmul.f32 $2.552796130e+00, v18  }
0x280: {  	v29 =	vmul.f32 v29, v29;
	v25 =	vmul.f32 v25, v25  }
0x281: {  	v18 =	vmul.f32 $1.442695020e+00, v26;
	v26 =	vmul.f32 v31, v31  }
0x282: {  	v19 =	vmul.f32 $1.442695020e+00, v22;
	v22 =	vmul.f32 $1.442695020e+00, v30  }
0x283: {  	v24 =	vmul.f32 $1.442695020e+00, v24;
	v28 =	vmul.f32 $1.442695020e+00, v28  }
0x284: {  	v27 =	vmul.f32 v27, v27;
	v20 =	vmul.f32 $1.442695020e+00, v20  }
0x285: {  	v23 =	vmul.f32 v23, v23;
	v30 =	vmul.f32 $7.889299880e-04, v33  }
0x286: {  	v35 =	vmul.f32 $7.889299880e-04, v34;
	v31 =	vmul.f32 $7.889299880e-04, v32  }
0x287: {  	v37 =	vmul.f32 v29, v29;
	v36 =	vmul.f32 v25, v25;
	v30 =	vsub.f32 $4.125272860e-02, v30  }
0x288: {  	v38 =	vmul.f32 v26, v26;
	v31 =	vsub.f32 $4.125272860e-02, v31;
	(erf) = vpow2.f32 v18  }
0x289: {  	v39 =	vmul.f32 v21, v21;
	v35 =	vsub.f32 $4.125272860e-02, v35;
	(erf) = vpow2.f32 v19  }
0x28a: {  	v40 =	vmul.f32 v27, v27;
	(erf) = vpow2.f32 v22  }
0x28b: {  	v22 =	vmul.f32 v23, v23;
	(erf) = vpow2.f32 v24  }
0x28c: {  	v19 =	vmul.f32 v36, v36;
	(erf) = vpow2.f32 v28  }
0x28d: {  	v24 =	vmul.f32 v37, v37;
	(erf) = vpow2.f32 v20  }
0x28e: {  	v28 =	vmul.f32 v38, v38;
	v20 =	vmul.f32 v39, v39  }
0x28f: {  	v41 =	vmul.f32 v40, v40;
	v42 =	vmul.f32 v22, v22  }
0x290: {  	v30 =	vmul.f32 v30, v33;
	v31 =	vmul.f32 v31, v32;
	v18 =	vadd.f32 v19, v20  }
0x291: {  	v35 =	vmul.f32 v35, v34;
	v43 =	vmul.f32 v19, v25;
	v19 =	vadd.f32 v24, v41;
	v44 =	vpop (erf)  }
0x292: {  	v30 =	vadd.f32 $2.442888920e-01, v30;
	v45 =	vmul.f32 v28, v26;
	v24 =	vmul.f32 v24, v29;
	v46 =	vpop (erf)  }
0x293: {  	v31 =	vadd.f32 $2.442888920e-01, v31;
	v47 =	vmul.f32 v20, v21;
	v41 =	vmul.f32 v41, v27;
	v48 =	vpop (erf)  }
0x294: {  	v35 =	vadd.f32 $2.442888920e-01, v35;
	v49 =	vmul.f32 v42, v23;
	v20 =	vadd.f32 v28, v42;
	v42 =	vpop (erf)  }
0x295: {  	v25 =	vmul.f32 v36, v25;
	v43 =	vadd.f32 v43, v47;
	v24 =	vadd.f32 v24, v41;
	v36 =	vpop (erf)  }
0x296: {  	v37 =	vmul.f32 v37, v29;
	v26 =	vmul.f32 v38, v26;
	v45 =	vadd.f32 v45, v49;
	v28 =	vpop (erf)  }
0x297: {  	v29 =	vmul.f32 v39, v21;
	v27 =	vmul.f32 v40, v27;
	v21 =	vnsel vm6, $0x0, v44  }
0x298: {  	v33 =	vmul.f32 v30, v33;
	v22 =	vmul.f32 v22, v23;
	v38 =	vnsel vm5, $0x0, v46  }
0x299: {  	v23 =	vmul.f32 v31, v32;
	v29 =	vadd.f32 v25, v29;
	v25 =	vmul.f32 v35, v34  }
0x29a: {  	v30 =	vadd.f32 v37, v27;
	v31 =	vmul.f32 v43, v18;
	v27 =	vmul.f32 v24, v19  }
0x29b: {  	v32 =	vadd.f32 v26, v22;
	v22 =	vmul.f32 v45, v20;
	(erf) = vrcp.f32 v16  }
0x29c: {  	v26 =	vadd.f32 $-4.330080000e-03, v23;
	v16 =	vadd.f32 $-4.330080000e-03, v33;
	(erf) = vrcp.f32 v17  }
0x29d: {  	v23 =	vnsel vm8, $0x0, v48;
	v33 =	vadd.f32 $-4.330080000e-03, v25;
	v17 =	vnsel vm9, $0x0, v42  }
0x29e: {  	v37 =	vmul.f32 v31, v29;
	v28 =	vnsel vm10, $0x0, v28;
	v25 =	vnsel vm7, $0x0, v36  }
0x29f: {  	v39 =	vmul.f32 v22, v32;
	v36 =	vadd.f32 v38, v21;
	v38 =	vmul.f32 v27, v30  }
0x2a0: {  	v40 =	vadd.f32 v28, v25;
	v35 =	vmul.f32 v16, v16;
	v17 =	vadd.f32 v17, v23  }
0x2a1: {  	v34 =	vmul.f32 v26, v26;
	v33 =	vmul.f32 v33, v33  }
0x2a2: {  	v13 =	vmul.f32 v10, v13;
	v28 =	vmul.f32 v11, v14  }
0x2a3: {  	v16 =	vmul.f32 v37, v36;
	v37 =	vmul.f32 v12, v15  }
0x2a4: {  	v12 =	vmul.f32 v39, v40;
	v15 =	vmul.f32 v38, v17;
	v10 =	vpop (erf)  }
.Ltmp5:
0x2a5: {  	v36 =	vmul.f32 $1.000000000e+01, v35;
	v40 =	vmul.f32 $1.225000000e+02, v35;
	v11 =	vpop (erf);
	(pc) =	sbr.rel @p0 .LBB2_13-.Ltmp5, $4  }
0x2a6: {  	v39 =	vmul.f32 $1.225000000e+02, v34;
	v17 =	vmul.f32 $1.000000000e+01, v34  }
0x2a7: {  	v14 =	vmul.f32 $1.000000000e+01, v33;
	v38 =	vmul.f32 $1.225000000e+02, v33  }
0x2a8: {  	v41 =	vmul.f32 v43, v29;
	v26 =	vmul.f32 v24, v30  }
0x2a9: {  	s29 =	sadd.s32 $0x40, s29;
	v9 =	vmul.f32 v13, v9;
	v13 =	vmul.f32 v45, v32  }
0x2aa: {  	v6 =	vmul.f32 v28, v6  }
0x2ab: {  	v7 =	vmul.f32 v37, v7;
	v24 =	vmul.f32 v40, v35  }
0x2ac: {  	(erf) = vrcp.f32 v16;
	v16 =	vmul.f32 v36, v41  }
0x2ad: {  	v18 =	vmul.f32 v18, v29;
	(erf) = vrcp.f32 v15  }
0x2ae: {  	v15 =	vmul.f32 v39, v34;
	v13 =	vmul.f32 v14, v13  }
0x2af: {  	v14 =	vmul.f32 v19, v30;
	v19 =	vmul.f32 v20, v32  }
0x2b0: {  	v1 =	vmul.f32 v9, v1;
	(erf) = vrcp.f32 v12  }
0x2b1: {  	v12 =	vmul.f32 v17, v26;
	v17 =	vmul.f32 v38, v33  }
0x2b2: {  	v2 =	vmul.f32 v6, v2;
	v9 =	vmul.f32 v24, v18  }
0x2b3: {  	v6 =	vadd.f32 v16, v31;
	v4 =	vmul.f32 v7, v4;
	v1 =	vmul.f32 v8, v1  }
0x2b4: {  	v8 =	vadd.f32 v13, v22;
	v7 =	vadd.f32 v12, v27;
	v12 =	vmul.f32 v15, v14  }
0x2b5: {  	v13 =	vmul.f32 v17, v19;
	v2 =	vmul.f32 v10, v2;
	v6 =	vadd.f32 v9, v6  }
0x2b6: {  	v4 =	vmul.f32 v11, v4;
	v1 =	vmul.f32 v21, v1;
	v7 =	vadd.f32 v12, v7  }
0x2b7: {  	v2 =	vmul.f32 v23, v2  }
0x2b8: {  	v8 =	vadd.f32 v13, v8;
	v4 =	vmul.f32 v25, v4;
	v1 =	vmul.f32 v6, v1  }
0x2b9: {  	v5 =	vmul.f32 $-1.360569290e+01, v5;
	v2 =	vmul.f32 v7, v2;
	v6 =	vpop (erf)  }
0x2ba: {  	v4 =	vmul.f32 v8, v4;
	v7 =	vpop (erf);
	v1 =	vmul.f32 v1, v6  }
0x2bb: {  	v3 =	vmul.f32 $-1.360569290e+01, v3;
	v6 =	vpop (erf);
	v2 =	vmul.f32 v2, v7  }
0x2bc: {  	v5 =	vnsel vm3, $0x0, v5;
	v4 =	vmul.f32 v4, v6;
	v1 =	vmul.f32 $-1.360569290e+01, v1  }
0x2bd: {  	v3 =	vnsel vm4, $0x0, v3;
	[tilespmem:s20+$0xFFFFFFF0] =	vst v5;
	v2 =	vmul.f32 $-1.360569290e+01, v2  }
0x2be: {  	[tilespmem:s20+$0x0] =	vst v3;
	v1 =	vnsel vm0, $0x0, v1;
	vm0 =	vmmov vm1;
	v3 =	vmul.f32 $-1.360569290e+01, v4  }
0x2bf: {  	vm1 =	vmmov vm2;
	[tilespmem:s21+$0xFFFFFFE0] =	vst v1;
	v1 =	vnsel vm0, $0x0, v2  }
0x2c0: {  	[tilespmem:s21+$0xFFFFFFF0] =	vst v1;
	v1 =	vnsel vm1, $0x0, v3  }
0x2c1: {  	[tilespmem:s21+$0x0] =	vst v1  }
0x2c2: {  	[spmem:s2] =	stream.indirect.scatter.add.f32 [tilespmem:s17], [sflag:$0x4], $0x1, s9, s16, $0xb8;
	[tilespmem:$0x1F0C0] =	vst v63  }
0x2c3: {  	s13 =	sadd.s32 s1, s25;
	_ =	swait.ge [sflag:s31], $0x400  }
0x2c4: {  	s13 =	sshrl.u32 s13, $0x3;
	[sflag:s31] =	ssyncset.done $0x0  }
0x2c5: {  	s14 =	sadd.s32 s4, s13;
	[sflag:s31] =	ssyncadd.s32 $0xFFFFFC00  }
0x2c6: {  	[tilespmem:s19], [sflag:$0x3] =	stream.linear.gather [hbm4b:s14+s3], $0x400, $0x38;
	[tilespmem:$0x1F0C0] =	vst v63  }
0x2c7: {  	s23 =	simm.s32 $0x19C00;
	s21 =	sadd.s32 s5, s13  }
0x2c8: {  	[tilespmem:s23], [sflag:$0x3] =	stream.linear.gather [hbm4b:s21+s3], $0x400, $0x38;
	[tilespmem:$0x1F0C0] =	vst v63  }
0x2c9: {  	s13 =	sadd.s32 s6, s13;
	s21 =	simm.s32 $0x1A800  }
0x2ca: {  	[tilespmem:s21], [sflag:$0x3] =	stream.linear.gather [hbm4b:s13+s3], $0x400, $0x38;
	[tilespmem:$0x1F0C0] =	vst v63  }
0x2cb: {  	_ =	swait.ge [sflag:s22], $0x400  }
0x2cc: {  	[sflag:s22] =	ssyncset.done $0x0  }
0x2cd: {  	[sflag:s22] =	ssyncadd.s32 $0xFFFFFC00  }
0x2ce: {  	_ =	swait.ge [sflag:s22], $0x400  }
0x2cf: {  	[sflag:s22] =	ssyncset.done $0x0  }
0x2d0: {  	[sflag:s22] =	ssyncadd.s32 $0xFFFFFC00  }
0x2d1: {  	_ =	swait.ge [sflag:s22], $0x400  }
0x2d2: {  	[sflag:s22] =	ssyncset.done $0x0  }
0x2d3: {  	s23 =	simm.s32 $0x18C20;
	[sflag:s22] =	ssyncadd.s32 $0xFFFFFC00  }
0x2d4: {  	s20 =	simm.s32 $0x19820;
	v29 =	vld [tilespmem:s23+$0x10]  }
0x2d5: {  	v30 =	vld [tilespmem:s20+$0x10]  }
0x2d6: {  	v8 =	vld [tilespmem:s23+$0xFFFFFFF0]  }
0x2d7: {  	v9 =	vld [tilespmem:s20+$0xFFFFFFF0]  }
0x2d8: {  	v7 =	vld [tilespmem:s20+$0xFFFFFFE0]  }
0x2d9: {  	v10 =	vld [tilespmem:s23+$0x0]  }
0x2da: {  	v12 =	vld [tilespmem:s23+$0xFFFFFFE0]  }
0x2db: {  	v11 =	vld [tilespmem:s20+$0x0]  }
0x2dc: {  	v26 =	vld.idx.msk [tilespmem:v29+s3+$0x0], $0xffff  }
0x2dd: {  	v22 =	vld.idx.msk [tilespmem:v30+s3+$0x0], $0xffff  }
0x2de: {  	v4 =	vld.idx.msk [tilespmem:v8+s3+$0x0], $0xffff  }
0x2df: {  	v1 =	vld.idx.msk [tilespmem:v9+s3+$0x0], $0xffff  }
0x2e0: {  	v2 =	vld.idx.msk [tilespmem:v7+s3+$0x0], $0xffff  }
0x2e1: {  	v5 =	vld.idx.msk [tilespmem:v10+s3+$0x0], $0xffff  }
0x2e2: {  	v6 =	vld.idx.msk [tilespmem:v12+s3+$0x0], $0xffff  }
0x2e3: {  	v3 =	vld.idx.msk [tilespmem:v11+s3+$0x0], $0xffff  }
0x2e4: {  	v16 =	vld.idx.msk [tilespmem:v12+s8+$0x0], $0xffff  }
0x2e5: {  	v15 =	vld.idx.msk [tilespmem:v8+s8+$0x0], $0xffff  }
0x2e6: {  	v8 =	vld.idx.msk [tilespmem:v9+s8+$0x0], $0xffff  }
0x2e7: {  	v29 =	vld.idx.msk [tilespmem:v29+s8+$0x0], $0xffff;
	v13 =	vadd.f32 v22, v26;
	v12 =	vmul.f32 v2, v2  }
0x2e8: {  	v18 =	vmul.f32 v4, v4;
	v19 =	vadd.f32 v2, v6;
	v27 =	vmul.f32 v5, v5  }
0x2e9: {  	v7 =	vld.idx.msk [tilespmem:v7+s8+$0x0], $0xffff;
	v9 =	vadd.f32 v3, v5;
	v47 =	vmul.f32 v22, v22;
	v31 =	vmul.f32 $5.000000000e-01, v13  }
0x2ea: {  	v30 =	vld.idx.msk [tilespmem:v30+s8+$0x0], $0xffff;
	v25 =	vmul.f32 $5.000000000e-01, v19;
	v19 =	vmul.f32 v6, v6  }
0x2eb: {  	v24 =	vmul.f32 $5.000000000e-01, v9;
	v12 =	vmul.f32 v16, v12  }
0x2ec: {  	v13 =	vadd.f32 v1, v4;
	v18 =	vmul.f32 v8, v18;
	v47 =	vmul.f32 v29, v47  }
0x2ed: {  	v29 =	vadd.f32 v29, v29;
	v16 =	vadd.f32 v16, v16;
	v14 =	vshrl.u32 v31, $0x10  }
0x2ee: {  	v23 =	vmul.f32 $5.000000000e-01, v13;
	v55 =	vmul.f32 v7, v19;
	v19 =	vshrl.u32 v24, $0x10  }
0x2ef: {  	s21 =	simm.s32 $0x1A420;
	v29 =	vmul.f32 v30, v29;
	v7 =	vmul.f32 v7, v16;
	v13 =	vmax.u32 v14, $0x3F80  }
0x2f0: {  	v9 =	vld [tilespmem:s21+$0x10];
	v14 =	vmul.f32 v1, v1;
	v19 =	vmax.u32 v19, $0x3F80;
	v13 =	vmin.u32 v13, $0x447F  }
0x2f1: {  	v17 =	vld.idx.msk [tilespmem:v10+s8+$0x0], $0xffff;
	v20 =	vshrl.u32 v23, $0x10;
	v19 =	vmin.u32 v19, $0x447F;
	v12 =	vadd.f32 v55, v12  }
0x2f2: {  	v6 =	vmul.f32 v7, v6;
	v21 =	vadd.s32 $0xFFFFC080, v13;
	v10 =	vmax.u32 v20, $0x3F80;
	v13 =	vld.idx.msk [tilespmem:v11+s8+$0x0], $0xffff  }
0x2f3: {  	v11 =	vmul.f32 v3, v3;
	v20 =	vshrl.u32 v25, $0x10;
	v10 =	vmin.u32 v10, $0x447F  }
0x2f4: {  	v58 =	vadd.s32 $0xFFFFC080, v19;
	v20 =	vmax.u32 v20, $0x3F80;
	v28 =	vadd.s32 $0xFFFFC080, v10;
	v10 =	vld [tilespmem:s21+$0xFFFFFFE0]  }
0x2f5: {  	v55 =	vmul.f32 $1.889726160e+00, v9;
	(erf) = vrcp.f32 v12;
	v20 =	vmin.u32 v20, $0x447F  }
0x2f6: {  	v57 =	vadd.s32 $0xFFFFC080, v20;
	v20 =	vmul.f32 v15, v14;
	v15 =	vadd.f32 v15, v15  }
0x2f7: {  	v2 =	vmul.f32 v6, v2;
	v14 =	vadd.f32 $-8.000000000e+00, v9;
	v19 =	vmul.f32 v13, v27  }
0x2f8: {  	v56 =	vld.idx.msk [tilespmem:v21+s7+$0x0], $0xffff;
	v21 =	vmul.f32 v17, v11;
	v17 =	vadd.f32 v17, v17;
	v8 =	vmul.f32 v8, v15  }
0x2f9: {  	v14 =	vmul.f32 $5.000000000e-01, v14;
	v35 =	vld.idx.msk [tilespmem:v58+s7+$0x0], $0xffff;
	v27 =	vmul.f32 $1.889726160e+00, v10;
	v11 =	vadd.f32 $-8.000000000e+00, v10  }
0x2fa: {  	v13 =	vmul.f32 v13, v17;
	v4 =	vmul.f32 v8, v4  }
0x2fb: {  	v37 =	vmul.f32 $5.000000000e-01, v11;
	v27 =	vmul.f32 v27, v27  }
0x2fc: {  	v28 =	vld.idx.msk [tilespmem:v28+s7+$0x0], $0xffff;
	v5 =	vmul.f32 v13, v5;
	v4 =	vmul.f32 v4, v1  }
0x2fd: {  	v59 =	vmul.f32 v56, v56;
	v60 =	vmul.f32 v56, v31  }
0x2fe: {  	vm3 =	vgt.f32 v14, $0.0e+00;
	v34 =	vld.idx.msk [tilespmem:v57+s7+$0x0], $0xffff;
	v33 =	vmul.f32 $1.142857190e+00, v56;
	v52 =	vmul.f32 v35, v35  }
0x2ff: {  	v11 =	vsub.f32 $1.000000000e+00, v14;
	v43 =	vmul.f32 v35, v24;
	v3 =	vmul.f32 v5, v3  }
0x300: {  	v63 =	vnsel vm3, $0x3F800000, v14;
	v12 =	vmul.f32 v59, v59;
	v32 =	vmul.f32 v59, v60  }
0x301: {  	vm2 =	vgt.f32 v11, $0.0e+00;
	v61 =	vmul.f32 v28, v28;
	v14 =	vmul.f32 v28, v23  }
0x302: {  	v62 =	vnsel vm2, $0x3F800000, v11;
	v45 =	vmul.f32 v52, v52;
	v41 =	vmul.f32 v52, v43  }
0x303: {  	v48 =	vmul.f32 v62, v63;
	v49 =	vmul.f32 v34, v34  }
0x304: {  	v42 =	vmul.f32 v34, v25;
	v12 =	vmul.f32 v12, v32  }
0x305: {  	v54 =	vmul.f32 v61, v61;
	v36 =	vmul.f32 v61, v14  }
0x306: {  	v11 =	vld [tilespmem:s21+$0xFFFFFFF0];
	v41 =	vmul.f32 v45, v41;
	v32 =	vsub.f32 $0.0e+00, v62;
	v62 =	vmul.f32 v26, v26  }
0x307: {  	v26 =	vmul.f32 v29, v26;
	v50 =	vmul.f32 v12, v56;
	v12 =	vld [tilespmem:s21+$0x0]  }
0x308: {  	(erf) = vrcp.f32 v48;
	v44 =	vmul.f32 v49, v49  }
0x309: {  	v40 =	vmul.f32 v49, v42;
	v51 =	vmul.f32 $1.428571490e-01, v50  }
0x30a: {  	v36 =	vmul.f32 v54, v36;
	v22 =	vmul.f32 v26, v22  }
0x30b: {  	v53 =	vadd.f32 $-8.000000000e+00, v11;
	v40 =	vmul.f32 v44, v40;
	v33 =	vsub.f32 v33, v51  }
0x30c: {  	v44 =	vmul.f32 v55, v55;
	v52 =	vmul.f32 $1.889726160e+00, v11;
	v14 =	vadd.f32 $-8.000000000e+00, v12  }
0x30d: {  	v36 =	vmul.f32 v36, v28;
	v33 =	vmul.f32 v33, v33  }
0x30e: {  	v28 =	vmul.f32 $1.142857190e+00, v28;
	v39 =	vmul.f32 $5.000000000e-01, v53  }
0x30f: {  	v58 =	vmul.f32 v44, v44;
	v46 =	vmul.f32 v33, v33  }
0x310: {  	v38 =	vsub.f32 $0.0e+00, v63;
	v40 =	vmul.f32 v40, v34;
	v43 =	vmul.f32 $5.000000000e-01, v14;
	v14 =	vpop (erf)  }
0x311: {  	v34 =	vmul.f32 $1.142857190e+00, v34;
	v33 =	vmul.f32 v46, v33;
	v56 =	vpop (erf)  }
0x312: {  	v36 =	vmul.f32 $1.428571490e-01, v36;
	v57 =	vmul.f32 v56, v38  }
0x313: {  	v18 =	vadd.f32 v18, v20;
	v48 =	vmul.f32 v58, v58;
	v31 =	vmul.f32 v33, v31  }
0x314: {  	vm0 =	vgt.f32 v37, $0.0e+00;
	v32 =	vmul.f32 v56, v32;
	v33 =	vmul.f32 $1.442695020e+00, v57  }
0x315: {  	v60 =	vsub.f32 $1.000000000e+00, v37;
	v59 =	vmul.f32 $5.079999920e+00, v31;
	v31 =	vmul.f32 $2.552796130e+00, v31  }
0x316: {  	v37 =	vnsel vm0, $0x3F800000, v37;
	v32 =	vmul.f32 $1.442695020e+00, v32;
	(erf) = vpow2.f32 v33  }
0x317: {  	vm1 =	vgt.f32 v60, $0.0e+00;
	v42 =	vmul.f32 v59, v59;
	v61 =	vmul.f32 $7.889299880e-04, v31  }
0x318: {  	v28 =	vsub.f32 v28, v36;
	(erf) = vpow2.f32 v32;
	v32 =	vmul.f32 v30, v62  }
0x319: {  	v50 =	vmul.f32 v48, v44;
	v63 =	vmul.f32 v42, v42;
	v45 =	vsub.f32 $4.125272860e-02, v61  }
0x31a: {  	v28 =	vmul.f32 v28, v28;
	v38 =	vmul.f32 v58, v44;
	v32 =	vadd.f32 v32, v47  }
0x31b: {  	vm5 =	vgt.f32 v39, $0.0e+00;
	v49 =	vmul.f32 v63, v63;
	v45 =	vmul.f32 v45, v31  }
0x31c: {  	v33 =	vnsel vm1, $0x3F800000, v60;
	v62 =	vmul.f32 $1.428571490e-01, v40;
	(erf) = vrcp.f32 v32  }
0x31d: {  	v51 =	vmul.f32 v49, v42;
	v45 =	vadd.f32 $2.442888920e-01, v45;
	v42 =	vmul.f32 v63, v42  }
0x31e: {  	v46 =	vmul.f32 v33, v37;
	v53 =	vadd.f32 v49, v48;
	v63 =	vmul.f32 v41, v35  }
0x31f: {  	v54 =	vadd.f32 v51, v50;
	v31 =	vmul.f32 v45, v31;
	v55 =	vpop (erf);
	v38 =	vadd.f32 v42, v38  }
0x320: {  	v35 =	vmul.f32 $1.142857190e+00, v35;
	v45 =	vnsel vm2, $0x0, v55;
	v55 =	vmul.f32 $1.889726160e+00, v12  }
0x321: {  	v57 =	vpop (erf);
	v56 =	vmul.f32 v54, v53;
	v31 =	vadd.f32 $-4.330080000e-03, v31;
	v60 =	vmul.f32 v54, v38  }
0x322: {  	v32 =	vnsel vm3, $0x0, v57;
	v26 =	vmul.f32 v53, v38;
	v53 =	vmul.f32 v28, v28  }
0x323: {  	v32 =	vadd.f32 v32, v45;
	v30 =	vmul.f32 v56, v38;
	v31 =	vmul.f32 v31, v31  }
0x324: {  	vm4 =	vgt.f32 v43, $0.0e+00;
	v38 =	vmul.f32 $1.428571490e-01, v63;
	v28 =	vmul.f32 v53, v28  }
0x325: {  	v58 =	vsub.f32 $1.000000000e+00, v39;
	v44 =	vpop (erf);
	v29 =	vmul.f32 v30, v32;
	v30 =	vmul.f32 $1.000000000e+01, v31  }
0x326: {  	v59 =	vsub.f32 $1.000000000e+00, v43;
	v61 =	vmul.f32 $1.225000000e+02, v31;
	v22 =	vmul.f32 v44, v22  }
0x327: {  	v35 =	vsub.f32 v35, v38;
	v23 =	vmul.f32 v28, v23;
	(erf) = vrcp.f32 v29  }
0x328: {  	vm2 =	vgt.f32 v59, $0.0e+00;
	v29 =	vmul.f32 v61, v31;
	v30 =	vmul.f32 v30, v60  }
0x329: {  	vm3 =	vgt.f32 v58, $0.0e+00;
	v22 =	vmul.f32 v45, v22;
	v50 =	vmul.f32 v35, v35  }
0x32a: {  	v31 =	vnsel vm3, $0x3F800000, v58;
	v57 =	vmul.f32 $5.079999920e+00, v23;
	v23 =	vmul.f32 $2.552796130e+00, v23  }
0x32b: {  	v35 =	vmul.f32 v52, v52;
	v30 =	vadd.f32 v30, v56;
	v26 =	vmul.f32 v29, v26  }
0x32c: {  	v45 =	vnsel vm4, $0x3F800000, v43;
	(erf) = vrcp.f32 v46;
	v54 =	vmul.f32 v50, v50  }
0x32d: {  	v29 =	vnsel vm2, $0x3F800000, v59;
	v20 =	vmul.f32 v35, v35;
	v26 =	vadd.f32 v26, v30  }
0x32e: {  	v48 =	vmul.f32 v29, v45;
	v30 =	vnsel vm5, $0x3F800000, v39;
	v32 =	vmul.f32 v54, v50  }
0x32f: {  	v47 =	vmul.f32 v31, v30;
	v22 =	vmul.f32 v26, v22  }
0x330: {  	v26 =	vsub.f32 v34, v62;
	v24 =	vmul.f32 v32, v24;
	v62 =	vmul.f32 v57, v57  }
0x331: {  	v34 =	vmul.f32 v55, v55;
	v55 =	vmul.f32 v20, v20  }
0x332: {  	v20 =	vmul.f32 v20, v35;
	(erf) = vrcp.f32 v47  }
0x333: {  	v26 =	vmul.f32 v26, v26;
	(erf) = vrcp.f32 v48  }
0x334: {  	v60 =	vmul.f32 $5.079999920e+00, v24;
	v24 =	vmul.f32 $2.552796130e+00, v24  }
0x335: {  	v19 =	vadd.f32 v19, v21;
	v48 =	vmul.f32 $7.889299880e-04, v23;
	v21 =	vmul.f32 v34, v34  }
0x336: {  	v49 =	vpop (erf);
	v51 =	vmul.f32 v26, v26;
	v63 =	vmul.f32 v60, v60  }
0x337: {  	v22 =	vmul.f32 v22, v49;
	v49 =	vmul.f32 $7.889299880e-04, v24  }
0x338: {  	v33 =	vsub.f32 $0.0e+00, v33;
	v26 =	vmul.f32 v51, v26;
	v52 =	vmul.f32 v63, v63  }
0x339: {  	v39 =	vmul.f32 v55, v35;
	v51 =	vmul.f32 v62, v62;
	v40 =	vsub.f32 $4.125272860e-02, v49  }
0x33a: {  	v25 =	vmul.f32 v26, v25;
	v26 =	vsub.f32 $0.0e+00, v37;
	v54 =	vmul.f32 v52, v52  }
0x33b: {  	v28 =	vsub.f32 $0.0e+00, v31;
	v31 =	vpop (erf);
	v40 =	vmul.f32 v40, v24;
	v36 =	vmul.f32 v52, v63  }
0x33c: {  	v30 =	vsub.f32 $0.0e+00, v30;
	v56 =	vmul.f32 $5.079999920e+00, v25;
	v26 =	vmul.f32 v31, v26  }
0x33d: {  	v58 =	vsub.f32 $0.0e+00, v45;
	v59 =	vpop (erf);
	v31 =	vmul.f32 v31, v33;
	v25 =	vmul.f32 $2.552796130e+00, v25  }
0x33e: {  	v29 =	vsub.f32 $0.0e+00, v29;
	v61 =	vpop (erf);
	v30 =	vmul.f32 v59, v30;
	v28 =	vmul.f32 v59, v28  }
0x33f: {  	v59 =	vmul.f32 v54, v63;
	v37 =	vmul.f32 v61, v58  }
0x340: {  	v29 =	vmul.f32 v61, v29;
	v32 =	vmul.f32 v56, v56  }
0x341: {  	v40 =	vadd.f32 $2.442888920e-01, v40;
	v26 =	vmul.f32 $1.442695020e+00, v26;
	v31 =	vmul.f32 $1.442695020e+00, v31  }
0x342: {  	v47 =	vmul.f32 $7.889299880e-04, v25;
	v56 =	vmul.f32 v21, v21  }
0x343: {  	v21 =	vmul.f32 v21, v34;
	v24 =	vmul.f32 v40, v24  }
0x344: {  	v30 =	vmul.f32 $1.442695020e+00, v30;
	v28 =	vmul.f32 $1.442695020e+00, v28  }
0x345: {  	v37 =	vmul.f32 $1.442695020e+00, v37;
	v29 =	vmul.f32 $1.442695020e+00, v29  }
0x346: {  	v53 =	vsub.f32 $4.125272860e-02, v48;
	v50 =	vmul.f32 v32, v32;
	(erf) = vpow2.f32 v26  }
0x347: {  	v26 =	vmul.f32 v27, v27;
	v24 =	vadd.f32 $-4.330080000e-03, v24;
	(erf) = vpow2.f32 v31  }
0x348: {  	v38 =	vadd.f32 v54, v56;
	v44 =	vmul.f32 v56, v34;
	(erf) = vpow2.f32 v30  }
0x349: {  	v31 =	vsub.f32 $4.125272860e-02, v47;
	v30 =	vmul.f32 v51, v51;
	v24 =	vmul.f32 v24, v24  }
0x34a: {  	v21 =	vadd.f32 v36, v21;
	(erf) = vpow2.f32 v28;
	v28 =	vmul.f32 v50, v50  }
0x34b: {  	v61 =	vadd.f32 v59, v44;
	v31 =	vmul.f32 v31, v25;
	(erf) = vpow2.f32 v37  }
0x34c: {  	v37 =	vmul.f32 v53, v23;
	v58 =	vadd.f32 v30, v55;
	v30 =	vmul.f32 v30, v62  }
0x34d: {  	v47 =	vmul.f32 v61, v38;
	v52 =	vmul.f32 $1.000000000e+01, v24  }
0x34e: {  	v53 =	vmul.f32 $1.225000000e+02, v24;
	v7 =	vmul.f32 v61, v21  }
0x34f: {  	(erf) = vpow2.f32 v29;
	v29 =	vmul.f32 v26, v26  }
0x350: {  	v31 =	vadd.f32 $2.442888920e-01, v31;
	v26 =	vmul.f32 v26, v27;
	v7 =	vmul.f32 v52, v7  }
0x351: {  	v57 =	vadd.f32 v28, v29;
	v28 =	vmul.f32 v28, v32;
	v29 =	vmul.f32 v29, v27  }
0x352: {  	v37 =	vadd.f32 $2.442888920e-01, v37;
	v32 =	vmul.f32 v50, v32;
	v25 =	vmul.f32 v31, v25  }
0x353: {  	v50 =	vmul.f32 v47, v21;
	v21 =	vmul.f32 v38, v21  }
0x354: {  	s23 =	simm.s32 $0x18C60;
	v23 =	vmul.f32 v37, v23;
	v28 =	vadd.f32 v28, v29;
	v29 =	vadd.f32 v30, v39  }
0x355: {  	v8 =	vld [tilespmem:s23+$0xFFFFFFF0];
	v30 =	vmul.f32 v51, v62;
	v60 =	vpop (erf);
	v31 =	vadd.f32 v32, v26;
	(erf) = vrcp.f32 v18  }
0x356: {  	v18 =	vadd.f32 $-4.330080000e-03, v25;
	v27 =	vpop (erf);
	v33 =	vnsel vm1, $0x0, v60;
	v23 =	vadd.f32 $-4.330080000e-03, v23  }
0x357: {  	v27 =	vnsel vm0, $0x0, v27;
	v62 =	vmul.f32 v28, v57;
	v63 =	vmul.f32 v29, v58  }
0x358: {  	v34 =	vld [tilespmem:s23+$0x10];
	v26 =	vpop (erf);
	v20 =	vadd.f32 v30, v20;
	(erf) = vrcp.f32 v19;
	v18 =	vmul.f32 v18, v18  }
0x359: {  	v28 =	vmul.f32 v28, v31;
	v19 =	vnsel vm3, $0x0, v26;
	v27 =	vadd.f32 v27, v33;
	v30 =	vpop (erf)  }
0x35a: {  	s13 =	simm.s32 $0x19860;
	v23 =	vmul.f32 v23, v23;
	v48 =	vmul.f32 v62, v31;
	v25 =	vpop (erf);
	v30 =	vnsel vm5, $0x0, v30  }
0x35b: {  	v35 =	vld [tilespmem:s13+$0x10];
	v49 =	vmul.f32 v63, v20;
	v26 =	vpop (erf);
	v25 =	vnsel vm2, $0x0, v25;
	v30 =	vadd.f32 v30, v19  }
0x35c: {  	v15 =	vmul.f32 v48, v27;
	v27 =	vmul.f32 $1.225000000e+02, v18;
	v26 =	vnsel vm4, $0x0, v26  }
0x35d: {  	v6 =	vld.idx.msk [tilespmem:v8+s3+$0x0], $0xffff;
	v26 =	vadd.f32 v26, v25;
	v16 =	vmul.f32 v49, v30;
	v30 =	vmul.f32 $1.225000000e+02, v23  }
0x35e: {  	v54 =	vld [tilespmem:s13+$0xFFFFFFE0];
	v13 =	vmul.f32 v27, v18;
	(erf) = vrcp.f32 v15  }
0x35f: {  	v27 =	vld [tilespmem:s13+$0xFFFFFFF0];
	v17 =	vmul.f32 v50, v26;
	v26 =	vmul.f32 $1.000000000e+01, v18  }
0x360: {  	(erf) = vrcp.f32 v16;
	v16 =	vmul.f32 v30, v23;
	v30 =	vld.idx.msk [tilespmem:v34+s3+$0x0], $0xffff  }
0x361: {  	v29 =	vmul.f32 v29, v20;
	v18 =	vmul.f32 v53, v24;
	v24 =	vld [tilespmem:s13+$0x0]  }
0x362: {  	v51 =	vmul.f32 $1.000000000e+01, v23;
	v15 =	vmul.f32 v26, v28;
	v28 =	vld [tilespmem:s23+$0x0]  }
0x363: {  	v20 =	vmul.f32 v58, v20;
	v23 =	vmul.f32 v57, v31;
	v26 =	vld.idx.msk [tilespmem:v35+s3+$0x0], $0xffff  }
0x364: {  	v5 =	vpop (erf);
	(erf) = vrcp.f32 v17;
	v17 =	vmul.f32 v51, v29;
	v29 =	vld [tilespmem:s23+$0xFFFFFFE0]  }
0x365: {  	v14 =	vmul.f32 v14, v2;
	v7 =	vadd.f32 v7, v47;
	v4 =	vmul.f32 v5, v4  }
0x366: {  	v13 =	vmul.f32 v13, v23;
	v16 =	vmul.f32 v16, v20;
	v15 =	vadd.f32 v15, v62  }
0x367: {  	v1 =	vld.idx.msk [tilespmem:v54+s3+$0x0], $0xffff;
	v18 =	vmul.f32 v18, v21;
	v23 =	vmul.f32 v6, v6;
	v17 =	vadd.f32 v17, v63  }
0x368: {  	v21 =	vpop (erf);
	v5 =	vadd.f32 v13, v15;
	v13 =	vmul.f32 v33, v14;
	v20 =	vadd.f32 v26, v30  }
0x369: {  	v3 =	vmul.f32 v21, v3;
	v2 =	vld.idx.msk [tilespmem:v27+s3+$0x0], $0xffff;
	v15 =	vadd.f32 v16, v17;
	v14 =	vmul.f32 v19, v4  }
0x36a: {  	v4 =	vld.idx.msk [tilespmem:v24+s3+$0x0], $0xffff;
	v5 =	vmul.f32 v5, v13;
	v38 =	vmul.f32 $5.000000000e-01, v20  }
0x36b: {  	v3 =	vmul.f32 v25, v3;
	v16 =	vadd.f32 v18, v7;
	v14 =	vmul.f32 v15, v14;
	v7 =	vld.idx.msk [tilespmem:v28+s3+$0x0], $0xffff  }
0x36c: {  	v21 =	vmul.f32 v1, v1;
	v18 =	vmul.f32 $-1.360569290e+01, v22;
	v19 =	vpop (erf);
	v13 =	vld.idx.msk [tilespmem:v29+s3+$0x0], $0xffff;
	v17 =	vshrl.u32 v38, $0x10  }
0x36d: {  	v3 =	vmul.f32 v16, v3;
	v22 =	vmul.f32 v5, v19;
	v19 =	vld.idx.msk [tilespmem:v29+s8+$0x0], $0xffff;
	v17 =	vmax.u32 v17, $0x3F80  }
0x36e: {  	v25 =	vmul.f32 v2, v2;
	v5 =	vpop (erf);
	v15 =	vmin.u32 v17, $0x447F;
	v17 =	vadd.f32 v2, v6  }
0x36f: {  	s14 =	simm.s32 $0x1A460;
	v22 =	vmul.f32 $-1.360569290e+01, v22;
	v5 =	vmul.f32 v14, v5;
	v14 =	vpop (erf);
	v16 =	vadd.s32 $0xFFFFC080, v15;
	v15 =	vld.idx.msk [tilespmem:v54+s8+$0x0], $0xffff  }
0x370: {  	v3 =	vmul.f32 v3, v14;
	v14 =	vld [tilespmem:s14+$0x10];
	v29 =	vmul.f32 $5.000000000e-01, v17  }
0x371: {  	v59 =	vmul.f32 v4, v4;
	v17 =	vadd.f32 v4, v7;
	v20 =	vadd.f32 v1, v13  }
0x372: {  	v56 =	vmul.f32 v13, v13;
	v61 =	vmul.f32 v19, v21;
	v21 =	vld.idx.msk [tilespmem:v28+s8+$0x0], $0xffff;
	v57 =	vshrl.u32 v29, $0x10  }
0x373: {  	v31 =	vmul.f32 $5.000000000e-01, v17;
	v32 =	vmul.f32 $5.000000000e-01, v20;
	v20 =	vld.idx.msk [tilespmem:v8+s8+$0x0], $0xffff;
	v17 =	vmax.u32 v57, $0x3F80  }
0x374: {  	v55 =	vmul.f32 v7, v7;
	v58 =	vld.idx.msk [tilespmem:v16+s7+$0x0], $0xffff;
	v36 =	vmul.f32 v15, v56;
	v8 =	vmin.u32 v17, $0x447F  }
0x375: {  	v16 =	vld.idx.msk [tilespmem:v27+s8+$0x0], $0xffff;
	v27 =	vshrl.u32 v31, $0x10;
	v60 =	vshrl.u32 v32, $0x10;
	v62 =	vadd.f32 $-8.000000000e+00, v14  }
0x376: {  	v17 =	vld.idx.msk [tilespmem:v24+s8+$0x0], $0xffff;
	v8 =	vadd.s32 $0xFFFFC080, v8;
	v24 =	vmax.u32 v27, $0x3F80;
	v27 =	vmax.u32 v60, $0x3F80  }
0x377: {  	v28 =	vmin.u32 v24, $0x447F;
	v27 =	vmin.u32 v27, $0x447F;
	v40 =	vmul.f32 $5.000000000e-01, v62  }
0x378: {  	v36 =	vadd.f32 v36, v61;
	v62 =	vmul.f32 $1.889726160e+00, v14;
	v49 =	vadd.s32 $0xFFFFC080, v27  }
0x379: {  	v50 =	vadd.s32 $0xFFFFC080, v28;
	v27 =	vmul.f32 v20, v25;
	v28 =	vmul.f32 v21, v59  }
0x37a: {  	v52 =	vsub.f32 $1.000000000e+00, v40;
	(erf) = vrcp.f32 v36;
	v63 =	vmul.f32 v58, v58  }
0x37b: {  	vm3 =	vgt.f32 v40, $0.0e+00;
	v48 =	vmul.f32 v58, v38;
	v24 =	vmul.f32 v16, v23;
	v23 =	vld [tilespmem:s14+$0xFFFFFFE0]  }
0x37c: {  	v43 =	vmul.f32 v62, v62;
	v40 =	vnsel vm3, $0x3F800000, v40;
	vm2 =	vgt.f32 v52, $0.0e+00  }
0x37d: {  	v37 =	vld.idx.msk [tilespmem:v8+s7+$0x0], $0xffff;
	v51 =	vmul.f32 v63, v63;
	v42 =	vmul.f32 v63, v48;
	v33 =	vnsel vm2, $0x3F800000, v52  }
0x37e: {  	v25 =	vmul.f32 v17, v55;
	v52 =	vld.idx.msk [tilespmem:v34+s8+$0x0], $0xffff;
	v54 =	vmul.f32 v33, v40  }
0x37f: {  	v39 =	vmul.f32 $1.142857190e+00, v58;
	v34 =	vld [tilespmem:s14+$0x0];
	v53 =	vmul.f32 v51, v42  }
0x380: {  	v36 =	vmul.f32 $1.889726160e+00, v23;
	(erf) = vrcp.f32 v54  }
0x381: {  	v44 =	vld.idx.msk [tilespmem:v50+s7+$0x0], $0xffff;
	v55 =	vadd.f32 $-8.000000000e+00, v23;
	v54 =	vmul.f32 v26, v26;
	v8 =	vmul.f32 v53, v58  }
0x382: {  	v35 =	vld.idx.msk [tilespmem:v35+s8+$0x0], $0xffff;
	v56 =	vmul.f32 v37, v37;
	v57 =	vmul.f32 v37, v29  }
0x383: {  	v42 =	vld.idx.msk [tilespmem:v49+s7+$0x0], $0xffff;
	v53 =	vmul.f32 v30, v30;
	v41 =	vmul.f32 $5.000000000e-01, v55  }
0x384: {  	vm6 =	vgt.f32 v10, $0.0e+00;
	v54 =	vmul.f32 v52, v54;
	v10 =	vmul.f32 $1.889726160e+00, v34  }
0x385: {  	v36 =	vmul.f32 v36, v36;
	v8 =	vmul.f32 $1.428571490e-01, v8  }
0x386: {  	v47 =	vmul.f32 v44, v44;
	v48 =	vmul.f32 v44, v31  }
0x387: {  	v63 =	vmul.f32 v56, v56;
	v53 =	vmul.f32 v35, v53  }
0x388: {  	v58 =	vmul.f32 v42, v42;
	v59 =	vmul.f32 v42, v32  }
0x389: {  	v10 =	vmul.f32 v10, v10;
	v8 =	vsub.f32 v39, v8;
	v39 =	vmul.f32 v56, v57  }
0x38a: {  	v60 =	vmul.f32 v58, v58;
	v45 =	vmul.f32 v58, v59  }
0x38b: {  	v48 =	vmul.f32 v47, v48;
	v8 =	vmul.f32 v8, v8  }
0x38c: {  	v57 =	vsub.f32 $0.0e+00, v33;
	v33 =	vld [tilespmem:s14+$0xFFFFFFF0];
	v39 =	vmul.f32 v63, v39;
	v45 =	vmul.f32 v60, v45  }
0x38d: {  	v47 =	vmul.f32 v47, v47;
	v61 =	vmul.f32 v8, v8  }
0x38e: {  	v39 =	vmul.f32 v39, v37;
	v45 =	vmul.f32 v45, v42  }
0x38f: {  	v40 =	vsub.f32 $0.0e+00, v40;
	v37 =	vmul.f32 $1.142857190e+00, v37;
	v50 =	vmul.f32 v61, v8;
	v8 =	vpop (erf)  }
0x390: {  	v39 =	vmul.f32 $1.428571490e-01, v39;
	v56 =	vpop (erf);
	v45 =	vmul.f32 $1.428571490e-01, v45  }
0x391: {  	v61 =	vadd.f32 $-8.000000000e+00, v33;
	v38 =	vmul.f32 v50, v38;
	v40 =	vmul.f32 v56, v40  }
0x392: {  	v50 =	vmul.f32 v43, v43;
	v46 =	vmul.f32 v56, v57  }
0x393: {  	v49 =	vmul.f32 $5.000000000e-01, v61;
	v58 =	vmul.f32 $5.079999920e+00, v38  }
0x394: {  	v37 =	vsub.f32 v37, v39;
	v40 =	vmul.f32 $1.442695020e+00, v40;
	v38 =	vmul.f32 $2.552796130e+00, v38  }
0x395: {  	v59 =	vmul.f32 $1.442695020e+00, v46;
	v62 =	vmul.f32 v50, v50  }
0x396: {  	v55 =	vsub.f32 $1.000000000e+00, v41;
	v50 =	vmul.f32 v50, v43;
	v37 =	vmul.f32 v37, v37  }
0x397: {  	vm0 =	vgt.f32 v41, $0.0e+00;
	v46 =	vmul.f32 v58, v58;
	(erf) = vpow2.f32 v40  }
0x398: {  	v53 =	vadd.f32 v53, v54;
	v60 =	vmul.f32 $7.889299880e-04, v38;
	v43 =	vmul.f32 v62, v43  }
0x399: {  	(erf) = vpow2.f32 v59;
	v59 =	vadd.f32 $-8.000000000e+00, v34;
	v56 =	vmul.f32 v46, v46  }
0x39a: {  	v40 =	vsub.f32 $4.125272860e-02, v60;
	v60 =	vadd.f32 v52, v52;
	(erf) = vrcp.f32 v53  }
0x39b: {  	v41 =	vnsel vm0, $0x3F800000, v41;
	v54 =	vmul.f32 $5.000000000e-01, v59;
	v63 =	vmul.f32 v56, v56  }
0x39c: {  	vm1 =	vgt.f32 v55, $0.0e+00;
	v40 =	vmul.f32 v40, v38;
	v35 =	vmul.f32 v35, v60  }
0x39d: {  	v56 =	vmul.f32 v56, v46;
	v60 =	vsub.f32 $1.000000000e+00, v49;
	v46 =	vmul.f32 v63, v46  }
0x39e: {  	vm4 =	vgt.f32 v54, $0.0e+00;
	v40 =	vadd.f32 $2.442888920e-01, v40;
	v30 =	vmul.f32 v35, v30  }
0x39f: {  	v51 =	vadd.f32 v63, v62;
	v43 =	vadd.f32 v46, v43;
	v46 =	vmul.f32 v47, v48  }
0x3a0: {  	v38 =	vmul.f32 v40, v38;
	v48 =	vadd.f32 v56, v50;
	v26 =	vmul.f32 v30, v26  }
0x3a1: {  	v47 =	vadd.f32 v21, v21;
	v21 =	vmul.f32 v36, v36;
	v61 =	vpop (erf);
	v50 =	vmul.f32 v43, v51  }
0x3a2: {  	v38 =	vadd.f32 $-4.330080000e-03, v38;
	v40 =	vnsel vm2, $0x0, v61;
	v43 =	vmul.f32 v43, v48  }
0x3a3: {  	v62 =	vpop (erf);
	v61 =	vsub.f32 $1.000000000e+00, v54;
	v30 =	vmul.f32 v51, v48;
	v46 =	vmul.f32 v46, v44  }
0x3a4: {  	v44 =	vmul.f32 $1.142857190e+00, v44;
	v52 =	vnsel vm3, $0x0, v62;
	v63 =	vmul.f32 v50, v48  }
0x3a5: {  	v52 =	vadd.f32 v52, v40;
	v38 =	vmul.f32 v38, v38;
	vm2 =	vgt.f32 v61, $0.0e+00  }
0x3a6: {  	v46 =	vmul.f32 $1.428571490e-01, v46;
	v35 =	vnsel vm2, $0x3F800000, v61;
	v61 =	vmul.f32 $1.142857190e+00, v42  }
0x3a7: {  	v42 =	vnsel vm4, $0x3F800000, v54;
	v62 =	vmul.f32 v63, v52;
	v57 =	vmul.f32 $1.225000000e+02, v38  }
0x3a8: {  	v55 =	vnsel vm1, $0x3F800000, v55;
	v63 =	vmul.f32 $1.000000000e+01, v38;
	v53 =	vmul.f32 v35, v42  }
0x3a9: {  	v54 =	vsub.f32 v44, v46;
	(erf) = vrcp.f32 v62;
	v58 =	vmul.f32 v57, v38  }
0x3aa: {  	vm3 =	vgt.f32 v60, $0.0e+00;
	v59 =	vmul.f32 v63, v43;
	v62 =	vmul.f32 v55, v41  }
0x3ab: {  	v43 =	vnsel vm3, $0x3F800000, v60;
	v60 =	vpop (erf);
	v39 =	vmul.f32 v54, v54;
	v57 =	vmul.f32 $1.889726160e+00, v33  }
0x3ac: {  	v26 =	vmul.f32 v60, v26;
	v30 =	vmul.f32 v58, v30  }
0x3ad: {  	v38 =	vadd.f32 v59, v50;
	(erf) = vrcp.f32 v62;
	v58 =	vmul.f32 v37, v37  }
0x3ae: {  	vm5 =	vgt.f32 v49, $0.0e+00;
	v59 =	vmul.f32 v39, v39;
	v26 =	vmul.f32 v40, v26  }
0x3af: {  	v30 =	vadd.f32 v30, v38;
	v38 =	vnsel vm5, $0x3F800000, v49;
	v37 =	vmul.f32 v58, v37  }
0x3b0: {  	v39 =	vmul.f32 v59, v39;
	v63 =	vmul.f32 v43, v38  }
0x3b1: {  	v26 =	vmul.f32 v30, v26;
	v30 =	vsub.f32 v61, v45;
	v29 =	vmul.f32 v37, v29  }
0x3b2: {  	v31 =	vmul.f32 v39, v31;
	(erf) = vrcp.f32 v63  }
0x3b3: {  	v30 =	vmul.f32 v30, v30;
	(erf) = vrcp.f32 v53  }
0x3b4: {  	v49 =	vmul.f32 $5.079999920e+00, v29;
	v51 =	vmul.f32 $5.079999920e+00, v31  }
0x3b5: {  	v24 =	vadd.f32 v24, v27;
	v29 =	vmul.f32 $2.552796130e+00, v29;
	v31 =	vmul.f32 $2.552796130e+00, v31;
	v52 =	vpop (erf)  }
0x3b6: {  	v60 =	vsub.f32 $0.0e+00, v55;
	v26 =	vmul.f32 v26, v52;
	v56 =	vmul.f32 v30, v30  }
0x3b7: {  	v62 =	vsub.f32 $0.0e+00, v43;
	v54 =	vmul.f32 v49, v49;
	v55 =	vmul.f32 v51, v51  }
0x3b8: {  	v43 =	vadd.f32 v19, v19;
	v19 =	vmul.f32 $7.889299880e-04, v29;
	v27 =	vmul.f32 $7.889299880e-04, v31  }
0x3b9: {  	v63 =	vpop (erf);
	v26 =	vmul.f32 $-1.360569290e+01, v26;
	v30 =	vmul.f32 v56, v30  }
0x3ba: {  	v61 =	vsub.f32 $0.0e+00, v41;
	v39 =	vmul.f32 v63, v60;
	v56 =	vmul.f32 v54, v54  }
0x3bb: {  	v46 =	vmul.f32 v55, v55;
	v19 =	vsub.f32 $4.125272860e-02, v19;
	v30 =	vmul.f32 v30, v32  }
0x3bc: {  	v42 =	vsub.f32 $0.0e+00, v42;
	v32 =	vmul.f32 v63, v61;
	v39 =	vmul.f32 $1.442695020e+00, v39  }
0x3bd: {  	v38 =	vsub.f32 $0.0e+00, v38;
	v60 =	vmul.f32 v19, v29;
	v48 =	vmul.f32 $5.079999920e+00, v30  }
0x3be: {  	v35 =	vsub.f32 $0.0e+00, v35;
	v50 =	vpop (erf);
	v30 =	vmul.f32 $2.552796130e+00, v30;
	v32 =	vmul.f32 $1.442695020e+00, v32  }
0x3bf: {  	vm7 =	vgt.f32 v11, $0.0e+00;
	v52 =	vpop (erf);
	v38 =	vmul.f32 v50, v38;
	v37 =	vmul.f32 v50, v62  }
0x3c0: {  	vm8 =	vgt.f32 v12, $0.0e+00;
	v11 =	vmul.f32 v52, v42;
	v12 =	vmul.f32 v52, v35  }
0x3c1: {  	vm11 =	vmmov vm6;
	v53 =	vmul.f32 v48, v48;
	v42 =	vmul.f32 v57, v57  }
0x3c2: {  	(erf) = vpow2.f32 v32;
	v48 =	vnsel vm11, $0x0, v22;
	v22 =	vmul.f32 v46, v46  }
0x3c3: {  	vm14 =	vgt.f32 v9, $0.0e+00;
	v9 =	vmul.f32 $1.442695020e+00, v38;
	v37 =	vmul.f32 $1.442695020e+00, v37  }
0x3c4: {  	v38 =	vnsel vm14, $0x0, v18;
	v18 =	vmul.f32 $7.889299880e-04, v30;
	(erf) = vpow2.f32 v39  }
0x3c5: {  	v25 =	vadd.f32 v25, v28;
	v11 =	vmul.f32 $1.442695020e+00, v11;
	v12 =	vmul.f32 $1.442695020e+00, v12  }
0x3c6: {  	vm10 =	vgt.f32 v23, $0.0e+00;
	v28 =	vmul.f32 v53, v53;
	v23 =	vmul.f32 v42, v42  }
0x3c7: {  	v62 =	vmul.f32 v22, v55;
	(erf) = vpow2.f32 v9  }
0x3c8: {  	vm7 =	vmmov vm7;
	v9 =	vmul.f32 v10, v10;
	(erf) = vpow2.f32 v37  }
0x3c9: {  	v44 =	vadd.f32 v20, v20;
	v20 =	vmul.f32 v28, v28;
	v57 =	vmul.f32 v23, v23  }
0x3ca: {  	v18 =	vsub.f32 $4.125272860e-02, v18;
	v28 =	vmul.f32 v28, v53;
	v23 =	vmul.f32 v23, v42  }
0x3cb: {  	vm6 =	vmmov vm8;
	(erf) = vpow2.f32 v11;
	v11 =	vmul.f32 v56, v56  }
0x3cc: {  	vm15 =	vgt.f32 v34, $0.0e+00;
	v58 =	vmul.f32 v9, v9;
	v59 =	vmul.f32 v18, v30  }
0x3cd: {  	v27 =	vsub.f32 $4.125272860e-02, v27;
	v9 =	vmul.f32 v9, v10;
	(erf) = vpow2.f32 v12  }
0x3ce: {  	v37 =	vadd.f32 $2.442888920e-01, v60;
	v12 =	vmul.f32 v21, v21;
	v61 =	vmul.f32 v20, v53  }
0x3cf: {  	v32 =	vmul.f32 v57, v42;
	v19 =	vadd.f32 v11, v57;
	v11 =	vmul.f32 v11, v54  }
0x3d0: {  	v18 =	vadd.f32 v20, v12;
	v20 =	vmul.f32 v27, v31;
	v27 =	vadd.f32 $2.442888920e-01, v59  }
0x3d1: {  	v12 =	vmul.f32 v12, v36;
	v11 =	vadd.f32 v11, v32;
	v53 =	vpop (erf);
	(erf) = vrcp.f32 v24  }
0x3d2: {  	v63 =	vadd.f32 $2.442888920e-01, v20;
	v20 =	vadd.f32 v22, v58;
	v22 =	vmul.f32 v58, v10  }
0x3d3: {  	v52 =	vadd.f32 v61, v12;
	v12 =	vmul.f32 v56, v54;
	v54 =	vmul.f32 v46, v55  }
0x3d4: {  	vm9 =	vgt.f32 v33, $0.0e+00;
	v56 =	vpop (erf);
	v57 =	vmul.f32 v27, v30;
	v10 =	vmul.f32 v37, v29  }
0x3d5: {  	v37 =	vmul.f32 v17, v47;
	v34 =	vnsel vm0, $0x0, v56;
	v27 =	vmul.f32 v11, v19  }
0x3d6: {  	vm0 =	vmmov vm10;
	v55 =	vadd.f32 v62, v22;
	v22 =	vmul.f32 v21, v36  }
0x3d7: {  	v21 =	vnsel vm1, $0x0, v53;
	v58 =	vpop (erf);
	v30 =	vadd.f32 v12, v23;
	v32 =	vadd.f32 v54, v9  }
0x3d8: {  	v12 =	vadd.f32 $-4.330080000e-03, v57;
	v10 =	vadd.f32 $-4.330080000e-03, v10;
	v23 =	vnsel vm3, $0x0, v58  }
0x3d9: {  	v9 =	vpop (erf);
	v29 =	vadd.f32 v28, v22;
	v28 =	vmul.f32 v63, v31;
	v31 =	vmul.f32 v52, v18  }
0x3da: {  	v62 =	vadd.f32 v34, v21;
	v22 =	vmul.f32 v55, v20;
	v24 =	vpop (erf);
	(erf) = vrcp.f32 v25  }
0x3db: {  	v9 =	vnsel vm5, $0x0, v9;
	v61 =	vmul.f32 v27, v30;
	v35 =	vmul.f32 v12, v12  }
0x3dc: {  	v34 =	vmul.f32 v10, v10;
	v25 =	vnsel vm2, $0x0, v24;
	v9 =	vadd.f32 v9, v23  }
0x3dd: {  	vm2 =	vgt.f32 v14, $0.0e+00;
	v60 =	vmul.f32 v31, v29;
	v63 =	vmul.f32 v22, v32  }
0x3de: {  	v59 =	vpop (erf);
	v28 =	vadd.f32 $-4.330080000e-03, v28;
	v36 =	vmul.f32 $1.000000000e+01, v35;
	v40 =	vmul.f32 $1.225000000e+02, v35  }
0x3df: {  	v24 =	vnsel vm4, $0x0, v59;
	v17 =	vmul.f32 $1.000000000e+01, v34;
	v39 =	vmul.f32 $1.225000000e+02, v34  }
0x3e0: {  	v41 =	vmul.f32 v52, v29;
	v10 =	vadd.f32 v24, v25;
	v24 =	vmul.f32 v15, v43  }
0x3e1: {  	v15 =	vmul.f32 v61, v9;
	v9 =	vnsel vm2, $0x0, v26;
	v26 =	vmul.f32 v11, v30  }
0x3e2: {  	s20 =	simm.s32 $0x1B020;
	vm1 =	vmmov vm9;
	v33 =	vmul.f32 v28, v28;
	v28 =	vmul.f32 v16, v44  }
0x3e3: {  	s21 =	simm.s32 $0x1B060;
	[tilespmem:s20+$0xFFFFFFE0] =	vst v48;
	vm3 =	vmmov vm7;
	v16 =	vmul.f32 v60, v62;
	v12 =	vmul.f32 v63, v10  }
0x3e4: {  	vm4 =	vmmov vm6;
	[tilespmem:s21+$0x10] =	vst v9;
	v9 =	vmul.f32 v24, v13;
	v13 =	vmul.f32 v55, v32;
	v10 =	vpop (erf)  }
0x3e5: {  	s29 =	simm.s32 $0x18CA0;
	s23 =	simm.s32 $0x4;
	[tilespmem:s20+$0x10] =	vst v38;
	vm2 =	vmmov vm15;
	v14 =	vmul.f32 $1.000000000e+01, v33;
	v38 =	vmul.f32 $1.225000000e+02, v33;
	v11 =	vpop (erf)  }
.LBB2_15:
0x3e6: {  	v24 =	vld [tilespmem:s29+$0x10];
	v6 =	vmul.f32 v28, v6;
	v7 =	vmul.f32 v37, v7;
	s13 =	sadd.s32 $0x40, s13  }
0x3e7: {  	s23 =	sadd.s32 $0x4, s23;
	v35 =	vmul.f32 v40, v35;
	v28 =	vld [tilespmem:s13+$0x10];
	(erf) = vrcp.f32 v16  }
0x3e8: {  	v36 =	vmul.f32 v36, v41;
	p0 =	slt.u32 s23, $0x3C;
	v16 =	vld [tilespmem:s13+$0xFFFFFFE0];
	(erf) = vrcp.f32 v15  }
0x3e9: {  	v34 =	vmul.f32 v39, v34;
	v15 =	vld [tilespmem:s29+$0xFFFFFFF0];
	(erf) = vrcp.f32 v12  }
0x3ea: {  	v17 =	vmul.f32 v17, v26;
	v26 =	vmul.f32 v38, v33;
	v31 =	vadd.f32 v36, v31;
	v12 =	vld [tilespmem:s13+$0xFFFFFFF0]  }
0x3eb: {  	v18 =	vmul.f32 v18, v29;
	v13 =	vmul.f32 v14, v13;
	v33 =	vld [tilespmem:s29+$0x0]  }
0x3ec: {  	v19 =	vmul.f32 v19, v30;
	v17 =	vadd.f32 v17, v27;
	v27 =	vmul.f32 v20, v32;
	v14 =	vld [tilespmem:s13+$0x0]  }
0x3ed: {  	v9 =	vmul.f32 v9, v1;
	v2 =	vmul.f32 v6, v2;
	v13 =	vadd.f32 v13, v22;
	v29 =	vld [tilespmem:s29+$0xFFFFFFE0]  }
0x3ee: {  	v6 =	vmul.f32 v35, v18;
	v4 =	vmul.f32 v7, v4;
	v22 =	vld.idx.msk [tilespmem:v24+s3+$0x0], $0xffff  }
0x3ef: {  	v7 =	vmul.f32 v34, v19;
	v26 =	vmul.f32 v26, v27;
	v20 =	vld.idx.msk [tilespmem:v28+s3+$0x0], $0xffff  }
0x3f0: {  	v8 =	vmul.f32 v8, v9;
	v9 =	vadd.f32 v6, v31;
	v10 =	vmul.f32 v10, v2;
	v1 =	vld.idx.msk [tilespmem:v16+s3+$0x0], $0xffff;
	v19 =	vpop (erf)  }
0x3f1: {  	v17 =	vadd.f32 v7, v17;
	v4 =	vmul.f32 v11, v4;
	v11 =	vadd.f32 v26, v13;
	v6 =	vld.idx.msk [tilespmem:v15+s3+$0x0], $0xffff;
	v13 =	vpop (erf)  }
0x3f2: {  	v8 =	vmul.f32 v21, v8;
	v10 =	vmul.f32 v23, v10;
	v2 =	vld.idx.msk [tilespmem:v12+s3+$0x0], $0xffff;
	v18 =	vpop (erf)  }
0x3f3: {  	v5 =	vmul.f32 $-1.360569290e+01, v5;
	v21 =	vmul.f32 v25, v4;
	v7 =	vld.idx.msk [tilespmem:v33+s3+$0x0], $0xffff  }
0x3f4: {  	v8 =	vmul.f32 v9, v8;
	v17 =	vmul.f32 v17, v10;
	v4 =	vld.idx.msk [tilespmem:v14+s3+$0x0], $0xffff  }
0x3f5: {  	v3 =	vmul.f32 $-1.360569290e+01, v3;
	v21 =	vmul.f32 v11, v21;
	v23 =	vadd.f32 v20, v22;
	v9 =	vld.idx.msk [tilespmem:v29+s3+$0x0], $0xffff  }
0x3f6: {  	v5 =	vnsel vm3, $0x0, v5;
	v8 =	vmul.f32 v8, v19;
	v26 =	vmul.f32 v1, v1;
	v25 =	vld.idx.msk [tilespmem:v29+s8+$0x0], $0xffff  }
0x3f7: {  	v19 =	vnsel vm4, $0x0, v3;
	v37 =	vmul.f32 $5.000000000e-01, v23;
	v10 =	vld.idx.msk [tilespmem:v16+s8+$0x0], $0xffff;
	v16 =	vmul.f32 v6, v6;
	[tilespmem:s20+$0xFFFFFFF0] =	vst v5  }
0x3f8: {  	v23 =	vadd.f32 v2, v6;
	v29 =	vmul.f32 v2, v2;
	v5 =	vmul.f32 v17, v13;
	v15 =	vld.idx.msk [tilespmem:v15+s8+$0x0], $0xffff  }
0x3f9: {  	v3 =	vmul.f32 v21, v18;
	v13 =	vmul.f32 v7, v7;
	v11 =	vld.idx.msk [tilespmem:v12+s8+$0x0], $0xffff;
	v12 =	vshrl.u32 v37, $0x10;
	[tilespmem:s20+$0x0] =	vst v19;
	s20 =	smov.u32 s21  }
0x3fa: {  	v18 =	vmul.f32 $5.000000000e-01, v23;
	v17 =	vadd.f32 v4, v7;
	v30 =	vld.idx.msk [tilespmem:v33+s8+$0x0], $0xffff;
	v19 =	vmax.u32 v12, $0x3F80  }
0x3fb: {  	v21 =	vadd.f32 v1, v9;
	v23 =	vmul.f32 v9, v9;
	v12 =	vld.idx.msk [tilespmem:v14+s8+$0x0], $0xffff;
	v14 =	vmin.u32 v19, $0x447F  }
0x3fc: {  	v27 =	vshrl.u32 v18, $0x10;
	v19 =	vmul.f32 $5.000000000e-01, v17;
	v14 =	vadd.s32 $0xFFFFC080, v14  }
0x3fd: {  	v31 =	vmul.f32 v4, v4;
	v21 =	vmul.f32 $5.000000000e-01, v21;
	v17 =	vmax.u32 v27, $0x3F80  }
0x3fe: {  	s14 =	sadd.s32 $0x40, s14;
	v32 =	vmul.f32 v10, v23;
	v17 =	vmin.u32 v17, $0x447F;
	v23 =	vshrl.u32 v19, $0x10  }
0x3ff: {  	v27 =	vshrl.u32 v21, $0x10;
	v17 =	vadd.s32 $0xFFFFC080, v17;
	v33 =	vmax.u32 v23, $0x3F80;
	v23 =	vld [tilespmem:s14+$0x10]  }
0x400: {  	v26 =	vmul.f32 v25, v26;
	v27 =	vmax.u32 v27, $0x3F80;
	v33 =	vmin.u32 v33, $0x447F;
	v38 =	vld [tilespmem:s14+$0xFFFFFFE0]  }
0x401: {  	v16 =	vmul.f32 v11, v16;
	v27 =	vmin.u32 v27, $0x447F;
	v33 =	vadd.s32 $0xFFFFC080, v33;
	v36 =	vld.idx.msk [tilespmem:v14+s7+$0x0], $0xffff  }
0x402: {  	v39 =	vmul.f32 v12, v13;
	v35 =	vadd.s32 $0xFFFFC080, v27;
	v14 =	vmul.f32 v15, v29;
	v27 =	vld [tilespmem:s14+$0xFFFFFFF0]  }
0x403: {  	v32 =	vadd.f32 v32, v26;
	v31 =	vmul.f32 v30, v31;
	v13 =	vadd.f32 v25, v25;
	v25 =	vld [tilespmem:s14+$0x0]  }
0x404: {  	v34 =	vmul.f32 $-1.360569290e+01, v8;
	v16 =	vadd.f32 v16, v14;
	v29 =	vld.idx.msk [tilespmem:v17+s7+$0x0], $0xffff;
	v40 =	vadd.f32 $-8.000000000e+00, v23  }
0x405: {  	v17 =	vadd.f32 v39, v31;
	v26 =	vmul.f32 $1.889726160e+00, v38;
	v8 =	vadd.f32 $-8.000000000e+00, v38  }
0x406: {  	v14 =	vadd.f32 v15, v15;
	v31 =	vld.idx.msk [tilespmem:v33+s7+$0x0], $0xffff;
	v39 =	vmul.f32 $5.000000000e-01, v40;
	(erf) = vrcp.f32 v32  }
0x407: {  	v32 =	vmul.f32 v36, v36;
	v33 =	vld.idx.msk [tilespmem:v35+s7+$0x0], $0xffff;
	v40 =	vadd.f32 $-8.000000000e+00, v27;
	v35 =	vmul.f32 v36, v37  }
0x408: {  	v41 =	vmul.f32 $5.000000000e-01, v8;
	v42 =	vadd.f32 $-8.000000000e+00, v25;
	v8 =	vsub.f32 $1.000000000e+00, v39  }
0x409: {  	v15 =	vadd.f32 v30, v30;
	v30 =	vmul.f32 v32, v32;
	v32 =	vmul.f32 v32, v35  }
0x40a: {  	vm4 =	vgt.f32 v39, $0.0e+00;
	v43 =	vmul.f32 v29, v29;
	vm3 =	vgt.f32 v8, $0.0e+00  }
0x40b: {  	v39 =	vnsel vm4, $0x3F800000, v39;
	v30 =	vmul.f32 v30, v32;
	v44 =	vnsel vm3, $0x3F800000, v8  }
0x40c: {  	v48 =	vsub.f32 $1.000000000e+00, v41;
	v32 =	vmul.f32 v29, v18;
	v35 =	vmul.f32 v44, v39  }
0x40d: {  	vm5 =	vgt.f32 v41, $0.0e+00;
	v45 =	vmul.f32 v33, v33;
	v30 =	vmul.f32 v30, v36  }
0x40e: {  	vm6 =	vgt.f32 v48, $0.0e+00;
	v46 =	vmul.f32 v33, v21;
	(erf) = vrcp.f32 v35  }
0x40f: {  	v47 =	vmul.f32 $1.142857190e+00, v36;
	v35 =	vnsel vm6, $0x3F800000, v48;
	v30 =	vmul.f32 $1.428571490e-01, v30;
	v8 =	vpop (erf)  }
0x410: {  	v36 =	vnsel vm5, $0x3F800000, v41;
	v41 =	vmul.f32 v31, v31;
	v48 =	vmul.f32 v31, v19  }
0x411: {  	v49 =	vmul.f32 v45, v45;
	v45 =	vmul.f32 v45, v46;
	v46 =	vsub.f32 v47, v30  }
0x412: {  	v30 =	vsub.f32 $0.0e+00, v35;
	v47 =	vmul.f32 v43, v43;
	v43 =	vmul.f32 v43, v32  }
0x413: {  	v50 =	vmul.f32 v41, v41;
	v32 =	vsub.f32 $0.0e+00, v36;
	v46 =	vmul.f32 v46, v46  }
0x414: {  	vm12 =	vgt.f32 v38, $0.0e+00;
	v38 =	vmul.f32 $5.000000000e-01, v40;
	v40 =	vmul.f32 v41, v48  }
0x415: {  	vm11 =	vgt.f32 v27, $0.0e+00;
	v41 =	vmul.f32 $5.000000000e-01, v42;
	v42 =	vmul.f32 v46, v46  }
0x416: {  	v45 =	vmul.f32 v49, v45;
	v48 =	vsub.f32 $1.000000000e+00, v38;
	v49 =	vmul.f32 $1.889726160e+00, v23  }
0x417: {  	v39 =	vsub.f32 $0.0e+00, v39;
	v43 =	vmul.f32 v47, v43;
	v42 =	vmul.f32 v42, v46;
	v46 =	vpop (erf)  }
0x418: {  	v44 =	vsub.f32 $0.0e+00, v44;
	v40 =	vmul.f32 v50, v40;
	v47 =	vmul.f32 v49, v49  }
0x419: {  	v49 =	vsub.f32 $1.000000000e+00, v41;
	v39 =	vmul.f32 v46, v39;
	v37 =	vmul.f32 v42, v37  }
0x41a: {  	vm8 =	vgt.f32 v48, $0.0e+00;
	v44 =	vmul.f32 v46, v44;
	v42 =	vmul.f32 v47, v47  }
0x41b: {  	vm7 =	vgt.f32 v49, $0.0e+00;
	v39 =	vmul.f32 $1.442695020e+00, v39;
	v28 =	vld.idx.msk [tilespmem:v28+s8+$0x0], $0xffff;
	v46 =	vmul.f32 $5.079999920e+00, v37  }
0x41c: {  	vm9 =	vgt.f32 v38, $0.0e+00;
	v37 =	vmul.f32 $2.552796130e+00, v37;
	v50 =	vld.idx.msk [tilespmem:v24+s8+$0x0], $0xffff;
	v24 =	vmul.f32 $1.442695020e+00, v44  }
0x41d: {  	vm10 =	vgt.f32 v41, $0.0e+00;
	v44 =	vmul.f32 v46, v46;
	(erf) = vpow2.f32 v39  }
0x41e: {  	v39 =	vnsel vm8, $0x3F800000, v48;
	v46 =	vmul.f32 $7.889299880e-04, v37;
	(erf) = vpow2.f32 v24  }
0x41f: {  	v48 =	vnsel vm7, $0x3F800000, v49;
	v24 =	vmul.f32 v22, v22;
	v49 =	vmul.f32 v44, v44  }
0x420: {  	v51 =	vmul.f32 v20, v20;
	v52 =	vmul.f32 v42, v42;
	v46 =	vsub.f32 $4.125272860e-02, v46  }
0x421: {  	v38 =	vnsel vm9, $0x3F800000, v38;
	v53 =	vmul.f32 v28, v24;
	v54 =	vmul.f32 v49, v49  }
0x422: {  	v41 =	vnsel vm10, $0x3F800000, v41;
	v51 =	vmul.f32 v50, v51;
	v46 =	vmul.f32 v46, v37  }
0x423: {  	v55 =	vmul.f32 v52, v47;
	v24 =	vsub.f32 $0.0e+00, v39;
	v56 =	vmul.f32 v54, v44  }
0x424: {  	v42 =	vmul.f32 v42, v47;
	v57 =	vadd.f32 v53, v51;
	v53 =	vadd.f32 $2.442888920e-01, v46  }
0x425: {  	v44 =	vmul.f32 v49, v44;
	v47 =	vadd.f32 v54, v52;
	v49 =	vadd.f32 v56, v55  }
0x426: {  	v45 =	vmul.f32 v45, v33;
	v50 =	vadd.f32 v50, v50;
	v37 =	vmul.f32 v53, v37;
	v46 =	vpop (erf)  }
0x427: {  	v42 =	vadd.f32 v44, v42;
	v44 =	vmul.f32 v49, v47;
	(erf) = vrcp.f32 v57;
	v51 =	vpop (erf)  }
0x428: {  	v37 =	vadd.f32 $-4.330080000e-03, v37;
	v46 =	vnsel vm3, $0x0, v46;
	v51 =	vnsel vm4, $0x0, v51  }
0x429: {  	v28 =	vmul.f32 v28, v50;
	v50 =	vmul.f32 v44, v42;
	v51 =	vadd.f32 v51, v46  }
0x42a: {  	v43 =	vmul.f32 v43, v29;
	v52 =	vsub.f32 $0.0e+00, v48;
	v37 =	vmul.f32 v37, v37  }
0x42b: {  	v53 =	vsub.f32 $0.0e+00, v38;
	v22 =	vmul.f32 v28, v22;
	v28 =	vmul.f32 v50, v51  }
0x42c: {  	v49 =	vmul.f32 v49, v42;
	v50 =	vsub.f32 $0.0e+00, v41;
	v51 =	vmul.f32 $1.000000000e+01, v37  }
0x42d: {  	vm13 =	vgt.f32 v25, $0.0e+00;
	v54 =	vmul.f32 $1.225000000e+02, v37;
	(erf) = vrcp.f32 v28  }
0x42e: {  	v20 =	vmul.f32 v22, v20;
	v22 =	vmul.f32 v47, v42;
	v28 =	vnsel vm0, $0x0, v34  }
0x42f: {  	v34 =	vmul.f32 v54, v37;
	v37 =	vmul.f32 v51, v49;
	vm0 =	vmmov vm12;
	[tilespmem:s21+$0xFFFFFFE0] =	vst v28  }
0x430: {  	v40 =	vmul.f32 v40, v31;
	vm3 =	vmmov vm1;
	v28 =	vmul.f32 $1.428571490e-01, v45;
	v42 =	vpop (erf)  }
0x431: {  	v37 =	vadd.f32 v37, v44;
	v22 =	vmul.f32 v34, v22;
	v20 =	vmul.f32 v42, v20  }
0x432: {  	v40 =	vmul.f32 $1.428571490e-01, v40;
	vm1 =	vmmov vm11;
	v34 =	vmul.f32 $1.428571490e-01, v43  }
0x433: {  	v33 =	vmul.f32 $1.142857190e+00, v33;
	v22 =	vadd.f32 v22, v37;
	v20 =	vmul.f32 v46, v20  }
0x434: {  	v31 =	vmul.f32 $1.142857190e+00, v31;
	v29 =	vmul.f32 $1.142857190e+00, v29;
	vm4 =	vmmov vm2  }
0x435: {  	v28 =	vsub.f32 v33, v28;
	v33 =	vmul.f32 v35, v36;
	v20 =	vmul.f32 v22, v20  }
0x436: {  	v22 =	vsub.f32 v29, v34;
	v29 =	vmul.f32 v39, v38;
	v34 =	vmul.f32 v48, v41;
	v35 =	vpop (erf)  }
0x437: {  	v31 =	vsub.f32 v31, v40;
	v20 =	vmul.f32 v20, v35;
	(erf) = vrcp.f32 v33  }
0x438: {  	vm2 =	vmmov vm13;
	v28 =	vmul.f32 v28, v28;
	(erf) = vrcp.f32 v29  }
0x439: {  	v20 =	vmul.f32 $-1.360569290e+01, v20;
	(erf) = vrcp.f32 v34  }
0x43a: {  	vm11 =	vgt.f32 v23, $0.0e+00;
	v22 =	vmul.f32 v22, v22;
	v29 =	vmul.f32 v31, v31  }
0x43b: {  	v27 =	vmul.f32 $1.889726160e+00, v27;
	s21 =	sadd.s32 $0x40, s21;
	v23 =	vmul.f32 v28, v28;
	v20 =	vnsel vm11, $0x0, v20  }
0x43c: {  	v31 =	vmul.f32 v22, v22;
	v33 =	vmul.f32 v29, v29;
	[tilespmem:s21+$0x10] =	vst v20  }
0x43d: {  	v20 =	vmul.f32 v23, v28;
	v23 =	vmul.f32 $1.889726160e+00, v25  }
0x43e: {  	v31 =	vmul.f32 v31, v22;
	v25 =	vmul.f32 v33, v29  }
0x43f: {  	v20 =	vmul.f32 v20, v21;
	v21 =	vmul.f32 v26, v26  }
0x440: {  	v18 =	vmul.f32 v31, v18;
	v19 =	vmul.f32 v25, v19;
	v22 =	vpop (erf)  }
0x441: {  	v25 =	vmul.f32 $5.079999920e+00, v20;
	v26 =	vmul.f32 v22, v32;
	v28 =	vpop (erf)  }
0x442: {  	v29 =	vmul.f32 $5.079999920e+00, v18;
	v31 =	vmul.f32 $5.079999920e+00, v19;
	v32 =	vpop (erf)  }
0x443: {  	v22 =	vmul.f32 v22, v30;
	v30 =	vmul.f32 v28, v53  }
0x444: {  	v24 =	vmul.f32 v28, v24;
	v28 =	vmul.f32 v32, v50  }
0x445: {  	v33 =	vmul.f32 $2.552796130e+00, v20;
	v20 =	vmul.f32 v32, v52  }
0x446: {  	v34 =	vmul.f32 $2.552796130e+00, v19;
	v32 =	vmul.f32 $2.552796130e+00, v18  }
0x447: {  	v29 =	vmul.f32 v29, v29;
	v25 =	vmul.f32 v25, v25  }
0x448: {  	v18 =	vmul.f32 $1.442695020e+00, v26;
	v26 =	vmul.f32 v31, v31  }
0x449: {  	v19 =	vmul.f32 $1.442695020e+00, v22;
	v22 =	vmul.f32 $1.442695020e+00, v30  }
0x44a: {  	v24 =	vmul.f32 $1.442695020e+00, v24;
	v28 =	vmul.f32 $1.442695020e+00, v28  }
0x44b: {  	v27 =	vmul.f32 v27, v27;
	v20 =	vmul.f32 $1.442695020e+00, v20  }
0x44c: {  	v23 =	vmul.f32 v23, v23;
	v30 =	vmul.f32 $7.889299880e-04, v33  }
0x44d: {  	v35 =	vmul.f32 $7.889299880e-04, v34;
	v31 =	vmul.f32 $7.889299880e-04, v32  }
0x44e: {  	v37 =	vmul.f32 v29, v29;
	v36 =	vmul.f32 v25, v25;
	v30 =	vsub.f32 $4.125272860e-02, v30  }
0x44f: {  	v38 =	vmul.f32 v26, v26;
	v31 =	vsub.f32 $4.125272860e-02, v31;
	(erf) = vpow2.f32 v18  }
0x450: {  	v39 =	vmul.f32 v21, v21;
	v35 =	vsub.f32 $4.125272860e-02, v35;
	(erf) = vpow2.f32 v19  }
0x451: {  	v40 =	vmul.f32 v27, v27;
	(erf) = vpow2.f32 v22  }
0x452: {  	v22 =	vmul.f32 v23, v23;
	(erf) = vpow2.f32 v24  }
0x453: {  	v19 =	vmul.f32 v36, v36;
	(erf) = vpow2.f32 v28  }
0x454: {  	v24 =	vmul.f32 v37, v37;
	(erf) = vpow2.f32 v20  }
0x455: {  	v28 =	vmul.f32 v38, v38;
	v20 =	vmul.f32 v39, v39  }
0x456: {  	v41 =	vmul.f32 v40, v40;
	v42 =	vmul.f32 v22, v22  }
0x457: {  	v30 =	vmul.f32 v30, v33;
	v31 =	vmul.f32 v31, v32;
	v18 =	vadd.f32 v19, v20  }
0x458: {  	v35 =	vmul.f32 v35, v34;
	v43 =	vmul.f32 v19, v25;
	v19 =	vadd.f32 v24, v41;
	v44 =	vpop (erf)  }
0x459: {  	v30 =	vadd.f32 $2.442888920e-01, v30;
	v45 =	vmul.f32 v28, v26;
	v24 =	vmul.f32 v24, v29;
	v46 =	vpop (erf)  }
0x45a: {  	v31 =	vadd.f32 $2.442888920e-01, v31;
	v47 =	vmul.f32 v20, v21;
	v41 =	vmul.f32 v41, v27;
	v48 =	vpop (erf)  }
0x45b: {  	v35 =	vadd.f32 $2.442888920e-01, v35;
	v49 =	vmul.f32 v42, v23;
	v20 =	vadd.f32 v28, v42;
	v42 =	vpop (erf)  }
0x45c: {  	v25 =	vmul.f32 v36, v25;
	v43 =	vadd.f32 v43, v47;
	v24 =	vadd.f32 v24, v41;
	v36 =	vpop (erf)  }
0x45d: {  	v37 =	vmul.f32 v37, v29;
	v26 =	vmul.f32 v38, v26;
	v45 =	vadd.f32 v45, v49;
	v28 =	vpop (erf)  }
0x45e: {  	v29 =	vmul.f32 v39, v21;
	v27 =	vmul.f32 v40, v27;
	v21 =	vnsel vm6, $0x0, v44  }
0x45f: {  	v33 =	vmul.f32 v30, v33;
	v22 =	vmul.f32 v22, v23;
	v38 =	vnsel vm5, $0x0, v46  }
0x460: {  	v23 =	vmul.f32 v31, v32;
	v29 =	vadd.f32 v25, v29;
	v25 =	vmul.f32 v35, v34  }
0x461: {  	v30 =	vadd.f32 v37, v27;
	v31 =	vmul.f32 v43, v18;
	v27 =	vmul.f32 v24, v19  }
0x462: {  	v32 =	vadd.f32 v26, v22;
	v22 =	vmul.f32 v45, v20;
	(erf) = vrcp.f32 v16  }
0x463: {  	v26 =	vadd.f32 $-4.330080000e-03, v23;
	v16 =	vadd.f32 $-4.330080000e-03, v33;
	(erf) = vrcp.f32 v17  }
0x464: {  	v23 =	vnsel vm8, $0x0, v48;
	v33 =	vadd.f32 $-4.330080000e-03, v25;
	v17 =	vnsel vm9, $0x0, v42  }
0x465: {  	v37 =	vmul.f32 v31, v29;
	v28 =	vnsel vm10, $0x0, v28;
	v25 =	vnsel vm7, $0x0, v36  }
0x466: {  	v39 =	vmul.f32 v22, v32;
	v36 =	vadd.f32 v38, v21;
	v38 =	vmul.f32 v27, v30  }
0x467: {  	v40 =	vadd.f32 v28, v25;
	v35 =	vmul.f32 v16, v16;
	v17 =	vadd.f32 v17, v23  }
0x468: {  	v34 =	vmul.f32 v26, v26;
	v33 =	vmul.f32 v33, v33  }
0x469: {  	v13 =	vmul.f32 v10, v13;
	v28 =	vmul.f32 v11, v14  }
0x46a: {  	v16 =	vmul.f32 v37, v36;
	v37 =	vmul.f32 v12, v15  }
0x46b: {  	v12 =	vmul.f32 v39, v40;
	v15 =	vmul.f32 v38, v17;
	v10 =	vpop (erf)  }
.Ltmp6:
0x46c: {  	v36 =	vmul.f32 $1.000000000e+01, v35;
	v40 =	vmul.f32 $1.225000000e+02, v35;
	v11 =	vpop (erf);
	(pc) =	sbr.rel @p0 .LBB2_15-.Ltmp6, $4  }
0x46d: {  	v39 =	vmul.f32 $1.225000000e+02, v34;
	v17 =	vmul.f32 $1.000000000e+01, v34  }
0x46e: {  	v14 =	vmul.f32 $1.000000000e+01, v33;
	v38 =	vmul.f32 $1.225000000e+02, v33  }
0x46f: {  	v41 =	vmul.f32 v43, v29;
	v26 =	vmul.f32 v24, v30  }
0x470: {  	s29 =	sadd.s32 $0x40, s29;
	v9 =	vmul.f32 v13, v9;
	v13 =	vmul.f32 v45, v32  }
0x471: {  	v6 =	vmul.f32 v28, v6  }
0x472: {  	v7 =	vmul.f32 v37, v7;
	v24 =	vmul.f32 v40, v35  }
0x473: {  	(erf) = vrcp.f32 v16;
	v16 =	vmul.f32 v36, v41  }
0x474: {  	v18 =	vmul.f32 v18, v29;
	(erf) = vrcp.f32 v15  }
0x475: {  	v15 =	vmul.f32 v39, v34;
	v13 =	vmul.f32 v14, v13  }
0x476: {  	v14 =	vmul.f32 v19, v30;
	v19 =	vmul.f32 v20, v32  }
0x477: {  	v1 =	vmul.f32 v9, v1;
	(erf) = vrcp.f32 v12  }
0x478: {  	v12 =	vmul.f32 v17, v26;
	v17 =	vmul.f32 v38, v33  }
0x479: {  	v2 =	vmul.f32 v6, v2;
	v9 =	vmul.f32 v24, v18  }
0x47a: {  	v6 =	vadd.f32 v16, v31;
	v4 =	vmul.f32 v7, v4;
	v1 =	vmul.f32 v8, v1  }
0x47b: {  	v8 =	vadd.f32 v13, v22;
	v7 =	vadd.f32 v12, v27;
	v12 =	vmul.f32 v15, v14  }
0x47c: {  	v13 =	vmul.f32 v17, v19;
	v2 =	vmul.f32 v10, v2;
	v6 =	vadd.f32 v9, v6  }
0x47d: {  	v4 =	vmul.f32 v11, v4;
	v1 =	vmul.f32 v21, v1;
	v7 =	vadd.f32 v12, v7  }
0x47e: {  	v2 =	vmul.f32 v23, v2  }
0x47f: {  	v8 =	vadd.f32 v13, v8;
	v4 =	vmul.f32 v25, v4;
	v1 =	vmul.f32 v6, v1  }
0x480: {  	v5 =	vmul.f32 $-1.360569290e+01, v5;
	v2 =	vmul.f32 v7, v2;
	v6 =	vpop (erf)  }
0x481: {  	v4 =	vmul.f32 v8, v4;
	v7 =	vpop (erf);
	v1 =	vmul.f32 v1, v6  }
0x482: {  	v3 =	vmul.f32 $-1.360569290e+01, v3;
	v6 =	vpop (erf);
	v2 =	vmul.f32 v2, v7  }
0x483: {  	v5 =	vnsel vm3, $0x0, v5;
	v4 =	vmul.f32 v4, v6;
	v1 =	vmul.f32 $-1.360569290e+01, v1  }
0x484: {  	v3 =	vnsel vm4, $0x0, v3;
	[tilespmem:s20+$0xFFFFFFF0] =	vst v5;
	v2 =	vmul.f32 $-1.360569290e+01, v2  }
0x485: {  	[tilespmem:s20+$0x0] =	vst v3;
	v1 =	vnsel vm0, $0x0, v1;
	vm0 =	vmmov vm1;
	v3 =	vmul.f32 $-1.360569290e+01, v4  }
0x486: {  	vm1 =	vmmov vm2;
	[tilespmem:s21+$0xFFFFFFE0] =	vst v1;
	v1 =	vnsel vm0, $0x0, v2  }
0x487: {  	[tilespmem:s21+$0xFFFFFFF0] =	vst v1;
	v1 =	vnsel vm1, $0x0, v3  }
0x488: {  	s13 =	simm.s32 $0x1B000;
	[tilespmem:s21+$0x0] =	vst v1  }
0x489: {  	[spmem:s2] =	stream.indirect.scatter.add.f32 [tilespmem:s13], [sflag:$0x4], $0x1, s12, s16, $0xb8;
	[tilespmem:$0x1F0C0] =	vst v63  }
0x48a: {  	s1 =	sadd.s32 s1, s26;
	_ =	swait.ge [sflag:s31], $0x400  }
0x48b: {  	s1 =	sshrl.u32 s1, $0x3;
	[sflag:s31] =	ssyncset.done $0x0  }
0x48c: {  	s29 =	sadd.s32 s4, s1;
	[sflag:s31] =	ssyncadd.s32 $0xFFFFFC00  }
0x48d: {  	[tilespmem:s9], [sflag:$0x1] =	stream.linear.gather [hbm4b:s29+s3], $0x400, $0x38;
	[tilespmem:$0x1F0C0] =	vst v63  }
0x48e: {  	s14 =	sadd.s32 s5, s1  }
0x48f: {  	[tilespmem:s10], [sflag:$0x1] =	stream.linear.gather [hbm4b:s14+s3], $0x400, $0x38;
	[tilespmem:$0x1F0C0] =	vst v63  }
0x490: {  	s1 =	sadd.s32 s6, s1  }
0x491: {  	[tilespmem:s11], [sflag:$0x1] =	stream.linear.gather [hbm4b:s1+s3], $0x400, $0x38;
	[tilespmem:$0x1F0C0] =	vst v63  }
0x492: {  	_ =	swait.ge [sflag:s28], $0x400  }
0x493: {  	[sflag:s28] =	ssyncset.done $0x0  }
0x494: {  	[sflag:s28] =	ssyncadd.s32 $0xFFFFFC00  }
0x495: {  	_ =	swait.ge [sflag:s28], $0x400  }
0x496: {  	[sflag:s28] =	ssyncset.done $0x0  }
0x497: {  	[sflag:s28] =	ssyncadd.s32 $0xFFFFFC00  }
0x498: {  	_ =	swait.ge [sflag:s28], $0x400  }
0x499: {  	[sflag:s28] =	ssyncset.done $0x0  }
0x49a: {  	s20 =	simm.s32 $0x19020;
	[sflag:s28] =	ssyncadd.s32 $0xFFFFFC00  }
0x49b: {  	s21 =	simm.s32 $0x19C20;
	v29 =	vld [tilespmem:s20+$0x10]  }
0x49c: {  	v30 =	vld [tilespmem:s21+$0x10]  }
0x49d: {  	v8 =	vld [tilespmem:s20+$0xFFFFFFF0]  }
0x49e: {  	v9 =	vld [tilespmem:s21+$0xFFFFFFF0]  }
0x49f: {  	v7 =	vld [tilespmem:s21+$0xFFFFFFE0]  }
0x4a0: {  	v10 =	vld [tilespmem:s20+$0x0]  }
0x4a1: {  	v12 =	vld [tilespmem:s20+$0xFFFFFFE0]  }
0x4a2: {  	v11 =	vld [tilespmem:s21+$0x0]  }
0x4a3: {  	v26 =	vld.idx.msk [tilespmem:v29+s3+$0x0], $0xffff  }
0x4a4: {  	v22 =	vld.idx.msk [tilespmem:v30+s3+$0x0], $0xffff  }
0x4a5: {  	v4 =	vld.idx.msk [tilespmem:v8+s3+$0x0], $0xffff  }
0x4a6: {  	v1 =	vld.idx.msk [tilespmem:v9+s3+$0x0], $0xffff  }
0x4a7: {  	v2 =	vld.idx.msk [tilespmem:v7+s3+$0x0], $0xffff  }
0x4a8: {  	v5 =	vld.idx.msk [tilespmem:v10+s3+$0x0], $0xffff  }
0x4a9: {  	v6 =	vld.idx.msk [tilespmem:v12+s3+$0x0], $0xffff  }
0x4aa: {  	v3 =	vld.idx.msk [tilespmem:v11+s3+$0x0], $0xffff  }
0x4ab: {  	v16 =	vld.idx.msk [tilespmem:v12+s8+$0x0], $0xffff  }
0x4ac: {  	v15 =	vld.idx.msk [tilespmem:v8+s8+$0x0], $0xffff  }
0x4ad: {  	v8 =	vld.idx.msk [tilespmem:v9+s8+$0x0], $0xffff  }
0x4ae: {  	v29 =	vld.idx.msk [tilespmem:v29+s8+$0x0], $0xffff;
	v13 =	vadd.f32 v22, v26;
	v12 =	vmul.f32 v2, v2  }
0x4af: {  	v18 =	vmul.f32 v4, v4;
	v19 =	vadd.f32 v2, v6;
	v27 =	vmul.f32 v5, v5  }
0x4b0: {  	v7 =	vld.idx.msk [tilespmem:v7+s8+$0x0], $0xffff;
	v9 =	vadd.f32 v3, v5;
	v47 =	vmul.f32 v22, v22;
	v31 =	vmul.f32 $5.000000000e-01, v13  }
0x4b1: {  	v30 =	vld.idx.msk [tilespmem:v30+s8+$0x0], $0xffff;
	v25 =	vmul.f32 $5.000000000e-01, v19;
	v19 =	vmul.f32 v6, v6  }
0x4b2: {  	v24 =	vmul.f32 $5.000000000e-01, v9;
	v12 =	vmul.f32 v16, v12  }
0x4b3: {  	v13 =	vadd.f32 v1, v4;
	v18 =	vmul.f32 v8, v18;
	v47 =	vmul.f32 v29, v47  }
0x4b4: {  	v29 =	vadd.f32 v29, v29;
	v16 =	vadd.f32 v16, v16;
	v14 =	vshrl.u32 v31, $0x10  }
0x4b5: {  	v23 =	vmul.f32 $5.000000000e-01, v13;
	v55 =	vmul.f32 v7, v19;
	v19 =	vshrl.u32 v24, $0x10  }
0x4b6: {  	s23 =	simm.s32 $0x1A820;
	v29 =	vmul.f32 v30, v29;
	v7 =	vmul.f32 v7, v16;
	v13 =	vmax.u32 v14, $0x3F80  }
0x4b7: {  	v9 =	vld [tilespmem:s23+$0x10];
	v14 =	vmul.f32 v1, v1;
	v19 =	vmax.u32 v19, $0x3F80;
	v13 =	vmin.u32 v13, $0x447F  }
0x4b8: {  	v17 =	vld.idx.msk [tilespmem:v10+s8+$0x0], $0xffff;
	v20 =	vshrl.u32 v23, $0x10;
	v19 =	vmin.u32 v19, $0x447F;
	v12 =	vadd.f32 v55, v12  }
0x4b9: {  	v6 =	vmul.f32 v7, v6;
	v21 =	vadd.s32 $0xFFFFC080, v13;
	v10 =	vmax.u32 v20, $0x3F80;
	v13 =	vld.idx.msk [tilespmem:v11+s8+$0x0], $0xffff  }
0x4ba: {  	v11 =	vmul.f32 v3, v3;
	v20 =	vshrl.u32 v25, $0x10;
	v10 =	vmin.u32 v10, $0x447F  }
0x4bb: {  	v58 =	vadd.s32 $0xFFFFC080, v19;
	v20 =	vmax.u32 v20, $0x3F80;
	v28 =	vadd.s32 $0xFFFFC080, v10;
	v10 =	vld [tilespmem:s23+$0xFFFFFFE0]  }
0x4bc: {  	v55 =	vmul.f32 $1.889726160e+00, v9;
	(erf) = vrcp.f32 v12;
	v20 =	vmin.u32 v20, $0x447F  }
0x4bd: {  	v57 =	vadd.s32 $0xFFFFC080, v20;
	v20 =	vmul.f32 v15, v14;
	v15 =	vadd.f32 v15, v15  }
0x4be: {  	v2 =	vmul.f32 v6, v2;
	v14 =	vadd.f32 $-8.000000000e+00, v9;
	v19 =	vmul.f32 v13, v27  }
0x4bf: {  	v56 =	vld.idx.msk [tilespmem:v21+s7+$0x0], $0xffff;
	v21 =	vmul.f32 v17, v11;
	v17 =	vadd.f32 v17, v17;
	v8 =	vmul.f32 v8, v15  }
0x4c0: {  	v14 =	vmul.f32 $5.000000000e-01, v14;
	v35 =	vld.idx.msk [tilespmem:v58+s7+$0x0], $0xffff;
	v27 =	vmul.f32 $1.889726160e+00, v10;
	v11 =	vadd.f32 $-8.000000000e+00, v10  }
0x4c1: {  	v13 =	vmul.f32 v13, v17;
	v4 =	vmul.f32 v8, v4  }
0x4c2: {  	v37 =	vmul.f32 $5.000000000e-01, v11;
	v27 =	vmul.f32 v27, v27  }
0x4c3: {  	v28 =	vld.idx.msk [tilespmem:v28+s7+$0x0], $0xffff;
	v5 =	vmul.f32 v13, v5;
	v4 =	vmul.f32 v4, v1  }
0x4c4: {  	v59 =	vmul.f32 v56, v56;
	v60 =	vmul.f32 v56, v31  }
0x4c5: {  	vm3 =	vgt.f32 v14, $0.0e+00;
	v34 =	vld.idx.msk [tilespmem:v57+s7+$0x0], $0xffff;
	v33 =	vmul.f32 $1.142857190e+00, v56;
	v52 =	vmul.f32 v35, v35  }
0x4c6: {  	v11 =	vsub.f32 $1.000000000e+00, v14;
	v43 =	vmul.f32 v35, v24;
	v3 =	vmul.f32 v5, v3  }
0x4c7: {  	v63 =	vnsel vm3, $0x3F800000, v14;
	v12 =	vmul.f32 v59, v59;
	v32 =	vmul.f32 v59, v60  }
0x4c8: {  	vm2 =	vgt.f32 v11, $0.0e+00;
	v61 =	vmul.f32 v28, v28;
	v14 =	vmul.f32 v28, v23  }
0x4c9: {  	v62 =	vnsel vm2, $0x3F800000, v11;
	v45 =	vmul.f32 v52, v52;
	v41 =	vmul.f32 v52, v43  }
0x4ca: {  	v48 =	vmul.f32 v62, v63;
	v49 =	vmul.f32 v34, v34  }
0x4cb: {  	v42 =	vmul.f32 v34, v25;
	v12 =	vmul.f32 v12, v32  }
0x4cc: {  	v54 =	vmul.f32 v61, v61;
	v36 =	vmul.f32 v61, v14  }
0x4cd: {  	v11 =	vld [tilespmem:s23+$0xFFFFFFF0];
	v41 =	vmul.f32 v45, v41;
	v32 =	vsub.f32 $0.0e+00, v62;
	v62 =	vmul.f32 v26, v26  }
0x4ce: {  	v26 =	vmul.f32 v29, v26;
	v50 =	vmul.f32 v12, v56;
	v12 =	vld [tilespmem:s23+$0x0]  }
0x4cf: {  	(erf) = vrcp.f32 v48;
	v44 =	vmul.f32 v49, v49  }
0x4d0: {  	v40 =	vmul.f32 v49, v42;
	v51 =	vmul.f32 $1.428571490e-01, v50  }
0x4d1: {  	v36 =	vmul.f32 v54, v36;
	v22 =	vmul.f32 v26, v22  }
0x4d2: {  	v53 =	vadd.f32 $-8.000000000e+00, v11;
	v40 =	vmul.f32 v44, v40;
	v33 =	vsub.f32 v33, v51  }
0x4d3: {  	v44 =	vmul.f32 v55, v55;
	v52 =	vmul.f32 $1.889726160e+00, v11;
	v14 =	vadd.f32 $-8.000000000e+00, v12  }
0x4d4: {  	v36 =	vmul.f32 v36, v28;
	v33 =	vmul.f32 v33, v33  }
0x4d5: {  	v28 =	vmul.f32 $1.142857190e+00, v28;
	v39 =	vmul.f32 $5.000000000e-01, v53  }
0x4d6: {  	v58 =	vmul.f32 v44, v44;
	v46 =	vmul.f32 v33, v33  }
0x4d7: {  	v38 =	vsub.f32 $0.0e+00, v63;
	v40 =	vmul.f32 v40, v34;
	v43 =	vmul.f32 $5.000000000e-01, v14;
	v14 =	vpop (erf)  }
0x4d8: {  	v34 =	vmul.f32 $1.142857190e+00, v34;
	v33 =	vmul.f32 v46, v33;
	v56 =	vpop (erf)  }
0x4d9: {  	v36 =	vmul.f32 $1.428571490e-01, v36;
	v57 =	vmul.f32 v56, v38  }
0x4da: {  	v18 =	vadd.f32 v18, v20;
	v48 =	vmul.f32 v58, v58;
	v31 =	vmul.f32 v33, v31  }
0x4db: {  	vm0 =	vgt.f32 v37, $0.0e+00;
	v32 =	vmul.f32 v56, v32;
	v33 =	vmul.f32 $1.442695020e+00, v57  }
0x4dc: {  	v60 =	vsub.f32 $1.000000000e+00, v37;
	v59 =	vmul.f32 $5.079999920e+00, v31;
	v31 =	vmul.f32 $2.552796130e+00, v31  }
0x4dd: {  	v37 =	vnsel vm0, $0x3F800000, v37;
	v32 =	vmul.f32 $1.442695020e+00, v32;
	(erf) = vpow2.f32 v33  }
0x4de: {  	vm1 =	vgt.f32 v60, $0.0e+00;
	v42 =	vmul.f32 v59, v59;
	v61 =	vmul.f32 $7.889299880e-04, v31  }
0x4df: {  	v28 =	vsub.f32 v28, v36;
	(erf) = vpow2.f32 v32;
	v32 =	vmul.f32 v30, v62  }
0x4e0: {  	v50 =	vmul.f32 v48, v44;
	v63 =	vmul.f32 v42, v42;
	v45 =	vsub.f32 $4.125272860e-02, v61  }
0x4e1: {  	v28 =	vmul.f32 v28, v28;
	v38 =	vmul.f32 v58, v44;
	v32 =	vadd.f32 v32, v47  }
0x4e2: {  	vm5 =	vgt.f32 v39, $0.0e+00;
	v49 =	vmul.f32 v63, v63;
	v45 =	vmul.f32 v45, v31  }
0x4e3: {  	v33 =	vnsel vm1, $0x3F800000, v60;
	v62 =	vmul.f32 $1.428571490e-01, v40;
	(erf) = vrcp.f32 v32  }
0x4e4: {  	v51 =	vmul.f32 v49, v42;
	v45 =	vadd.f32 $2.442888920e-01, v45;
	v42 =	vmul.f32 v63, v42  }
0x4e5: {  	v46 =	vmul.f32 v33, v37;
	v53 =	vadd.f32 v49, v48;
	v63 =	vmul.f32 v41, v35  }
0x4e6: {  	v54 =	vadd.f32 v51, v50;
	v31 =	vmul.f32 v45, v31;
	v55 =	vpop (erf);
	v38 =	vadd.f32 v42, v38  }
0x4e7: {  	v35 =	vmul.f32 $1.142857190e+00, v35;
	v45 =	vnsel vm2, $0x0, v55;
	v55 =	vmul.f32 $1.889726160e+00, v12  }
0x4e8: {  	v57 =	vpop (erf);
	v56 =	vmul.f32 v54, v53;
	v31 =	vadd.f32 $-4.330080000e-03, v31;
	v60 =	vmul.f32 v54, v38  }
0x4e9: {  	v32 =	vnsel vm3, $0x0, v57;
	v26 =	vmul.f32 v53, v38;
	v53 =	vmul.f32 v28, v28  }
0x4ea: {  	v32 =	vadd.f32 v32, v45;
	v30 =	vmul.f32 v56, v38;
	v31 =	vmul.f32 v31, v31  }
0x4eb: {  	vm4 =	vgt.f32 v43, $0.0e+00;
	v38 =	vmul.f32 $1.428571490e-01, v63;
	v28 =	vmul.f32 v53, v28  }
0x4ec: {  	v58 =	vsub.f32 $1.000000000e+00, v39;
	v44 =	vpop (erf);
	v29 =	vmul.f32 v30, v32;
	v30 =	vmul.f32 $1.000000000e+01, v31  }
0x4ed: {  	v59 =	vsub.f32 $1.000000000e+00, v43;
	v61 =	vmul.f32 $1.225000000e+02, v31;
	v22 =	vmul.f32 v44, v22  }
0x4ee: {  	v35 =	vsub.f32 v35, v38;
	v23 =	vmul.f32 v28, v23;
	(erf) = vrcp.f32 v29  }
0x4ef: {  	vm2 =	vgt.f32 v59, $0.0e+00;
	v29 =	vmul.f32 v61, v31;
	v30 =	vmul.f32 v30, v60  }
0x4f0: {  	vm3 =	vgt.f32 v58, $0.0e+00;
	v22 =	vmul.f32 v45, v22;
	v50 =	vmul.f32 v35, v35  }
0x4f1: {  	v31 =	vnsel vm3, $0x3F800000, v58;
	v57 =	vmul.f32 $5.079999920e+00, v23;
	v23 =	vmul.f32 $2.552796130e+00, v23  }
0x4f2: {  	v35 =	vmul.f32 v52, v52;
	v30 =	vadd.f32 v30, v56;
	v26 =	vmul.f32 v29, v26  }
0x4f3: {  	v45 =	vnsel vm4, $0x3F800000, v43;
	(erf) = vrcp.f32 v46;
	v54 =	vmul.f32 v50, v50  }
0x4f4: {  	v29 =	vnsel vm2, $0x3F800000, v59;
	v20 =	vmul.f32 v35, v35;
	v26 =	vadd.f32 v26, v30  }
0x4f5: {  	v48 =	vmul.f32 v29, v45;
	v30 =	vnsel vm5, $0x3F800000, v39;
	v32 =	vmul.f32 v54, v50  }
0x4f6: {  	v47 =	vmul.f32 v31, v30;
	v22 =	vmul.f32 v26, v22  }
0x4f7: {  	v26 =	vsub.f32 v34, v62;
	v24 =	vmul.f32 v32, v24;
	v62 =	vmul.f32 v57, v57  }
0x4f8: {  	v34 =	vmul.f32 v55, v55;
	v55 =	vmul.f32 v20, v20  }
0x4f9: {  	v20 =	vmul.f32 v20, v35;
	(erf) = vrcp.f32 v47  }
0x4fa: {  	v26 =	vmul.f32 v26, v26;
	(erf) = vrcp.f32 v48  }
0x4fb: {  	v60 =	vmul.f32 $5.079999920e+00, v24;
	v24 =	vmul.f32 $2.552796130e+00, v24  }
0x4fc: {  	v19 =	vadd.f32 v19, v21;
	v48 =	vmul.f32 $7.889299880e-04, v23;
	v21 =	vmul.f32 v34, v34  }
0x4fd: {  	v49 =	vpop (erf);
	v51 =	vmul.f32 v26, v26;
	v63 =	vmul.f32 v60, v60  }
0x4fe: {  	v22 =	vmul.f32 v22, v49;
	v49 =	vmul.f32 $7.889299880e-04, v24  }
0x4ff: {  	v33 =	vsub.f32 $0.0e+00, v33;
	v26 =	vmul.f32 v51, v26;
	v52 =	vmul.f32 v63, v63  }
0x500: {  	v39 =	vmul.f32 v55, v35;
	v51 =	vmul.f32 v62, v62;
	v40 =	vsub.f32 $4.125272860e-02, v49  }
0x501: {  	v25 =	vmul.f32 v26, v25;
	v26 =	vsub.f32 $0.0e+00, v37;
	v54 =	vmul.f32 v52, v52  }
0x502: {  	v28 =	vsub.f32 $0.0e+00, v31;
	v31 =	vpop (erf);
	v40 =	vmul.f32 v40, v24;
	v36 =	vmul.f32 v52, v63  }
0x503: {  	v30 =	vsub.f32 $0.0e+00, v30;
	v56 =	vmul.f32 $5.079999920e+00, v25;
	v26 =	vmul.f32 v31, v26  }
0x504: {  	v58 =	vsub.f32 $0.0e+00, v45;
	v59 =	vpop (erf);
	v31 =	vmul.f32 v31, v33;
	v25 =	vmul.f32 $2.552796130e+00, v25  }
0x505: {  	v29 =	vsub.f32 $0.0e+00, v29;
	v61 =	vpop (erf);
	v30 =	vmul.f32 v59, v30;
	v28 =	vmul.f32 v59, v28  }
0x506: {  	v59 =	vmul.f32 v54, v63;
	v37 =	vmul.f32 v61, v58  }
0x507: {  	v29 =	vmul.f32 v61, v29;
	v32 =	vmul.f32 v56, v56  }
0x508: {  	v40 =	vadd.f32 $2.442888920e-01, v40;
	v26 =	vmul.f32 $1.442695020e+00, v26;
	v31 =	vmul.f32 $1.442695020e+00, v31  }
0x509: {  	v47 =	vmul.f32 $7.889299880e-04, v25;
	v56 =	vmul.f32 v21, v21  }
0x50a: {  	v21 =	vmul.f32 v21, v34;
	v24 =	vmul.f32 v40, v24  }
0x50b: {  	v30 =	vmul.f32 $1.442695020e+00, v30;
	v28 =	vmul.f32 $1.442695020e+00, v28  }
0x50c: {  	v37 =	vmul.f32 $1.442695020e+00, v37;
	v29 =	vmul.f32 $1.442695020e+00, v29  }
0x50d: {  	v53 =	vsub.f32 $4.125272860e-02, v48;
	v50 =	vmul.f32 v32, v32;
	(erf) = vpow2.f32 v26  }
0x50e: {  	v26 =	vmul.f32 v27, v27;
	v24 =	vadd.f32 $-4.330080000e-03, v24;
	(erf) = vpow2.f32 v31  }
0x50f: {  	v38 =	vadd.f32 v54, v56;
	v44 =	vmul.f32 v56, v34;
	(erf) = vpow2.f32 v30  }
0x510: {  	v31 =	vsub.f32 $4.125272860e-02, v47;
	v30 =	vmul.f32 v51, v51;
	v24 =	vmul.f32 v24, v24  }
0x511: {  	v21 =	vadd.f32 v36, v21;
	(erf) = vpow2.f32 v28;
	v28 =	vmul.f32 v50, v50  }
0x512: {  	v61 =	vadd.f32 v59, v44;
	v31 =	vmul.f32 v31, v25;
	(erf) = vpow2.f32 v37  }
0x513: {  	v37 =	vmul.f32 v53, v23;
	v58 =	vadd.f32 v30, v55;
	v30 =	vmul.f32 v30, v62  }
0x514: {  	v47 =	vmul.f32 v61, v38;
	v52 =	vmul.f32 $1.000000000e+01, v24  }
0x515: {  	v53 =	vmul.f32 $1.225000000e+02, v24;
	v7 =	vmul.f32 v61, v21  }
0x516: {  	(erf) = vpow2.f32 v29;
	v29 =	vmul.f32 v26, v26  }
0x517: {  	v31 =	vadd.f32 $2.442888920e-01, v31;
	v26 =	vmul.f32 v26, v27;
	v7 =	vmul.f32 v52, v7  }
0x518: {  	v57 =	vadd.f32 v28, v29;
	v28 =	vmul.f32 v28, v32;
	v29 =	vmul.f32 v29, v27  }
0x519: {  	v37 =	vadd.f32 $2.442888920e-01, v37;
	v32 =	vmul.f32 v50, v32;
	v25 =	vmul.f32 v31, v25  }
0x51a: {  	v50 =	vmul.f32 v47, v21;
	v21 =	vmul.f32 v38, v21  }
0x51b: {  	s29 =	simm.s32 $0x19060;
	v23 =	vmul.f32 v37, v23;
	v28 =	vadd.f32 v28, v29;
	v29 =	vadd.f32 v30, v39  }
0x51c: {  	v8 =	vld [tilespmem:s29+$0xFFFFFFF0];
	v30 =	vmul.f32 v51, v62;
	v60 =	vpop (erf);
	v31 =	vadd.f32 v32, v26;
	(erf) = vrcp.f32 v18  }
0x51d: {  	v18 =	vadd.f32 $-4.330080000e-03, v25;
	v27 =	vpop (erf);
	v33 =	vnsel vm1, $0x0, v60;
	v23 =	vadd.f32 $-4.330080000e-03, v23  }
0x51e: {  	v27 =	vnsel vm0, $0x0, v27;
	v62 =	vmul.f32 v28, v57;
	v63 =	vmul.f32 v29, v58  }
0x51f: {  	v34 =	vld [tilespmem:s29+$0x10];
	v26 =	vpop (erf);
	v20 =	vadd.f32 v30, v20;
	(erf) = vrcp.f32 v19;
	v18 =	vmul.f32 v18, v18  }
0x520: {  	v28 =	vmul.f32 v28, v31;
	v19 =	vnsel vm3, $0x0, v26;
	v27 =	vadd.f32 v27, v33;
	v30 =	vpop (erf)  }
0x521: {  	s1 =	simm.s32 $0x19C60;
	v23 =	vmul.f32 v23, v23;
	v48 =	vmul.f32 v62, v31;
	v25 =	vpop (erf);
	v30 =	vnsel vm5, $0x0, v30  }
0x522: {  	v35 =	vld [tilespmem:s1+$0x10];
	v49 =	vmul.f32 v63, v20;
	v26 =	vpop (erf);
	v25 =	vnsel vm2, $0x0, v25;
	v30 =	vadd.f32 v30, v19  }
0x523: {  	v15 =	vmul.f32 v48, v27;
	v27 =	vmul.f32 $1.225000000e+02, v18;
	v26 =	vnsel vm4, $0x0, v26  }
0x524: {  	v6 =	vld.idx.msk [tilespmem:v8+s3+$0x0], $0xffff;
	v26 =	vadd.f32 v26, v25;
	v16 =	vmul.f32 v49, v30;
	v30 =	vmul.f32 $1.225000000e+02, v23  }
0x525: {  	v54 =	vld [tilespmem:s1+$0xFFFFFFE0];
	v13 =	vmul.f32 v27, v18;
	(erf) = vrcp.f32 v15  }
0x526: {  	v27 =	vld [tilespmem:s1+$0xFFFFFFF0];
	v17 =	vmul.f32 v50, v26;
	v26 =	vmul.f32 $1.000000000e+01, v18  }
0x527: {  	(erf) = vrcp.f32 v16;
	v16 =	vmul.f32 v30, v23;
	v30 =	vld.idx.msk [tilespmem:v34+s3+$0x0], $0xffff  }
0x528: {  	v29 =	vmul.f32 v29, v20;
	v18 =	vmul.f32 v53, v24;
	v24 =	vld [tilespmem:s1+$0x0]  }
0x529: {  	v51 =	vmul.f32 $1.000000000e+01, v23;
	v15 =	vmul.f32 v26, v28;
	v28 =	vld [tilespmem:s29+$0x0]  }
0x52a: {  	v20 =	vmul.f32 v58, v20;
	v23 =	vmul.f32 v57, v31;
	v26 =	vld.idx.msk [tilespmem:v35+s3+$0x0], $0xffff  }
0x52b: {  	v5 =	vpop (erf);
	(erf) = vrcp.f32 v17;
	v17 =	vmul.f32 v51, v29;
	v29 =	vld [tilespmem:s29+$0xFFFFFFE0]  }
0x52c: {  	v14 =	vmul.f32 v14, v2;
	v7 =	vadd.f32 v7, v47;
	v4 =	vmul.f32 v5, v4  }
0x52d: {  	v13 =	vmul.f32 v13, v23;
	v16 =	vmul.f32 v16, v20;
	v15 =	vadd.f32 v15, v62  }
0x52e: {  	v1 =	vld.idx.msk [tilespmem:v54+s3+$0x0], $0xffff;
	v18 =	vmul.f32 v18, v21;
	v23 =	vmul.f32 v6, v6;
	v17 =	vadd.f32 v17, v63  }
0x52f: {  	v21 =	vpop (erf);
	v5 =	vadd.f32 v13, v15;
	v13 =	vmul.f32 v33, v14;
	v20 =	vadd.f32 v26, v30  }
0x530: {  	v3 =	vmul.f32 v21, v3;
	v2 =	vld.idx.msk [tilespmem:v27+s3+$0x0], $0xffff;
	v15 =	vadd.f32 v16, v17;
	v14 =	vmul.f32 v19, v4  }
0x531: {  	v4 =	vld.idx.msk [tilespmem:v24+s3+$0x0], $0xffff;
	v5 =	vmul.f32 v5, v13;
	v38 =	vmul.f32 $5.000000000e-01, v20  }
0x532: {  	v3 =	vmul.f32 v25, v3;
	v16 =	vadd.f32 v18, v7;
	v14 =	vmul.f32 v15, v14;
	v7 =	vld.idx.msk [tilespmem:v28+s3+$0x0], $0xffff  }
0x533: {  	v21 =	vmul.f32 v1, v1;
	v18 =	vmul.f32 $-1.360569290e+01, v22;
	v19 =	vpop (erf);
	v13 =	vld.idx.msk [tilespmem:v29+s3+$0x0], $0xffff;
	v17 =	vshrl.u32 v38, $0x10  }
0x534: {  	v3 =	vmul.f32 v16, v3;
	v22 =	vmul.f32 v5, v19;
	v19 =	vld.idx.msk [tilespmem:v29+s8+$0x0], $0xffff;
	v17 =	vmax.u32 v17, $0x3F80  }
0x535: {  	v25 =	vmul.f32 v2, v2;
	v5 =	vpop (erf);
	v15 =	vmin.u32 v17, $0x447F;
	v17 =	vadd.f32 v2, v6  }
0x536: {  	s13 =	simm.s32 $0x1A860;
	v22 =	vmul.f32 $-1.360569290e+01, v22;
	v5 =	vmul.f32 v14, v5;
	v14 =	vpop (erf);
	v16 =	vadd.s32 $0xFFFFC080, v15;
	v15 =	vld.idx.msk [tilespmem:v54+s8+$0x0], $0xffff  }
0x537: {  	v3 =	vmul.f32 v3, v14;
	v14 =	vld [tilespmem:s13+$0x10];
	v29 =	vmul.f32 $5.000000000e-01, v17  }
0x538: {  	v59 =	vmul.f32 v4, v4;
	v17 =	vadd.f32 v4, v7;
	v20 =	vadd.f32 v1, v13  }
0x539: {  	v56 =	vmul.f32 v13, v13;
	v61 =	vmul.f32 v19, v21;
	v21 =	vld.idx.msk [tilespmem:v28+s8+$0x0], $0xffff;
	v57 =	vshrl.u32 v29, $0x10  }
0x53a: {  	v31 =	vmul.f32 $5.000000000e-01, v17;
	v32 =	vmul.f32 $5.000000000e-01, v20;
	v20 =	vld.idx.msk [tilespmem:v8+s8+$0x0], $0xffff;
	v17 =	vmax.u32 v57, $0x3F80  }
0x53b: {  	v55 =	vmul.f32 v7, v7;
	v58 =	vld.idx.msk [tilespmem:v16+s7+$0x0], $0xffff;
	v36 =	vmul.f32 v15, v56;
	v8 =	vmin.u32 v17, $0x447F  }
0x53c: {  	v16 =	vld.idx.msk [tilespmem:v27+s8+$0x0], $0xffff;
	v27 =	vshrl.u32 v31, $0x10;
	v60 =	vshrl.u32 v32, $0x10;
	v62 =	vadd.f32 $-8.000000000e+00, v14  }
0x53d: {  	v17 =	vld.idx.msk [tilespmem:v24+s8+$0x0], $0xffff;
	v8 =	vadd.s32 $0xFFFFC080, v8;
	v24 =	vmax.u32 v27, $0x3F80;
	v27 =	vmax.u32 v60, $0x3F80  }
0x53e: {  	v28 =	vmin.u32 v24, $0x447F;
	v27 =	vmin.u32 v27, $0x447F;
	v40 =	vmul.f32 $5.000000000e-01, v62  }
0x53f: {  	v36 =	vadd.f32 v36, v61;
	v62 =	vmul.f32 $1.889726160e+00, v14;
	v49 =	vadd.s32 $0xFFFFC080, v27  }
0x540: {  	v50 =	vadd.s32 $0xFFFFC080, v28;
	v27 =	vmul.f32 v20, v25;
	v28 =	vmul.f32 v21, v59  }
0x541: {  	v52 =	vsub.f32 $1.000000000e+00, v40;
	(erf) = vrcp.f32 v36;
	v63 =	vmul.f32 v58, v58  }
0x542: {  	vm3 =	vgt.f32 v40, $0.0e+00;
	v48 =	vmul.f32 v58, v38;
	v24 =	vmul.f32 v16, v23;
	v23 =	vld [tilespmem:s13+$0xFFFFFFE0]  }
0x543: {  	v43 =	vmul.f32 v62, v62;
	v40 =	vnsel vm3, $0x3F800000, v40;
	vm2 =	vgt.f32 v52, $0.0e+00  }
0x544: {  	v37 =	vld.idx.msk [tilespmem:v8+s7+$0x0], $0xffff;
	v51 =	vmul.f32 v63, v63;
	v42 =	vmul.f32 v63, v48;
	v33 =	vnsel vm2, $0x3F800000, v52  }
0x545: {  	v25 =	vmul.f32 v17, v55;
	v52 =	vld.idx.msk [tilespmem:v34+s8+$0x0], $0xffff;
	v54 =	vmul.f32 v33, v40  }
0x546: {  	v39 =	vmul.f32 $1.142857190e+00, v58;
	v34 =	vld [tilespmem:s13+$0x0];
	v53 =	vmul.f32 v51, v42  }
0x547: {  	v36 =	vmul.f32 $1.889726160e+00, v23;
	(erf) = vrcp.f32 v54  }
0x548: {  	v44 =	vld.idx.msk [tilespmem:v50+s7+$0x0], $0xffff;
	v55 =	vadd.f32 $-8.000000000e+00, v23;
	v54 =	vmul.f32 v26, v26;
	v8 =	vmul.f32 v53, v58  }
0x549: {  	v35 =	vld.idx.msk [tilespmem:v35+s8+$0x0], $0xffff;
	v56 =	vmul.f32 v37, v37;
	v57 =	vmul.f32 v37, v29  }
0x54a: {  	v42 =	vld.idx.msk [tilespmem:v49+s7+$0x0], $0xffff;
	v53 =	vmul.f32 v30, v30;
	v41 =	vmul.f32 $5.000000000e-01, v55  }
0x54b: {  	vm6 =	vgt.f32 v10, $0.0e+00;
	v54 =	vmul.f32 v52, v54;
	v10 =	vmul.f32 $1.889726160e+00, v34  }
0x54c: {  	v36 =	vmul.f32 v36, v36;
	v8 =	vmul.f32 $1.428571490e-01, v8  }
0x54d: {  	v47 =	vmul.f32 v44, v44;
	v48 =	vmul.f32 v44, v31  }
0x54e: {  	v63 =	vmul.f32 v56, v56;
	v53 =	vmul.f32 v35, v53  }
0x54f: {  	v58 =	vmul.f32 v42, v42;
	v59 =	vmul.f32 v42, v32  }
0x550: {  	v10 =	vmul.f32 v10, v10;
	v8 =	vsub.f32 v39, v8;
	v39 =	vmul.f32 v56, v57  }
0x551: {  	v60 =	vmul.f32 v58, v58;
	v45 =	vmul.f32 v58, v59  }
0x552: {  	v48 =	vmul.f32 v47, v48;
	v8 =	vmul.f32 v8, v8  }
0x553: {  	v57 =	vsub.f32 $0.0e+00, v33;
	v33 =	vld [tilespmem:s13+$0xFFFFFFF0];
	v39 =	vmul.f32 v63, v39;
	v45 =	vmul.f32 v60, v45  }
0x554: {  	v47 =	vmul.f32 v47, v47;
	v61 =	vmul.f32 v8, v8  }
0x555: {  	v39 =	vmul.f32 v39, v37;
	v45 =	vmul.f32 v45, v42  }
0x556: {  	v40 =	vsub.f32 $0.0e+00, v40;
	v37 =	vmul.f32 $1.142857190e+00, v37;
	v50 =	vmul.f32 v61, v8;
	v8 =	vpop (erf)  }
0x557: {  	v39 =	vmul.f32 $1.428571490e-01, v39;
	v56 =	vpop (erf);
	v45 =	vmul.f32 $1.428571490e-01, v45  }
0x558: {  	v61 =	vadd.f32 $-8.000000000e+00, v33;
	v38 =	vmul.f32 v50, v38;
	v40 =	vmul.f32 v56, v40  }
0x559: {  	v50 =	vmul.f32 v43, v43;
	v46 =	vmul.f32 v56, v57  }
0x55a: {  	v49 =	vmul.f32 $5.000000000e-01, v61;
	v58 =	vmul.f32 $5.079999920e+00, v38  }
0x55b: {  	v37 =	vsub.f32 v37, v39;
	v40 =	vmul.f32 $1.442695020e+00, v40;
	v38 =	vmul.f32 $2.552796130e+00, v38  }
0x55c: {  	v59 =	vmul.f32 $1.442695020e+00, v46;
	v62 =	vmul.f32 v50, v50  }
0x55d: {  	v55 =	vsub.f32 $1.000000000e+00, v41;
	v50 =	vmul.f32 v50, v43;
	v37 =	vmul.f32 v37, v37  }
0x55e: {  	vm0 =	vgt.f32 v41, $0.0e+00;
	v46 =	vmul.f32 v58, v58;
	(erf) = vpow2.f32 v40  }
0x55f: {  	v53 =	vadd.f32 v53, v54;
	v60 =	vmul.f32 $7.889299880e-04, v38;
	v43 =	vmul.f32 v62, v43  }
0x560: {  	(erf) = vpow2.f32 v59;
	v59 =	vadd.f32 $-8.000000000e+00, v34;
	v56 =	vmul.f32 v46, v46  }
0x561: {  	v40 =	vsub.f32 $4.125272860e-02, v60;
	v60 =	vadd.f32 v52, v52;
	(erf) = vrcp.f32 v53  }
0x562: {  	v41 =	vnsel vm0, $0x3F800000, v41;
	v54 =	vmul.f32 $5.000000000e-01, v59;
	v63 =	vmul.f32 v56, v56  }
0x563: {  	vm1 =	vgt.f32 v55, $0.0e+00;
	v40 =	vmul.f32 v40, v38;
	v35 =	vmul.f32 v35, v60  }
0x564: {  	v56 =	vmul.f32 v56, v46;
	v60 =	vsub.f32 $1.000000000e+00, v49;
	v46 =	vmul.f32 v63, v46  }
0x565: {  	vm4 =	vgt.f32 v54, $0.0e+00;
	v40 =	vadd.f32 $2.442888920e-01, v40;
	v30 =	vmul.f32 v35, v30  }
0x566: {  	v51 =	vadd.f32 v63, v62;
	v43 =	vadd.f32 v46, v43;
	v46 =	vmul.f32 v47, v48  }
0x567: {  	v38 =	vmul.f32 v40, v38;
	v48 =	vadd.f32 v56, v50;
	v26 =	vmul.f32 v30, v26  }
0x568: {  	v47 =	vadd.f32 v21, v21;
	v21 =	vmul.f32 v36, v36;
	v61 =	vpop (erf);
	v50 =	vmul.f32 v43, v51  }
0x569: {  	v38 =	vadd.f32 $-4.330080000e-03, v38;
	v40 =	vnsel vm2, $0x0, v61;
	v43 =	vmul.f32 v43, v48  }
0x56a: {  	v62 =	vpop (erf);
	v61 =	vsub.f32 $1.000000000e+00, v54;
	v30 =	vmul.f32 v51, v48;
	v46 =	vmul.f32 v46, v44  }
0x56b: {  	v44 =	vmul.f32 $1.142857190e+00, v44;
	v52 =	vnsel vm3, $0x0, v62;
	v63 =	vmul.f32 v50, v48  }
0x56c: {  	v52 =	vadd.f32 v52, v40;
	v38 =	vmul.f32 v38, v38;
	vm2 =	vgt.f32 v61, $0.0e+00  }
0x56d: {  	v46 =	vmul.f32 $1.428571490e-01, v46;
	v35 =	vnsel vm2, $0x3F800000, v61;
	v61 =	vmul.f32 $1.142857190e+00, v42  }
0x56e: {  	v42 =	vnsel vm4, $0x3F800000, v54;
	v62 =	vmul.f32 v63, v52;
	v57 =	vmul.f32 $1.225000000e+02, v38  }
0x56f: {  	v55 =	vnsel vm1, $0x3F800000, v55;
	v63 =	vmul.f32 $1.000000000e+01, v38;
	v53 =	vmul.f32 v35, v42  }
0x570: {  	v54 =	vsub.f32 v44, v46;
	(erf) = vrcp.f32 v62;
	v58 =	vmul.f32 v57, v38  }
0x571: {  	vm3 =	vgt.f32 v60, $0.0e+00;
	v59 =	vmul.f32 v63, v43;
	v62 =	vmul.f32 v55, v41  }
0x572: {  	v43 =	vnsel vm3, $0x3F800000, v60;
	v60 =	vpop (erf);
	v39 =	vmul.f32 v54, v54;
	v57 =	vmul.f32 $1.889726160e+00, v33  }
0x573: {  	v26 =	vmul.f32 v60, v26;
	v30 =	vmul.f32 v58, v30  }
0x574: {  	v38 =	vadd.f32 v59, v50;
	(erf) = vrcp.f32 v62;
	v58 =	vmul.f32 v37, v37  }
0x575: {  	vm5 =	vgt.f32 v49, $0.0e+00;
	v59 =	vmul.f32 v39, v39;
	v26 =	vmul.f32 v40, v26  }
0x576: {  	v30 =	vadd.f32 v30, v38;
	v38 =	vnsel vm5, $0x3F800000, v49;
	v37 =	vmul.f32 v58, v37  }
0x577: {  	v39 =	vmul.f32 v59, v39;
	v63 =	vmul.f32 v43, v38  }
0x578: {  	v26 =	vmul.f32 v30, v26;
	v30 =	vsub.f32 v61, v45;
	v29 =	vmul.f32 v37, v29  }
0x579: {  	v31 =	vmul.f32 v39, v31;
	(erf) = vrcp.f32 v63  }
0x57a: {  	v30 =	vmul.f32 v30, v30;
	(erf) = vrcp.f32 v53  }
0x57b: {  	v49 =	vmul.f32 $5.079999920e+00, v29;
	v51 =	vmul.f32 $5.079999920e+00, v31  }
0x57c: {  	v24 =	vadd.f32 v24, v27;
	v29 =	vmul.f32 $2.552796130e+00, v29;
	v31 =	vmul.f32 $2.552796130e+00, v31;
	v52 =	vpop (erf)  }
0x57d: {  	v60 =	vsub.f32 $0.0e+00, v55;
	v26 =	vmul.f32 v26, v52;
	v56 =	vmul.f32 v30, v30  }
0x57e: {  	v62 =	vsub.f32 $0.0e+00, v43;
	v54 =	vmul.f32 v49, v49;
	v55 =	vmul.f32 v51, v51  }
0x57f: {  	v43 =	vadd.f32 v19, v19;
	v19 =	vmul.f32 $7.889299880e-04, v29;
	v27 =	vmul.f32 $7.889299880e-04, v31  }
0x580: {  	v63 =	vpop (erf);
	v26 =	vmul.f32 $-1.360569290e+01, v26;
	v30 =	vmul.f32 v56, v30  }
0x581: {  	v61 =	vsub.f32 $0.0e+00, v41;
	v39 =	vmul.f32 v63, v60;
	v56 =	vmul.f32 v54, v54  }
0x582: {  	v46 =	vmul.f32 v55, v55;
	v19 =	vsub.f32 $4.125272860e-02, v19;
	v30 =	vmul.f32 v30, v32  }
0x583: {  	v42 =	vsub.f32 $0.0e+00, v42;
	v32 =	vmul.f32 v63, v61;
	v39 =	vmul.f32 $1.442695020e+00, v39  }
0x584: {  	v38 =	vsub.f32 $0.0e+00, v38;
	v60 =	vmul.f32 v19, v29;
	v48 =	vmul.f32 $5.079999920e+00, v30  }
0x585: {  	v35 =	vsub.f32 $0.0e+00, v35;
	v50 =	vpop (erf);
	v30 =	vmul.f32 $2.552796130e+00, v30;
	v32 =	vmul.f32 $1.442695020e+00, v32  }
0x586: {  	vm7 =	vgt.f32 v11, $0.0e+00;
	v52 =	vpop (erf);
	v38 =	vmul.f32 v50, v38;
	v37 =	vmul.f32 v50, v62  }
0x587: {  	vm8 =	vgt.f32 v12, $0.0e+00;
	v11 =	vmul.f32 v52, v42;
	v12 =	vmul.f32 v52, v35  }
0x588: {  	vm11 =	vmmov vm6;
	v53 =	vmul.f32 v48, v48;
	v42 =	vmul.f32 v57, v57  }
0x589: {  	(erf) = vpow2.f32 v32;
	v48 =	vnsel vm11, $0x0, v22;
	v22 =	vmul.f32 v46, v46  }
0x58a: {  	vm14 =	vgt.f32 v9, $0.0e+00;
	v9 =	vmul.f32 $1.442695020e+00, v38;
	v37 =	vmul.f32 $1.442695020e+00, v37  }
0x58b: {  	v38 =	vnsel vm14, $0x0, v18;
	v18 =	vmul.f32 $7.889299880e-04, v30;
	(erf) = vpow2.f32 v39  }
0x58c: {  	v25 =	vadd.f32 v25, v28;
	v11 =	vmul.f32 $1.442695020e+00, v11;
	v12 =	vmul.f32 $1.442695020e+00, v12  }
0x58d: {  	vm10 =	vgt.f32 v23, $0.0e+00;
	v28 =	vmul.f32 v53, v53;
	v23 =	vmul.f32 v42, v42  }
0x58e: {  	v62 =	vmul.f32 v22, v55;
	(erf) = vpow2.f32 v9  }
0x58f: {  	vm7 =	vmmov vm7;
	v9 =	vmul.f32 v10, v10;
	(erf) = vpow2.f32 v37  }
0x590: {  	v44 =	vadd.f32 v20, v20;
	v20 =	vmul.f32 v28, v28;
	v57 =	vmul.f32 v23, v23  }
0x591: {  	v18 =	vsub.f32 $4.125272860e-02, v18;
	v28 =	vmul.f32 v28, v53;
	v23 =	vmul.f32 v23, v42  }
0x592: {  	vm6 =	vmmov vm8;
	(erf) = vpow2.f32 v11;
	v11 =	vmul.f32 v56, v56  }
0x593: {  	vm15 =	vgt.f32 v34, $0.0e+00;
	v58 =	vmul.f32 v9, v9;
	v59 =	vmul.f32 v18, v30  }
0x594: {  	v27 =	vsub.f32 $4.125272860e-02, v27;
	v9 =	vmul.f32 v9, v10;
	(erf) = vpow2.f32 v12  }
0x595: {  	v37 =	vadd.f32 $2.442888920e-01, v60;
	v12 =	vmul.f32 v21, v21;
	v61 =	vmul.f32 v20, v53  }
0x596: {  	v32 =	vmul.f32 v57, v42;
	v19 =	vadd.f32 v11, v57;
	v11 =	vmul.f32 v11, v54  }
0x597: {  	v18 =	vadd.f32 v20, v12;
	v20 =	vmul.f32 v27, v31;
	v27 =	vadd.f32 $2.442888920e-01, v59  }
0x598: {  	v12 =	vmul.f32 v12, v36;
	v11 =	vadd.f32 v11, v32;
	v53 =	vpop (erf);
	(erf) = vrcp.f32 v24  }
0x599: {  	v63 =	vadd.f32 $2.442888920e-01, v20;
	v20 =	vadd.f32 v22, v58;
	v22 =	vmul.f32 v58, v10  }
0x59a: {  	v52 =	vadd.f32 v61, v12;
	v12 =	vmul.f32 v56, v54;
	v54 =	vmul.f32 v46, v55  }
0x59b: {  	vm9 =	vgt.f32 v33, $0.0e+00;
	v56 =	vpop (erf);
	v57 =	vmul.f32 v27, v30;
	v10 =	vmul.f32 v37, v29  }
0x59c: {  	v37 =	vmul.f32 v17, v47;
	v34 =	vnsel vm0, $0x0, v56;
	v27 =	vmul.f32 v11, v19  }
0x59d: {  	vm0 =	vmmov vm10;
	v55 =	vadd.f32 v62, v22;
	v22 =	vmul.f32 v21, v36  }
0x59e: {  	v21 =	vnsel vm1, $0x0, v53;
	v58 =	vpop (erf);
	v30 =	vadd.f32 v12, v23;
	v32 =	vadd.f32 v54, v9  }
0x59f: {  	v12 =	vadd.f32 $-4.330080000e-03, v57;
	v10 =	vadd.f32 $-4.330080000e-03, v10;
	v23 =	vnsel vm3, $0x0, v58  }
0x5a0: {  	v9 =	vpop (erf);
	v29 =	vadd.f32 v28, v22;
	v28 =	vmul.f32 v63, v31;
	v31 =	vmul.f32 v52, v18  }
0x5a1: {  	v62 =	vadd.f32 v34, v21;
	v22 =	vmul.f32 v55, v20;
	v24 =	vpop (erf);
	(erf) = vrcp.f32 v25  }
0x5a2: {  	v9 =	vnsel vm5, $0x0, v9;
	v61 =	vmul.f32 v27, v30;
	v35 =	vmul.f32 v12, v12  }
0x5a3: {  	v34 =	vmul.f32 v10, v10;
	v25 =	vnsel vm2, $0x0, v24;
	v9 =	vadd.f32 v9, v23  }
0x5a4: {  	vm2 =	vgt.f32 v14, $0.0e+00;
	v60 =	vmul.f32 v31, v29;
	v63 =	vmul.f32 v22, v32  }
0x5a5: {  	v59 =	vpop (erf);
	v28 =	vadd.f32 $-4.330080000e-03, v28;
	v36 =	vmul.f32 $1.000000000e+01, v35;
	v40 =	vmul.f32 $1.225000000e+02, v35  }
0x5a6: {  	v24 =	vnsel vm4, $0x0, v59;
	v17 =	vmul.f32 $1.000000000e+01, v34;
	v39 =	vmul.f32 $1.225000000e+02, v34  }
0x5a7: {  	v41 =	vmul.f32 v52, v29;
	v10 =	vadd.f32 v24, v25;
	v24 =	vmul.f32 v15, v43  }
0x5a8: {  	v15 =	vmul.f32 v61, v9;
	v9 =	vnsel vm2, $0x0, v26;
	v26 =	vmul.f32 v11, v30  }
0x5a9: {  	s14 =	simm.s32 $0x1B420;
	vm1 =	vmmov vm9;
	v33 =	vmul.f32 v28, v28;
	v28 =	vmul.f32 v16, v44  }
0x5aa: {  	s20 =	simm.s32 $0x1B460;
	[tilespmem:s14+$0xFFFFFFE0] =	vst v48;
	vm3 =	vmmov vm7;
	v16 =	vmul.f32 v60, v62;
	v12 =	vmul.f32 v63, v10  }
0x5ab: {  	vm4 =	vmmov vm6;
	[tilespmem:s20+$0x10] =	vst v9;
	v9 =	vmul.f32 v24, v13;
	v13 =	vmul.f32 v55, v32;
	v10 =	vpop (erf)  }
0x5ac: {  	s21 =	simm.s32 $0x4;
	s23 =	simm.s32 $0x190A0;
	[tilespmem:s14+$0x10] =	vst v38;
	vm2 =	vmmov vm15;
	v14 =	vmul.f32 $1.000000000e+01, v33;
	v38 =	vmul.f32 $1.225000000e+02, v33;
	v11 =	vpop (erf)  }
.LBB2_17:
0x5ad: {  	v24 =	vld [tilespmem:s23+$0x10];
	v6 =	vmul.f32 v28, v6;
	v7 =	vmul.f32 v37, v7;
	s1 =	sadd.s32 $0x40, s1  }
0x5ae: {  	s21 =	sadd.s32 $0x4, s21;
	v35 =	vmul.f32 v40, v35;
	v28 =	vld [tilespmem:s1+$0x10];
	(erf) = vrcp.f32 v16  }
0x5af: {  	v36 =	vmul.f32 v36, v41;
	p0 =	slt.u32 s21, $0x3C;
	v16 =	vld [tilespmem:s1+$0xFFFFFFE0];
	(erf) = vrcp.f32 v15  }
0x5b0: {  	v34 =	vmul.f32 v39, v34;
	v15 =	vld [tilespmem:s23+$0xFFFFFFF0];
	(erf) = vrcp.f32 v12  }
0x5b1: {  	v17 =	vmul.f32 v17, v26;
	v26 =	vmul.f32 v38, v33;
	v31 =	vadd.f32 v36, v31;
	v12 =	vld [tilespmem:s1+$0xFFFFFFF0]  }
0x5b2: {  	v18 =	vmul.f32 v18, v29;
	v13 =	vmul.f32 v14, v13;
	v33 =	vld [tilespmem:s23+$0x0]  }
0x5b3: {  	v19 =	vmul.f32 v19, v30;
	v17 =	vadd.f32 v17, v27;
	v27 =	vmul.f32 v20, v32;
	v14 =	vld [tilespmem:s1+$0x0]  }
0x5b4: {  	v9 =	vmul.f32 v9, v1;
	v2 =	vmul.f32 v6, v2;
	v13 =	vadd.f32 v13, v22;
	v29 =	vld [tilespmem:s23+$0xFFFFFFE0]  }
0x5b5: {  	v6 =	vmul.f32 v35, v18;
	v4 =	vmul.f32 v7, v4;
	v22 =	vld.idx.msk [tilespmem:v24+s3+$0x0], $0xffff  }
0x5b6: {  	v7 =	vmul.f32 v34, v19;
	v26 =	vmul.f32 v26, v27;
	v20 =	vld.idx.msk [tilespmem:v28+s3+$0x0], $0xffff  }
0x5b7: {  	v8 =	vmul.f32 v8, v9;
	v9 =	vadd.f32 v6, v31;
	v10 =	vmul.f32 v10, v2;
	v1 =	vld.idx.msk [tilespmem:v16+s3+$0x0], $0xffff;
	v19 =	vpop (erf)  }
0x5b8: {  	v17 =	vadd.f32 v7, v17;
	v4 =	vmul.f32 v11, v4;
	v11 =	vadd.f32 v26, v13;
	v6 =	vld.idx.msk [tilespmem:v15+s3+$0x0], $0xffff;
	v13 =	vpop (erf)  }
0x5b9: {  	v8 =	vmul.f32 v21, v8;
	v10 =	vmul.f32 v23, v10;
	v2 =	vld.idx.msk [tilespmem:v12+s3+$0x0], $0xffff;
	v18 =	vpop (erf)  }
0x5ba: {  	v5 =	vmul.f32 $-1.360569290e+01, v5;
	v21 =	vmul.f32 v25, v4;
	v7 =	vld.idx.msk [tilespmem:v33+s3+$0x0], $0xffff  }
0x5bb: {  	v8 =	vmul.f32 v9, v8;
	v17 =	vmul.f32 v17, v10;
	v4 =	vld.idx.msk [tilespmem:v14+s3+$0x0], $0xffff  }
0x5bc: {  	v3 =	vmul.f32 $-1.360569290e+01, v3;
	v21 =	vmul.f32 v11, v21;
	v23 =	vadd.f32 v20, v22;
	v9 =	vld.idx.msk [tilespmem:v29+s3+$0x0], $0xffff  }
0x5bd: {  	v5 =	vnsel vm3, $0x0, v5;
	v8 =	vmul.f32 v8, v19;
	v26 =	vmul.f32 v1, v1;
	v25 =	vld.idx.msk [tilespmem:v29+s8+$0x0], $0xffff  }
0x5be: {  	v19 =	vnsel vm4, $0x0, v3;
	v37 =	vmul.f32 $5.000000000e-01, v23;
	v10 =	vld.idx.msk [tilespmem:v16+s8+$0x0], $0xffff;
	v16 =	vmul.f32 v6, v6;
	[tilespmem:s14+$0xFFFFFFF0] =	vst v5  }
0x5bf: {  	v23 =	vadd.f32 v2, v6;
	v29 =	vmul.f32 v2, v2;
	v5 =	vmul.f32 v17, v13;
	v15 =	vld.idx.msk [tilespmem:v15+s8+$0x0], $0xffff  }
0x5c0: {  	v3 =	vmul.f32 v21, v18;
	v13 =	vmul.f32 v7, v7;
	v11 =	vld.idx.msk [tilespmem:v12+s8+$0x0], $0xffff;
	v12 =	vshrl.u32 v37, $0x10;
	[tilespmem:s14+$0x0] =	vst v19;
	s14 =	smov.u32 s20  }
0x5c1: {  	v18 =	vmul.f32 $5.000000000e-01, v23;
	v17 =	vadd.f32 v4, v7;
	v30 =	vld.idx.msk [tilespmem:v33+s8+$0x0], $0xffff;
	v19 =	vmax.u32 v12, $0x3F80  }
0x5c2: {  	v21 =	vadd.f32 v1, v9;
	v23 =	vmul.f32 v9, v9;
	v12 =	vld.idx.msk [tilespmem:v14+s8+$0x0], $0xffff;
	v14 =	vmin.u32 v19, $0x447F  }
0x5c3: {  	v27 =	vshrl.u32 v18, $0x10;
	v19 =	vmul.f32 $5.000000000e-01, v17;
	v14 =	vadd.s32 $0xFFFFC080, v14  }
0x5c4: {  	v31 =	vmul.f32 v4, v4;
	v21 =	vmul.f32 $5.000000000e-01, v21;
	v17 =	vmax.u32 v27, $0x3F80  }
0x5c5: {  	s13 =	sadd.s32 $0x40, s13;
	v32 =	vmul.f32 v10, v23;
	v17 =	vmin.u32 v17, $0x447F;
	v23 =	vshrl.u32 v19, $0x10  }
0x5c6: {  	v27 =	vshrl.u32 v21, $0x10;
	v17 =	vadd.s32 $0xFFFFC080, v17;
	v33 =	vmax.u32 v23, $0x3F80;
	v23 =	vld [tilespmem:s13+$0x10]  }
0x5c7: {  	v26 =	vmul.f32 v25, v26;
	v27 =	vmax.u32 v27, $0x3F80;
	v33 =	vmin.u32 v33, $0x447F;
	v38 =	vld [tilespmem:s13+$0xFFFFFFE0]  }
0x5c8: {  	v16 =	vmul.f32 v11, v16;
	v27 =	vmin.u32 v27, $0x447F;
	v33 =	vadd.s32 $0xFFFFC080, v33;
	v36 =	vld.idx.msk [tilespmem:v14+s7+$0x0], $0xffff  }
0x5c9: {  	v39 =	vmul.f32 v12, v13;
	v35 =	vadd.s32 $0xFFFFC080, v27;
	v14 =	vmul.f32 v15, v29;
	v27 =	vld [tilespmem:s13+$0xFFFFFFF0]  }
0x5ca: {  	v32 =	vadd.f32 v32, v26;
	v31 =	vmul.f32 v30, v31;
	v13 =	vadd.f32 v25, v25;
	v25 =	vld [tilespmem:s13+$0x0]  }
0x5cb: {  	v34 =	vmul.f32 $-1.360569290e+01, v8;
	v16 =	vadd.f32 v16, v14;
	v29 =	vld.idx.msk [tilespmem:v17+s7+$0x0], $0xffff;
	v40 =	vadd.f32 $-8.000000000e+00, v23  }
0x5cc: {  	v17 =	vadd.f32 v39, v31;
	v26 =	vmul.f32 $1.889726160e+00, v38;
	v8 =	vadd.f32 $-8.000000000e+00, v38  }
0x5cd: {  	v14 =	vadd.f32 v15, v15;
	v31 =	vld.idx.msk [tilespmem:v33+s7+$0x0], $0xffff;
	v39 =	vmul.f32 $5.000000000e-01, v40;
	(erf) = vrcp.f32 v32  }
0x5ce: {  	v32 =	vmul.f32 v36, v36;
	v33 =	vld.idx.msk [tilespmem:v35+s7+$0x0], $0xffff;
	v40 =	vadd.f32 $-8.000000000e+00, v27;
	v35 =	vmul.f32 v36, v37  }
0x5cf: {  	v41 =	vmul.f32 $5.000000000e-01, v8;
	v42 =	vadd.f32 $-8.000000000e+00, v25;
	v8 =	vsub.f32 $1.000000000e+00, v39  }
0x5d0: {  	v15 =	vadd.f32 v30, v30;
	v30 =	vmul.f32 v32, v32;
	v32 =	vmul.f32 v32, v35  }
0x5d1: {  	vm4 =	vgt.f32 v39, $0.0e+00;
	v43 =	vmul.f32 v29, v29;
	vm3 =	vgt.f32 v8, $0.0e+00  }
0x5d2: {  	v39 =	vnsel vm4, $0x3F800000, v39;
	v30 =	vmul.f32 v30, v32;
	v44 =	vnsel vm3, $0x3F800000, v8  }
0x5d3: {  	v48 =	vsub.f32 $1.000000000e+00, v41;
	v32 =	vmul.f32 v29, v18;
	v35 =	vmul.f32 v44, v39  }
0x5d4: {  	vm5 =	vgt.f32 v41, $0.0e+00;
	v45 =	vmul.f32 v33, v33;
	v30 =	vmul.f32 v30, v36  }
0x5d5: {  	vm6 =	vgt.f32 v48, $0.0e+00;
	v46 =	vmul.f32 v33, v21;
	(erf) = vrcp.f32 v35  }
0x5d6: {  	v47 =	vmul.f32 $1.142857190e+00, v36;
	v35 =	vnsel vm6, $0x3F800000, v48;
	v30 =	vmul.f32 $1.428571490e-01, v30;
	v8 =	vpop (erf)  }
0x5d7: {  	v36 =	vnsel vm5, $0x3F800000, v41;
	v41 =	vmul.f32 v31, v31;
	v48 =	vmul.f32 v31, v19  }
0x5d8: {  	v49 =	vmul.f32 v45, v45;
	v45 =	vmul.f32 v45, v46;
	v46 =	vsub.f32 v47, v30  }
0x5d9: {  	v30 =	vsub.f32 $0.0e+00, v35;
	v47 =	vmul.f32 v43, v43;
	v43 =	vmul.f32 v43, v32  }
0x5da: {  	v50 =	vmul.f32 v41, v41;
	v32 =	vsub.f32 $0.0e+00, v36;
	v46 =	vmul.f32 v46, v46  }
0x5db: {  	vm12 =	vgt.f32 v38, $0.0e+00;
	v38 =	vmul.f32 $5.000000000e-01, v40;
	v40 =	vmul.f32 v41, v48  }
0x5dc: {  	vm11 =	vgt.f32 v27, $0.0e+00;
	v41 =	vmul.f32 $5.000000000e-01, v42;
	v42 =	vmul.f32 v46, v46  }
0x5dd: {  	v45 =	vmul.f32 v49, v45;
	v48 =	vsub.f32 $1.000000000e+00, v38;
	v49 =	vmul.f32 $1.889726160e+00, v23  }
0x5de: {  	v39 =	vsub.f32 $0.0e+00, v39;
	v43 =	vmul.f32 v47, v43;
	v42 =	vmul.f32 v42, v46;
	v46 =	vpop (erf)  }
0x5df: {  	v44 =	vsub.f32 $0.0e+00, v44;
	v40 =	vmul.f32 v50, v40;
	v47 =	vmul.f32 v49, v49  }
0x5e0: {  	v49 =	vsub.f32 $1.000000000e+00, v41;
	v39 =	vmul.f32 v46, v39;
	v37 =	vmul.f32 v42, v37  }
0x5e1: {  	vm8 =	vgt.f32 v48, $0.0e+00;
	v44 =	vmul.f32 v46, v44;
	v42 =	vmul.f32 v47, v47  }
0x5e2: {  	vm7 =	vgt.f32 v49, $0.0e+00;
	v39 =	vmul.f32 $1.442695020e+00, v39;
	v28 =	vld.idx.msk [tilespmem:v28+s8+$0x0], $0xffff;
	v46 =	vmul.f32 $5.079999920e+00, v37  }
0x5e3: {  	vm9 =	vgt.f32 v38, $0.0e+00;
	v37 =	vmul.f32 $2.552796130e+00, v37;
	v50 =	vld.idx.msk [tilespmem:v24+s8+$0x0], $0xffff;
	v24 =	vmul.f32 $1.442695020e+00, v44  }
0x5e4: {  	vm10 =	vgt.f32 v41, $0.0e+00;
	v44 =	vmul.f32 v46, v46;
	(erf) = vpow2.f32 v39  }
0x5e5: {  	v39 =	vnsel vm8, $0x3F800000, v48;
	v46 =	vmul.f32 $7.889299880e-04, v37;
	(erf) = vpow2.f32 v24  }
0x5e6: {  	v48 =	vnsel vm7, $0x3F800000, v49;
	v24 =	vmul.f32 v22, v22;
	v49 =	vmul.f32 v44, v44  }
0x5e7: {  	v51 =	vmul.f32 v20, v20;
	v52 =	vmul.f32 v42, v42;
	v46 =	vsub.f32 $4.125272860e-02, v46  }
0x5e8: {  	v38 =	vnsel vm9, $0x3F800000, v38;
	v53 =	vmul.f32 v28, v24;
	v54 =	vmul.f32 v49, v49  }
0x5e9: {  	v41 =	vnsel vm10, $0x3F800000, v41;
	v51 =	vmul.f32 v50, v51;
	v46 =	vmul.f32 v46, v37  }
0x5ea: {  	v55 =	vmul.f32 v52, v47;
	v24 =	vsub.f32 $0.0e+00, v39;
	v56 =	vmul.f32 v54, v44  }
0x5eb: {  	v42 =	vmul.f32 v42, v47;
	v57 =	vadd.f32 v53, v51;
	v53 =	vadd.f32 $2.442888920e-01, v46  }
0x5ec: {  	v44 =	vmul.f32 v49, v44;
	v47 =	vadd.f32 v54, v52;
	v49 =	vadd.f32 v56, v55  }
0x5ed: {  	v45 =	vmul.f32 v45, v33;
	v50 =	vadd.f32 v50, v50;
	v37 =	vmul.f32 v53, v37;
	v46 =	vpop (erf)  }
0x5ee: {  	v42 =	vadd.f32 v44, v42;
	v44 =	vmul.f32 v49, v47;
	(erf) = vrcp.f32 v57;
	v51 =	vpop (erf)  }
0x5ef: {  	v37 =	vadd.f32 $-4.330080000e-03, v37;
	v46 =	vnsel vm3, $0x0, v46;
	v51 =	vnsel vm4, $0x0, v51  }
0x5f0: {  	v28 =	vmul.f32 v28, v50;
	v50 =	vmul.f32 v44, v42;
	v51 =	vadd.f32 v51, v46  }
0x5f1: {  	v43 =	vmul.f32 v43, v29;
	v52 =	vsub.f32 $0.0e+00, v48;
	v37 =	vmul.f32 v37, v37  }
0x5f2: {  	v53 =	vsub.f32 $0.0e+00, v38;
	v22 =	vmul.f32 v28, v22;
	v28 =	vmul.f32 v50, v51  }
0x5f3: {  	v49 =	vmul.f32 v49, v42;
	v50 =	vsub.f32 $0.0e+00, v41;
	v51 =	vmul.f32 $1.000000000e+01, v37  }
0x5f4: {  	vm13 =	vgt.f32 v25, $0.0e+00;
	v54 =	vmul.f32 $1.225000000e+02, v37;
	(erf) = vrcp.f32 v28  }
0x5f5: {  	v20 =	vmul.f32 v22, v20;
	v22 =	vmul.f32 v47, v42;
	v28 =	vnsel vm0, $0x0, v34  }
0x5f6: {  	v34 =	vmul.f32 v54, v37;
	v37 =	vmul.f32 v51, v49;
	vm0 =	vmmov vm12;
	[tilespmem:s20+$0xFFFFFFE0] =	vst v28  }
0x5f7: {  	v40 =	vmul.f32 v40, v31;
	vm3 =	vmmov vm1;
	v28 =	vmul.f32 $1.428571490e-01, v45;
	v42 =	vpop (erf)  }
0x5f8: {  	v37 =	vadd.f32 v37, v44;
	v22 =	vmul.f32 v34, v22;
	v20 =	vmul.f32 v42, v20  }
0x5f9: {  	v40 =	vmul.f32 $1.428571490e-01, v40;
	vm1 =	vmmov vm11;
	v34 =	vmul.f32 $1.428571490e-01, v43  }
0x5fa: {  	v33 =	vmul.f32 $1.142857190e+00, v33;
	v22 =	vadd.f32 v22, v37;
	v20 =	vmul.f32 v46, v20  }
0x5fb: {  	v31 =	vmul.f32 $1.142857190e+00, v31;
	v29 =	vmul.f32 $1.142857190e+00, v29;
	vm4 =	vmmov vm2  }
0x5fc: {  	v28 =	vsub.f32 v33, v28;
	v33 =	vmul.f32 v35, v36;
	v20 =	vmul.f32 v22, v20  }
0x5fd: {  	v22 =	vsub.f32 v29, v34;
	v29 =	vmul.f32 v39, v38;
	v34 =	vmul.f32 v48, v41;
	v35 =	vpop (erf)  }
0x5fe: {  	v31 =	vsub.f32 v31, v40;
	v20 =	vmul.f32 v20, v35;
	(erf) = vrcp.f32 v33  }
0x5ff: {  	vm2 =	vmmov vm13;
	v28 =	vmul.f32 v28, v28;
	(erf) = vrcp.f32 v29  }
0x600: {  	v20 =	vmul.f32 $-1.360569290e+01, v20;
	(erf) = vrcp.f32 v34  }
0x601: {  	vm11 =	vgt.f32 v23, $0.0e+00;
	v22 =	vmul.f32 v22, v22;
	v29 =	vmul.f32 v31, v31  }
0x602: {  	v27 =	vmul.f32 $1.889726160e+00, v27;
	s20 =	sadd.s32 $0x40, s20;
	v23 =	vmul.f32 v28, v28;
	v20 =	vnsel vm11, $0x0, v20  }
0x603: {  	v31 =	vmul.f32 v22, v22;
	v33 =	vmul.f32 v29, v29;
	[tilespmem:s20+$0x10] =	vst v20  }
0x604: {  	v20 =	vmul.f32 v23, v28;
	v23 =	vmul.f32 $1.889726160e+00, v25  }
0x605: {  	v31 =	vmul.f32 v31, v22;
	v25 =	vmul.f32 v33, v29  }
0x606: {  	v20 =	vmul.f32 v20, v21;
	v21 =	vmul.f32 v26, v26  }
0x607: {  	v18 =	vmul.f32 v31, v18;
	v19 =	vmul.f32 v25, v19;
	v22 =	vpop (erf)  }
0x608: {  	v25 =	vmul.f32 $5.079999920e+00, v20;
	v26 =	vmul.f32 v22, v32;
	v28 =	vpop (erf)  }
0x609: {  	v29 =	vmul.f32 $5.079999920e+00, v18;
	v31 =	vmul.f32 $5.079999920e+00, v19;
	v32 =	vpop (erf)  }
0x60a: {  	v22 =	vmul.f32 v22, v30;
	v30 =	vmul.f32 v28, v53  }
0x60b: {  	v24 =	vmul.f32 v28, v24;
	v28 =	vmul.f32 v32, v50  }
0x60c: {  	v33 =	vmul.f32 $2.552796130e+00, v20;
	v20 =	vmul.f32 v32, v52  }
0x60d: {  	v34 =	vmul.f32 $2.552796130e+00, v19;
	v32 =	vmul.f32 $2.552796130e+00, v18  }
0x60e: {  	v29 =	vmul.f32 v29, v29;
	v25 =	vmul.f32 v25, v25  }
0x60f: {  	v18 =	vmul.f32 $1.442695020e+00, v26;
	v26 =	vmul.f32 v31, v31  }
0x610: {  	v19 =	vmul.f32 $1.442695020e+00, v22;
	v22 =	vmul.f32 $1.442695020e+00, v30  }
0x611: {  	v24 =	vmul.f32 $1.442695020e+00, v24;
	v28 =	vmul.f32 $1.442695020e+00, v28  }
0x612: {  	v27 =	vmul.f32 v27, v27;
	v20 =	vmul.f32 $1.442695020e+00, v20  }
0x613: {  	v23 =	vmul.f32 v23, v23;
	v30 =	vmul.f32 $7.889299880e-04, v33  }
0x614: {  	v35 =	vmul.f32 $7.889299880e-04, v34;
	v31 =	vmul.f32 $7.889299880e-04, v32  }
0x615: {  	v37 =	vmul.f32 v29, v29;
	v36 =	vmul.f32 v25, v25;
	v30 =	vsub.f32 $4.125272860e-02, v30  }
0x616: {  	v38 =	vmul.f32 v26, v26;
	v31 =	vsub.f32 $4.125272860e-02, v31;
	(erf) = vpow2.f32 v18  }
0x617: {  	v39 =	vmul.f32 v21, v21;
	v35 =	vsub.f32 $4.125272860e-02, v35;
	(erf) = vpow2.f32 v19  }
0x618: {  	v40 =	vmul.f32 v27, v27;
	(erf) = vpow2.f32 v22  }
0x619: {  	v22 =	vmul.f32 v23, v23;
	(erf) = vpow2.f32 v24  }
0x61a: {  	v19 =	vmul.f32 v36, v36;
	(erf) = vpow2.f32 v28  }
0x61b: {  	v24 =	vmul.f32 v37, v37;
	(erf) = vpow2.f32 v20  }
0x61c: {  	v28 =	vmul.f32 v38, v38;
	v20 =	vmul.f32 v39, v39  }
0x61d: {  	v41 =	vmul.f32 v40, v40;
	v42 =	vmul.f32 v22, v22  }
0x61e: {  	v30 =	vmul.f32 v30, v33;
	v31 =	vmul.f32 v31, v32;
	v18 =	vadd.f32 v19, v20  }
0x61f: {  	v35 =	vmul.f32 v35, v34;
	v43 =	vmul.f32 v19, v25;
	v19 =	vadd.f32 v24, v41;
	v44 =	vpop (erf)  }
0x620: {  	v30 =	vadd.f32 $2.442888920e-01, v30;
	v45 =	vmul.f32 v28, v26;
	v24 =	vmul.f32 v24, v29;
	v46 =	vpop (erf)  }
0x621: {  	v31 =	vadd.f32 $2.442888920e-01, v31;
	v47 =	vmul.f32 v20, v21;
	v41 =	vmul.f32 v41, v27;
	v48 =	vpop (erf)  }
0x622: {  	v35 =	vadd.f32 $2.442888920e-01, v35;
	v49 =	vmul.f32 v42, v23;
	v20 =	vadd.f32 v28, v42;
	v42 =	vpop (erf)  }
0x623: {  	v25 =	vmul.f32 v36, v25;
	v43 =	vadd.f32 v43, v47;
	v24 =	vadd.f32 v24, v41;
	v36 =	vpop (erf)  }
0x624: {  	v37 =	vmul.f32 v37, v29;
	v26 =	vmul.f32 v38, v26;
	v45 =	vadd.f32 v45, v49;
	v28 =	vpop (erf)  }
0x625: {  	v29 =	vmul.f32 v39, v21;
	v27 =	vmul.f32 v40, v27;
	v21 =	vnsel vm6, $0x0, v44  }
0x626: {  	v33 =	vmul.f32 v30, v33;
	v22 =	vmul.f32 v22, v23;
	v38 =	vnsel vm5, $0x0, v46  }
0x627: {  	v23 =	vmul.f32 v31, v32;
	v29 =	vadd.f32 v25, v29;
	v25 =	vmul.f32 v35, v34  }
0x628: {  	v30 =	vadd.f32 v37, v27;
	v31 =	vmul.f32 v43, v18;
	v27 =	vmul.f32 v24, v19  }
0x629: {  	v32 =	vadd.f32 v26, v22;
	v22 =	vmul.f32 v45, v20;
	(erf) = vrcp.f32 v16  }
0x62a: {  	v26 =	vadd.f32 $-4.330080000e-03, v23;
	v16 =	vadd.f32 $-4.330080000e-03, v33;
	(erf) = vrcp.f32 v17  }
0x62b: {  	v23 =	vnsel vm8, $0x0, v48;
	v33 =	vadd.f32 $-4.330080000e-03, v25;
	v17 =	vnsel vm9, $0x0, v42  }
0x62c: {  	v37 =	vmul.f32 v31, v29;
	v28 =	vnsel vm10, $0x0, v28;
	v25 =	vnsel vm7, $0x0, v36  }
0x62d: {  	v39 =	vmul.f32 v22, v32;
	v36 =	vadd.f32 v38, v21;
	v38 =	vmul.f32 v27, v30  }
0x62e: {  	v40 =	vadd.f32 v28, v25;
	v35 =	vmul.f32 v16, v16;
	v17 =	vadd.f32 v17, v23  }
0x62f: {  	v34 =	vmul.f32 v26, v26;
	v33 =	vmul.f32 v33, v33  }
0x630: {  	v13 =	vmul.f32 v10, v13;
	v28 =	vmul.f32 v11, v14  }
0x631: {  	v16 =	vmul.f32 v37, v36;
	v37 =	vmul.f32 v12, v15  }
0x632: {  	v12 =	vmul.f32 v39, v40;
	v15 =	vmul.f32 v38, v17;
	v10 =	vpop (erf)  }
.Ltmp7:
0x633: {  	v36 =	vmul.f32 $1.000000000e+01, v35;
	v40 =	vmul.f32 $1.225000000e+02, v35;
	v11 =	vpop (erf);
	(pc) =	sbr.rel @p0 .LBB2_17-.Ltmp7, $4  }
0x634: {  	v39 =	vmul.f32 $1.225000000e+02, v34;
	v17 =	vmul.f32 $1.000000000e+01, v34  }
0x635: {  	v14 =	vmul.f32 $1.000000000e+01, v33;
	v38 =	vmul.f32 $1.225000000e+02, v33  }
0x636: {  	v41 =	vmul.f32 v43, v29;
	v26 =	vmul.f32 v24, v30  }
0x637: {  	s23 =	sadd.s32 $0x40, s23;
	v9 =	vmul.f32 v13, v9;
	v13 =	vmul.f32 v45, v32  }
0x638: {  	v6 =	vmul.f32 v28, v6;
	v7 =	vmul.f32 v37, v7  }
0x639: {  	v24 =	vmul.f32 v40, v35;
	(erf) = vrcp.f32 v16  }
0x63a: {  	v49 =	vmul.f32 v36, v41;
	v50 =	vmul.f32 v39, v34  }
0x63b: {  	v51 =	vmul.f32 v17, v26;
	v52 =	vmul.f32 v38, v33  }
0x63c: {  	v18 =	vmul.f32 v18, v29;
	v53 =	vmul.f32 v19, v30  }
0x63d: {  	v54 =	vmul.f32 v20, v32;
	(erf) = vrcp.f32 v15  }
0x63e: {  	v13 =	vmul.f32 v14, v13;
	v1 =	vmul.f32 v9, v1  }
0x63f: {  	(erf) = vrcp.f32 v12;
	v2 =	vmul.f32 v6, v2  }
0x640: {  	v55 =	vadd.f32 v49, v31;
	v56 =	vmul.f32 v24, v18;
	v4 =	vmul.f32 v7, v4  }
0x641: {  	v57 =	vadd.f32 v51, v27;
	v58 =	vmul.f32 v50, v53;
	v1 =	vmul.f32 v8, v1  }
0x642: {  	v60 =	vmul.f32 v52, v54;
	v59 =	vadd.f32 v13, v22;
	v2 =	vmul.f32 v10, v2  }
0x643: {  	v6 =	vadd.f32 v56, v55;
	v4 =	vmul.f32 v11, v4;
	v1 =	vmul.f32 v21, v1  }
0x644: {  	v7 =	vadd.f32 v58, v57;
	v2 =	vmul.f32 v23, v2  }
0x645: {  	v8 =	vadd.f32 v60, v59;
	v4 =	vmul.f32 v25, v4;
	v1 =	vmul.f32 v6, v1  }
0x646: {  	v5 =	vmul.f32 $-1.360569290e+01, v5;
	v2 =	vmul.f32 v7, v2;
	v61 =	vpop (erf)  }
0x647: {  	v4 =	vmul.f32 v8, v4;
	v62 =	vpop (erf);
	v1 =	vmul.f32 v1, v61  }
0x648: {  	v3 =	vmul.f32 $-1.360569290e+01, v3;
	v63 =	vpop (erf);
	v2 =	vmul.f32 v2, v62  }
0x649: {  	v5 =	vnsel vm3, $0x0, v5;
	v4 =	vmul.f32 v4, v63;
	v1 =	vmul.f32 $-1.360569290e+01, v1  }
0x64a: {  	v3 =	vnsel vm4, $0x0, v3;
	[tilespmem:s14+$0xFFFFFFF0] =	vst v5;
	v2 =	vmul.f32 $-1.360569290e+01, v2  }
0x64b: {  	vm14 =	vmmov vm1;
	[tilespmem:s14+$0x0] =	vst v3;
	v1 =	vnsel vm0, $0x0, v1;
	v3 =	vmul.f32 $-1.360569290e+01, v4  }
0x64c: {  	vm15 =	vmmov vm2;
	s18 =	sadd.s32 $0x1, s18;
	[tilespmem:s20+$0xFFFFFFE0] =	vst v1;
	v1 =	vnsel vm14, $0x0, v2  }
0x64d: {  	p0 =	sne.s32 s18, $0x10;
	[tilespmem:s20+$0xFFFFFFF0] =	vst v1;
	v1 =	vnsel vm15, $0x0, v3  }
.Ltmp8:
0x64e: {  	s1 =	simm.s32 $0x1B400;
	[tilespmem:s20+$0x0] =	vst v1;
	(pc) =	sbr.rel @p0 .LBB2_12-.Ltmp8, $4  }
0x64f: {  	[spmem:s2] =	stream.indirect.scatter.add.f32 [tilespmem:s1], [sflag:$0x4], $0x1, s19, s16, $0xb8;
	[tilespmem:$0x1F0C0] =	vst v63  }
0x650: {  	_ =	swait.ge [sflag:s31], $0x400  }
0x651: {  	[sflag:s31] =	ssyncset.done $0x0  }
0x652: {  	[sflag:s31] =	ssyncadd.s32 $0xFFFFFC00  }
0x653: {  	_ =	swait.ge [sflag:s15], $0x400  }
0x654: {  	[sflag:s15] =	ssyncset.done $0x0  }
0x655: {  	[sflag:s15] =	ssyncadd.s32 $0xFFFFFC00  }
0x656: {  	_ =	swait.ge [sflag:s15], $0x400  }
0x657: {  	[sflag:s15] =	ssyncset.done $0x0  }
0x658: {  	[sflag:s15] =	ssyncadd.s32 $0xFFFFFC00  }
0x659: {  	_ =	swait.ge [sflag:s15], $0x400  }
0x65a: {  	[sflag:s15] =	ssyncset.done $0x0  }
0x65b: {  	s1 =	simm.s32 $0x18820;
	[sflag:s15] =	ssyncadd.s32 $0xFFFFFC00  }
0x65c: {  	s13 =	simm.s32 $0x19420;
	v29 =	vld [tilespmem:s1+$0x10]  }
0x65d: {  	v30 =	vld [tilespmem:s13+$0x10]  }
0x65e: {  	v8 =	vld [tilespmem:s1+$0xFFFFFFF0]  }
0x65f: {  	v9 =	vld [tilespmem:s13+$0xFFFFFFF0]  }
0x660: {  	v7 =	vld [tilespmem:s13+$0xFFFFFFE0]  }
0x661: {  	v10 =	vld [tilespmem:s1+$0x0]  }
0x662: {  	v12 =	vld [tilespmem:s1+$0xFFFFFFE0]  }
0x663: {  	v11 =	vld [tilespmem:s13+$0x0]  }
0x664: {  	v26 =	vld.idx.msk [tilespmem:v29+s3+$0x0], $0xffff  }
0x665: {  	v22 =	vld.idx.msk [tilespmem:v30+s3+$0x0], $0xffff  }
0x666: {  	v4 =	vld.idx.msk [tilespmem:v8+s3+$0x0], $0xffff  }
0x667: {  	v1 =	vld.idx.msk [tilespmem:v9+s3+$0x0], $0xffff  }
0x668: {  	v2 =	vld.idx.msk [tilespmem:v7+s3+$0x0], $0xffff  }
0x669: {  	v5 =	vld.idx.msk [tilespmem:v10+s3+$0x0], $0xffff  }
0x66a: {  	v6 =	vld.idx.msk [tilespmem:v12+s3+$0x0], $0xffff  }
0x66b: {  	v3 =	vld.idx.msk [tilespmem:v11+s3+$0x0], $0xffff  }
0x66c: {  	v16 =	vld.idx.msk [tilespmem:v12+s8+$0x0], $0xffff  }
0x66d: {  	v15 =	vld.idx.msk [tilespmem:v8+s8+$0x0], $0xffff  }
0x66e: {  	v8 =	vld.idx.msk [tilespmem:v9+s8+$0x0], $0xffff;
	v13 =	vadd.f32 v22, v26;
	v12 =	vmul.f32 v2, v2  }
0x66f: {  	v29 =	vld.idx.msk [tilespmem:v29+s8+$0x0], $0xffff;
	v18 =	vmul.f32 v4, v4;
	v19 =	vadd.f32 v2, v6;
	v27 =	vmul.f32 v5, v5  }
0x670: {  	v7 =	vld.idx.msk [tilespmem:v7+s8+$0x0], $0xffff;
	v9 =	vadd.f32 v3, v5;
	v62 =	vmul.f32 v26, v26;
	v47 =	vmul.f32 v22, v22  }
0x671: {  	v30 =	vld.idx.msk [tilespmem:v30+s8+$0x0], $0xffff;
	v31 =	vmul.f32 $5.000000000e-01, v13;
	v25 =	vmul.f32 $5.000000000e-01, v19  }
0x672: {  	v19 =	vmul.f32 v6, v6;
	v24 =	vmul.f32 $5.000000000e-01, v9  }
0x673: {  	v13 =	vadd.f32 v1, v4;
	v12 =	vmul.f32 v16, v12;
	v18 =	vmul.f32 v8, v18  }
0x674: {  	v47 =	vmul.f32 v29, v47;
	v29 =	vadd.f32 v29, v29;
	v16 =	vadd.f32 v16, v16  }
0x675: {  	v14 =	vshrl.u32 v31, $0x10;
	v23 =	vmul.f32 $5.000000000e-01, v13;
	v32 =	vmul.f32 v7, v19  }
0x676: {  	s23 =	simm.s32 $0x1A020;
	v19 =	vshrl.u32 v24, $0x10;
	v29 =	vmul.f32 v30, v29;
	v7 =	vmul.f32 v7, v16  }
0x677: {  	v9 =	vld [tilespmem:s23+$0x10];
	v13 =	vmax.u32 v14, $0x3F80;
	v14 =	vmul.f32 v1, v1;
	v19 =	vmax.u32 v19, $0x3F80  }
0x678: {  	v13 =	vmin.u32 v13, $0x447F;
	v20 =	vshrl.u32 v23, $0x10;
	v19 =	vmin.u32 v19, $0x447F  }
0x679: {  	v17 =	vld.idx.msk [tilespmem:v10+s8+$0x0], $0xffff;
	v12 =	vadd.f32 v32, v12;
	v26 =	vmul.f32 v29, v26;
	v6 =	vmul.f32 v7, v6  }
0x67a: {  	v21 =	vadd.s32 $0xFFFFC080, v13;
	v10 =	vmax.u32 v20, $0x3F80;
	v13 =	vld.idx.msk [tilespmem:v11+s8+$0x0], $0xffff;
	v11 =	vmul.f32 v3, v3  }
0x67b: {  	v20 =	vshrl.u32 v25, $0x10;
	v35 =	vadd.s32 $0xFFFFC080, v19;
	v10 =	vmin.u32 v10, $0x447F  }
0x67c: {  	v55 =	vmul.f32 $1.889726160e+00, v9;
	v20 =	vmax.u32 v20, $0x3F80;
	v28 =	vadd.s32 $0xFFFFC080, v10;
	v10 =	vld [tilespmem:s23+$0xFFFFFFE0]  }
0x67d: {  	(erf) = vrcp.f32 v12;
	v22 =	vmul.f32 v26, v22;
	v20 =	vmin.u32 v20, $0x447F  }
0x67e: {  	v34 =	vadd.s32 $0xFFFFC080, v20;
	v20 =	vmul.f32 v15, v14;
	v15 =	vadd.f32 v15, v15  }
0x67f: {  	v2 =	vmul.f32 v6, v2;
	v14 =	vadd.f32 $-8.000000000e+00, v9;
	v19 =	vmul.f32 v13, v27  }
0x680: {  	v33 =	vld.idx.msk [tilespmem:v21+s7+$0x0], $0xffff;
	v21 =	vmul.f32 v17, v11;
	v17 =	vadd.f32 v17, v17;
	v8 =	vmul.f32 v8, v15  }
0x681: {  	v14 =	vmul.f32 $5.000000000e-01, v14;
	v35 =	vld.idx.msk [tilespmem:v35+s7+$0x0], $0xffff;
	v27 =	vmul.f32 $1.889726160e+00, v10;
	v11 =	vadd.f32 $-8.000000000e+00, v10  }
0x682: {  	v13 =	vmul.f32 v13, v17;
	v4 =	vmul.f32 v8, v4  }
0x683: {  	v28 =	vld.idx.msk [tilespmem:v28+s7+$0x0], $0xffff;
	v37 =	vmul.f32 $5.000000000e-01, v11;
	v27 =	vmul.f32 v27, v27  }
0x684: {  	v5 =	vmul.f32 v13, v5;
	v4 =	vmul.f32 v4, v1  }
0x685: {  	vm3 =	vgt.f32 v14, $0.0e+00;
	v34 =	vld.idx.msk [tilespmem:v34+s7+$0x0], $0xffff;
	v48 =	vmul.f32 v33, v33;
	v36 =	vmul.f32 v33, v31  }
0x686: {  	v11 =	vsub.f32 $1.000000000e+00, v14;
	v52 =	vmul.f32 v35, v35;
	v43 =	vmul.f32 v35, v24  }
0x687: {  	v38 =	vnsel vm3, $0x3F800000, v14;
	v3 =	vmul.f32 v5, v3;
	v12 =	vmul.f32 v48, v48  }
0x688: {  	vm2 =	vgt.f32 v11, $0.0e+00;
	v32 =	vmul.f32 v48, v36;
	v49 =	vmul.f32 v28, v28  }
0x689: {  	v50 =	vnsel vm2, $0x3F800000, v11;
	v14 =	vmul.f32 v28, v23;
	v45 =	vmul.f32 v52, v52  }
0x68a: {  	v39 =	vmul.f32 v50, v38;
	v40 =	vmul.f32 v34, v34  }
0x68b: {  	v11 =	vld [tilespmem:s23+$0xFFFFFFF0];
	v42 =	vmul.f32 v34, v25;
	v12 =	vmul.f32 v12, v32  }
0x68c: {  	v54 =	vmul.f32 v49, v49;
	v36 =	vmul.f32 v49, v14  }
0x68d: {  	(erf) = vrcp.f32 v39;
	v41 =	vmul.f32 v12, v33;
	v12 =	vld [tilespmem:s23+$0x0]  }
0x68e: {  	v44 =	vmul.f32 v40, v40;
	v40 =	vmul.f32 v40, v42  }
0x68f: {  	v33 =	vmul.f32 $1.142857190e+00, v33;
	v51 =	vmul.f32 $1.428571490e-01, v41  }
0x690: {  	v36 =	vmul.f32 v54, v36;
	v53 =	vadd.f32 $-8.000000000e+00, v11;
	v40 =	vmul.f32 v44, v40  }
0x691: {  	v44 =	vmul.f32 v55, v55;
	v41 =	vmul.f32 v52, v43;
	v33 =	vsub.f32 v33, v51  }
0x692: {  	v36 =	vmul.f32 v36, v28;
	v28 =	vmul.f32 $1.142857190e+00, v28;
	v14 =	vadd.f32 $-8.000000000e+00, v12  }
0x693: {  	v52 =	vmul.f32 $1.889726160e+00, v11;
	v33 =	vmul.f32 v33, v33  }
0x694: {  	v39 =	vmul.f32 $5.000000000e-01, v53;
	v58 =	vmul.f32 v44, v44  }
0x695: {  	v40 =	vmul.f32 v40, v34;
	v46 =	vmul.f32 v33, v33  }
0x696: {  	v38 =	vsub.f32 $0.0e+00, v38;
	v34 =	vmul.f32 $1.142857190e+00, v34;
	v43 =	vmul.f32 $5.000000000e-01, v14;
	v14 =	vpop (erf)  }
0x697: {  	v41 =	vmul.f32 v45, v41;
	v33 =	vmul.f32 v46, v33;
	v56 =	vpop (erf)  }
0x698: {  	v32 =	vsub.f32 $0.0e+00, v50;
	v36 =	vmul.f32 $1.428571490e-01, v36;
	v57 =	vmul.f32 v56, v38  }
0x699: {  	v18 =	vadd.f32 v18, v20;
	v48 =	vmul.f32 v58, v58;
	v31 =	vmul.f32 v33, v31  }
0x69a: {  	v60 =	vsub.f32 $1.000000000e+00, v37;
	v32 =	vmul.f32 v56, v32;
	v33 =	vmul.f32 $1.442695020e+00, v57  }
0x69b: {  	vm0 =	vgt.f32 v37, $0.0e+00;
	v59 =	vmul.f32 $5.079999920e+00, v31;
	v31 =	vmul.f32 $2.552796130e+00, v31  }
0x69c: {  	v37 =	vnsel vm0, $0x3F800000, v37;
	v32 =	vmul.f32 $1.442695020e+00, v32;
	(erf) = vpow2.f32 v33  }
0x69d: {  	vm1 =	vgt.f32 v60, $0.0e+00;
	v42 =	vmul.f32 v59, v59;
	v61 =	vmul.f32 $7.889299880e-04, v31  }
0x69e: {  	v28 =	vsub.f32 v28, v36;
	(erf) = vpow2.f32 v32;
	v32 =	vmul.f32 v30, v62  }
0x69f: {  	v50 =	vmul.f32 v48, v44;
	v63 =	vmul.f32 v42, v42;
	v45 =	vsub.f32 $4.125272860e-02, v61  }
0x6a0: {  	v28 =	vmul.f32 v28, v28;
	v38 =	vmul.f32 v58, v44;
	v32 =	vadd.f32 v32, v47  }
0x6a1: {  	vm5 =	vgt.f32 v39, $0.0e+00;
	v49 =	vmul.f32 v63, v63;
	v45 =	vmul.f32 v45, v31  }
0x6a2: {  	v33 =	vnsel vm1, $0x3F800000, v60;
	v62 =	vmul.f32 $1.428571490e-01, v40;
	(erf) = vrcp.f32 v32  }
0x6a3: {  	v51 =	vmul.f32 v49, v42;
	v45 =	vadd.f32 $2.442888920e-01, v45;
	v42 =	vmul.f32 v63, v42  }
0x6a4: {  	v46 =	vmul.f32 v33, v37;
	v53 =	vadd.f32 v49, v48;
	v63 =	vmul.f32 v41, v35  }
0x6a5: {  	v54 =	vadd.f32 v51, v50;
	v31 =	vmul.f32 v45, v31;
	v55 =	vpop (erf);
	v38 =	vadd.f32 v42, v38  }
0x6a6: {  	v35 =	vmul.f32 $1.142857190e+00, v35;
	v45 =	vnsel vm2, $0x0, v55;
	v55 =	vmul.f32 $1.889726160e+00, v12  }
0x6a7: {  	v57 =	vpop (erf);
	v56 =	vmul.f32 v54, v53;
	v31 =	vadd.f32 $-4.330080000e-03, v31;
	v60 =	vmul.f32 v54, v38  }
0x6a8: {  	v32 =	vnsel vm3, $0x0, v57;
	v26 =	vmul.f32 v53, v38;
	v53 =	vmul.f32 v28, v28  }
0x6a9: {  	v32 =	vadd.f32 v32, v45;
	v30 =	vmul.f32 v56, v38;
	v31 =	vmul.f32 v31, v31  }
0x6aa: {  	vm4 =	vgt.f32 v43, $0.0e+00;
	v38 =	vmul.f32 $1.428571490e-01, v63;
	v28 =	vmul.f32 v53, v28  }
0x6ab: {  	v58 =	vsub.f32 $1.000000000e+00, v39;
	v44 =	vpop (erf);
	v29 =	vmul.f32 v30, v32;
	v30 =	vmul.f32 $1.000000000e+01, v31  }
0x6ac: {  	v59 =	vsub.f32 $1.000000000e+00, v43;
	v61 =	vmul.f32 $1.225000000e+02, v31;
	v22 =	vmul.f32 v44, v22  }
0x6ad: {  	v35 =	vsub.f32 v35, v38;
	v23 =	vmul.f32 v28, v23;
	(erf) = vrcp.f32 v29  }
0x6ae: {  	vm2 =	vgt.f32 v59, $0.0e+00;
	v29 =	vmul.f32 v61, v31;
	v30 =	vmul.f32 v30, v60  }
0x6af: {  	vm3 =	vgt.f32 v58, $0.0e+00;
	v22 =	vmul.f32 v45, v22;
	v50 =	vmul.f32 v35, v35  }
0x6b0: {  	v31 =	vnsel vm3, $0x3F800000, v58;
	v57 =	vmul.f32 $5.079999920e+00, v23;
	v23 =	vmul.f32 $2.552796130e+00, v23  }
0x6b1: {  	v35 =	vmul.f32 v52, v52;
	v30 =	vadd.f32 v30, v56;
	v26 =	vmul.f32 v29, v26  }
0x6b2: {  	v45 =	vnsel vm4, $0x3F800000, v43;
	(erf) = vrcp.f32 v46;
	v54 =	vmul.f32 v50, v50  }
0x6b3: {  	v29 =	vnsel vm2, $0x3F800000, v59;
	v20 =	vmul.f32 v35, v35;
	v26 =	vadd.f32 v26, v30  }
0x6b4: {  	v48 =	vmul.f32 v29, v45;
	v30 =	vnsel vm5, $0x3F800000, v39;
	v32 =	vmul.f32 v54, v50  }
0x6b5: {  	v47 =	vmul.f32 v31, v30;
	v22 =	vmul.f32 v26, v22  }
0x6b6: {  	v26 =	vsub.f32 v34, v62;
	v24 =	vmul.f32 v32, v24;
	v62 =	vmul.f32 v57, v57  }
0x6b7: {  	v34 =	vmul.f32 v55, v55;
	v55 =	vmul.f32 v20, v20  }
0x6b8: {  	v20 =	vmul.f32 v20, v35;
	(erf) = vrcp.f32 v47  }
0x6b9: {  	v26 =	vmul.f32 v26, v26;
	(erf) = vrcp.f32 v48  }
0x6ba: {  	v60 =	vmul.f32 $5.079999920e+00, v24;
	v24 =	vmul.f32 $2.552796130e+00, v24  }
0x6bb: {  	v19 =	vadd.f32 v19, v21;
	v48 =	vmul.f32 $7.889299880e-04, v23;
	v21 =	vmul.f32 v34, v34  }
0x6bc: {  	v49 =	vpop (erf);
	v51 =	vmul.f32 v26, v26;
	v63 =	vmul.f32 v60, v60  }
0x6bd: {  	v22 =	vmul.f32 v22, v49;
	v49 =	vmul.f32 $7.889299880e-04, v24  }
0x6be: {  	v33 =	vsub.f32 $0.0e+00, v33;
	v26 =	vmul.f32 v51, v26;
	v52 =	vmul.f32 v63, v63  }
0x6bf: {  	v39 =	vmul.f32 v55, v35;
	v51 =	vmul.f32 v62, v62;
	v40 =	vsub.f32 $4.125272860e-02, v49  }
0x6c0: {  	v25 =	vmul.f32 v26, v25;
	v26 =	vsub.f32 $0.0e+00, v37;
	v54 =	vmul.f32 v52, v52  }
0x6c1: {  	v28 =	vsub.f32 $0.0e+00, v31;
	v31 =	vpop (erf);
	v40 =	vmul.f32 v40, v24;
	v36 =	vmul.f32 v52, v63  }
0x6c2: {  	v30 =	vsub.f32 $0.0e+00, v30;
	v56 =	vmul.f32 $5.079999920e+00, v25;
	v26 =	vmul.f32 v31, v26  }
0x6c3: {  	v58 =	vsub.f32 $0.0e+00, v45;
	v59 =	vpop (erf);
	v31 =	vmul.f32 v31, v33;
	v25 =	vmul.f32 $2.552796130e+00, v25  }
0x6c4: {  	v29 =	vsub.f32 $0.0e+00, v29;
	v61 =	vpop (erf);
	v30 =	vmul.f32 v59, v30;
	v28 =	vmul.f32 v59, v28  }
0x6c5: {  	v59 =	vmul.f32 v54, v63;
	v37 =	vmul.f32 v61, v58  }
0x6c6: {  	v29 =	vmul.f32 v61, v29;
	v32 =	vmul.f32 v56, v56  }
0x6c7: {  	v40 =	vadd.f32 $2.442888920e-01, v40;
	v26 =	vmul.f32 $1.442695020e+00, v26;
	v31 =	vmul.f32 $1.442695020e+00, v31  }
0x6c8: {  	v47 =	vmul.f32 $7.889299880e-04, v25;
	v56 =	vmul.f32 v21, v21  }
0x6c9: {  	v21 =	vmul.f32 v21, v34;
	v24 =	vmul.f32 v40, v24  }
0x6ca: {  	v30 =	vmul.f32 $1.442695020e+00, v30;
	v28 =	vmul.f32 $1.442695020e+00, v28  }
0x6cb: {  	v37 =	vmul.f32 $1.442695020e+00, v37;
	v29 =	vmul.f32 $1.442695020e+00, v29  }
0x6cc: {  	v53 =	vsub.f32 $4.125272860e-02, v48;
	v50 =	vmul.f32 v32, v32;
	(erf) = vpow2.f32 v26  }
0x6cd: {  	v26 =	vmul.f32 v27, v27;
	v24 =	vadd.f32 $-4.330080000e-03, v24;
	(erf) = vpow2.f32 v31  }
0x6ce: {  	v38 =	vadd.f32 v54, v56;
	v44 =	vmul.f32 v56, v34;
	(erf) = vpow2.f32 v30  }
0x6cf: {  	v31 =	vsub.f32 $4.125272860e-02, v47;
	v30 =	vmul.f32 v51, v51;
	v24 =	vmul.f32 v24, v24  }
0x6d0: {  	v21 =	vadd.f32 v36, v21;
	(erf) = vpow2.f32 v28;
	v28 =	vmul.f32 v50, v50  }
0x6d1: {  	v61 =	vadd.f32 v59, v44;
	v31 =	vmul.f32 v31, v25;
	(erf) = vpow2.f32 v37  }
0x6d2: {  	v37 =	vmul.f32 v53, v23;
	v58 =	vadd.f32 v30, v55;
	v30 =	vmul.f32 v30, v62  }
0x6d3: {  	v47 =	vmul.f32 v61, v38;
	v52 =	vmul.f32 $1.000000000e+01, v24  }
0x6d4: {  	v53 =	vmul.f32 $1.225000000e+02, v24;
	v7 =	vmul.f32 v61, v21  }
0x6d5: {  	(erf) = vpow2.f32 v29;
	v29 =	vmul.f32 v26, v26  }
0x6d6: {  	v31 =	vadd.f32 $2.442888920e-01, v31;
	v26 =	vmul.f32 v26, v27;
	v7 =	vmul.f32 v52, v7  }
0x6d7: {  	v57 =	vadd.f32 v28, v29;
	v28 =	vmul.f32 v28, v32;
	v29 =	vmul.f32 v29, v27  }
0x6d8: {  	v37 =	vadd.f32 $2.442888920e-01, v37;
	v32 =	vmul.f32 v50, v32;
	v25 =	vmul.f32 v31, v25  }
0x6d9: {  	v50 =	vmul.f32 v47, v21;
	v21 =	vmul.f32 v38, v21  }
0x6da: {  	s29 =	simm.s32 $0x18860;
	v23 =	vmul.f32 v37, v23;
	v28 =	vadd.f32 v28, v29;
	v29 =	vadd.f32 v30, v39  }
0x6db: {  	v8 =	vld [tilespmem:s29+$0xFFFFFFF0];
	v30 =	vmul.f32 v51, v62;
	v60 =	vpop (erf);
	v31 =	vadd.f32 v32, v26;
	(erf) = vrcp.f32 v18  }
0x6dc: {  	v18 =	vadd.f32 $-4.330080000e-03, v25;
	v27 =	vpop (erf);
	v33 =	vnsel vm1, $0x0, v60;
	v23 =	vadd.f32 $-4.330080000e-03, v23  }
0x6dd: {  	v27 =	vnsel vm0, $0x0, v27;
	v62 =	vmul.f32 v28, v57;
	v63 =	vmul.f32 v29, v58  }
0x6de: {  	v34 =	vld [tilespmem:s29+$0x10];
	v26 =	vpop (erf);
	v20 =	vadd.f32 v30, v20;
	(erf) = vrcp.f32 v19;
	v18 =	vmul.f32 v18, v18  }
0x6df: {  	v28 =	vmul.f32 v28, v31;
	v19 =	vnsel vm3, $0x0, v26;
	v27 =	vadd.f32 v27, v33;
	v30 =	vpop (erf)  }
0x6e0: {  	s1 =	simm.s32 $0x19460;
	v23 =	vmul.f32 v23, v23;
	v48 =	vmul.f32 v62, v31;
	v25 =	vpop (erf);
	v30 =	vnsel vm5, $0x0, v30  }
0x6e1: {  	v35 =	vld [tilespmem:s1+$0x10];
	v49 =	vmul.f32 v63, v20;
	v26 =	vpop (erf);
	v25 =	vnsel vm2, $0x0, v25;
	v30 =	vadd.f32 v30, v19  }
0x6e2: {  	v15 =	vmul.f32 v48, v27;
	v27 =	vmul.f32 $1.225000000e+02, v18;
	v26 =	vnsel vm4, $0x0, v26  }
0x6e3: {  	v6 =	vld.idx.msk [tilespmem:v8+s3+$0x0], $0xffff;
	v26 =	vadd.f32 v26, v25;
	v16 =	vmul.f32 v49, v30;
	v30 =	vmul.f32 $1.225000000e+02, v23  }
0x6e4: {  	v54 =	vld [tilespmem:s1+$0xFFFFFFE0];
	v13 =	vmul.f32 v27, v18;
	(erf) = vrcp.f32 v15  }
0x6e5: {  	v27 =	vld [tilespmem:s1+$0xFFFFFFF0];
	v17 =	vmul.f32 v50, v26;
	v26 =	vmul.f32 $1.000000000e+01, v18  }
0x6e6: {  	(erf) = vrcp.f32 v16;
	v16 =	vmul.f32 v30, v23;
	v30 =	vld.idx.msk [tilespmem:v34+s3+$0x0], $0xffff  }
0x6e7: {  	v29 =	vmul.f32 v29, v20;
	v18 =	vmul.f32 v53, v24;
	v24 =	vld [tilespmem:s1+$0x0]  }
0x6e8: {  	v51 =	vmul.f32 $1.000000000e+01, v23;
	v15 =	vmul.f32 v26, v28;
	v28 =	vld [tilespmem:s29+$0x0]  }
0x6e9: {  	v20 =	vmul.f32 v58, v20;
	v23 =	vmul.f32 v57, v31;
	v26 =	vld.idx.msk [tilespmem:v35+s3+$0x0], $0xffff  }
0x6ea: {  	v5 =	vpop (erf);
	(erf) = vrcp.f32 v17;
	v17 =	vmul.f32 v51, v29;
	v29 =	vld [tilespmem:s29+$0xFFFFFFE0]  }
0x6eb: {  	v14 =	vmul.f32 v14, v2;
	v7 =	vadd.f32 v7, v47;
	v4 =	vmul.f32 v5, v4  }
0x6ec: {  	v13 =	vmul.f32 v13, v23;
	v16 =	vmul.f32 v16, v20;
	v15 =	vadd.f32 v15, v62  }
0x6ed: {  	v1 =	vld.idx.msk [tilespmem:v54+s3+$0x0], $0xffff;
	v18 =	vmul.f32 v18, v21;
	v23 =	vmul.f32 v6, v6;
	v17 =	vadd.f32 v17, v63  }
0x6ee: {  	v21 =	vpop (erf);
	v5 =	vadd.f32 v13, v15;
	v13 =	vmul.f32 v33, v14;
	v20 =	vadd.f32 v26, v30  }
0x6ef: {  	v3 =	vmul.f32 v21, v3;
	v2 =	vld.idx.msk [tilespmem:v27+s3+$0x0], $0xffff;
	v15 =	vadd.f32 v16, v17;
	v14 =	vmul.f32 v19, v4  }
0x6f0: {  	v4 =	vld.idx.msk [tilespmem:v24+s3+$0x0], $0xffff;
	v5 =	vmul.f32 v5, v13;
	v38 =	vmul.f32 $5.000000000e-01, v20  }
0x6f1: {  	v3 =	vmul.f32 v25, v3;
	v16 =	vadd.f32 v18, v7;
	v14 =	vmul.f32 v15, v14;
	v7 =	vld.idx.msk [tilespmem:v28+s3+$0x0], $0xffff  }
0x6f2: {  	v21 =	vmul.f32 v1, v1;
	v18 =	vmul.f32 $-1.360569290e+01, v22;
	v19 =	vpop (erf);
	v13 =	vld.idx.msk [tilespmem:v29+s3+$0x0], $0xffff;
	v17 =	vshrl.u32 v38, $0x10  }
0x6f3: {  	v3 =	vmul.f32 v16, v3;
	v22 =	vmul.f32 v5, v19;
	v19 =	vld.idx.msk [tilespmem:v29+s8+$0x0], $0xffff;
	v17 =	vmax.u32 v17, $0x3F80  }
0x6f4: {  	v25 =	vmul.f32 v2, v2;
	v5 =	vpop (erf);
	v15 =	vmin.u32 v17, $0x447F;
	v17 =	vadd.f32 v2, v6  }
0x6f5: {  	s13 =	simm.s32 $0x1A060;
	v22 =	vmul.f32 $-1.360569290e+01, v22;
	v5 =	vmul.f32 v14, v5;
	v14 =	vpop (erf);
	v16 =	vadd.s32 $0xFFFFC080, v15;
	v15 =	vld.idx.msk [tilespmem:v54+s8+$0x0], $0xffff  }
0x6f6: {  	v3 =	vmul.f32 v3, v14;
	v14 =	vld [tilespmem:s13+$0x10];
	v29 =	vmul.f32 $5.000000000e-01, v17  }
0x6f7: {  	v59 =	vmul.f32 v4, v4;
	v17 =	vadd.f32 v4, v7;
	v20 =	vadd.f32 v1, v13  }
0x6f8: {  	v56 =	vmul.f32 v13, v13;
	v61 =	vmul.f32 v19, v21;
	v21 =	vld.idx.msk [tilespmem:v28+s8+$0x0], $0xffff;
	v57 =	vshrl.u32 v29, $0x10  }
0x6f9: {  	v31 =	vmul.f32 $5.000000000e-01, v17;
	v32 =	vmul.f32 $5.000000000e-01, v20;
	v20 =	vld.idx.msk [tilespmem:v8+s8+$0x0], $0xffff;
	v17 =	vmax.u32 v57, $0x3F80  }
0x6fa: {  	v55 =	vmul.f32 v7, v7;
	v58 =	vld.idx.msk [tilespmem:v16+s7+$0x0], $0xffff;
	v36 =	vmul.f32 v15, v56;
	v8 =	vmin.u32 v17, $0x447F  }
0x6fb: {  	v16 =	vld.idx.msk [tilespmem:v27+s8+$0x0], $0xffff;
	v27 =	vshrl.u32 v31, $0x10;
	v60 =	vshrl.u32 v32, $0x10;
	v62 =	vadd.f32 $-8.000000000e+00, v14  }
0x6fc: {  	v17 =	vld.idx.msk [tilespmem:v24+s8+$0x0], $0xffff;
	v8 =	vadd.s32 $0xFFFFC080, v8;
	v24 =	vmax.u32 v27, $0x3F80;
	v27 =	vmax.u32 v60, $0x3F80  }
0x6fd: {  	v28 =	vmin.u32 v24, $0x447F;
	v27 =	vmin.u32 v27, $0x447F;
	v40 =	vmul.f32 $5.000000000e-01, v62  }
0x6fe: {  	v36 =	vadd.f32 v36, v61;
	v62 =	vmul.f32 $1.889726160e+00, v14;
	v49 =	vadd.s32 $0xFFFFC080, v27  }
0x6ff: {  	v50 =	vadd.s32 $0xFFFFC080, v28;
	v27 =	vmul.f32 v20, v25;
	v28 =	vmul.f32 v21, v59  }
0x700: {  	v52 =	vsub.f32 $1.000000000e+00, v40;
	(erf) = vrcp.f32 v36;
	v63 =	vmul.f32 v58, v58  }
0x701: {  	vm3 =	vgt.f32 v40, $0.0e+00;
	v48 =	vmul.f32 v58, v38;
	v24 =	vmul.f32 v16, v23;
	v23 =	vld [tilespmem:s13+$0xFFFFFFE0]  }
0x702: {  	v43 =	vmul.f32 v62, v62;
	v40 =	vnsel vm3, $0x3F800000, v40;
	vm2 =	vgt.f32 v52, $0.0e+00  }
0x703: {  	v37 =	vld.idx.msk [tilespmem:v8+s7+$0x0], $0xffff;
	v51 =	vmul.f32 v63, v63;
	v42 =	vmul.f32 v63, v48;
	v33 =	vnsel vm2, $0x3F800000, v52  }
0x704: {  	v25 =	vmul.f32 v17, v55;
	v52 =	vld.idx.msk [tilespmem:v34+s8+$0x0], $0xffff;
	v54 =	vmul.f32 v33, v40  }
0x705: {  	v39 =	vmul.f32 $1.142857190e+00, v58;
	v34 =	vld [tilespmem:s13+$0x0];
	v53 =	vmul.f32 v51, v42  }
0x706: {  	v36 =	vmul.f32 $1.889726160e+00, v23;
	(erf) = vrcp.f32 v54  }
0x707: {  	v44 =	vld.idx.msk [tilespmem:v50+s7+$0x0], $0xffff;
	v55 =	vadd.f32 $-8.000000000e+00, v23;
	v54 =	vmul.f32 v26, v26;
	v8 =	vmul.f32 v53, v58  }
0x708: {  	v35 =	vld.idx.msk [tilespmem:v35+s8+$0x0], $0xffff;
	v56 =	vmul.f32 v37, v37;
	v57 =	vmul.f32 v37, v29  }
0x709: {  	v42 =	vld.idx.msk [tilespmem:v49+s7+$0x0], $0xffff;
	v53 =	vmul.f32 v30, v30;
	v41 =	vmul.f32 $5.000000000e-01, v55  }
0x70a: {  	vm6 =	vgt.f32 v10, $0.0e+00;
	v54 =	vmul.f32 v52, v54;
	v10 =	vmul.f32 $1.889726160e+00, v34  }
0x70b: {  	v36 =	vmul.f32 v36, v36;
	v8 =	vmul.f32 $1.428571490e-01, v8  }
0x70c: {  	v47 =	vmul.f32 v44, v44;
	v48 =	vmul.f32 v44, v31  }
0x70d: {  	v63 =	vmul.f32 v56, v56;
	v53 =	vmul.f32 v35, v53  }
0x70e: {  	v58 =	vmul.f32 v42, v42;
	v59 =	vmul.f32 v42, v32  }
0x70f: {  	v10 =	vmul.f32 v10, v10;
	v8 =	vsub.f32 v39, v8;
	v39 =	vmul.f32 v56, v57  }
0x710: {  	v60 =	vmul.f32 v58, v58;
	v45 =	vmul.f32 v58, v59  }
0x711: {  	v48 =	vmul.f32 v47, v48;
	v8 =	vmul.f32 v8, v8  }
0x712: {  	v57 =	vsub.f32 $0.0e+00, v33;
	v33 =	vld [tilespmem:s13+$0xFFFFFFF0];
	v39 =	vmul.f32 v63, v39;
	v45 =	vmul.f32 v60, v45  }
0x713: {  	v47 =	vmul.f32 v47, v47;
	v61 =	vmul.f32 v8, v8  }
0x714: {  	v39 =	vmul.f32 v39, v37;
	v45 =	vmul.f32 v45, v42  }
0x715: {  	v40 =	vsub.f32 $0.0e+00, v40;
	v37 =	vmul.f32 $1.142857190e+00, v37;
	v50 =	vmul.f32 v61, v8;
	v8 =	vpop (erf)  }
0x716: {  	v39 =	vmul.f32 $1.428571490e-01, v39;
	v56 =	vpop (erf);
	v45 =	vmul.f32 $1.428571490e-01, v45  }
0x717: {  	v61 =	vadd.f32 $-8.000000000e+00, v33;
	v38 =	vmul.f32 v50, v38;
	v40 =	vmul.f32 v56, v40  }
0x718: {  	v50 =	vmul.f32 v43, v43;
	v46 =	vmul.f32 v56, v57  }
0x719: {  	v49 =	vmul.f32 $5.000000000e-01, v61;
	v58 =	vmul.f32 $5.079999920e+00, v38  }
0x71a: {  	v37 =	vsub.f32 v37, v39;
	v40 =	vmul.f32 $1.442695020e+00, v40;
	v38 =	vmul.f32 $2.552796130e+00, v38  }
0x71b: {  	v59 =	vmul.f32 $1.442695020e+00, v46;
	v62 =	vmul.f32 v50, v50  }
0x71c: {  	v55 =	vsub.f32 $1.000000000e+00, v41;
	v50 =	vmul.f32 v50, v43;
	v37 =	vmul.f32 v37, v37  }
0x71d: {  	vm0 =	vgt.f32 v41, $0.0e+00;
	v46 =	vmul.f32 v58, v58;
	(erf) = vpow2.f32 v40  }
0x71e: {  	v53 =	vadd.f32 v53, v54;
	v60 =	vmul.f32 $7.889299880e-04, v38;
	v43 =	vmul.f32 v62, v43  }
0x71f: {  	(erf) = vpow2.f32 v59;
	v59 =	vadd.f32 $-8.000000000e+00, v34;
	v56 =	vmul.f32 v46, v46  }
0x720: {  	v40 =	vsub.f32 $4.125272860e-02, v60;
	v60 =	vadd.f32 v52, v52;
	(erf) = vrcp.f32 v53  }
0x721: {  	v41 =	vnsel vm0, $0x3F800000, v41;
	v54 =	vmul.f32 $5.000000000e-01, v59;
	v63 =	vmul.f32 v56, v56  }
0x722: {  	vm1 =	vgt.f32 v55, $0.0e+00;
	v40 =	vmul.f32 v40, v38;
	v35 =	vmul.f32 v35, v60  }
0x723: {  	v56 =	vmul.f32 v56, v46;
	v60 =	vsub.f32 $1.000000000e+00, v49;
	v46 =	vmul.f32 v63, v46  }
0x724: {  	vm4 =	vgt.f32 v54, $0.0e+00;
	v40 =	vadd.f32 $2.442888920e-01, v40;
	v30 =	vmul.f32 v35, v30  }
0x725: {  	v51 =	vadd.f32 v63, v62;
	v43 =	vadd.f32 v46, v43;
	v46 =	vmul.f32 v47, v48  }
0x726: {  	v38 =	vmul.f32 v40, v38;
	v48 =	vadd.f32 v56, v50;
	v26 =	vmul.f32 v30, v26  }
0x727: {  	v47 =	vadd.f32 v21, v21;
	v21 =	vmul.f32 v36, v36;
	v61 =	vpop (erf);
	v50 =	vmul.f32 v43, v51  }
0x728: {  	v38 =	vadd.f32 $-4.330080000e-03, v38;
	v40 =	vnsel vm2, $0x0, v61;
	v43 =	vmul.f32 v43, v48  }
0x729: {  	v62 =	vpop (erf);
	v61 =	vsub.f32 $1.000000000e+00, v54;
	v30 =	vmul.f32 v51, v48;
	v46 =	vmul.f32 v46, v44  }
0x72a: {  	v44 =	vmul.f32 $1.142857190e+00, v44;
	v52 =	vnsel vm3, $0x0, v62;
	v63 =	vmul.f32 v50, v48  }
0x72b: {  	v52 =	vadd.f32 v52, v40;
	v38 =	vmul.f32 v38, v38;
	vm2 =	vgt.f32 v61, $0.0e+00  }
0x72c: {  	v46 =	vmul.f32 $1.428571490e-01, v46;
	v35 =	vnsel vm2, $0x3F800000, v61;
	v61 =	vmul.f32 $1.142857190e+00, v42  }
0x72d: {  	v42 =	vnsel vm4, $0x3F800000, v54;
	v62 =	vmul.f32 v63, v52;
	v57 =	vmul.f32 $1.225000000e+02, v38  }
0x72e: {  	v55 =	vnsel vm1, $0x3F800000, v55;
	v63 =	vmul.f32 $1.000000000e+01, v38;
	v53 =	vmul.f32 v35, v42  }
0x72f: {  	v54 =	vsub.f32 v44, v46;
	(erf) = vrcp.f32 v62;
	v58 =	vmul.f32 v57, v38  }
0x730: {  	vm3 =	vgt.f32 v60, $0.0e+00;
	v59 =	vmul.f32 v63, v43;
	v62 =	vmul.f32 v55, v41  }
0x731: {  	v43 =	vnsel vm3, $0x3F800000, v60;
	v60 =	vpop (erf);
	v39 =	vmul.f32 v54, v54;
	v57 =	vmul.f32 $1.889726160e+00, v33  }
0x732: {  	v26 =	vmul.f32 v60, v26;
	v30 =	vmul.f32 v58, v30  }
0x733: {  	v38 =	vadd.f32 v59, v50;
	(erf) = vrcp.f32 v62;
	v58 =	vmul.f32 v37, v37  }
0x734: {  	vm5 =	vgt.f32 v49, $0.0e+00;
	v59 =	vmul.f32 v39, v39;
	v26 =	vmul.f32 v40, v26  }
0x735: {  	v30 =	vadd.f32 v30, v38;
	v38 =	vnsel vm5, $0x3F800000, v49;
	v37 =	vmul.f32 v58, v37  }
0x736: {  	v39 =	vmul.f32 v59, v39;
	v63 =	vmul.f32 v43, v38  }
0x737: {  	v26 =	vmul.f32 v30, v26;
	v30 =	vsub.f32 v61, v45;
	v29 =	vmul.f32 v37, v29  }
0x738: {  	v31 =	vmul.f32 v39, v31;
	(erf) = vrcp.f32 v63  }
0x739: {  	v30 =	vmul.f32 v30, v30;
	(erf) = vrcp.f32 v53  }
0x73a: {  	v49 =	vmul.f32 $5.079999920e+00, v29;
	v51 =	vmul.f32 $5.079999920e+00, v31  }
0x73b: {  	v24 =	vadd.f32 v24, v27;
	v29 =	vmul.f32 $2.552796130e+00, v29;
	v31 =	vmul.f32 $2.552796130e+00, v31;
	v52 =	vpop (erf)  }
0x73c: {  	v60 =	vsub.f32 $0.0e+00, v55;
	v26 =	vmul.f32 v26, v52;
	v56 =	vmul.f32 v30, v30  }
0x73d: {  	v62 =	vsub.f32 $0.0e+00, v43;
	v54 =	vmul.f32 v49, v49;
	v55 =	vmul.f32 v51, v51  }
0x73e: {  	v43 =	vadd.f32 v19, v19;
	v19 =	vmul.f32 $7.889299880e-04, v29;
	v27 =	vmul.f32 $7.889299880e-04, v31  }
0x73f: {  	v63 =	vpop (erf);
	v26 =	vmul.f32 $-1.360569290e+01, v26;
	v30 =	vmul.f32 v56, v30  }
0x740: {  	v61 =	vsub.f32 $0.0e+00, v41;
	v39 =	vmul.f32 v63, v60;
	v56 =	vmul.f32 v54, v54  }
0x741: {  	v46 =	vmul.f32 v55, v55;
	v19 =	vsub.f32 $4.125272860e-02, v19;
	v30 =	vmul.f32 v30, v32  }
0x742: {  	v42 =	vsub.f32 $0.0e+00, v42;
	v32 =	vmul.f32 v63, v61;
	v39 =	vmul.f32 $1.442695020e+00, v39  }
0x743: {  	v38 =	vsub.f32 $0.0e+00, v38;
	v60 =	vmul.f32 v19, v29;
	v48 =	vmul.f32 $5.079999920e+00, v30  }
0x744: {  	v35 =	vsub.f32 $0.0e+00, v35;
	v50 =	vpop (erf);
	v30 =	vmul.f32 $2.552796130e+00, v30;
	v32 =	vmul.f32 $1.442695020e+00, v32  }
0x745: {  	vm7 =	vgt.f32 v11, $0.0e+00;
	v52 =	vpop (erf);
	v38 =	vmul.f32 v50, v38;
	v37 =	vmul.f32 v50, v62  }
0x746: {  	vm8 =	vgt.f32 v12, $0.0e+00;
	v11 =	vmul.f32 v52, v42;
	v12 =	vmul.f32 v52, v35  }
0x747: {  	vm11 =	vmmov vm6;
	v53 =	vmul.f32 v48, v48;
	v42 =	vmul.f32 v57, v57  }
0x748: {  	(erf) = vpow2.f32 v32;
	v48 =	vnsel vm11, $0x0, v22;
	v22 =	vmul.f32 v46, v46  }
0x749: {  	vm14 =	vgt.f32 v9, $0.0e+00;
	v9 =	vmul.f32 $1.442695020e+00, v38;
	v37 =	vmul.f32 $1.442695020e+00, v37  }
0x74a: {  	v38 =	vnsel vm14, $0x0, v18;
	v18 =	vmul.f32 $7.889299880e-04, v30;
	(erf) = vpow2.f32 v39  }
0x74b: {  	v25 =	vadd.f32 v25, v28;
	v11 =	vmul.f32 $1.442695020e+00, v11;
	v12 =	vmul.f32 $1.442695020e+00, v12  }
0x74c: {  	vm10 =	vgt.f32 v23, $0.0e+00;
	v28 =	vmul.f32 v53, v53;
	v23 =	vmul.f32 v42, v42  }
0x74d: {  	v62 =	vmul.f32 v22, v55;
	(erf) = vpow2.f32 v9  }
0x74e: {  	vm7 =	vmmov vm7;
	v9 =	vmul.f32 v10, v10;
	(erf) = vpow2.f32 v37  }
0x74f: {  	v44 =	vadd.f32 v20, v20;
	v20 =	vmul.f32 v28, v28;
	v57 =	vmul.f32 v23, v23  }
0x750: {  	v18 =	vsub.f32 $4.125272860e-02, v18;
	v28 =	vmul.f32 v28, v53;
	v23 =	vmul.f32 v23, v42  }
0x751: {  	vm6 =	vmmov vm8;
	(erf) = vpow2.f32 v11;
	v11 =	vmul.f32 v56, v56  }
0x752: {  	vm15 =	vgt.f32 v34, $0.0e+00;
	v58 =	vmul.f32 v9, v9;
	v59 =	vmul.f32 v18, v30  }
0x753: {  	v27 =	vsub.f32 $4.125272860e-02, v27;
	v9 =	vmul.f32 v9, v10;
	(erf) = vpow2.f32 v12  }
0x754: {  	v37 =	vadd.f32 $2.442888920e-01, v60;
	v12 =	vmul.f32 v21, v21;
	v61 =	vmul.f32 v20, v53  }
0x755: {  	v32 =	vmul.f32 v57, v42;
	v19 =	vadd.f32 v11, v57;
	v11 =	vmul.f32 v11, v54  }
0x756: {  	v18 =	vadd.f32 v20, v12;
	v20 =	vmul.f32 v27, v31;
	v27 =	vadd.f32 $2.442888920e-01, v59  }
0x757: {  	v12 =	vmul.f32 v12, v36;
	v11 =	vadd.f32 v11, v32;
	v53 =	vpop (erf);
	(erf) = vrcp.f32 v24  }
0x758: {  	v63 =	vadd.f32 $2.442888920e-01, v20;
	v20 =	vadd.f32 v22, v58;
	v22 =	vmul.f32 v58, v10  }
0x759: {  	v52 =	vadd.f32 v61, v12;
	v12 =	vmul.f32 v56, v54;
	v54 =	vmul.f32 v46, v55  }
0x75a: {  	vm9 =	vgt.f32 v33, $0.0e+00;
	v56 =	vpop (erf);
	v57 =	vmul.f32 v27, v30;
	v10 =	vmul.f32 v37, v29  }
0x75b: {  	v37 =	vmul.f32 v17, v47;
	v34 =	vnsel vm0, $0x0, v56;
	v27 =	vmul.f32 v11, v19  }
0x75c: {  	vm0 =	vmmov vm10;
	v55 =	vadd.f32 v62, v22;
	v22 =	vmul.f32 v21, v36  }
0x75d: {  	v21 =	vnsel vm1, $0x0, v53;
	v58 =	vpop (erf);
	v30 =	vadd.f32 v12, v23;
	v32 =	vadd.f32 v54, v9  }
0x75e: {  	v12 =	vadd.f32 $-4.330080000e-03, v57;
	v10 =	vadd.f32 $-4.330080000e-03, v10;
	v23 =	vnsel vm3, $0x0, v58  }
0x75f: {  	v9 =	vpop (erf);
	v29 =	vadd.f32 v28, v22;
	v28 =	vmul.f32 v63, v31;
	v31 =	vmul.f32 v52, v18  }
0x760: {  	v62 =	vadd.f32 v34, v21;
	v22 =	vmul.f32 v55, v20;
	v24 =	vpop (erf);
	(erf) = vrcp.f32 v25  }
0x761: {  	v9 =	vnsel vm5, $0x0, v9;
	v61 =	vmul.f32 v27, v30;
	v35 =	vmul.f32 v12, v12  }
0x762: {  	v34 =	vmul.f32 v10, v10;
	v25 =	vnsel vm2, $0x0, v24;
	v9 =	vadd.f32 v9, v23  }
0x763: {  	vm2 =	vgt.f32 v14, $0.0e+00;
	v60 =	vmul.f32 v31, v29;
	v63 =	vmul.f32 v22, v32  }
0x764: {  	v59 =	vpop (erf);
	v28 =	vadd.f32 $-4.330080000e-03, v28;
	v36 =	vmul.f32 $1.000000000e+01, v35;
	v40 =	vmul.f32 $1.225000000e+02, v35  }
0x765: {  	v24 =	vnsel vm4, $0x0, v59;
	v17 =	vmul.f32 $1.000000000e+01, v34;
	v39 =	vmul.f32 $1.225000000e+02, v34  }
0x766: {  	v41 =	vmul.f32 v52, v29;
	v10 =	vadd.f32 v24, v25;
	v24 =	vmul.f32 v15, v43  }
0x767: {  	v15 =	vmul.f32 v61, v9;
	v9 =	vnsel vm2, $0x0, v26;
	v26 =	vmul.f32 v11, v30  }
0x768: {  	s14 =	simm.s32 $0x1AC20;
	vm1 =	vmmov vm9;
	v33 =	vmul.f32 v28, v28;
	v28 =	vmul.f32 v16, v44  }
0x769: {  	s18 =	simm.s32 $0x1AC60;
	[tilespmem:s14+$0xFFFFFFE0] =	vst v48;
	vm3 =	vmmov vm7;
	v16 =	vmul.f32 v60, v62;
	v12 =	vmul.f32 v63, v10  }
0x76a: {  	vm4 =	vmmov vm6;
	[tilespmem:s18+$0x10] =	vst v9;
	v9 =	vmul.f32 v24, v13;
	v13 =	vmul.f32 v55, v32;
	v10 =	vpop (erf)  }
0x76b: {  	s20 =	simm.s32 $0x4;
	s21 =	simm.s32 $0x188A0;
	[tilespmem:s14+$0x10] =	vst v38;
	vm2 =	vmmov vm15;
	v14 =	vmul.f32 $1.000000000e+01, v33;
	v38 =	vmul.f32 $1.225000000e+02, v33;
	v11 =	vpop (erf)  }
.LBB2_20:
0x76c: {  	v24 =	vld [tilespmem:s21+$0x10];
	v6 =	vmul.f32 v28, v6;
	v7 =	vmul.f32 v37, v7;
	s1 =	sadd.s32 $0x40, s1  }
0x76d: {  	s20 =	sadd.s32 $0x4, s20;
	v35 =	vmul.f32 v40, v35;
	v28 =	vld [tilespmem:s1+$0x10];
	(erf) = vrcp.f32 v16  }
0x76e: {  	v36 =	vmul.f32 v36, v41;
	p0 =	slt.u32 s20, $0x3C;
	v16 =	vld [tilespmem:s1+$0xFFFFFFE0];
	(erf) = vrcp.f32 v15  }
0x76f: {  	v34 =	vmul.f32 v39, v34;
	v15 =	vld [tilespmem:s21+$0xFFFFFFF0];
	(erf) = vrcp.f32 v12  }
0x770: {  	v17 =	vmul.f32 v17, v26;
	v26 =	vmul.f32 v38, v33;
	v31 =	vadd.f32 v36, v31;
	v12 =	vld [tilespmem:s1+$0xFFFFFFF0]  }
0x771: {  	v18 =	vmul.f32 v18, v29;
	v13 =	vmul.f32 v14, v13;
	v33 =	vld [tilespmem:s21+$0x0]  }
0x772: {  	v19 =	vmul.f32 v19, v30;
	v17 =	vadd.f32 v17, v27;
	v27 =	vmul.f32 v20, v32;
	v14 =	vld [tilespmem:s1+$0x0]  }
0x773: {  	v9 =	vmul.f32 v9, v1;
	v2 =	vmul.f32 v6, v2;
	v13 =	vadd.f32 v13, v22;
	v29 =	vld [tilespmem:s21+$0xFFFFFFE0]  }
0x774: {  	v6 =	vmul.f32 v35, v18;
	v4 =	vmul.f32 v7, v4;
	v22 =	vld.idx.msk [tilespmem:v24+s3+$0x0], $0xffff  }
0x775: {  	v7 =	vmul.f32 v34, v19;
	v26 =	vmul.f32 v26, v27;
	v20 =	vld.idx.msk [tilespmem:v28+s3+$0x0], $0xffff  }
0x776: {  	v8 =	vmul.f32 v8, v9;
	v9 =	vadd.f32 v6, v31;
	v10 =	vmul.f32 v10, v2;
	v1 =	vld.idx.msk [tilespmem:v16+s3+$0x0], $0xffff;
	v19 =	vpop (erf)  }
0x777: {  	v17 =	vadd.f32 v7, v17;
	v4 =	vmul.f32 v11, v4;
	v11 =	vadd.f32 v26, v13;
	v6 =	vld.idx.msk [tilespmem:v15+s3+$0x0], $0xffff;
	v13 =	vpop (erf)  }
0x778: {  	v8 =	vmul.f32 v21, v8;
	v10 =	vmul.f32 v23, v10;
	v2 =	vld.idx.msk [tilespmem:v12+s3+$0x0], $0xffff;
	v18 =	vpop (erf)  }
0x779: {  	v5 =	vmul.f32 $-1.360569290e+01, v5;
	v21 =	vmul.f32 v25, v4;
	v7 =	vld.idx.msk [tilespmem:v33+s3+$0x0], $0xffff  }
0x77a: {  	v8 =	vmul.f32 v9, v8;
	v17 =	vmul.f32 v17, v10;
	v4 =	vld.idx.msk [tilespmem:v14+s3+$0x0], $0xffff  }
0x77b: {  	v3 =	vmul.f32 $-1.360569290e+01, v3;
	v21 =	vmul.f32 v11, v21;
	v23 =	vadd.f32 v20, v22;
	v9 =	vld.idx.msk [tilespmem:v29+s3+$0x0], $0xffff  }
0x77c: {  	v5 =	vnsel vm3, $0x0, v5;
	v8 =	vmul.f32 v8, v19;
	v26 =	vmul.f32 v1, v1;
	v25 =	vld.idx.msk [tilespmem:v29+s8+$0x0], $0xffff  }
0x77d: {  	v19 =	vnsel vm4, $0x0, v3;
	v37 =	vmul.f32 $5.000000000e-01, v23;
	v10 =	vld.idx.msk [tilespmem:v16+s8+$0x0], $0xffff;
	v16 =	vmul.f32 v6, v6;
	[tilespmem:s14+$0xFFFFFFF0] =	vst v5  }
0x77e: {  	v23 =	vadd.f32 v2, v6;
	v29 =	vmul.f32 v2, v2;
	v5 =	vmul.f32 v17, v13;
	v15 =	vld.idx.msk [tilespmem:v15+s8+$0x0], $0xffff  }
0x77f: {  	v3 =	vmul.f32 v21, v18;
	v13 =	vmul.f32 v7, v7;
	v11 =	vld.idx.msk [tilespmem:v12+s8+$0x0], $0xffff;
	v12 =	vshrl.u32 v37, $0x10;
	[tilespmem:s14+$0x0] =	vst v19;
	s14 =	smov.u32 s18  }
0x780: {  	v18 =	vmul.f32 $5.000000000e-01, v23;
	v17 =	vadd.f32 v4, v7;
	v30 =	vld.idx.msk [tilespmem:v33+s8+$0x0], $0xffff;
	v19 =	vmax.u32 v12, $0x3F80  }
0x781: {  	v21 =	vadd.f32 v1, v9;
	v23 =	vmul.f32 v9, v9;
	v12 =	vld.idx.msk [tilespmem:v14+s8+$0x0], $0xffff;
	v14 =	vmin.u32 v19, $0x447F  }
0x782: {  	v27 =	vshrl.u32 v18, $0x10;
	v19 =	vmul.f32 $5.000000000e-01, v17;
	v14 =	vadd.s32 $0xFFFFC080, v14  }
0x783: {  	v31 =	vmul.f32 v4, v4;
	v21 =	vmul.f32 $5.000000000e-01, v21;
	v17 =	vmax.u32 v27, $0x3F80  }
0x784: {  	s13 =	sadd.s32 $0x40, s13;
	v32 =	vmul.f32 v10, v23;
	v17 =	vmin.u32 v17, $0x447F;
	v23 =	vshrl.u32 v19, $0x10  }
0x785: {  	v27 =	vshrl.u32 v21, $0x10;
	v17 =	vadd.s32 $0xFFFFC080, v17;
	v33 =	vmax.u32 v23, $0x3F80;
	v23 =	vld [tilespmem:s13+$0x10]  }
0x786: {  	v26 =	vmul.f32 v25, v26;
	v27 =	vmax.u32 v27, $0x3F80;
	v33 =	vmin.u32 v33, $0x447F;
	v38 =	vld [tilespmem:s13+$0xFFFFFFE0]  }
0x787: {  	v16 =	vmul.f32 v11, v16;
	v27 =	vmin.u32 v27, $0x447F;
	v33 =	vadd.s32 $0xFFFFC080, v33;
	v36 =	vld.idx.msk [tilespmem:v14+s7+$0x0], $0xffff  }
0x788: {  	v39 =	vmul.f32 v12, v13;
	v35 =	vadd.s32 $0xFFFFC080, v27;
	v14 =	vmul.f32 v15, v29;
	v27 =	vld [tilespmem:s13+$0xFFFFFFF0]  }
0x789: {  	v32 =	vadd.f32 v32, v26;
	v31 =	vmul.f32 v30, v31;
	v13 =	vadd.f32 v25, v25;
	v25 =	vld [tilespmem:s13+$0x0]  }
0x78a: {  	v34 =	vmul.f32 $-1.360569290e+01, v8;
	v16 =	vadd.f32 v16, v14;
	v29 =	vld.idx.msk [tilespmem:v17+s7+$0x0], $0xffff;
	v40 =	vadd.f32 $-8.000000000e+00, v23  }
0x78b: {  	v17 =	vadd.f32 v39, v31;
	v26 =	vmul.f32 $1.889726160e+00, v38;
	v8 =	vadd.f32 $-8.000000000e+00, v38  }
0x78c: {  	v14 =	vadd.f32 v15, v15;
	v31 =	vld.idx.msk [tilespmem:v33+s7+$0x0], $0xffff;
	v39 =	vmul.f32 $5.000000000e-01, v40;
	(erf) = vrcp.f32 v32  }
0x78d: {  	v32 =	vmul.f32 v36, v36;
	v33 =	vld.idx.msk [tilespmem:v35+s7+$0x0], $0xffff;
	v40 =	vadd.f32 $-8.000000000e+00, v27;
	v35 =	vmul.f32 v36, v37  }
0x78e: {  	v41 =	vmul.f32 $5.000000000e-01, v8;
	v42 =	vadd.f32 $-8.000000000e+00, v25;
	v8 =	vsub.f32 $1.000000000e+00, v39  }
0x78f: {  	v15 =	vadd.f32 v30, v30;
	v30 =	vmul.f32 v32, v32;
	v32 =	vmul.f32 v32, v35  }
0x790: {  	vm4 =	vgt.f32 v39, $0.0e+00;
	v43 =	vmul.f32 v29, v29;
	vm3 =	vgt.f32 v8, $0.0e+00  }
0x791: {  	v39 =	vnsel vm4, $0x3F800000, v39;
	v30 =	vmul.f32 v30, v32;
	v44 =	vnsel vm3, $0x3F800000, v8  }
0x792: {  	v48 =	vsub.f32 $1.000000000e+00, v41;
	v32 =	vmul.f32 v29, v18;
	v35 =	vmul.f32 v44, v39  }
0x793: {  	vm5 =	vgt.f32 v41, $0.0e+00;
	v45 =	vmul.f32 v33, v33;
	v30 =	vmul.f32 v30, v36  }
0x794: {  	vm6 =	vgt.f32 v48, $0.0e+00;
	v46 =	vmul.f32 v33, v21;
	(erf) = vrcp.f32 v35  }
0x795: {  	v47 =	vmul.f32 $1.142857190e+00, v36;
	v35 =	vnsel vm6, $0x3F800000, v48;
	v30 =	vmul.f32 $1.428571490e-01, v30;
	v8 =	vpop (erf)  }
0x796: {  	v36 =	vnsel vm5, $0x3F800000, v41;
	v41 =	vmul.f32 v31, v31;
	v48 =	vmul.f32 v31, v19  }
0x797: {  	v49 =	vmul.f32 v45, v45;
	v45 =	vmul.f32 v45, v46;
	v46 =	vsub.f32 v47, v30  }
0x798: {  	v30 =	vsub.f32 $0.0e+00, v35;
	v47 =	vmul.f32 v43, v43;
	v43 =	vmul.f32 v43, v32  }
0x799: {  	v50 =	vmul.f32 v41, v41;
	v32 =	vsub.f32 $0.0e+00, v36;
	v46 =	vmul.f32 v46, v46  }
0x79a: {  	vm12 =	vgt.f32 v38, $0.0e+00;
	v38 =	vmul.f32 $5.000000000e-01, v40;
	v40 =	vmul.f32 v41, v48  }
0x79b: {  	vm11 =	vgt.f32 v27, $0.0e+00;
	v41 =	vmul.f32 $5.000000000e-01, v42;
	v42 =	vmul.f32 v46, v46  }
0x79c: {  	v45 =	vmul.f32 v49, v45;
	v48 =	vsub.f32 $1.000000000e+00, v38;
	v49 =	vmul.f32 $1.889726160e+00, v23  }
0x79d: {  	v39 =	vsub.f32 $0.0e+00, v39;
	v43 =	vmul.f32 v47, v43;
	v42 =	vmul.f32 v42, v46;
	v46 =	vpop (erf)  }
0x79e: {  	v44 =	vsub.f32 $0.0e+00, v44;
	v40 =	vmul.f32 v50, v40;
	v47 =	vmul.f32 v49, v49  }
0x79f: {  	v49 =	vsub.f32 $1.000000000e+00, v41;
	v39 =	vmul.f32 v46, v39;
	v37 =	vmul.f32 v42, v37  }
0x7a0: {  	vm8 =	vgt.f32 v48, $0.0e+00;
	v44 =	vmul.f32 v46, v44;
	v42 =	vmul.f32 v47, v47  }
0x7a1: {  	vm7 =	vgt.f32 v49, $0.0e+00;
	v39 =	vmul.f32 $1.442695020e+00, v39;
	v28 =	vld.idx.msk [tilespmem:v28+s8+$0x0], $0xffff;
	v46 =	vmul.f32 $5.079999920e+00, v37  }
0x7a2: {  	vm9 =	vgt.f32 v38, $0.0e+00;
	v37 =	vmul.f32 $2.552796130e+00, v37;
	v50 =	vld.idx.msk [tilespmem:v24+s8+$0x0], $0xffff;
	v24 =	vmul.f32 $1.442695020e+00, v44  }
0x7a3: {  	vm10 =	vgt.f32 v41, $0.0e+00;
	v44 =	vmul.f32 v46, v46;
	(erf) = vpow2.f32 v39  }
0x7a4: {  	v39 =	vnsel vm8, $0x3F800000, v48;
	v46 =	vmul.f32 $7.889299880e-04, v37;
	(erf) = vpow2.f32 v24  }
0x7a5: {  	v48 =	vnsel vm7, $0x3F800000, v49;
	v24 =	vmul.f32 v22, v22;
	v49 =	vmul.f32 v44, v44  }
0x7a6: {  	v51 =	vmul.f32 v20, v20;
	v52 =	vmul.f32 v42, v42;
	v46 =	vsub.f32 $4.125272860e-02, v46  }
0x7a7: {  	v38 =	vnsel vm9, $0x3F800000, v38;
	v53 =	vmul.f32 v28, v24;
	v54 =	vmul.f32 v49, v49  }
0x7a8: {  	v41 =	vnsel vm10, $0x3F800000, v41;
	v51 =	vmul.f32 v50, v51;
	v46 =	vmul.f32 v46, v37  }
0x7a9: {  	v55 =	vmul.f32 v52, v47;
	v24 =	vsub.f32 $0.0e+00, v39;
	v56 =	vmul.f32 v54, v44  }
0x7aa: {  	v42 =	vmul.f32 v42, v47;
	v57 =	vadd.f32 v53, v51;
	v53 =	vadd.f32 $2.442888920e-01, v46  }
0x7ab: {  	v44 =	vmul.f32 v49, v44;
	v47 =	vadd.f32 v54, v52;
	v49 =	vadd.f32 v56, v55  }
0x7ac: {  	v45 =	vmul.f32 v45, v33;
	v50 =	vadd.f32 v50, v50;
	v37 =	vmul.f32 v53, v37;
	v46 =	vpop (erf)  }
0x7ad: {  	v42 =	vadd.f32 v44, v42;
	v44 =	vmul.f32 v49, v47;
	(erf) = vrcp.f32 v57;
	v51 =	vpop (erf)  }
0x7ae: {  	v37 =	vadd.f32 $-4.330080000e-03, v37;
	v46 =	vnsel vm3, $0x0, v46;
	v51 =	vnsel vm4, $0x0, v51  }
0x7af: {  	v28 =	vmul.f32 v28, v50;
	v50 =	vmul.f32 v44, v42;
	v51 =	vadd.f32 v51, v46  }
0x7b0: {  	v43 =	vmul.f32 v43, v29;
	v52 =	vsub.f32 $0.0e+00, v48;
	v37 =	vmul.f32 v37, v37  }
0x7b1: {  	v53 =	vsub.f32 $0.0e+00, v38;
	v22 =	vmul.f32 v28, v22;
	v28 =	vmul.f32 v50, v51  }
0x7b2: {  	v49 =	vmul.f32 v49, v42;
	v50 =	vsub.f32 $0.0e+00, v41;
	v51 =	vmul.f32 $1.000000000e+01, v37  }
0x7b3: {  	vm13 =	vgt.f32 v25, $0.0e+00;
	v54 =	vmul.f32 $1.225000000e+02, v37;
	(erf) = vrcp.f32 v28  }
0x7b4: {  	v20 =	vmul.f32 v22, v20;
	v22 =	vmul.f32 v47, v42;
	v28 =	vnsel vm0, $0x0, v34  }
0x7b5: {  	v34 =	vmul.f32 v54, v37;
	v37 =	vmul.f32 v51, v49;
	vm0 =	vmmov vm12;
	[tilespmem:s18+$0xFFFFFFE0] =	vst v28  }
0x7b6: {  	v40 =	vmul.f32 v40, v31;
	vm3 =	vmmov vm1;
	v28 =	vmul.f32 $1.428571490e-01, v45;
	v42 =	vpop (erf)  }
0x7b7: {  	v37 =	vadd.f32 v37, v44;
	v22 =	vmul.f32 v34, v22;
	v20 =	vmul.f32 v42, v20  }
0x7b8: {  	v40 =	vmul.f32 $1.428571490e-01, v40;
	vm1 =	vmmov vm11;
	v34 =	vmul.f32 $1.428571490e-01, v43  }
0x7b9: {  	v33 =	vmul.f32 $1.142857190e+00, v33;
	v22 =	vadd.f32 v22, v37;
	v20 =	vmul.f32 v46, v20  }
0x7ba: {  	v31 =	vmul.f32 $1.142857190e+00, v31;
	v29 =	vmul.f32 $1.142857190e+00, v29;
	vm4 =	vmmov vm2  }
0x7bb: {  	v28 =	vsub.f32 v33, v28;
	v33 =	vmul.f32 v35, v36;
	v20 =	vmul.f32 v22, v20  }
0x7bc: {  	v22 =	vsub.f32 v29, v34;
	v29 =	vmul.f32 v39, v38;
	v34 =	vmul.f32 v48, v41;
	v35 =	vpop (erf)  }
0x7bd: {  	v31 =	vsub.f32 v31, v40;
	v20 =	vmul.f32 v20, v35;
	(erf) = vrcp.f32 v33  }
0x7be: {  	vm2 =	vmmov vm13;
	v28 =	vmul.f32 v28, v28;
	(erf) = vrcp.f32 v29  }
0x7bf: {  	v20 =	vmul.f32 $-1.360569290e+01, v20;
	(erf) = vrcp.f32 v34  }
0x7c0: {  	vm11 =	vgt.f32 v23, $0.0e+00;
	v22 =	vmul.f32 v22, v22;
	v29 =	vmul.f32 v31, v31  }
0x7c1: {  	v27 =	vmul.f32 $1.889726160e+00, v27;
	s18 =	sadd.s32 $0x40, s18;
	v23 =	vmul.f32 v28, v28;
	v20 =	vnsel vm11, $0x0, v20  }
0x7c2: {  	v31 =	vmul.f32 v22, v22;
	v33 =	vmul.f32 v29, v29;
	[tilespmem:s18+$0x10] =	vst v20  }
0x7c3: {  	v20 =	vmul.f32 v23, v28;
	v23 =	vmul.f32 $1.889726160e+00, v25  }
0x7c4: {  	v31 =	vmul.f32 v31, v22;
	v25 =	vmul.f32 v33, v29  }
0x7c5: {  	v20 =	vmul.f32 v20, v21;
	v21 =	vmul.f32 v26, v26  }
0x7c6: {  	v18 =	vmul.f32 v31, v18;
	v19 =	vmul.f32 v25, v19;
	v22 =	vpop (erf)  }
0x7c7: {  	v25 =	vmul.f32 $5.079999920e+00, v20;
	v26 =	vmul.f32 v22, v32;
	v28 =	vpop (erf)  }
0x7c8: {  	v29 =	vmul.f32 $5.079999920e+00, v18;
	v31 =	vmul.f32 $5.079999920e+00, v19;
	v32 =	vpop (erf)  }
0x7c9: {  	v22 =	vmul.f32 v22, v30;
	v30 =	vmul.f32 v28, v53  }
0x7ca: {  	v24 =	vmul.f32 v28, v24;
	v28 =	vmul.f32 v32, v50  }
0x7cb: {  	v33 =	vmul.f32 $2.552796130e+00, v20;
	v20 =	vmul.f32 v32, v52  }
0x7cc: {  	v34 =	vmul.f32 $2.552796130e+00, v19;
	v32 =	vmul.f32 $2.552796130e+00, v18  }
0x7cd: {  	v29 =	vmul.f32 v29, v29;
	v25 =	vmul.f32 v25, v25  }
0x7ce: {  	v18 =	vmul.f32 $1.442695020e+00, v26;
	v26 =	vmul.f32 v31, v31  }
0x7cf: {  	v19 =	vmul.f32 $1.442695020e+00, v22;
	v22 =	vmul.f32 $1.442695020e+00, v30  }
0x7d0: {  	v24 =	vmul.f32 $1.442695020e+00, v24;
	v28 =	vmul.f32 $1.442695020e+00, v28  }
0x7d1: {  	v27 =	vmul.f32 v27, v27;
	v20 =	vmul.f32 $1.442695020e+00, v20  }
0x7d2: {  	v23 =	vmul.f32 v23, v23;
	v30 =	vmul.f32 $7.889299880e-04, v33  }
0x7d3: {  	v35 =	vmul.f32 $7.889299880e-04, v34;
	v31 =	vmul.f32 $7.889299880e-04, v32  }
0x7d4: {  	v37 =	vmul.f32 v29, v29;
	v36 =	vmul.f32 v25, v25;
	v30 =	vsub.f32 $4.125272860e-02, v30  }
0x7d5: {  	v38 =	vmul.f32 v26, v26;
	v31 =	vsub.f32 $4.125272860e-02, v31;
	(erf) = vpow2.f32 v18  }
0x7d6: {  	v39 =	vmul.f32 v21, v21;
	v35 =	vsub.f32 $4.125272860e-02, v35;
	(erf) = vpow2.f32 v19  }
0x7d7: {  	v40 =	vmul.f32 v27, v27;
	(erf) = vpow2.f32 v22  }
0x7d8: {  	v22 =	vmul.f32 v23, v23;
	(erf) = vpow2.f32 v24  }
0x7d9: {  	v19 =	vmul.f32 v36, v36;
	(erf) = vpow2.f32 v28  }
0x7da: {  	v24 =	vmul.f32 v37, v37;
	(erf) = vpow2.f32 v20  }
0x7db: {  	v28 =	vmul.f32 v38, v38;
	v20 =	vmul.f32 v39, v39  }
0x7dc: {  	v41 =	vmul.f32 v40, v40;
	v42 =	vmul.f32 v22, v22  }
0x7dd: {  	v30 =	vmul.f32 v30, v33;
	v31 =	vmul.f32 v31, v32;
	v18 =	vadd.f32 v19, v20  }
0x7de: {  	v35 =	vmul.f32 v35, v34;
	v43 =	vmul.f32 v19, v25;
	v19 =	vadd.f32 v24, v41;
	v44 =	vpop (erf)  }
0x7df: {  	v30 =	vadd.f32 $2.442888920e-01, v30;
	v45 =	vmul.f32 v28, v26;
	v24 =	vmul.f32 v24, v29;
	v46 =	vpop (erf)  }
0x7e0: {  	v31 =	vadd.f32 $2.442888920e-01, v31;
	v47 =	vmul.f32 v20, v21;
	v41 =	vmul.f32 v41, v27;
	v48 =	vpop (erf)  }
0x7e1: {  	v35 =	vadd.f32 $2.442888920e-01, v35;
	v49 =	vmul.f32 v42, v23;
	v20 =	vadd.f32 v28, v42;
	v42 =	vpop (erf)  }
0x7e2: {  	v25 =	vmul.f32 v36, v25;
	v43 =	vadd.f32 v43, v47;
	v24 =	vadd.f32 v24, v41;
	v36 =	vpop (erf)  }
0x7e3: {  	v37 =	vmul.f32 v37, v29;
	v26 =	vmul.f32 v38, v26;
	v45 =	vadd.f32 v45, v49;
	v28 =	vpop (erf)  }
0x7e4: {  	v29 =	vmul.f32 v39, v21;
	v27 =	vmul.f32 v40, v27;
	v21 =	vnsel vm6, $0x0, v44  }
0x7e5: {  	v33 =	vmul.f32 v30, v33;
	v22 =	vmul.f32 v22, v23;
	v38 =	vnsel vm5, $0x0, v46  }
0x7e6: {  	v23 =	vmul.f32 v31, v32;
	v29 =	vadd.f32 v25, v29;
	v25 =	vmul.f32 v35, v34  }
0x7e7: {  	v30 =	vadd.f32 v37, v27;
	v31 =	vmul.f32 v43, v18;
	v27 =	vmul.f32 v24, v19  }
0x7e8: {  	v32 =	vadd.f32 v26, v22;
	v22 =	vmul.f32 v45, v20;
	(erf) = vrcp.f32 v16  }
0x7e9: {  	v26 =	vadd.f32 $-4.330080000e-03, v23;
	v16 =	vadd.f32 $-4.330080000e-03, v33;
	(erf) = vrcp.f32 v17  }
0x7ea: {  	v23 =	vnsel vm8, $0x0, v48;
	v33 =	vadd.f32 $-4.330080000e-03, v25;
	v17 =	vnsel vm9, $0x0, v42  }
0x7eb: {  	v37 =	vmul.f32 v31, v29;
	v28 =	vnsel vm10, $0x0, v28;
	v25 =	vnsel vm7, $0x0, v36  }
0x7ec: {  	v39 =	vmul.f32 v22, v32;
	v36 =	vadd.f32 v38, v21;
	v38 =	vmul.f32 v27, v30  }
0x7ed: {  	v40 =	vadd.f32 v28, v25;
	v35 =	vmul.f32 v16, v16;
	v17 =	vadd.f32 v17, v23  }
0x7ee: {  	v34 =	vmul.f32 v26, v26;
	v33 =	vmul.f32 v33, v33  }
0x7ef: {  	v13 =	vmul.f32 v10, v13;
	v28 =	vmul.f32 v11, v14  }
0x7f0: {  	v16 =	vmul.f32 v37, v36;
	v37 =	vmul.f32 v12, v15  }
0x7f1: {  	v12 =	vmul.f32 v39, v40;
	v15 =	vmul.f32 v38, v17;
	v10 =	vpop (erf)  }
.Ltmp9:
0x7f2: {  	v36 =	vmul.f32 $1.000000000e+01, v35;
	v40 =	vmul.f32 $1.225000000e+02, v35;
	v11 =	vpop (erf);
	(pc) =	sbr.rel @p0 .LBB2_20-.Ltmp9, $4  }
0x7f3: {  	v39 =	vmul.f32 $1.225000000e+02, v34;
	v17 =	vmul.f32 $1.000000000e+01, v34  }
0x7f4: {  	v14 =	vmul.f32 $1.000000000e+01, v33;
	v38 =	vmul.f32 $1.225000000e+02, v33  }
0x7f5: {  	v41 =	vmul.f32 v43, v29;
	v26 =	vmul.f32 v24, v30  }
0x7f6: {  	s21 =	sadd.s32 $0x40, s21;
	v9 =	vmul.f32 v13, v9;
	v13 =	vmul.f32 v45, v32  }
0x7f7: {  	v6 =	vmul.f32 v28, v6;
	v7 =	vmul.f32 v37, v7  }
0x7f8: {  	v24 =	vmul.f32 v40, v35;
	(erf) = vrcp.f32 v16  }
0x7f9: {  	v49 =	vmul.f32 v36, v41;
	v50 =	vmul.f32 v39, v34  }
0x7fa: {  	v51 =	vmul.f32 v17, v26;
	v52 =	vmul.f32 v38, v33  }
0x7fb: {  	v18 =	vmul.f32 v18, v29;
	v53 =	vmul.f32 v19, v30  }
0x7fc: {  	v54 =	vmul.f32 v20, v32;
	(erf) = vrcp.f32 v15  }
0x7fd: {  	v13 =	vmul.f32 v14, v13;
	v1 =	vmul.f32 v9, v1  }
0x7fe: {  	(erf) = vrcp.f32 v12;
	v2 =	vmul.f32 v6, v2  }
0x7ff: {  	v55 =	vadd.f32 v49, v31;
	v56 =	vmul.f32 v24, v18;
	v4 =	vmul.f32 v7, v4  }
0x800: {  	v57 =	vadd.f32 v51, v27;
	v58 =	vmul.f32 v50, v53;
	v1 =	vmul.f32 v8, v1  }
0x801: {  	v60 =	vmul.f32 v52, v54;
	v59 =	vadd.f32 v13, v22;
	v2 =	vmul.f32 v10, v2  }
0x802: {  	v6 =	vadd.f32 v56, v55;
	v4 =	vmul.f32 v11, v4;
	v1 =	vmul.f32 v21, v1  }
0x803: {  	v7 =	vadd.f32 v58, v57;
	v2 =	vmul.f32 v23, v2  }
0x804: {  	v8 =	vadd.f32 v60, v59;
	v4 =	vmul.f32 v25, v4;
	v1 =	vmul.f32 v6, v1  }
0x805: {  	v5 =	vmul.f32 $-1.360569290e+01, v5;
	v2 =	vmul.f32 v7, v2;
	v61 =	vpop (erf)  }
0x806: {  	v4 =	vmul.f32 v8, v4;
	v62 =	vpop (erf);
	v1 =	vmul.f32 v1, v61  }
0x807: {  	v3 =	vmul.f32 $-1.360569290e+01, v3;
	v63 =	vpop (erf);
	v2 =	vmul.f32 v2, v62  }
0x808: {  	v5 =	vnsel vm3, $0x0, v5;
	v4 =	vmul.f32 v4, v63;
	v1 =	vmul.f32 $-1.360569290e+01, v1  }
0x809: {  	v3 =	vnsel vm4, $0x0, v3;
	[tilespmem:s14+$0xFFFFFFF0] =	vst v5;
	v2 =	vmul.f32 $-1.360569290e+01, v2  }
0x80a: {  	vm14 =	vmmov vm1;
	[tilespmem:s14+$0x0] =	vst v3;
	v1 =	vnsel vm0, $0x0, v1;
	v3 =	vmul.f32 $-1.360569290e+01, v4  }
0x80b: {  	vm15 =	vmmov vm2;
	[tilespmem:s18+$0xFFFFFFE0] =	vst v1;
	v1 =	vnsel vm14, $0x0, v2  }
0x80c: {  	[tilespmem:s18+$0xFFFFFFF0] =	vst v1;
	v1 =	vnsel vm15, $0x0, v3  }
0x80d: {  	[tilespmem:s18+$0x0] =	vst v1  }
0x80e: {  	[spmem:s2] =	stream.indirect.scatter.add.f32 [tilespmem:s17], [sflag:$0x4], $0x1, s9, s16, $0xb8;
	[tilespmem:$0x1F0C0] =	vst v63  }
0x80f: {  	_ =	swait.ge [sflag:s31], $0x400  }
0x810: {  	[sflag:s31] =	ssyncset.done $0x0  }
0x811: {  	[sflag:s31] =	ssyncadd.s32 $0xFFFFFC00  }
0x812: {  	[bflag:$0x0] =	sbarrier.arrive $0xFFFF  }
0x813: {  	s13 =	simm.s32 $0x1BD00;
	s21 =	rddreg [dreg:$0xf]  }
0x814: {  	[tilespmem:s13], [sflag:$0x4] =	stream.linear.gather [spmem:s21], $0xC40, $0x38;
	[tilespmem:$0x1F0C0] =	vst v63  }
0x815: {  	_ =	swait.ge [sflag:s31], $0xC40  }
0x816: {  	[sflag:s31] =	ssyncset.done $0x0  }
0x817: {  	s1 =	rddreg [dreg:$0x15];
	[sflag:s31] =	ssyncadd.s32 $0xFFFFF3C0  }
0x818: {  	[hbm4b:s1+s3] =	stream.linear.scatter [tilespmem:s13], [sflag:$0x4], $0xC40, $0x38;
	[tilespmem:$0x1F0C0] =	vst v63  }
0x819: {  	_ =	swait.ge [sflag:s31], $0xC40  }
0x81a: {  	s20 =	rddreg [dreg:$0x17]  }
0x81b: {  	s23 =	rddreg [dreg:$0x16];
	s13 =	sadd.s32 $0x1, s20  }
0x81c: {  	p0 =	sne.s32 s13, s23  }
.Ltmp10:
0x81d: {  	_ = 	snop;
	(pc) =	sbr.rel @p0 .LBB2_1-.Ltmp10, $3  }
0x81e: {  	_ =	sdelay $0x1  }
0x81f: {  	s10 =	simm.s32 $0x1BD00;
	[sflag:s31] =	ssyncset.done $0x0  }
0x820: {  	s29 =	simm.s32 $0x1DD40;
	[sflag:s31] =	ssyncadd.s32 $0xFFFFF3C0;
	s23 =	simm.s32 $0x1D6C0  }
0x821: {  	_ =	sfence.sel $0x180000  }
0x822: {  	[bflag:$0x0] =	sbarrier.arrive $0xFFFF  }
0x823: {  	_ =	strace $0x90000047  }
0x824: {  	s0 =	stileid.u32;
	[bflag:$0x2] =	sbarrier.arrive $0xFFFF  }
0x825: {  	p0 =	sne.s32 s0, $0x0;
	s0 =	rddreg [dreg:$0x3]  }
0x826: {  	s0 =	sadd.s32 @!p0 $0x100000, s0  }
0x827: {  	[sflag:s0] =	ssyncadd.tile.s32 @!p0 $0x1;
	_ =	shalt  }
.Lfunc_end2:
_tile_overlayer_lowered:
.L_overlay_start_2:
0x828: {  	(tag) =	ssettag $0x2  }
0x829: {  	s0 =	rddreg [dreg:$0x0];
	s2 =	stileid.u32  }
0x82a: {  	s1 =	rddreg [dreg:$0x1];
	p0 =	sne.s32 s2, $0x0  }
0x82b: {  	s3 =	rddreg [dreg:$0x2];
	[bflag:$0x3] =	sbarrier.arrive $0xFFFF;
	s2 =	simm.s32 @!p0 $0x1C04  }
0x82c: {  	[timem:s3], [sflag:s2] =	dma.local @!p0 [hbm:s0], s1  }
0x82d: {  	s0 =	simm.s32 @!p0 $0x4  }
0x82e: {  	_ =	swait.ge @!p0 [sflag:s0], s1  }
0x82f: {  	s1 =	ssub.s32 @!p0 $0x0, s1;
	[sflag:s0] =	ssyncset.done @!p0 $0x0  }
0x830: {  	[sflag:s0] =	ssyncadd.s32 @!p0 s1  }
0x831: {  	[bflag:$0x3] =	sbarrier.arrive $0xFFFF  }
0x832: {  	_ =	shalt  }

</sc_bundles>
